<compile_context>
chip_gen: v7x
topology: tpu7x:2x2x1
jax: 0.10.2.dev20260603
libtpu: 0.0.44.dev20260713+nightly
codegen_flags: <defaults>
</compile_context>

<pallas_src>
import jax
import jax.numpy as jnp
from jax import lax
from jax.experimental import pallas as pl
from jax.experimental.pallas import tpu as pltpu
from jax.experimental.pallas import tpu_sc as plsc

B, T, D = 4, 8192, 768
NC, NS = 2, 16
NW = NC * NS
PW = T // NW
CPOS = 16
NCHUNK = PW // CPOS
NPAIR = NCHUNK // 2
NSL = D // 16
NSLOT = 8


def _body(x_hbm, w_hbm, out_hbm, refs, sems):
    xb = refs[:NSLOT]
    wb = refs[NSLOT:]
    lsem = sems[:NSLOT]
    ssem = sems[NSLOT:2 * NSLOT]
    wsem = sems[2 * NSLOT:]
    wid = lax.axis_index("s") * NC + lax.axis_index("c")
    base = wid * PW

    def xsl(b, c):
        return x_hbm.at[b, pl.ds(base + c * CPOS, CPOS), :]

    def osl(b, c):
        return out_hbm.at[b, pl.ds(base + c * CPOS, CPOS), :]

    def wslc(c):
        return w_hbm.at[pl.ds(base + c * CPOS, CPOS), :]

    def emit_pair(pair, first, last):
        c0 = 2 * pair
        for u in range(NSLOT):
            b = u % B
            half = u // B
            c = c0 + half
            wbuf = wb[half]
            if u == 0:
                if not first:
                    pltpu.async_copy(wslc(c0 + 1), wb[1], wsem[1])
                pltpu.make_async_copy(wslc(c0), wb[0], wsem[0]).wait()
            if u == B:
                pltpu.make_async_copy(wslc(c0 + 1), wb[1], wsem[1]).wait()
                if not last:
                    pltpu.async_copy(wslc(c0 + 2), wb[0], wsem[0])

            pltpu.make_async_copy(xsl(b, c), xb[u], lsem[u]).wait()

            u4 = (u + 4) % NSLOT
            c4 = c + 1
            if not (last and u >= B):
                if not (first and u < B):
                    cp = c - 1
                    pltpu.make_async_copy(xb[u4], osl(b, cp), ssem[u4]).wait()
                pltpu.async_copy(xsl(b, c4), xb[u4], lsem[u4])

            @plsc.parallel_loop(0, CPOS, 1)
            def rowadd(r):
                @plsc.parallel_loop(0, D, 16, unroll=6)
                def coladd(col):
                    plsc.addupdate(xb[u].at[r, pl.ds(col, 16)],
                                   wb[half][r, pl.ds(col, 16)])

            pltpu.async_copy(xb[u], osl(b, c), ssem[u])

    pltpu.async_copy(wslc(0), wb[0], wsem[0])
    pltpu.async_copy(wslc(1), wb[1], wsem[1])
    for u in range(B):
        pltpu.async_copy(xsl(u, 0), xb[u], lsem[u])

    emit_pair(0, True, NPAIR == 1)
    if NPAIR > 2:
        def loop_body(pair, carry):
            emit_pair(pair, False, False)
            return carry
        lax.fori_loop(1, NPAIR - 1, loop_body, 0)
    if NPAIR > 1:
        emit_pair(NPAIR - 1, False, True)

    for u in range(NSLOT):
        b = u % B
        c = NCHUNK - 2 + u // B
        pltpu.make_async_copy(xb[u], osl(b, c), ssem[u]).wait()


def _kernel_body(x_hbm, w_hbm, out_hbm, *scratch):
    _body(x_hbm, w_hbm, out_hbm, scratch[:NSLOT + 2], scratch[NSLOT + 2:])


@jax.jit
def _run(x, w):
    mesh = plsc.VectorSubcoreMesh(
        core_axis_name="c", subcore_axis_name="s", num_cores=NC, num_subcores=NS
    )
    return pl.kernel(
        _kernel_body,
        out_type=jax.ShapeDtypeStruct((B, T, D), jnp.float32),
        mesh=mesh,
        scratch_types=(
            [pltpu.VMEM((CPOS, D), jnp.float32)] * (NSLOT + 2)
            + [pltpu.SemaphoreType.DMA] * (2 * NSLOT + 2)
        ),
    )(x, w)


def kernel(x, lookup_weight):
    return _run(x, lookup_weight)

# --- scband reference (transcript-rebuilt; emitter-appended) ---
"""Pipeline reference for scband-learnable-positional-encoding-22737556865781 (READ-ONLY COPY).

The authoritative reference and input builder live on the scoring server;
editing this copy changes nothing except your own understanding.
"""

import jax, jax.numpy as jnp
import numpy as np

D_MODEL = 768
MAX_SEQ_LEN = 8192
B, T = 4, 8192

def setup_inputs(seed: int = 0) -> dict:
    key = jax.random.key(seed)
    kx, kw = jax.random.split(key)
    x = jax.random.normal(kx, (B, T, D_MODEL), dtype=jnp.float32)
    # nn.Embedding weight init ~ N(0, 1)
    lookup_weight = jax.random.normal(kw, (MAX_SEQ_LEN, D_MODEL), dtype=jnp.float32)
    return {"x": x, "lookup_weight": lookup_weight}

def reference(x, lookup_weight):
    Bx, Tx, Dx = x.shape
    indices = jnp.arange(Tx)
    embeddings = jnp.take(lookup_weight, indices, axis=0)  # [T, D]
    y = x + embeddings[None, :, :]
    # dropout p=0.0 -> identity
    return y

if __name__ == "__main__":
    import jax
    _d = setup_inputs()
    print(jax.jit(kernel)(*tuple(_d.values())))

</pallas_src>

<mosaic_0001>
#map = affine_map<(d0, d1) -> (0, 0, 0)>
#map1 = affine_map<(d0, d1) -> (0, 0)>
module attributes {stable_mosaic.version = 14 : i64} {
  func.func @_kernel_body(%arg0: i32, %arg1: i32, %arg2: memref<4x8192x768xf32, #tpu.memory_space<hbm>>, %arg3: memref<8192x768xf32, #tpu.memory_space<hbm>>, %arg4: memref<4x8192x768xf32, #tpu.memory_space<hbm>>, %arg5: memref<16x768xf32, #tpu.memory_space<vmem>>, %arg6: memref<16x768xf32, #tpu.memory_space<vmem>>, %arg7: memref<16x768xf32, #tpu.memory_space<vmem>>, %arg8: memref<16x768xf32, #tpu.memory_space<vmem>>, %arg9: memref<16x768xf32, #tpu.memory_space<vmem>>, %arg10: memref<16x768xf32, #tpu.memory_space<vmem>>, %arg11: memref<16x768xf32, #tpu.memory_space<vmem>>, %arg12: memref<16x768xf32, #tpu.memory_space<vmem>>, %arg13: memref<16x768xf32, #tpu.memory_space<vmem>>, %arg14: memref<16x768xf32, #tpu.memory_space<vmem>>, %arg15: memref<!tpu.dma_semaphore, #tpu.memory_space<semaphore_mem>>, %arg16: memref<!tpu.dma_semaphore, #tpu.memory_space<semaphore_mem>>, %arg17: memref<!tpu.dma_semaphore, #tpu.memory_space<semaphore_mem>>, %arg18: memref<!tpu.dma_semaphore, #tpu.memory_space<semaphore_mem>>, %arg19: memref<!tpu.dma_semaphore, #tpu.memory_space<semaphore_mem>>, %arg20: memref<!tpu.dma_semaphore, #tpu.memory_space<semaphore_mem>>, %arg21: memref<!tpu.dma_semaphore, #tpu.memory_space<semaphore_mem>>, %arg22: memref<!tpu.dma_semaphore, #tpu.memory_space<semaphore_mem>>, %arg23: memref<!tpu.dma_semaphore, #tpu.memory_space<semaphore_mem>>, %arg24: memref<!tpu.dma_semaphore, #tpu.memory_space<semaphore_mem>>, %arg25: memref<!tpu.dma_semaphore, #tpu.memory_space<semaphore_mem>>, %arg26: memref<!tpu.dma_semaphore, #tpu.memory_space<semaphore_mem>>, %arg27: memref<!tpu.dma_semaphore, #tpu.memory_space<semaphore_mem>>, %arg28: memref<!tpu.dma_semaphore, #tpu.memory_space<semaphore_mem>>, %arg29: memref<!tpu.dma_semaphore, #tpu.memory_space<semaphore_mem>>, %arg30: memref<!tpu.dma_semaphore, #tpu.memory_space<semaphore_mem>>, %arg31: memref<!tpu.dma_semaphore, #tpu.memory_space<semaphore_mem>>, %arg32: memref<!tpu.dma_semaphore, #tpu.memory_space<semaphore_mem>>) attributes {dimension_semantics = [#tpu.dimension_semantics<core_parallel>, #tpu.dimension_semantics<subcore_parallel>], iteration_bounds = array<i64: 2, 16>, scalar_prefetch = 0 : i64, scratch_operands = 28 : i64, tpu.core_type = #tpu.core_type<sc_vector_subcore>, window_params = [{transform_indices = #map}, {transform_indices = #map1}, {transform_indices = #map}]} {
    %mul3A = arith.constant 2 : i32
    %mul3A_0 = arith.muli %arg1, %mul3A : i32
    %add3A = arith.addi %mul3A_0, %arg0 : i32
    %mul3A_1 = arith.constant 256 : i32
    %mul3A_2 = arith.muli %add3A, %mul3A_1 : i32
    %add3A_3 = arith.constant 0 : i32
    %add3A_4 = arith.addi %mul3A_2, %add3A_3 : i32
    %dma_start3A = arith.constant 0 : i32
    %dma_start3A_5 = tpu.memref_slice %arg3[%add3A_4, %dma_start3A] : memref<8192x768xf32, #tpu.memory_space<hbm>> -> memref<16x768xf32, #tpu.memory_space<hbm>>
    %dma_start3A_6 = arith.constant 0 : i32
    %dma_start3A_7 = tpu.memref_slice %arg3[%add3A_4, %dma_start3A_6] : memref<8192x768xf32, #tpu.memory_space<hbm>> -> memref<16x768xf32, #tpu.memory_space<hbm>>
    tpu.enqueue_dma source(%dma_start3A_7 : memref<16x768xf32, #tpu.memory_space<hbm>>) target(%arg13 : memref<16x768xf32, #tpu.memory_space<vmem>>) target_semaphore(%arg31 : memref<!tpu.dma_semaphore, #tpu.memory_space<semaphore_mem>>)
    %add3A_8 = arith.constant 16 : i32
    %add3A_9 = arith.addi %mul3A_2, %add3A_8 : i32
    %dma_start3A_10 = arith.constant 0 : i32
    %dma_start3A_11 = tpu.memref_slice %arg3[%add3A_9, %dma_start3A_10] : memref<8192x768xf32, #tpu.memory_space<hbm>> -> memref<16x768xf32, #tpu.memory_space<hbm>>
    %dma_start3A_12 = arith.constant 0 : i32
    %dma_start3A_13 = tpu.memref_slice %arg3[%add3A_9, %dma_start3A_12] : memref<8192x768xf32, #tpu.memory_space<hbm>> -> memref<16x768xf32, #tpu.memory_space<hbm>>
    tpu.enqueue_dma source(%dma_start3A_13 : memref<16x768xf32, #tpu.memory_space<hbm>>) target(%arg14 : memref<16x768xf32, #tpu.memory_space<vmem>>) target_semaphore(%arg32 : memref<!tpu.dma_semaphore, #tpu.memory_space<semaphore_mem>>)
    %add3A_14 = arith.constant 0 : i32
    %add3A_15 = arith.addi %mul3A_2, %add3A_14 : i32
    %dma_start3A_16 = arith.constant 0 : i32
    %dma_start3A_17 = arith.constant 0 : i32
    %dma_start3A_18 = tpu.memref_slice %arg2[%dma_start3A_16, %add3A_15, %dma_start3A_17] : memref<4x8192x768xf32, #tpu.memory_space<hbm>> -> memref<1x16x768xf32, #tpu.memory_space<hbm>>
    %dma_start3A_19 = tpu.memref_squeeze %dma_start3A_18 : memref<1x16x768xf32, #tpu.memory_space<hbm>> -> memref<16x768xf32, #tpu.memory_space<hbm>>
    %dma_start3A_20 = arith.constant 0 : i32
    %dma_start3A_21 = tpu.memref_slice %arg2[%dma_start3A_16, %add3A_15, %dma_start3A_20] : memref<4x8192x768xf32, #tpu.memory_space<hbm>> -> memref<1x16x768xf32, #tpu.memory_space<hbm>>
    %dma_start3A_22 = tpu.memref_squeeze %dma_start3A_21 : memref<1x16x768xf32, #tpu.memory_space<hbm>> -> memref<16x768xf32, #tpu.memory_space<hbm>>
    tpu.enqueue_dma source(%dma_start3A_22 : memref<16x768xf32, #tpu.memory_space<hbm>>) target(%arg5 : memref<16x768xf32, #tpu.memory_space<vmem>>) target_semaphore(%arg15 : memref<!tpu.dma_semaphore, #tpu.memory_space<semaphore_mem>>)
    %add3A_23 = arith.constant 0 : i32
    %add3A_24 = arith.addi %mul3A_2, %add3A_23 : i32
    %dma_start3A_25 = arith.constant 1 : i32
    %dma_start3A_26 = arith.constant 0 : i32
    %dma_start3A_27 = tpu.memref_slice %arg2[%dma_start3A_25, %add3A_24, %dma_start3A_26] : memref<4x8192x768xf32, #tpu.memory_space<hbm>> -> memref<1x16x768xf32, #tpu.memory_space<hbm>>
    %dma_start3A_28 = tpu.memref_squeeze %dma_start3A_27 : memref<1x16x768xf32, #tpu.memory_space<hbm>> -> memref<16x768xf32, #tpu.memory_space<hbm>>
    %dma_start3A_29 = arith.constant 0 : i32
    %dma_start3A_30 = tpu.memref_slice %arg2[%dma_start3A_25, %add3A_24, %dma_start3A_29] : memref<4x8192x768xf32, #tpu.memory_space<hbm>> -> memref<1x16x768xf32, #tpu.memory_space<hbm>>
    %dma_start3A_31 = tpu.memref_squeeze %dma_start3A_30 : memref<1x16x768xf32, #tpu.memory_space<hbm>> -> memref<16x768xf32, #tpu.memory_space<hbm>>
    tpu.enqueue_dma source(%dma_start3A_31 : memref<16x768xf32, #tpu.memory_space<hbm>>) target(%arg6 : memref<16x768xf32, #tpu.memory_space<vmem>>) target_semaphore(%arg16 : memref<!tpu.dma_semaphore, #tpu.memory_space<semaphore_mem>>)
    %add3A_32 = arith.constant 0 : i32
    %add3A_33 = arith.addi %mul3A_2, %add3A_32 : i32
    %dma_start3A_34 = arith.constant 2 : i32
    %dma_start3A_35 = arith.constant 0 : i32
    %dma_start3A_36 = tpu.memref_slice %arg2[%dma_start3A_34, %add3A_33, %dma_start3A_35] : memref<4x8192x768xf32, #tpu.memory_space<hbm>> -> memref<1x16x768xf32, #tpu.memory_space<hbm>>
    %dma_start3A_37 = tpu.memref_squeeze %dma_start3A_36 : memref<1x16x768xf32, #tpu.memory_space<hbm>> -> memref<16x768xf32, #tpu.memory_space<hbm>>
    %dma_start3A_38 = arith.constant 0 : i32
    %dma_start3A_39 = tpu.memref_slice %arg2[%dma_start3A_34, %add3A_33, %dma_start3A_38] : memref<4x8192x768xf32, #tpu.memory_space<hbm>> -> memref<1x16x768xf32, #tpu.memory_space<hbm>>
    %dma_start3A_40 = tpu.memref_squeeze %dma_start3A_39 : memref<1x16x768xf32, #tpu.memory_space<hbm>> -> memref<16x768xf32, #tpu.memory_space<hbm>>
    tpu.enqueue_dma source(%dma_start3A_40 : memref<16x768xf32, #tpu.memory_space<hbm>>) target(%arg7 : memref<16x768xf32, #tpu.memory_space<vmem>>) target_semaphore(%arg17 : memref<!tpu.dma_semaphore, #tpu.memory_space<semaphore_mem>>)
    %add3A_41 = arith.constant 0 : i32
    %add3A_42 = arith.addi %mul3A_2, %add3A_41 : i32
    %dma_start3A_43 = arith.constant 3 : i32
    %dma_start3A_44 = arith.constant 0 : i32
    %dma_start3A_45 = tpu.memref_slice %arg2[%dma_start3A_43, %add3A_42, %dma_start3A_44] : memref<4x8192x768xf32, #tpu.memory_space<hbm>> -> memref<1x16x768xf32, #tpu.memory_space<hbm>>
    %dma_start3A_46 = tpu.memref_squeeze %dma_start3A_45 : memref<1x16x768xf32, #tpu.memory_space<hbm>> -> memref<16x768xf32, #tpu.memory_space<hbm>>
    %dma_start3A_47 = arith.constant 0 : i32
    %dma_start3A_48 = tpu.memref_slice %arg2[%dma_start3A_43, %add3A_42, %dma_start3A_47] : memref<4x8192x768xf32, #tpu.memory_space<hbm>> -> memref<1x16x768xf32, #tpu.memory_space<hbm>>
    %dma_start3A_49 = tpu.memref_squeeze %dma_start3A_48 : memref<1x16x768xf32, #tpu.memory_space<hbm>> -> memref<16x768xf32, #tpu.memory_space<hbm>>
    tpu.enqueue_dma source(%dma_start3A_49 : memref<16x768xf32, #tpu.memory_space<hbm>>) target(%arg8 : memref<16x768xf32, #tpu.memory_space<vmem>>) target_semaphore(%arg18 : memref<!tpu.dma_semaphore, #tpu.memory_space<semaphore_mem>>)
    %add3A_50 = arith.constant 0 : i32
    %add3A_51 = arith.addi %mul3A_2, %add3A_50 : i32
    %dma_wait3A = arith.constant 0 : i32
    %dma_wait3A_52 = tpu.memref_slice %arg3[%add3A_51, %dma_wait3A] : memref<8192x768xf32, #tpu.memory_space<hbm>> -> memref<16x768xf32, #tpu.memory_space<hbm>>
    %dma_wait3A_53 = arith.constant 0 : i32
    %dma_wait3A_54 = tpu.memref_slice %arg3[%add3A_51, %dma_wait3A_53] : memref<8192x768xf32, #tpu.memory_space<hbm>> -> memref<16x768xf32, #tpu.memory_space<hbm>>
    tpu.wait_dma2 semaphore(%arg31 : memref<!tpu.dma_semaphore, #tpu.memory_space<semaphore_mem>>) src(%dma_wait3A_54 : memref<16x768xf32, #tpu.memory_space<hbm>>) dst(%arg13 : memref<16x768xf32, #tpu.memory_space<vmem>>)
    %add3A_55 = arith.constant 0 : i32
    %add3A_56 = arith.addi %mul3A_2, %add3A_55 : i32
    %dma_wait3A_57 = arith.constant 0 : i32
    %dma_wait3A_58 = arith.constant 0 : i32
    %dma_wait3A_59 = tpu.memref_slice %arg2[%dma_wait3A_57, %add3A_56, %dma_wait3A_58] : memref<4x8192x768xf32, #tpu.memory_space<hbm>> -> memref<1x16x768xf32, #tpu.memory_space<hbm>>
    %dma_wait3A_60 = tpu.memref_squeeze %dma_wait3A_59 : memref<1x16x768xf32, #tpu.memory_space<hbm>> -> memref<16x768xf32, #tpu.memory_space<hbm>>
    %dma_wait3A_61 = arith.constant 0 : i32
    %dma_wait3A_62 = tpu.memref_slice %arg2[%dma_wait3A_57, %add3A_56, %dma_wait3A_61] : memref<4x8192x768xf32, #tpu.memory_space<hbm>> -> memref<1x16x768xf32, #tpu.memory_space<hbm>>
    %dma_wait3A_63 = tpu.memref_squeeze %dma_wait3A_62 : memref<1x16x768xf32, #tpu.memory_space<hbm>> -> memref<16x768xf32, #tpu.memory_space<hbm>>
    tpu.wait_dma2 semaphore(%arg15 : memref<!tpu.dma_semaphore, #tpu.memory_space<semaphore_mem>>) src(%dma_wait3A_63 : memref<16x768xf32, #tpu.memory_space<hbm>>) dst(%arg5 : memref<16x768xf32, #tpu.memory_space<vmem>>)
    %add3A_64 = arith.constant 16 : i32
    %add3A_65 = arith.addi %mul3A_2, %add3A_64 : i32
    %dma_start3A_66 = arith.constant 0 : i32
    %dma_start3A_67 = arith.constant 0 : i32
    %dma_start3A_68 = tpu.memref_slice %arg2[%dma_start3A_66, %add3A_65, %dma_start3A_67] : memref<4x8192x768xf32, #tpu.memory_space<hbm>> -> memref<1x16x768xf32, #tpu.memory_space<hbm>>
    %dma_start3A_69 = tpu.memref_squeeze %dma_start3A_68 : memref<1x16x768xf32, #tpu.memory_space<hbm>> -> memref<16x768xf32, #tpu.memory_space<hbm>>
    %dma_start3A_70 = arith.constant 0 : i32
    %dma_start3A_71 = tpu.memref_slice %arg2[%dma_start3A_66, %add3A_65, %dma_start3A_70] : memref<4x8192x768xf32, #tpu.memory_space<hbm>> -> memref<1x16x768xf32, #tpu.memory_space<hbm>>
    %dma_start3A_72 = tpu.memref_squeeze %dma_start3A_71 : memref<1x16x768xf32, #tpu.memory_space<hbm>> -> memref<16x768xf32, #tpu.memory_space<hbm>>
    tpu.enqueue_dma source(%dma_start3A_72 : memref<16x768xf32, #tpu.memory_space<hbm>>) target(%arg9 : memref<16x768xf32, #tpu.memory_space<vmem>>) target_semaphore(%arg19 : memref<!tpu.dma_semaphore, #tpu.memory_space<semaphore_mem>>)
    %parallel_loop3A = arith.constant 0 : i32
    %parallel_loop3A_73 = arith.constant 16 : i32
    %parallel_loop3A_74 = arith.constant 1 : i32
    scf.for %parallel_loop3A_677 = %parallel_loop3A to %parallel_loop3A_73 step %parallel_loop3A_74  : i32 {
      %parallel_loop3A_678 = arith.constant 0 : i32
      %parallel_loop3A_679 = arith.constant 768 : i32
      %parallel_loop3A_680 = arith.constant 16 : i32
      scf.for %parallel_loop3A_681 = %parallel_loop3A_678 to %parallel_loop3A_679 step %parallel_loop3A_680  : i32 {
        %parallel_loop3A_682 = arith.index_cast %parallel_loop3A_677 : i32 to index
        %parallel_loop3A_683 = arith.index_cast %parallel_loop3A_681 : i32 to index
        %parallel_loop3A_684 = tpu.vector_load %arg13[%parallel_loop3A_682, %parallel_loop3A_683] {strides = array<i32>} : memref<16x768xf32, #tpu.memory_space<vmem>>, vector<1x16xf32>,
        %parallel_loop3A_685 = vector.shape_cast %parallel_loop3A_684 : vector<1x16xf32> to vector<16xf32>
        %parallel_loop3A_686 = arith.index_cast %parallel_loop3A_677 : i32 to index
        %parallel_loop3A_687 = arith.index_cast %parallel_loop3A_681 : i32 to index
        %parallel_loop3A_688 = tpu.vector_load %arg5[%parallel_loop3A_686, %parallel_loop3A_687] {strides = array<i32>} : memref<16x768xf32, #tpu.memory_space<vmem>>, vector<1x16xf32>,
        %parallel_loop3A_689 = vector.shape_cast %parallel_loop3A_688 : vector<1x16xf32> to vector<16xf32>
        %parallel_loop3A_690 = vector.shape_cast %parallel_loop3A_685 : vector<16xf32> to vector<1x16xf32>
        tpu.vector_store %arg5[%parallel_loop3A_686, %parallel_loop3A_687], %parallel_loop3A_690 {add = true, strides = array<i32>} : memref<16x768xf32, #tpu.memory_space<vmem>>, vector<1x16xf32>,
      } {sc.loop_unroll_factor = 6 : i64, sc.parallel_access}
    } {sc.loop_unroll_factor = 1 : i64, sc.parallel_access}
    %add3A_75 = arith.constant 0 : i32
    %add3A_76 = arith.addi %mul3A_2, %add3A_75 : i32
    %dma_start3A_77 = arith.constant 0 : i32
    %dma_start3A_78 = arith.constant 0 : i32
    %dma_start3A_79 = tpu.memref_slice %arg4[%dma_start3A_77, %add3A_76, %dma_start3A_78] : memref<4x8192x768xf32, #tpu.memory_space<hbm>> -> memref<1x16x768xf32, #tpu.memory_space<hbm>>
    %dma_start3A_80 = tpu.memref_squeeze %dma_start3A_79 : memref<1x16x768xf32, #tpu.memory_space<hbm>> -> memref<16x768xf32, #tpu.memory_space<hbm>>
    %dma_start3A_81 = arith.constant 0 : i32
    %dma_start3A_82 = tpu.memref_slice %arg4[%dma_start3A_77, %add3A_76, %dma_start3A_81] : memref<4x8192x768xf32, #tpu.memory_space<hbm>> -> memref<1x16x768xf32, #tpu.memory_space<hbm>>
    %dma_start3A_83 = tpu.memref_squeeze %dma_start3A_82 : memref<1x16x768xf32, #tpu.memory_space<hbm>> -> memref<16x768xf32, #tpu.memory_space<hbm>>
    tpu.enqueue_dma source(%arg5 : memref<16x768xf32, #tpu.memory_space<vmem>>) target(%dma_start3A_83 : memref<16x768xf32, #tpu.memory_space<hbm>>) target_semaphore(%arg23 : memref<!tpu.dma_semaphore, #tpu.memory_space<semaphore_mem>>)
    %add3A_84 = arith.constant 0 : i32
    %add3A_85 = arith.addi %mul3A_2, %add3A_84 : i32
    %dma_wait3A_86 = arith.constant 1 : i32
    %dma_wait3A_87 = arith.constant 0 : i32
    %dma_wait3A_88 = tpu.memref_slice %arg2[%dma_wait3A_86, %add3A_85, %dma_wait3A_87] : memref<4x8192x768xf32, #tpu.memory_space<hbm>> -> memref<1x16x768xf32, #tpu.memory_space<hbm>>
    %dma_wait3A_89 = tpu.memref_squeeze %dma_wait3A_88 : memref<1x16x768xf32, #tpu.memory_space<hbm>> -> memref<16x768xf32, #tpu.memory_space<hbm>>
    %dma_wait3A_90 = arith.constant 0 : i32
    %dma_wait3A_91 = tpu.memref_slice %arg2[%dma_wait3A_86, %add3A_85, %dma_wait3A_90] : memref<4x8192x768xf32, #tpu.memory_space<hbm>> -> memref<1x16x768xf32, #tpu.memory_space<hbm>>
    %dma_wait3A_92 = tpu.memref_squeeze %dma_wait3A_91 : memref<1x16x768xf32, #tpu.memory_space<hbm>> -> memref<16x768xf32, #tpu.memory_space<hbm>>
    tpu.wait_dma2 semaphore(%arg16 : memref<!tpu.dma_semaphore, #tpu.memory_space<semaphore_mem>>) src(%dma_wait3A_92 : memref<16x768xf32, #tpu.memory_space<hbm>>) dst(%arg6 : memref<16x768xf32, #tpu.memory_space<vmem>>)
    %add3A_93 = arith.constant 16 : i32
    %add3A_94 = arith.addi %mul3A_2, %add3A_93 : i32
    %dma_start3A_95 = arith.constant 1 : i32
    %dma_start3A_96 = arith.constant 0 : i32
    %dma_start3A_97 = tpu.memref_slice %arg2[%dma_start3A_95, %add3A_94, %dma_start3A_96] : memref<4x8192x768xf32, #tpu.memory_space<hbm>> -> memref<1x16x768xf32, #tpu.memory_space<hbm>>
    %dma_start3A_98 = tpu.memref_squeeze %dma_start3A_97 : memref<1x16x768xf32, #tpu.memory_space<hbm>> -> memref<16x768xf32, #tpu.memory_space<hbm>>
    %dma_start3A_99 = arith.constant 0 : i32
    %dma_start3A_100 = tpu.memref_slice %arg2[%dma_start3A_95, %add3A_94, %dma_start3A_99] : memref<4x8192x768xf32, #tpu.memory_space<hbm>> -> memref<1x16x768xf32, #tpu.memory_space<hbm>>
    %dma_start3A_101 = tpu.memref_squeeze %dma_start3A_100 : memref<1x16x768xf32, #tpu.memory_space<hbm>> -> memref<16x768xf32, #tpu.memory_space<hbm>>
    tpu.enqueue_dma source(%dma_start3A_101 : memref<16x768xf32, #tpu.memory_space<hbm>>) target(%arg10 : memref<16x768xf32, #tpu.memory_space<vmem>>) target_semaphore(%arg20 : memref<!tpu.dma_semaphore, #tpu.memory_space<semaphore_mem>>)
    %parallel_loop3A_102 = arith.constant 0 : i32
    %parallel_loop3A_103 = arith.constant 16 : i32
    %parallel_loop3A_104 = arith.constant 1 : i32
    scf.for %parallel_loop3A_677 = %parallel_loop3A_102 to %parallel_loop3A_103 step %parallel_loop3A_104  : i32 {
      %parallel_loop3A_678 = arith.constant 0 : i32
      %parallel_loop3A_679 = arith.constant 768 : i32
      %parallel_loop3A_680 = arith.constant 16 : i32
      scf.for %parallel_loop3A_681 = %parallel_loop3A_678 to %parallel_loop3A_679 step %parallel_loop3A_680  : i32 {
        %parallel_loop3A_682 = arith.index_cast %parallel_loop3A_677 : i32 to index
        %parallel_loop3A_683 = arith.index_cast %parallel_loop3A_681 : i32 to index
        %parallel_loop3A_684 = tpu.vector_load %arg13[%parallel_loop3A_682, %parallel_loop3A_683] {strides = array<i32>} : memref<16x768xf32, #tpu.memory_space<vmem>>, vector<1x16xf32>,
        %parallel_loop3A_685 = vector.shape_cast %parallel_loop3A_684 : vector<1x16xf32> to vector<16xf32>
        %parallel_loop3A_686 = arith.index_cast %parallel_loop3A_677 : i32 to index
        %parallel_loop3A_687 = arith.index_cast %parallel_loop3A_681 : i32 to index
        %parallel_loop3A_688 = tpu.vector_load %arg6[%parallel_loop3A_686, %parallel_loop3A_687] {strides = array<i32>} : memref<16x768xf32, #tpu.memory_space<vmem>>, vector<1x16xf32>,
        %parallel_loop3A_689 = vector.shape_cast %parallel_loop3A_688 : vector<1x16xf32> to vector<16xf32>
        %parallel_loop3A_690 = vector.shape_cast %parallel_loop3A_685 : vector<16xf32> to vector<1x16xf32>
        tpu.vector_store %arg6[%parallel_loop3A_686, %parallel_loop3A_687], %parallel_loop3A_690 {add = true, strides = array<i32>} : memref<16x768xf32, #tpu.memory_space<vmem>>, vector<1x16xf32>,
      } {sc.loop_unroll_factor = 6 : i64, sc.parallel_access}
    } {sc.loop_unroll_factor = 1 : i64, sc.parallel_access}
    %add3A_105 = arith.constant 0 : i32
    %add3A_106 = arith.addi %mul3A_2, %add3A_105 : i32
    %dma_start3A_107 = arith.constant 1 : i32
    %dma_start3A_108 = arith.constant 0 : i32
    %dma_start3A_109 = tpu.memref_slice %arg4[%dma_start3A_107, %add3A_106, %dma_start3A_108] : memref<4x8192x768xf32, #tpu.memory_space<hbm>> -> memref<1x16x768xf32, #tpu.memory_space<hbm>>
    %dma_start3A_110 = tpu.memref_squeeze %dma_start3A_109 : memref<1x16x768xf32, #tpu.memory_space<hbm>> -> memref<16x768xf32, #tpu.memory_space<hbm>>
    %dma_start3A_111 = arith.constant 0 : i32
    %dma_start3A_112 = tpu.memref_slice %arg4[%dma_start3A_107, %add3A_106, %dma_start3A_111] : memref<4x8192x768xf32, #tpu.memory_space<hbm>> -> memref<1x16x768xf32, #tpu.memory_space<hbm>>
    %dma_start3A_113 = tpu.memref_squeeze %dma_start3A_112 : memref<1x16x768xf32, #tpu.memory_space<hbm>> -> memref<16x768xf32, #tpu.memory_space<hbm>>
    tpu.enqueue_dma source(%arg6 : memref<16x768xf32, #tpu.memory_space<vmem>>) target(%dma_start3A_113 : memref<16x768xf32, #tpu.memory_space<hbm>>) target_semaphore(%arg24 : memref<!tpu.dma_semaphore, #tpu.memory_space<semaphore_mem>>)
    %add3A_114 = arith.constant 0 : i32
    %add3A_115 = arith.addi %mul3A_2, %add3A_114 : i32
    %dma_wait3A_116 = arith.constant 2 : i32
    %dma_wait3A_117 = arith.constant 0 : i32
    %dma_wait3A_118 = tpu.memref_slice %arg2[%dma_wait3A_116, %add3A_115, %dma_wait3A_117] : memref<4x8192x768xf32, #tpu.memory_space<hbm>> -> memref<1x16x768xf32, #tpu.memory_space<hbm>>
    %dma_wait3A_119 = tpu.memref_squeeze %dma_wait3A_118 : memref<1x16x768xf32, #tpu.memory_space<hbm>> -> memref<16x768xf32, #tpu.memory_space<hbm>>
    %dma_wait3A_120 = arith.constant 0 : i32
    %dma_wait3A_121 = tpu.memref_slice %arg2[%dma_wait3A_116, %add3A_115, %dma_wait3A_120] : memref<4x8192x768xf32, #tpu.memory_space<hbm>> -> memref<1x16x768xf32, #tpu.memory_space<hbm>>
    %dma_wait3A_122 = tpu.memref_squeeze %dma_wait3A_121 : memref<1x16x768xf32, #tpu.memory_space<hbm>> -> memref<16x768xf32, #tpu.memory_space<hbm>>
    tpu.wait_dma2 semaphore(%arg17 : memref<!tpu.dma_semaphore, #tpu.memory_space<semaphore_mem>>) src(%dma_wait3A_122 : memref<16x768xf32, #tpu.memory_space<hbm>>) dst(%arg7 : memref<16x768xf32, #tpu.memory_space<vmem>>)
    %add3A_123 = arith.constant 16 : i32
    %add3A_124 = arith.addi %mul3A_2, %add3A_123 : i32
    %dma_start3A_125 = arith.constant 2 : i32
    %dma_start3A_126 = arith.constant 0 : i32
    %dma_start3A_127 = tpu.memref_slice %arg2[%dma_start3A_125, %add3A_124, %dma_start3A_126] : memref<4x8192x768xf32, #tpu.memory_space<hbm>> -> memref<1x16x768xf32, #tpu.memory_space<hbm>>
    %dma_start3A_128 = tpu.memref_squeeze %dma_start3A_127 : memref<1x16x768xf32, #tpu.memory_space<hbm>> -> memref<16x768xf32, #tpu.memory_space<hbm>>
    %dma_start3A_129 = arith.constant 0 : i32
    %dma_start3A_130 = tpu.memref_slice %arg2[%dma_start3A_125, %add3A_124, %dma_start3A_129] : memref<4x8192x768xf32, #tpu.memory_space<hbm>> -> memref<1x16x768xf32, #tpu.memory_space<hbm>>
    %dma_start3A_131 = tpu.memref_squeeze %dma_start3A_130 : memref<1x16x768xf32, #tpu.memory_space<hbm>> -> memref<16x768xf32, #tpu.memory_space<hbm>>
    tpu.enqueue_dma source(%dma_start3A_131 : memref<16x768xf32, #tpu.memory_space<hbm>>) target(%arg11 : memref<16x768xf32, #tpu.memory_space<vmem>>) target_semaphore(%arg21 : memref<!tpu.dma_semaphore, #tpu.memory_space<semaphore_mem>>)
    %parallel_loop3A_132 = arith.constant 0 : i32
    %parallel_loop3A_133 = arith.constant 16 : i32
    %parallel_loop3A_134 = arith.constant 1 : i32
    scf.for %parallel_loop3A_677 = %parallel_loop3A_132 to %parallel_loop3A_133 step %parallel_loop3A_134  : i32 {
      %parallel_loop3A_678 = arith.constant 0 : i32
      %parallel_loop3A_679 = arith.constant 768 : i32
      %parallel_loop3A_680 = arith.constant 16 : i32
      scf.for %parallel_loop3A_681 = %parallel_loop3A_678 to %parallel_loop3A_679 step %parallel_loop3A_680  : i32 {
        %parallel_loop3A_682 = arith.index_cast %parallel_loop3A_677 : i32 to index
        %parallel_loop3A_683 = arith.index_cast %parallel_loop3A_681 : i32 to index
        %parallel_loop3A_684 = tpu.vector_load %arg13[%parallel_loop3A_682, %parallel_loop3A_683] {strides = array<i32>} : memref<16x768xf32, #tpu.memory_space<vmem>>, vector<1x16xf32>,
        %parallel_loop3A_685 = vector.shape_cast %parallel_loop3A_684 : vector<1x16xf32> to vector<16xf32>
        %parallel_loop3A_686 = arith.index_cast %parallel_loop3A_677 : i32 to index
        %parallel_loop3A_687 = arith.index_cast %parallel_loop3A_681 : i32 to index
        %parallel_loop3A_688 = tpu.vector_load %arg7[%parallel_loop3A_686, %parallel_loop3A_687] {strides = array<i32>} : memref<16x768xf32, #tpu.memory_space<vmem>>, vector<1x16xf32>,
        %parallel_loop3A_689 = vector.shape_cast %parallel_loop3A_688 : vector<1x16xf32> to vector<16xf32>
        %parallel_loop3A_690 = vector.shape_cast %parallel_loop3A_685 : vector<16xf32> to vector<1x16xf32>
        tpu.vector_store %arg7[%parallel_loop3A_686, %parallel_loop3A_687], %parallel_loop3A_690 {add = true, strides = array<i32>} : memref<16x768xf32, #tpu.memory_space<vmem>>, vector<1x16xf32>,
      } {sc.loop_unroll_factor = 6 : i64, sc.parallel_access}
    } {sc.loop_unroll_factor = 1 : i64, sc.parallel_access}
    %add3A_135 = arith.constant 0 : i32
    %add3A_136 = arith.addi %mul3A_2, %add3A_135 : i32
    %dma_start3A_137 = arith.constant 2 : i32
    %dma_start3A_138 = arith.constant 0 : i32
    %dma_start3A_139 = tpu.memref_slice %arg4[%dma_start3A_137, %add3A_136, %dma_start3A_138] : memref<4x8192x768xf32, #tpu.memory_space<hbm>> -> memref<1x16x768xf32, #tpu.memory_space<hbm>>
    %dma_start3A_140 = tpu.memref_squeeze %dma_start3A_139 : memref<1x16x768xf32, #tpu.memory_space<hbm>> -> memref<16x768xf32, #tpu.memory_space<hbm>>
    %dma_start3A_141 = arith.constant 0 : i32
    %dma_start3A_142 = tpu.memref_slice %arg4[%dma_start3A_137, %add3A_136, %dma_start3A_141] : memref<4x8192x768xf32, #tpu.memory_space<hbm>> -> memref<1x16x768xf32, #tpu.memory_space<hbm>>
    %dma_start3A_143 = tpu.memref_squeeze %dma_start3A_142 : memref<1x16x768xf32, #tpu.memory_space<hbm>> -> memref<16x768xf32, #tpu.memory_space<hbm>>
    tpu.enqueue_dma source(%arg7 : memref<16x768xf32, #tpu.memory_space<vmem>>) target(%dma_start3A_143 : memref<16x768xf32, #tpu.memory_space<hbm>>) target_semaphore(%arg25 : memref<!tpu.dma_semaphore, #tpu.memory_space<semaphore_mem>>)
    %add3A_144 = arith.constant 0 : i32
    %add3A_145 = arith.addi %mul3A_2, %add3A_144 : i32
    %dma_wait3A_146 = arith.constant 3 : i32
    %dma_wait3A_147 = arith.constant 0 : i32
    %dma_wait3A_148 = tpu.memref_slice %arg2[%dma_wait3A_146, %add3A_145, %dma_wait3A_147] : memref<4x8192x768xf32, #tpu.memory_space<hbm>> -> memref<1x16x768xf32, #tpu.memory_space<hbm>>
    %dma_wait3A_149 = tpu.memref_squeeze %dma_wait3A_148 : memref<1x16x768xf32, #tpu.memory_space<hbm>> -> memref<16x768xf32, #tpu.memory_space<hbm>>
    %dma_wait3A_150 = arith.constant 0 : i32
    %dma_wait3A_151 = tpu.memref_slice %arg2[%dma_wait3A_146, %add3A_145, %dma_wait3A_150] : memref<4x8192x768xf32, #tpu.memory_space<hbm>> -> memref<1x16x768xf32, #tpu.memory_space<hbm>>
    %dma_wait3A_152 = tpu.memref_squeeze %dma_wait3A_151 : memref<1x16x768xf32, #tpu.memory_space<hbm>> -> memref<16x768xf32, #tpu.memory_space<hbm>>
    tpu.wait_dma2 semaphore(%arg18 : memref<!tpu.dma_semaphore, #tpu.memory_space<semaphore_mem>>) src(%dma_wait3A_152 : memref<16x768xf32, #tpu.memory_space<hbm>>) dst(%arg8 : memref<16x768xf32, #tpu.memory_space<vmem>>)
    %add3A_153 = arith.constant 16 : i32
    %add3A_154 = arith.addi %mul3A_2, %add3A_153 : i32
    %dma_start3A_155 = arith.constant 3 : i32
    %dma_start3A_156 = arith.constant 0 : i32
    %dma_start3A_157 = tpu.memref_slice %arg2[%dma_start3A_155, %add3A_154, %dma_start3A_156] : memref<4x8192x768xf32, #tpu.memory_space<hbm>> -> memref<1x16x768xf32, #tpu.memory_space<hbm>>
    %dma_start3A_158 = tpu.memref_squeeze %dma_start3A_157 : memref<1x16x768xf32, #tpu.memory_space<hbm>> -> memref<16x768xf32, #tpu.memory_space<hbm>>
    %dma_start3A_159 = arith.constant 0 : i32
    %dma_start3A_160 = tpu.memref_slice %arg2[%dma_start3A_155, %add3A_154, %dma_start3A_159] : memref<4x8192x768xf32, #tpu.memory_space<hbm>> -> memref<1x16x768xf32, #tpu.memory_space<hbm>>
    %dma_start3A_161 = tpu.memref_squeeze %dma_start3A_160 : memref<1x16x768xf32, #tpu.memory_space<hbm>> -> memref<16x768xf32, #tpu.memory_space<hbm>>
    tpu.enqueue_dma source(%dma_start3A_161 : memref<16x768xf32, #tpu.memory_space<hbm>>) target(%arg12 : memref<16x768xf32, #tpu.memory_space<vmem>>) target_semaphore(%arg22 : memref<!tpu.dma_semaphore, #tpu.memory_space<semaphore_mem>>)
    %parallel_loop3A_162 = arith.constant 0 : i32
    %parallel_loop3A_163 = arith.constant 16 : i32
    %parallel_loop3A_164 = arith.constant 1 : i32
    scf.for %parallel_loop3A_677 = %parallel_loop3A_162 to %parallel_loop3A_163 step %parallel_loop3A_164  : i32 {
      %parallel_loop3A_678 = arith.constant 0 : i32
      %parallel_loop3A_679 = arith.constant 768 : i32
      %parallel_loop3A_680 = arith.constant 16 : i32
      scf.for %parallel_loop3A_681 = %parallel_loop3A_678 to %parallel_loop3A_679 step %parallel_loop3A_680  : i32 {
        %parallel_loop3A_682 = arith.index_cast %parallel_loop3A_677 : i32 to index
        %parallel_loop3A_683 = arith.index_cast %parallel_loop3A_681 : i32 to index
        %parallel_loop3A_684 = tpu.vector_load %arg13[%parallel_loop3A_682, %parallel_loop3A_683] {strides = array<i32>} : memref<16x768xf32, #tpu.memory_space<vmem>>, vector<1x16xf32>,
        %parallel_loop3A_685 = vector.shape_cast %parallel_loop3A_684 : vector<1x16xf32> to vector<16xf32>
        %parallel_loop3A_686 = arith.index_cast %parallel_loop3A_677 : i32 to index
        %parallel_loop3A_687 = arith.index_cast %parallel_loop3A_681 : i32 to index
        %parallel_loop3A_688 = tpu.vector_load %arg8[%parallel_loop3A_686, %parallel_loop3A_687] {strides = array<i32>} : memref<16x768xf32, #tpu.memory_space<vmem>>, vector<1x16xf32>,
        %parallel_loop3A_689 = vector.shape_cast %parallel_loop3A_688 : vector<1x16xf32> to vector<16xf32>
        %parallel_loop3A_690 = vector.shape_cast %parallel_loop3A_685 : vector<16xf32> to vector<1x16xf32>
        tpu.vector_store %arg8[%parallel_loop3A_686, %parallel_loop3A_687], %parallel_loop3A_690 {add = true, strides = array<i32>} : memref<16x768xf32, #tpu.memory_space<vmem>>, vector<1x16xf32>,
      } {sc.loop_unroll_factor = 6 : i64, sc.parallel_access}
    } {sc.loop_unroll_factor = 1 : i64, sc.parallel_access}
    %add3A_165 = arith.constant 0 : i32
    %add3A_166 = arith.addi %mul3A_2, %add3A_165 : i32
    %dma_start3A_167 = arith.constant 3 : i32
    %dma_start3A_168 = arith.constant 0 : i32
    %dma_start3A_169 = tpu.memref_slice %arg4[%dma_start3A_167, %add3A_166, %dma_start3A_168] : memref<4x8192x768xf32, #tpu.memory_space<hbm>> -> memref<1x16x768xf32, #tpu.memory_space<hbm>>
    %dma_start3A_170 = tpu.memref_squeeze %dma_start3A_169 : memref<1x16x768xf32, #tpu.memory_space<hbm>> -> memref<16x768xf32, #tpu.memory_space<hbm>>
    %dma_start3A_171 = arith.constant 0 : i32
    %dma_start3A_172 = tpu.memref_slice %arg4[%dma_start3A_167, %add3A_166, %dma_start3A_171] : memref<4x8192x768xf32, #tpu.memory_space<hbm>> -> memref<1x16x768xf32, #tpu.memory_space<hbm>>
    %dma_start3A_173 = tpu.memref_squeeze %dma_start3A_172 : memref<1x16x768xf32, #tpu.memory_space<hbm>> -> memref<16x768xf32, #tpu.memory_space<hbm>>
    tpu.enqueue_dma source(%arg8 : memref<16x768xf32, #tpu.memory_space<vmem>>) target(%dma_start3A_173 : memref<16x768xf32, #tpu.memory_space<hbm>>) target_semaphore(%arg26 : memref<!tpu.dma_semaphore, #tpu.memory_space<semaphore_mem>>)
    %add3A_174 = arith.constant 16 : i32
    %add3A_175 = arith.addi %mul3A_2, %add3A_174 : i32
    %dma_wait3A_176 = arith.constant 0 : i32
    %dma_wait3A_177 = tpu.memref_slice %arg3[%add3A_175, %dma_wait3A_176] : memref<8192x768xf32, #tpu.memory_space<hbm>> -> memref<16x768xf32, #tpu.memory_space<hbm>>
    %dma_wait3A_178 = arith.constant 0 : i32
    %dma_wait3A_179 = tpu.memref_slice %arg3[%add3A_175, %dma_wait3A_178] : memref<8192x768xf32, #tpu.memory_space<hbm>> -> memref<16x768xf32, #tpu.memory_space<hbm>>
    tpu.wait_dma2 semaphore(%arg32 : memref<!tpu.dma_semaphore, #tpu.memory_space<semaphore_mem>>) src(%dma_wait3A_179 : memref<16x768xf32, #tpu.memory_space<hbm>>) dst(%arg14 : memref<16x768xf32, #tpu.memory_space<vmem>>)
    %add3A_180 = arith.constant 32 : i32
    %add3A_181 = arith.addi %mul3A_2, %add3A_180 : i32
    %dma_start3A_182 = arith.constant 0 : i32
    %dma_start3A_183 = tpu.memref_slice %arg3[%add3A_181, %dma_start3A_182] : memref<8192x768xf32, #tpu.memory_space<hbm>> -> memref<16x768xf32, #tpu.memory_space<hbm>>
    %dma_start3A_184 = arith.constant 0 : i32
    %dma_start3A_185 = tpu.memref_slice %arg3[%add3A_181, %dma_start3A_184] : memref<8192x768xf32, #tpu.memory_space<hbm>> -> memref<16x768xf32, #tpu.memory_space<hbm>>
    tpu.enqueue_dma source(%dma_start3A_185 : memref<16x768xf32, #tpu.memory_space<hbm>>) target(%arg13 : memref<16x768xf32, #tpu.memory_space<vmem>>) target_semaphore(%arg31 : memref<!tpu.dma_semaphore, #tpu.memory_space<semaphore_mem>>)
    %add3A_186 = arith.constant 16 : i32
    %add3A_187 = arith.addi %mul3A_2, %add3A_186 : i32
    %dma_wait3A_188 = arith.constant 0 : i32
    %dma_wait3A_189 = arith.constant 0 : i32
    %dma_wait3A_190 = tpu.memref_slice %arg2[%dma_wait3A_188, %add3A_187, %dma_wait3A_189] : memref<4x8192x768xf32, #tpu.memory_space<hbm>> -> memref<1x16x768xf32, #tpu.memory_space<hbm>>
    %dma_wait3A_191 = tpu.memref_squeeze %dma_wait3A_190 : memref<1x16x768xf32, #tpu.memory_space<hbm>> -> memref<16x768xf32, #tpu.memory_space<hbm>>
    %dma_wait3A_192 = arith.constant 0 : i32
    %dma_wait3A_193 = tpu.memref_slice %arg2[%dma_wait3A_188, %add3A_187, %dma_wait3A_192] : memref<4x8192x768xf32, #tpu.memory_space<hbm>> -> memref<1x16x768xf32, #tpu.memory_space<hbm>>
    %dma_wait3A_194 = tpu.memref_squeeze %dma_wait3A_193 : memref<1x16x768xf32, #tpu.memory_space<hbm>> -> memref<16x768xf32, #tpu.memory_space<hbm>>
    tpu.wait_dma2 semaphore(%arg19 : memref<!tpu.dma_semaphore, #tpu.memory_space<semaphore_mem>>) src(%dma_wait3A_194 : memref<16x768xf32, #tpu.memory_space<hbm>>) dst(%arg9 : memref<16x768xf32, #tpu.memory_space<vmem>>)
    %add3A_195 = arith.constant 0 : i32
    %add3A_196 = arith.addi %mul3A_2, %add3A_195 : i32
    %dma_wait3A_197 = arith.constant 0 : i32
    %dma_wait3A_198 = arith.constant 0 : i32
    %dma_wait3A_199 = tpu.memref_slice %arg4[%dma_wait3A_197, %add3A_196, %dma_wait3A_198] : memref<4x8192x768xf32, #tpu.memory_space<hbm>> -> memref<1x16x768xf32, #tpu.memory_space<hbm>>
    %dma_wait3A_200 = tpu.memref_squeeze %dma_wait3A_199 : memref<1x16x768xf32, #tpu.memory_space<hbm>> -> memref<16x768xf32, #tpu.memory_space<hbm>>
    %dma_wait3A_201 = arith.constant 0 : i32
    %dma_wait3A_202 = tpu.memref_slice %arg4[%dma_wait3A_197, %add3A_196, %dma_wait3A_201] : memref<4x8192x768xf32, #tpu.memory_space<hbm>> -> memref<1x16x768xf32, #tpu.memory_space<hbm>>
    %dma_wait3A_203 = tpu.memref_squeeze %dma_wait3A_202 : memref<1x16x768xf32, #tpu.memory_space<hbm>> -> memref<16x768xf32, #tpu.memory_space<hbm>>
    tpu.wait_dma2 semaphore(%arg23 : memref<!tpu.dma_semaphore, #tpu.memory_space<semaphore_mem>>) src(%arg5 : memref<16x768xf32, #tpu.memory_space<vmem>>) dst(%dma_wait3A_203 : memref<16x768xf32, #tpu.memory_space<hbm>>)
    %add3A_204 = arith.constant 32 : i32
    %add3A_205 = arith.addi %mul3A_2, %add3A_204 : i32
    %dma_start3A_206 = arith.constant 0 : i32
    %dma_start3A_207 = arith.constant 0 : i32
    %dma_start3A_208 = tpu.memref_slice %arg2[%dma_start3A_206, %add3A_205, %dma_start3A_207] : memref<4x8192x768xf32, #tpu.memory_space<hbm>> -> memref<1x16x768xf32, #tpu.memory_space<hbm>>
    %dma_start3A_209 = tpu.memref_squeeze %dma_start3A_208 : memref<1x16x768xf32, #tpu.memory_space<hbm>> -> memref<16x768xf32, #tpu.memory_space<hbm>>
    %dma_start3A_210 = arith.constant 0 : i32
    %dma_start3A_211 = tpu.memref_slice %arg2[%dma_start3A_206, %add3A_205, %dma_start3A_210] : memref<4x8192x768xf32, #tpu.memory_space<hbm>> -> memref<1x16x768xf32, #tpu.memory_space<hbm>>
    %dma_start3A_212 = tpu.memref_squeeze %dma_start3A_211 : memref<1x16x768xf32, #tpu.memory_space<hbm>> -> memref<16x768xf32, #tpu.memory_space<hbm>>
    tpu.enqueue_dma source(%dma_start3A_212 : memref<16x768xf32, #tpu.memory_space<hbm>>) target(%arg5 : memref<16x768xf32, #tpu.memory_space<vmem>>) target_semaphore(%arg15 : memref<!tpu.dma_semaphore, #tpu.memory_space<semaphore_mem>>)
    %parallel_loop3A_213 = arith.constant 0 : i32
    %parallel_loop3A_214 = arith.constant 16 : i32
    %parallel_loop3A_215 = arith.constant 1 : i32
    scf.for %parallel_loop3A_677 = %parallel_loop3A_213 to %parallel_loop3A_214 step %parallel_loop3A_215  : i32 {
      %parallel_loop3A_678 = arith.constant 0 : i32
      %parallel_loop3A_679 = arith.constant 768 : i32
      %parallel_loop3A_680 = arith.constant 16 : i32
      scf.for %parallel_loop3A_681 = %parallel_loop3A_678 to %parallel_loop3A_679 step %parallel_loop3A_680  : i32 {
        %parallel_loop3A_682 = arith.index_cast %parallel_loop3A_677 : i32 to index
        %parallel_loop3A_683 = arith.index_cast %parallel_loop3A_681 : i32 to index
        %parallel_loop3A_684 = tpu.vector_load %arg14[%parallel_loop3A_682, %parallel_loop3A_683] {strides = array<i32>} : memref<16x768xf32, #tpu.memory_space<vmem>>, vector<1x16xf32>,
        %parallel_loop3A_685 = vector.shape_cast %parallel_loop3A_684 : vector<1x16xf32> to vector<16xf32>
        %parallel_loop3A_686 = arith.index_cast %parallel_loop3A_677 : i32 to index
        %parallel_loop3A_687 = arith.index_cast %parallel_loop3A_681 : i32 to index
        %parallel_loop3A_688 = tpu.vector_load %arg9[%parallel_loop3A_686, %parallel_loop3A_687] {strides = array<i32>} : memref<16x768xf32, #tpu.memory_space<vmem>>, vector<1x16xf32>,
        %parallel_loop3A_689 = vector.shape_cast %parallel_loop3A_688 : vector<1x16xf32> to vector<16xf32>
        %parallel_loop3A_690 = vector.shape_cast %parallel_loop3A_685 : vector<16xf32> to vector<1x16xf32>
        tpu.vector_store %arg9[%parallel_loop3A_686, %parallel_loop3A_687], %parallel_loop3A_690 {add = true, strides = array<i32>} : memref<16x768xf32, #tpu.memory_space<vmem>>, vector<1x16xf32>,
      } {sc.loop_unroll_factor = 6 : i64, sc.parallel_access}
    } {sc.loop_unroll_factor = 1 : i64, sc.parallel_access}
    %add3A_216 = arith.constant 16 : i32
    %add3A_217 = arith.addi %mul3A_2, %add3A_216 : i32
    %dma_start3A_218 = arith.constant 0 : i32
    %dma_start3A_219 = arith.constant 0 : i32
    %dma_start3A_220 = tpu.memref_slice %arg4[%dma_start3A_218, %add3A_217, %dma_start3A_219] : memref<4x8192x768xf32, #tpu.memory_space<hbm>> -> memref<1x16x768xf32, #tpu.memory_space<hbm>>
    %dma_start3A_221 = tpu.memref_squeeze %dma_start3A_220 : memref<1x16x768xf32, #tpu.memory_space<hbm>> -> memref<16x768xf32, #tpu.memory_space<hbm>>
    %dma_start3A_222 = arith.constant 0 : i32
    %dma_start3A_223 = tpu.memref_slice %arg4[%dma_start3A_218, %add3A_217, %dma_start3A_222] : memref<4x8192x768xf32, #tpu.memory_space<hbm>> -> memref<1x16x768xf32, #tpu.memory_space<hbm>>
    %dma_start3A_224 = tpu.memref_squeeze %dma_start3A_223 : memref<1x16x768xf32, #tpu.memory_space<hbm>> -> memref<16x768xf32, #tpu.memory_space<hbm>>
    tpu.enqueue_dma source(%arg9 : memref<16x768xf32, #tpu.memory_space<vmem>>) target(%dma_start3A_224 : memref<16x768xf32, #tpu.memory_space<hbm>>) target_semaphore(%arg27 : memref<!tpu.dma_semaphore, #tpu.memory_space<semaphore_mem>>)
    %add3A_225 = arith.constant 16 : i32
    %add3A_226 = arith.addi %mul3A_2, %add3A_225 : i32
    %dma_wait3A_227 = arith.constant 1 : i32
    %dma_wait3A_228 = arith.constant 0 : i32
    %dma_wait3A_229 = tpu.memref_slice %arg2[%dma_wait3A_227, %add3A_226, %dma_wait3A_228] : memref<4x8192x768xf32, #tpu.memory_space<hbm>> -> memref<1x16x768xf32, #tpu.memory_space<hbm>>
    %dma_wait3A_230 = tpu.memref_squeeze %dma_wait3A_229 : memref<1x16x768xf32, #tpu.memory_space<hbm>> -> memref<16x768xf32, #tpu.memory_space<hbm>>
    %dma_wait3A_231 = arith.constant 0 : i32
    %dma_wait3A_232 = tpu.memref_slice %arg2[%dma_wait3A_227, %add3A_226, %dma_wait3A_231] : memref<4x8192x768xf32, #tpu.memory_space<hbm>> -> memref<1x16x768xf32, #tpu.memory_space<hbm>>
    %dma_wait3A_233 = tpu.memref_squeeze %dma_wait3A_232 : memref<1x16x768xf32, #tpu.memory_space<hbm>> -> memref<16x768xf32, #tpu.memory_space<hbm>>
    tpu.wait_dma2 semaphore(%arg20 : memref<!tpu.dma_semaphore, #tpu.memory_space<semaphore_mem>>) src(%dma_wait3A_233 : memref<16x768xf32, #tpu.memory_space<hbm>>) dst(%arg10 : memref<16x768xf32, #tpu.memory_space<vmem>>)
    %add3A_234 = arith.constant 0 : i32
    %add3A_235 = arith.addi %mul3A_2, %add3A_234 : i32
    %dma_wait3A_236 = arith.constant 1 : i32
    %dma_wait3A_237 = arith.constant 0 : i32
    %dma_wait3A_238 = tpu.memref_slice %arg4[%dma_wait3A_236, %add3A_235, %dma_wait3A_237] : memref<4x8192x768xf32, #tpu.memory_space<hbm>> -> memref<1x16x768xf32, #tpu.memory_space<hbm>>
    %dma_wait3A_239 = tpu.memref_squeeze %dma_wait3A_238 : memref<1x16x768xf32, #tpu.memory_space<hbm>> -> memref<16x768xf32, #tpu.memory_space<hbm>>
    %dma_wait3A_240 = arith.constant 0 : i32
    %dma_wait3A_241 = tpu.memref_slice %arg4[%dma_wait3A_236, %add3A_235, %dma_wait3A_240] : memref<4x8192x768xf32, #tpu.memory_space<hbm>> -> memref<1x16x768xf32, #tpu.memory_space<hbm>>
    %dma_wait3A_242 = tpu.memref_squeeze %dma_wait3A_241 : memref<1x16x768xf32, #tpu.memory_space<hbm>> -> memref<16x768xf32, #tpu.memory_space<hbm>>
    tpu.wait_dma2 semaphore(%arg24 : memref<!tpu.dma_semaphore, #tpu.memory_space<semaphore_mem>>) src(%arg6 : memref<16x768xf32, #tpu.memory_space<vmem>>) dst(%dma_wait3A_242 : memref<16x768xf32, #tpu.memory_space<hbm>>)
    %add3A_243 = arith.constant 32 : i32
    %add3A_244 = arith.addi %mul3A_2, %add3A_243 : i32
    %dma_start3A_245 = arith.constant 1 : i32
    %dma_start3A_246 = arith.constant 0 : i32
    %dma_start3A_247 = tpu.memref_slice %arg2[%dma_start3A_245, %add3A_244, %dma_start3A_246] : memref<4x8192x768xf32, #tpu.memory_space<hbm>> -> memref<1x16x768xf32, #tpu.memory_space<hbm>>
    %dma_start3A_248 = tpu.memref_squeeze %dma_start3A_247 : memref<1x16x768xf32, #tpu.memory_space<hbm>> -> memref<16x768xf32, #tpu.memory_space<hbm>>
    %dma_start3A_249 = arith.constant 0 : i32
    %dma_start3A_250 = tpu.memref_slice %arg2[%dma_start3A_245, %add3A_244, %dma_start3A_249] : memref<4x8192x768xf32, #tpu.memory_space<hbm>> -> memref<1x16x768xf32, #tpu.memory_space<hbm>>
    %dma_start3A_251 = tpu.memref_squeeze %dma_start3A_250 : memref<1x16x768xf32, #tpu.memory_space<hbm>> -> memref<16x768xf32, #tpu.memory_space<hbm>>
    tpu.enqueue_dma source(%dma_start3A_251 : memref<16x768xf32, #tpu.memory_space<hbm>>) target(%arg6 : memref<16x768xf32, #tpu.memory_space<vmem>>) target_semaphore(%arg16 : memref<!tpu.dma_semaphore, #tpu.memory_space<semaphore_mem>>)
    %parallel_loop3A_252 = arith.constant 0 : i32
    %parallel_loop3A_253 = arith.constant 16 : i32
    %parallel_loop3A_254 = arith.constant 1 : i32
    scf.for %parallel_loop3A_677 = %parallel_loop3A_252 to %parallel_loop3A_253 step %parallel_loop3A_254  : i32 {
      %parallel_loop3A_678 = arith.constant 0 : i32
      %parallel_loop3A_679 = arith.constant 768 : i32
      %parallel_loop3A_680 = arith.constant 16 : i32
      scf.for %parallel_loop3A_681 = %parallel_loop3A_678 to %parallel_loop3A_679 step %parallel_loop3A_680  : i32 {
        %parallel_loop3A_682 = arith.index_cast %parallel_loop3A_677 : i32 to index
        %parallel_loop3A_683 = arith.index_cast %parallel_loop3A_681 : i32 to index
        %parallel_loop3A_684 = tpu.vector_load %arg14[%parallel_loop3A_682, %parallel_loop3A_683] {strides = array<i32>} : memref<16x768xf32, #tpu.memory_space<vmem>>, vector<1x16xf32>,
        %parallel_loop3A_685 = vector.shape_cast %parallel_loop3A_684 : vector<1x16xf32> to vector<16xf32>
        %parallel_loop3A_686 = arith.index_cast %parallel_loop3A_677 : i32 to index
        %parallel_loop3A_687 = arith.index_cast %parallel_loop3A_681 : i32 to index
        %parallel_loop3A_688 = tpu.vector_load %arg10[%parallel_loop3A_686, %parallel_loop3A_687] {strides = array<i32>} : memref<16x768xf32, #tpu.memory_space<vmem>>, vector<1x16xf32>,
        %parallel_loop3A_689 = vector.shape_cast %parallel_loop3A_688 : vector<1x16xf32> to vector<16xf32>
        %parallel_loop3A_690 = vector.shape_cast %parallel_loop3A_685 : vector<16xf32> to vector<1x16xf32>
        tpu.vector_store %arg10[%parallel_loop3A_686, %parallel_loop3A_687], %parallel_loop3A_690 {add = true, strides = array<i32>} : memref<16x768xf32, #tpu.memory_space<vmem>>, vector<1x16xf32>,
      } {sc.loop_unroll_factor = 6 : i64, sc.parallel_access}
    } {sc.loop_unroll_factor = 1 : i64, sc.parallel_access}
    %add3A_255 = arith.constant 16 : i32
    %add3A_256 = arith.addi %mul3A_2, %add3A_255 : i32
    %dma_start3A_257 = arith.constant 1 : i32
    %dma_start3A_258 = arith.constant 0 : i32
    %dma_start3A_259 = tpu.memref_slice %arg4[%dma_start3A_257, %add3A_256, %dma_start3A_258] : memref<4x8192x768xf32, #tpu.memory_space<hbm>> -> memref<1x16x768xf32, #tpu.memory_space<hbm>>
    %dma_start3A_260 = tpu.memref_squeeze %dma_start3A_259 : memref<1x16x768xf32, #tpu.memory_space<hbm>> -> memref<16x768xf32, #tpu.memory_space<hbm>>
    %dma_start3A_261 = arith.constant 0 : i32
    %dma_start3A_262 = tpu.memref_slice %arg4[%dma_start3A_257, %add3A_256, %dma_start3A_261] : memref<4x8192x768xf32, #tpu.memory_space<hbm>> -> memref<1x16x768xf32, #tpu.memory_space<hbm>>
    %dma_start3A_263 = tpu.memref_squeeze %dma_start3A_262 : memref<1x16x768xf32, #tpu.memory_space<hbm>> -> memref<16x768xf32, #tpu.memory_space<hbm>>
    tpu.enqueue_dma source(%arg10 : memref<16x768xf32, #tpu.memory_space<vmem>>) target(%dma_start3A_263 : memref<16x768xf32, #tpu.memory_space<hbm>>) target_semaphore(%arg28 : memref<!tpu.dma_semaphore, #tpu.memory_space<semaphore_mem>>)
    %add3A_264 = arith.constant 16 : i32
    %add3A_265 = arith.addi %mul3A_2, %add3A_264 : i32
    %dma_wait3A_266 = arith.constant 2 : i32
    %dma_wait3A_267 = arith.constant 0 : i32
    %dma_wait3A_268 = tpu.memref_slice %arg2[%dma_wait3A_266, %add3A_265, %dma_wait3A_267] : memref<4x8192x768xf32, #tpu.memory_space<hbm>> -> memref<1x16x768xf32, #tpu.memory_space<hbm>>
    %dma_wait3A_269 = tpu.memref_squeeze %dma_wait3A_268 : memref<1x16x768xf32, #tpu.memory_space<hbm>> -> memref<16x768xf32, #tpu.memory_space<hbm>>
    %dma_wait3A_270 = arith.constant 0 : i32
    %dma_wait3A_271 = tpu.memref_slice %arg2[%dma_wait3A_266, %add3A_265, %dma_wait3A_270] : memref<4x8192x768xf32, #tpu.memory_space<hbm>> -> memref<1x16x768xf32, #tpu.memory_space<hbm>>
    %dma_wait3A_272 = tpu.memref_squeeze %dma_wait3A_271 : memref<1x16x768xf32, #tpu.memory_space<hbm>> -> memref<16x768xf32, #tpu.memory_space<hbm>>
    tpu.wait_dma2 semaphore(%arg21 : memref<!tpu.dma_semaphore, #tpu.memory_space<semaphore_mem>>) src(%dma_wait3A_272 : memref<16x768xf32, #tpu.memory_space<hbm>>) dst(%arg11 : memref<16x768xf32, #tpu.memory_space<vmem>>)
    %add3A_273 = arith.constant 0 : i32
    %add3A_274 = arith.addi %mul3A_2, %add3A_273 : i32
    %dma_wait3A_275 = arith.constant 2 : i32
    %dma_wait3A_276 = arith.constant 0 : i32
    %dma_wait3A_277 = tpu.memref_slice %arg4[%dma_wait3A_275, %add3A_274, %dma_wait3A_276] : memref<4x8192x768xf32, #tpu.memory_space<hbm>> -> memref<1x16x768xf32, #tpu.memory_space<hbm>>
    %dma_wait3A_278 = tpu.memref_squeeze %dma_wait3A_277 : memref<1x16x768xf32, #tpu.memory_space<hbm>> -> memref<16x768xf32, #tpu.memory_space<hbm>>
    %dma_wait3A_279 = arith.constant 0 : i32
    %dma_wait3A_280 = tpu.memref_slice %arg4[%dma_wait3A_275, %add3A_274, %dma_wait3A_279] : memref<4x8192x768xf32, #tpu.memory_space<hbm>> -> memref<1x16x768xf32, #tpu.memory_space<hbm>>
    %dma_wait3A_281 = tpu.memref_squeeze %dma_wait3A_280 : memref<1x16x768xf32, #tpu.memory_space<hbm>> -> memref<16x768xf32, #tpu.memory_space<hbm>>
    tpu.wait_dma2 semaphore(%arg25 : memref<!tpu.dma_semaphore, #tpu.memory_space<semaphore_mem>>) src(%arg7 : memref<16x768xf32, #tpu.memory_space<vmem>>) dst(%dma_wait3A_281 : memref<16x768xf32, #tpu.memory_space<hbm>>)
    %add3A_282 = arith.constant 32 : i32
    %add3A_283 = arith.addi %mul3A_2, %add3A_282 : i32
    %dma_start3A_284 = arith.constant 2 : i32
    %dma_start3A_285 = arith.constant 0 : i32
    %dma_start3A_286 = tpu.memref_slice %arg2[%dma_start3A_284, %add3A_283, %dma_start3A_285] : memref<4x8192x768xf32, #tpu.memory_space<hbm>> -> memref<1x16x768xf32, #tpu.memory_space<hbm>>
    %dma_start3A_287 = tpu.memref_squeeze %dma_start3A_286 : memref<1x16x768xf32, #tpu.memory_space<hbm>> -> memref<16x768xf32, #tpu.memory_space<hbm>>
    %dma_start3A_288 = arith.constant 0 : i32
    %dma_start3A_289 = tpu.memref_slice %arg2[%dma_start3A_284, %add3A_283, %dma_start3A_288] : memref<4x8192x768xf32, #tpu.memory_space<hbm>> -> memref<1x16x768xf32, #tpu.memory_space<hbm>>
    %dma_start3A_290 = tpu.memref_squeeze %dma_start3A_289 : memref<1x16x768xf32, #tpu.memory_space<hbm>> -> memref<16x768xf32, #tpu.memory_space<hbm>>
    tpu.enqueue_dma source(%dma_start3A_290 : memref<16x768xf32, #tpu.memory_space<hbm>>) target(%arg7 : memref<16x768xf32, #tpu.memory_space<vmem>>) target_semaphore(%arg17 : memref<!tpu.dma_semaphore, #tpu.memory_space<semaphore_mem>>)
    %parallel_loop3A_291 = arith.constant 0 : i32
    %parallel_loop3A_292 = arith.constant 16 : i32
    %parallel_loop3A_293 = arith.constant 1 : i32
    scf.for %parallel_loop3A_677 = %parallel_loop3A_291 to %parallel_loop3A_292 step %parallel_loop3A_293  : i32 {
      %parallel_loop3A_678 = arith.constant 0 : i32
      %parallel_loop3A_679 = arith.constant 768 : i32
      %parallel_loop3A_680 = arith.constant 16 : i32
      scf.for %parallel_loop3A_681 = %parallel_loop3A_678 to %parallel_loop3A_679 step %parallel_loop3A_680  : i32 {
        %parallel_loop3A_682 = arith.index_cast %parallel_loop3A_677 : i32 to index
        %parallel_loop3A_683 = arith.index_cast %parallel_loop3A_681 : i32 to index
        %parallel_loop3A_684 = tpu.vector_load %arg14[%parallel_loop3A_682, %parallel_loop3A_683] {strides = array<i32>} : memref<16x768xf32, #tpu.memory_space<vmem>>, vector<1x16xf32>,
        %parallel_loop3A_685 = vector.shape_cast %parallel_loop3A_684 : vector<1x16xf32> to vector<16xf32>
        %parallel_loop3A_686 = arith.index_cast %parallel_loop3A_677 : i32 to index
        %parallel_loop3A_687 = arith.index_cast %parallel_loop3A_681 : i32 to index
        %parallel_loop3A_688 = tpu.vector_load %arg11[%parallel_loop3A_686, %parallel_loop3A_687] {strides = array<i32>} : memref<16x768xf32, #tpu.memory_space<vmem>>, vector<1x16xf32>,
        %parallel_loop3A_689 = vector.shape_cast %parallel_loop3A_688 : vector<1x16xf32> to vector<16xf32>
        %parallel_loop3A_690 = vector.shape_cast %parallel_loop3A_685 : vector<16xf32> to vector<1x16xf32>
        tpu.vector_store %arg11[%parallel_loop3A_686, %parallel_loop3A_687], %parallel_loop3A_690 {add = true, strides = array<i32>} : memref<16x768xf32, #tpu.memory_space<vmem>>, vector<1x16xf32>,
      } {sc.loop_unroll_factor = 6 : i64, sc.parallel_access}
    } {sc.loop_unroll_factor = 1 : i64, sc.parallel_access}
    %add3A_294 = arith.constant 16 : i32
    %add3A_295 = arith.addi %mul3A_2, %add3A_294 : i32
    %dma_start3A_296 = arith.constant 2 : i32
    %dma_start3A_297 = arith.constant 0 : i32
    %dma_start3A_298 = tpu.memref_slice %arg4[%dma_start3A_296, %add3A_295, %dma_start3A_297] : memref<4x8192x768xf32, #tpu.memory_space<hbm>> -> memref<1x16x768xf32, #tpu.memory_space<hbm>>
    %dma_start3A_299 = tpu.memref_squeeze %dma_start3A_298 : memref<1x16x768xf32, #tpu.memory_space<hbm>> -> memref<16x768xf32, #tpu.memory_space<hbm>>
    %dma_start3A_300 = arith.constant 0 : i32
    %dma_start3A_301 = tpu.memref_slice %arg4[%dma_start3A_296, %add3A_295, %dma_start3A_300] : memref<4x8192x768xf32, #tpu.memory_space<hbm>> -> memref<1x16x768xf32, #tpu.memory_space<hbm>>
    %dma_start3A_302 = tpu.memref_squeeze %dma_start3A_301 : memref<1x16x768xf32, #tpu.memory_space<hbm>> -> memref<16x768xf32, #tpu.memory_space<hbm>>
    tpu.enqueue_dma source(%arg11 : memref<16x768xf32, #tpu.memory_space<vmem>>) target(%dma_start3A_302 : memref<16x768xf32, #tpu.memory_space<hbm>>) target_semaphore(%arg29 : memref<!tpu.dma_semaphore, #tpu.memory_space<semaphore_mem>>)
    %add3A_303 = arith.constant 16 : i32
    %add3A_304 = arith.addi %mul3A_2, %add3A_303 : i32
    %dma_wait3A_305 = arith.constant 3 : i32
    %dma_wait3A_306 = arith.constant 0 : i32
    %dma_wait3A_307 = tpu.memref_slice %arg2[%dma_wait3A_305, %add3A_304, %dma_wait3A_306] : memref<4x8192x768xf32, #tpu.memory_space<hbm>> -> memref<1x16x768xf32, #tpu.memory_space<hbm>>
    %dma_wait3A_308 = tpu.memref_squeeze %dma_wait3A_307 : memref<1x16x768xf32, #tpu.memory_space<hbm>> -> memref<16x768xf32, #tpu.memory_space<hbm>>
    %dma_wait3A_309 = arith.constant 0 : i32
    %dma_wait3A_310 = tpu.memref_slice %arg2[%dma_wait3A_305, %add3A_304, %dma_wait3A_309] : memref<4x8192x768xf32, #tpu.memory_space<hbm>> -> memref<1x16x768xf32, #tpu.memory_space<hbm>>
    %dma_wait3A_311 = tpu.memref_squeeze %dma_wait3A_310 : memref<1x16x768xf32, #tpu.memory_space<hbm>> -> memref<16x768xf32, #tpu.memory_space<hbm>>
    tpu.wait_dma2 semaphore(%arg22 : memref<!tpu.dma_semaphore, #tpu.memory_space<semaphore_mem>>) src(%dma_wait3A_311 : memref<16x768xf32, #tpu.memory_space<hbm>>) dst(%arg12 : memref<16x768xf32, #tpu.memory_space<vmem>>)
    %add3A_312 = arith.constant 0 : i32
    %add3A_313 = arith.addi %mul3A_2, %add3A_312 : i32
    %dma_wait3A_314 = arith.constant 3 : i32
    %dma_wait3A_315 = arith.constant 0 : i32
    %dma_wait3A_316 = tpu.memref_slice %arg4[%dma_wait3A_314, %add3A_313, %dma_wait3A_315] : memref<4x8192x768xf32, #tpu.memory_space<hbm>> -> memref<1x16x768xf32, #tpu.memory_space<hbm>>
    %dma_wait3A_317 = tpu.memref_squeeze %dma_wait3A_316 : memref<1x16x768xf32, #tpu.memory_space<hbm>> -> memref<16x768xf32, #tpu.memory_space<hbm>>
    %dma_wait3A_318 = arith.constant 0 : i32
    %dma_wait3A_319 = tpu.memref_slice %arg4[%dma_wait3A_314, %add3A_313, %dma_wait3A_318] : memref<4x8192x768xf32, #tpu.memory_space<hbm>> -> memref<1x16x768xf32, #tpu.memory_space<hbm>>
    %dma_wait3A_320 = tpu.memref_squeeze %dma_wait3A_319 : memref<1x16x768xf32, #tpu.memory_space<hbm>> -> memref<16x768xf32, #tpu.memory_space<hbm>>
    tpu.wait_dma2 semaphore(%arg26 : memref<!tpu.dma_semaphore, #tpu.memory_space<semaphore_mem>>) src(%arg8 : memref<16x768xf32, #tpu.memory_space<vmem>>) dst(%dma_wait3A_320 : memref<16x768xf32, #tpu.memory_space<hbm>>)
    %add3A_321 = arith.constant 32 : i32
    %add3A_322 = arith.addi %mul3A_2, %add3A_321 : i32
    %dma_start3A_323 = arith.constant 3 : i32
    %dma_start3A_324 = arith.constant 0 : i32
    %dma_start3A_325 = tpu.memref_slice %arg2[%dma_start3A_323, %add3A_322, %dma_start3A_324] : memref<4x8192x768xf32, #tpu.memory_space<hbm>> -> memref<1x16x768xf32, #tpu.memory_space<hbm>>
    %dma_start3A_326 = tpu.memref_squeeze %dma_start3A_325 : memref<1x16x768xf32, #tpu.memory_space<hbm>> -> memref<16x768xf32, #tpu.memory_space<hbm>>
    %dma_start3A_327 = arith.constant 0 : i32
    %dma_start3A_328 = tpu.memref_slice %arg2[%dma_start3A_323, %add3A_322, %dma_start3A_327] : memref<4x8192x768xf32, #tpu.memory_space<hbm>> -> memref<1x16x768xf32, #tpu.memory_space<hbm>>
    %dma_start3A_329 = tpu.memref_squeeze %dma_start3A_328 : memref<1x16x768xf32, #tpu.memory_space<hbm>> -> memref<16x768xf32, #tpu.memory_space<hbm>>
    tpu.enqueue_dma source(%dma_start3A_329 : memref<16x768xf32, #tpu.memory_space<hbm>>) target(%arg8 : memref<16x768xf32, #tpu.memory_space<vmem>>) target_semaphore(%arg18 : memref<!tpu.dma_semaphore, #tpu.memory_space<semaphore_mem>>)
    %parallel_loop3A_330 = arith.constant 0 : i32
    %parallel_loop3A_331 = arith.constant 16 : i32
    %parallel_loop3A_332 = arith.constant 1 : i32
    scf.for %parallel_loop3A_677 = %parallel_loop3A_330 to %parallel_loop3A_331 step %parallel_loop3A_332  : i32 {
      %parallel_loop3A_678 = arith.constant 0 : i32
      %parallel_loop3A_679 = arith.constant 768 : i32
      %parallel_loop3A_680 = arith.constant 16 : i32
      scf.for %parallel_loop3A_681 = %parallel_loop3A_678 to %parallel_loop3A_679 step %parallel_loop3A_680  : i32 {
        %parallel_loop3A_682 = arith.index_cast %parallel_loop3A_677 : i32 to index
        %parallel_loop3A_683 = arith.index_cast %parallel_loop3A_681 : i32 to index
        %parallel_loop3A_684 = tpu.vector_load %arg14[%parallel_loop3A_682, %parallel_loop3A_683] {strides = array<i32>} : memref<16x768xf32, #tpu.memory_space<vmem>>, vector<1x16xf32>,
        %parallel_loop3A_685 = vector.shape_cast %parallel_loop3A_684 : vector<1x16xf32> to vector<16xf32>
        %parallel_loop3A_686 = arith.index_cast %parallel_loop3A_677 : i32 to index
        %parallel_loop3A_687 = arith.index_cast %parallel_loop3A_681 : i32 to index
        %parallel_loop3A_688 = tpu.vector_load %arg12[%parallel_loop3A_686, %parallel_loop3A_687] {strides = array<i32>} : memref<16x768xf32, #tpu.memory_space<vmem>>, vector<1x16xf32>,
        %parallel_loop3A_689 = vector.shape_cast %parallel_loop3A_688 : vector<1x16xf32> to vector<16xf32>
        %parallel_loop3A_690 = vector.shape_cast %parallel_loop3A_685 : vector<16xf32> to vector<1x16xf32>
        tpu.vector_store %arg12[%parallel_loop3A_686, %parallel_loop3A_687], %parallel_loop3A_690 {add = true, strides = array<i32>} : memref<16x768xf32, #tpu.memory_space<vmem>>, vector<1x16xf32>,
      } {sc.loop_unroll_factor = 6 : i64, sc.parallel_access}
    } {sc.loop_unroll_factor = 1 : i64, sc.parallel_access}
    %add3A_333 = arith.constant 16 : i32
    %add3A_334 = arith.addi %mul3A_2, %add3A_333 : i32
    %dma_start3A_335 = arith.constant 3 : i32
    %dma_start3A_336 = arith.constant 0 : i32
    %dma_start3A_337 = tpu.memref_slice %arg4[%dma_start3A_335, %add3A_334, %dma_start3A_336] : memref<4x8192x768xf32, #tpu.memory_space<hbm>> -> memref<1x16x768xf32, #tpu.memory_space<hbm>>
    %dma_start3A_338 = tpu.memref_squeeze %dma_start3A_337 : memref<1x16x768xf32, #tpu.memory_space<hbm>> -> memref<16x768xf32, #tpu.memory_space<hbm>>
    %dma_start3A_339 = arith.constant 0 : i32
    %dma_start3A_340 = tpu.memref_slice %arg4[%dma_start3A_335, %add3A_334, %dma_start3A_339] : memref<4x8192x768xf32, #tpu.memory_space<hbm>> -> memref<1x16x768xf32, #tpu.memory_space<hbm>>
    %dma_start3A_341 = tpu.memref_squeeze %dma_start3A_340 : memref<1x16x768xf32, #tpu.memory_space<hbm>> -> memref<16x768xf32, #tpu.memory_space<hbm>>
    tpu.enqueue_dma source(%arg12 : memref<16x768xf32, #tpu.memory_space<vmem>>) target(%dma_start3A_341 : memref<16x768xf32, #tpu.memory_space<hbm>>) target_semaphore(%arg30 : memref<!tpu.dma_semaphore, #tpu.memory_space<semaphore_mem>>)
    %scan3A = arith.constant 0 : i32
    %scan3A_342 = arith.constant 1 : i32
    %scan3A_343 = arith.constant 6 : i32
    %scan3A_344 = arith.addi %scan3A_342, %scan3A_343 : i32
    %scan3A_345 = arith.constant 1 : i32
    scf.for %scan3A_677 = %scan3A_342 to %scan3A_344 step %scan3A_345  : i32 {
      %mul3A_678 = arith.constant 2 : i32
      %mul3A_679 = arith.muli %mul3A_678, %scan3A_677 : i32
      %add3A_680 = arith.constant 0 : i32
      %add3A_681 = arith.addi %mul3A_679, %add3A_680 : i32
      %add3A_682 = arith.constant 1 : i32
      %add3A_683 = arith.addi %mul3A_679, %add3A_682 : i32
      %mul3A_684 = arith.constant 16 : i32
      %mul3A_685 = arith.muli %add3A_683, %mul3A_684 : i32
      %add3A_686 = arith.addi %mul3A_2, %mul3A_685 : i32
      %dma_start3A_687 = arith.constant 0 : i32
      %dma_start3A_688 = tpu.memref_slice %arg3[%add3A_686, %dma_start3A_687] : memref<8192x768xf32, #tpu.memory_space<hbm>> -> memref<16x768xf32, #tpu.memory_space<hbm>>
      %dma_start3A_689 = arith.constant 0 : i32
      %dma_start3A_690 = tpu.memref_slice %arg3[%add3A_686, %dma_start3A_689] : memref<8192x768xf32, #tpu.memory_space<hbm>> -> memref<16x768xf32, #tpu.memory_space<hbm>>
      tpu.enqueue_dma source(%dma_start3A_690 : memref<16x768xf32, #tpu.memory_space<hbm>>) target(%arg14 : memref<16x768xf32, #tpu.memory_space<vmem>>) target_semaphore(%arg32 : memref<!tpu.dma_semaphore, #tpu.memory_space<semaphore_mem>>)
      %mul3A_691 = arith.constant 16 : i32
      %mul3A_692 = arith.muli %mul3A_679, %mul3A_691 : i32
      %add3A_693 = arith.addi %mul3A_2, %mul3A_692 : i32
      %dma_wait3A_694 = arith.constant 0 : i32
      %dma_wait3A_695 = tpu.memref_slice %arg3[%add3A_693, %dma_wait3A_694] : memref<8192x768xf32, #tpu.memory_space<hbm>> -> memref<16x768xf32, #tpu.memory_space<hbm>>
      %dma_wait3A_696 = arith.constant 0 : i32
      %dma_wait3A_697 = tpu.memref_slice %arg3[%add3A_693, %dma_wait3A_696] : memref<8192x768xf32, #tpu.memory_space<hbm>> -> memref<16x768xf32, #tpu.memory_space<hbm>>
      tpu.wait_dma2 semaphore(%arg31 : memref<!tpu.dma_semaphore, #tpu.memory_space<semaphore_mem>>) src(%dma_wait3A_697 : memref<16x768xf32, #tpu.memory_space<hbm>>) dst(%arg13 : memref<16x768xf32, #tpu.memory_space<vmem>>)
      %mul3A_698 = arith.constant 16 : i32
      %mul3A_699 = arith.muli %add3A_681, %mul3A_698 : i32
      %add3A_700 = arith.addi %mul3A_2, %mul3A_699 : i32
      %dma_wait3A_701 = arith.constant 0 : i32
      %dma_wait3A_702 = arith.constant 0 : i32
      %dma_wait3A_703 = tpu.memref_slice %arg2[%dma_wait3A_701, %add3A_700, %dma_wait3A_702] : memref<4x8192x768xf32, #tpu.memory_space<hbm>> -> memref<1x16x768xf32, #tpu.memory_space<hbm>>
      %dma_wait3A_704 = tpu.memref_squeeze %dma_wait3A_703 : memref<1x16x768xf32, #tpu.memory_space<hbm>> -> memref<16x768xf32, #tpu.memory_space<hbm>>
      %dma_wait3A_705 = arith.constant 0 : i32
      %dma_wait3A_706 = tpu.memref_slice %arg2[%dma_wait3A_701, %add3A_700, %dma_wait3A_705] : memref<4x8192x768xf32, #tpu.memory_space<hbm>> -> memref<1x16x768xf32, #tpu.memory_space<hbm>>
      %dma_wait3A_707 = tpu.memref_squeeze %dma_wait3A_706 : memref<1x16x768xf32, #tpu.memory_space<hbm>> -> memref<16x768xf32, #tpu.memory_space<hbm>>
      tpu.wait_dma2 semaphore(%arg15 : memref<!tpu.dma_semaphore, #tpu.memory_space<semaphore_mem>>) src(%dma_wait3A_707 : memref<16x768xf32, #tpu.memory_space<hbm>>) dst(%arg5 : memref<16x768xf32, #tpu.memory_space<vmem>>)
      %add3A_708 = arith.constant 1 : i32
      %add3A_709 = arith.addi %add3A_681, %add3A_708 : i32
      %sub3A = arith.constant 1 : i32
      %sub3A_710 = arith.subi %add3A_681, %sub3A : i32
      %mul3A_711 = arith.constant 16 : i32
      %mul3A_712 = arith.muli %sub3A_710, %mul3A_711 : i32
      %add3A_713 = arith.addi %mul3A_2, %mul3A_712 : i32
      %dma_wait3A_714 = arith.constant 0 : i32
      %dma_wait3A_715 = arith.constant 0 : i32
      %dma_wait3A_716 = tpu.memref_slice %arg4[%dma_wait3A_714, %add3A_713, %dma_wait3A_715] : memref<4x8192x768xf32, #tpu.memory_space<hbm>> -> memref<1x16x768xf32, #tpu.memory_space<hbm>>
      %dma_wait3A_717 = tpu.memref_squeeze %dma_wait3A_716 : memref<1x16x768xf32, #tpu.memory_space<hbm>> -> memref<16x768xf32, #tpu.memory_space<hbm>>
      %dma_wait3A_718 = arith.constant 0 : i32
      %dma_wait3A_719 = tpu.memref_slice %arg4[%dma_wait3A_714, %add3A_713, %dma_wait3A_718] : memref<4x8192x768xf32, #tpu.memory_space<hbm>> -> memref<1x16x768xf32, #tpu.memory_space<hbm>>
      %dma_wait3A_720 = tpu.memref_squeeze %dma_wait3A_719 : memref<1x16x768xf32, #tpu.memory_space<hbm>> -> memref<16x768xf32, #tpu.memory_space<hbm>>
      tpu.wait_dma2 semaphore(%arg27 : memref<!tpu.dma_semaphore, #tpu.memory_space<semaphore_mem>>) src(%arg9 : memref<16x768xf32, #tpu.memory_space<vmem>>) dst(%dma_wait3A_720 : memref<16x768xf32, #tpu.memory_space<hbm>>)
      %mul3A_721 = arith.constant 16 : i32
      %mul3A_722 = arith.muli %add3A_709, %mul3A_721 : i32
      %add3A_723 = arith.addi %mul3A_2, %mul3A_722 : i32
      %dma_start3A_724 = arith.constant 0 : i32
      %dma_start3A_725 = arith.constant 0 : i32
      %dma_start3A_726 = tpu.memref_slice %arg2[%dma_start3A_724, %add3A_723, %dma_start3A_725] : memref<4x8192x768xf32, #tpu.memory_space<hbm>> -> memref<1x16x768xf32, #tpu.memory_space<hbm>>
      %dma_start3A_727 = tpu.memref_squeeze %dma_start3A_726 : memref<1x16x768xf32, #tpu.memory_space<hbm>> -> memref<16x768xf32, #tpu.memory_space<hbm>>
      %dma_start3A_728 = arith.constant 0 : i32
      %dma_start3A_729 = tpu.memref_slice %arg2[%dma_start3A_724, %add3A_723, %dma_start3A_728] : memref<4x8192x768xf32, #tpu.memory_space<hbm>> -> memref<1x16x768xf32, #tpu.memory_space<hbm>>
      %dma_start3A_730 = tpu.memref_squeeze %dma_start3A_729 : memref<1x16x768xf32, #tpu.memory_space<hbm>> -> memref<16x768xf32, #tpu.memory_space<hbm>>
      tpu.enqueue_dma source(%dma_start3A_730 : memref<16x768xf32, #tpu.memory_space<hbm>>) target(%arg9 : memref<16x768xf32, #tpu.memory_space<vmem>>) target_semaphore(%arg19 : memref<!tpu.dma_semaphore, #tpu.memory_space<semaphore_mem>>)
      %parallel_loop3A_731 = arith.constant 0 : i32
      %parallel_loop3A_732 = arith.constant 16 : i32
      %parallel_loop3A_733 = arith.constant 1 : i32
      scf.for %parallel_loop3A_1105 = %parallel_loop3A_731 to %parallel_loop3A_732 step %parallel_loop3A_733  : i32 {
        %parallel_loop3A_1106 = arith.constant 0 : i32
        %parallel_loop3A_1107 = arith.constant 768 : i32
        %parallel_loop3A_1108 = arith.constant 16 : i32
        scf.for %parallel_loop3A_1109 = %parallel_loop3A_1106 to %parallel_loop3A_1107 step %parallel_loop3A_1108  : i32 {
          %parallel_loop3A_1110 = arith.index_cast %parallel_loop3A_1105 : i32 to index
          %parallel_loop3A_1111 = arith.index_cast %parallel_loop3A_1109 : i32 to index
          %parallel_loop3A_1112 = tpu.vector_load %arg13[%parallel_loop3A_1110, %parallel_loop3A_1111] {strides = array<i32>} : memref<16x768xf32, #tpu.memory_space<vmem>>, vector<1x16xf32>,
          %parallel_loop3A_1113 = vector.shape_cast %parallel_loop3A_1112 : vector<1x16xf32> to vector<16xf32>
          %parallel_loop3A_1114 = arith.index_cast %parallel_loop3A_1105 : i32 to index
          %parallel_loop3A_1115 = arith.index_cast %parallel_loop3A_1109 : i32 to index
          %parallel_loop3A_1116 = tpu.vector_load %arg5[%parallel_loop3A_1114, %parallel_loop3A_1115] {strides = array<i32>} : memref<16x768xf32, #tpu.memory_space<vmem>>, vector<1x16xf32>,
          %parallel_loop3A_1117 = vector.shape_cast %parallel_loop3A_1116 : vector<1x16xf32> to vector<16xf32>
          %parallel_loop3A_1118 = vector.shape_cast %parallel_loop3A_1113 : vector<16xf32> to vector<1x16xf32>
          tpu.vector_store %arg5[%parallel_loop3A_1114, %parallel_loop3A_1115], %parallel_loop3A_1118 {add = true, strides = array<i32>} : memref<16x768xf32, #tpu.memory_space<vmem>>, vector<1x16xf32>,
        } {sc.loop_unroll_factor = 6 : i64, sc.parallel_access}
      } {sc.loop_unroll_factor = 1 : i64, sc.parallel_access}
      %mul3A_734 = arith.constant 16 : i32
      %mul3A_735 = arith.muli %add3A_681, %mul3A_734 : i32
      %add3A_736 = arith.addi %mul3A_2, %mul3A_735 : i32
      %dma_start3A_737 = arith.constant 0 : i32
      %dma_start3A_738 = arith.constant 0 : i32
      %dma_start3A_739 = tpu.memref_slice %arg4[%dma_start3A_737, %add3A_736, %dma_start3A_738] : memref<4x8192x768xf32, #tpu.memory_space<hbm>> -> memref<1x16x768xf32, #tpu.memory_space<hbm>>
      %dma_start3A_740 = tpu.memref_squeeze %dma_start3A_739 : memref<1x16x768xf32, #tpu.memory_space<hbm>> -> memref<16x768xf32, #tpu.memory_space<hbm>>
      %dma_start3A_741 = arith.constant 0 : i32
      %dma_start3A_742 = tpu.memref_slice %arg4[%dma_start3A_737, %add3A_736, %dma_start3A_741] : memref<4x8192x768xf32, #tpu.memory_space<hbm>> -> memref<1x16x768xf32, #tpu.memory_space<hbm>>
      %dma_start3A_743 = tpu.memref_squeeze %dma_start3A_742 : memref<1x16x768xf32, #tpu.memory_space<hbm>> -> memref<16x768xf32, #tpu.memory_space<hbm>>
      tpu.enqueue_dma source(%arg5 : memref<16x768xf32, #tpu.memory_space<vmem>>) target(%dma_start3A_743 : memref<16x768xf32, #tpu.memory_space<hbm>>) target_semaphore(%arg23 : memref<!tpu.dma_semaphore, #tpu.memory_space<semaphore_mem>>)
      %add3A_744 = arith.constant 0 : i32
      %add3A_745 = arith.addi %mul3A_679, %add3A_744 : i32
      %mul3A_746 = arith.constant 16 : i32
      %mul3A_747 = arith.muli %add3A_745, %mul3A_746 : i32
      %add3A_748 = arith.addi %mul3A_2, %mul3A_747 : i32
      %dma_wait3A_749 = arith.constant 1 : i32
      %dma_wait3A_750 = arith.constant 0 : i32
      %dma_wait3A_751 = tpu.memref_slice %arg2[%dma_wait3A_749, %add3A_748, %dma_wait3A_750] : memref<4x8192x768xf32, #tpu.memory_space<hbm>> -> memref<1x16x768xf32, #tpu.memory_space<hbm>>
      %dma_wait3A_752 = tpu.memref_squeeze %dma_wait3A_751 : memref<1x16x768xf32, #tpu.memory_space<hbm>> -> memref<16x768xf32, #tpu.memory_space<hbm>>
      %dma_wait3A_753 = arith.constant 0 : i32
      %dma_wait3A_754 = tpu.memref_slice %arg2[%dma_wait3A_749, %add3A_748, %dma_wait3A_753] : memref<4x8192x768xf32, #tpu.memory_space<hbm>> -> memref<1x16x768xf32, #tpu.memory_space<hbm>>
      %dma_wait3A_755 = tpu.memref_squeeze %dma_wait3A_754 : memref<1x16x768xf32, #tpu.memory_space<hbm>> -> memref<16x768xf32, #tpu.memory_space<hbm>>
      tpu.wait_dma2 semaphore(%arg16 : memref<!tpu.dma_semaphore, #tpu.memory_space<semaphore_mem>>) src(%dma_wait3A_755 : memref<16x768xf32, #tpu.memory_space<hbm>>) dst(%arg6 : memref<16x768xf32, #tpu.memory_space<vmem>>)
      %add3A_756 = arith.constant 1 : i32
      %add3A_757 = arith.addi %add3A_745, %add3A_756 : i32
      %sub3A_758 = arith.constant 1 : i32
      %sub3A_759 = arith.subi %add3A_745, %sub3A_758 : i32
      %mul3A_760 = arith.constant 16 : i32
      %mul3A_761 = arith.muli %sub3A_759, %mul3A_760 : i32
      %add3A_762 = arith.addi %mul3A_2, %mul3A_761 : i32
      %dma_wait3A_763 = arith.constant 1 : i32
      %dma_wait3A_764 = arith.constant 0 : i32
      %dma_wait3A_765 = tpu.memref_slice %arg4[%dma_wait3A_763, %add3A_762, %dma_wait3A_764] : memref<4x8192x768xf32, #tpu.memory_space<hbm>> -> memref<1x16x768xf32, #tpu.memory_space<hbm>>
      %dma_wait3A_766 = tpu.memref_squeeze %dma_wait3A_765 : memref<1x16x768xf32, #tpu.memory_space<hbm>> -> memref<16x768xf32, #tpu.memory_space<hbm>>
      %dma_wait3A_767 = arith.constant 0 : i32
      %dma_wait3A_768 = tpu.memref_slice %arg4[%dma_wait3A_763, %add3A_762, %dma_wait3A_767] : memref<4x8192x768xf32, #tpu.memory_space<hbm>> -> memref<1x16x768xf32, #tpu.memory_space<hbm>>
      %dma_wait3A_769 = tpu.memref_squeeze %dma_wait3A_768 : memref<1x16x768xf32, #tpu.memory_space<hbm>> -> memref<16x768xf32, #tpu.memory_space<hbm>>
      tpu.wait_dma2 semaphore(%arg28 : memref<!tpu.dma_semaphore, #tpu.memory_space<semaphore_mem>>) src(%arg10 : memref<16x768xf32, #tpu.memory_space<vmem>>) dst(%dma_wait3A_769 : memref<16x768xf32, #tpu.memory_space<hbm>>)
      %mul3A_770 = arith.constant 16 : i32
      %mul3A_771 = arith.muli %add3A_757, %mul3A_770 : i32
      %add3A_772 = arith.addi %mul3A_2, %mul3A_771 : i32
      %dma_start3A_773 = arith.constant 1 : i32
      %dma_start3A_774 = arith.constant 0 : i32
      %dma_start3A_775 = tpu.memref_slice %arg2[%dma_start3A_773, %add3A_772, %dma_start3A_774] : memref<4x8192x768xf32, #tpu.memory_space<hbm>> -> memref<1x16x768xf32, #tpu.memory_space<hbm>>
      %dma_start3A_776 = tpu.memref_squeeze %dma_start3A_775 : memref<1x16x768xf32, #tpu.memory_space<hbm>> -> memref<16x768xf32, #tpu.memory_space<hbm>>
      %dma_start3A_777 = arith.constant 0 : i32
      %dma_start3A_778 = tpu.memref_slice %arg2[%dma_start3A_773, %add3A_772, %dma_start3A_777] : memref<4x8192x768xf32, #tpu.memory_space<hbm>> -> memref<1x16x768xf32, #tpu.memory_space<hbm>>
      %dma_start3A_779 = tpu.memref_squeeze %dma_start3A_778 : memref<1x16x768xf32, #tpu.memory_space<hbm>> -> memref<16x768xf32, #tpu.memory_space<hbm>>
      tpu.enqueue_dma source(%dma_start3A_779 : memref<16x768xf32, #tpu.memory_space<hbm>>) target(%arg10 : memref<16x768xf32, #tpu.memory_space<vmem>>) target_semaphore(%arg20 : memref<!tpu.dma_semaphore, #tpu.memory_space<semaphore_mem>>)
      %parallel_loop3A_780 = arith.constant 0 : i32
      %parallel_loop3A_781 = arith.constant 16 : i32
      %parallel_loop3A_782 = arith.constant 1 : i32
      scf.for %parallel_loop3A_1105 = %parallel_loop3A_780 to %parallel_loop3A_781 step %parallel_loop3A_782  : i32 {
        %parallel_loop3A_1106 = arith.constant 0 : i32
        %parallel_loop3A_1107 = arith.constant 768 : i32
        %parallel_loop3A_1108 = arith.constant 16 : i32
        scf.for %parallel_loop3A_1109 = %parallel_loop3A_1106 to %parallel_loop3A_1107 step %parallel_loop3A_1108  : i32 {
          %parallel_loop3A_1110 = arith.index_cast %parallel_loop3A_1105 : i32 to index
          %parallel_loop3A_1111 = arith.index_cast %parallel_loop3A_1109 : i32 to index
          %parallel_loop3A_1112 = tpu.vector_load %arg13[%parallel_loop3A_1110, %parallel_loop3A_1111] {strides = array<i32>} : memref<16x768xf32, #tpu.memory_space<vmem>>, vector<1x16xf32>,
          %parallel_loop3A_1113 = vector.shape_cast %parallel_loop3A_1112 : vector<1x16xf32> to vector<16xf32>
          %parallel_loop3A_1114 = arith.index_cast %parallel_loop3A_1105 : i32 to index
          %parallel_loop3A_1115 = arith.index_cast %parallel_loop3A_1109 : i32 to index
          %parallel_loop3A_1116 = tpu.vector_load %arg6[%parallel_loop3A_1114, %parallel_loop3A_1115] {strides = array<i32>} : memref<16x768xf32, #tpu.memory_space<vmem>>, vector<1x16xf32>,
          %parallel_loop3A_1117 = vector.shape_cast %parallel_loop3A_1116 : vector<1x16xf32> to vector<16xf32>
          %parallel_loop3A_1118 = vector.shape_cast %parallel_loop3A_1113 : vector<16xf32> to vector<1x16xf32>
          tpu.vector_store %arg6[%parallel_loop3A_1114, %parallel_loop3A_1115], %parallel_loop3A_1118 {add = true, strides = array<i32>} : memref<16x768xf32, #tpu.memory_space<vmem>>, vector<1x16xf32>,
        } {sc.loop_unroll_factor = 6 : i64, sc.parallel_access}
      } {sc.loop_unroll_factor = 1 : i64, sc.parallel_access}
      %mul3A_783 = arith.constant 16 : i32
      %mul3A_784 = arith.muli %add3A_745, %mul3A_783 : i32
      %add3A_785 = arith.addi %mul3A_2, %mul3A_784 : i32
      %dma_start3A_786 = arith.constant 1 : i32
      %dma_start3A_787 = arith.constant 0 : i32
      %dma_start3A_788 = tpu.memref_slice %arg4[%dma_start3A_786, %add3A_785, %dma_start3A_787] : memref<4x8192x768xf32, #tpu.memory_space<hbm>> -> memref<1x16x768xf32, #tpu.memory_space<hbm>>
      %dma_start3A_789 = tpu.memref_squeeze %dma_start3A_788 : memref<1x16x768xf32, #tpu.memory_space<hbm>> -> memref<16x768xf32, #tpu.memory_space<hbm>>
      %dma_start3A_790 = arith.constant 0 : i32
      %dma_start3A_791 = tpu.memref_slice %arg4[%dma_start3A_786, %add3A_785, %dma_start3A_790] : memref<4x8192x768xf32, #tpu.memory_space<hbm>> -> memref<1x16x768xf32, #tpu.memory_space<hbm>>
      %dma_start3A_792 = tpu.memref_squeeze %dma_start3A_791 : memref<1x16x768xf32, #tpu.memory_space<hbm>> -> memref<16x768xf32, #tpu.memory_space<hbm>>
      tpu.enqueue_dma source(%arg6 : memref<16x768xf32, #tpu.memory_space<vmem>>) target(%dma_start3A_792 : memref<16x768xf32, #tpu.memory_space<hbm>>) target_semaphore(%arg24 : memref<!tpu.dma_semaphore, #tpu.memory_space<semaphore_mem>>)
      %add3A_793 = arith.constant 0 : i32
      %add3A_794 = arith.addi %mul3A_679, %add3A_793 : i32
      %mul3A_795 = arith.constant 16 : i32
      %mul3A_796 = arith.muli %add3A_794, %mul3A_795 : i32
      %add3A_797 = arith.addi %mul3A_2, %mul3A_796 : i32
      %dma_wait3A_798 = arith.constant 2 : i32
      %dma_wait3A_799 = arith.constant 0 : i32
      %dma_wait3A_800 = tpu.memref_slice %arg2[%dma_wait3A_798, %add3A_797, %dma_wait3A_799] : memref<4x8192x768xf32, #tpu.memory_space<hbm>> -> memref<1x16x768xf32, #tpu.memory_space<hbm>>
      %dma_wait3A_801 = tpu.memref_squeeze %dma_wait3A_800 : memref<1x16x768xf32, #tpu.memory_space<hbm>> -> memref<16x768xf32, #tpu.memory_space<hbm>>
      %dma_wait3A_802 = arith.constant 0 : i32
      %dma_wait3A_803 = tpu.memref_slice %arg2[%dma_wait3A_798, %add3A_797, %dma_wait3A_802] : memref<4x8192x768xf32, #tpu.memory_space<hbm>> -> memref<1x16x768xf32, #tpu.memory_space<hbm>>
      %dma_wait3A_804 = tpu.memref_squeeze %dma_wait3A_803 : memref<1x16x768xf32, #tpu.memory_space<hbm>> -> memref<16x768xf32, #tpu.memory_space<hbm>>
      tpu.wait_dma2 semaphore(%arg17 : memref<!tpu.dma_semaphore, #tpu.memory_space<semaphore_mem>>) src(%dma_wait3A_804 : memref<16x768xf32, #tpu.memory_space<hbm>>) dst(%arg7 : memref<16x768xf32, #tpu.memory_space<vmem>>)
      %add3A_805 = arith.constant 1 : i32
      %add3A_806 = arith.addi %add3A_794, %add3A_805 : i32
      %sub3A_807 = arith.constant 1 : i32
      %sub3A_808 = arith.subi %add3A_794, %sub3A_807 : i32
      %mul3A_809 = arith.constant 16 : i32
      %mul3A_810 = arith.muli %sub3A_808, %mul3A_809 : i32
      %add3A_811 = arith.addi %mul3A_2, %mul3A_810 : i32
      %dma_wait3A_812 = arith.constant 2 : i32
      %dma_wait3A_813 = arith.constant 0 : i32
      %dma_wait3A_814 = tpu.memref_slice %arg4[%dma_wait3A_812, %add3A_811, %dma_wait3A_813] : memref<4x8192x768xf32, #tpu.memory_space<hbm>> -> memref<1x16x768xf32, #tpu.memory_space<hbm>>
      %dma_wait3A_815 = tpu.memref_squeeze %dma_wait3A_814 : memref<1x16x768xf32, #tpu.memory_space<hbm>> -> memref<16x768xf32, #tpu.memory_space<hbm>>
      %dma_wait3A_816 = arith.constant 0 : i32
      %dma_wait3A_817 = tpu.memref_slice %arg4[%dma_wait3A_812, %add3A_811, %dma_wait3A_816] : memref<4x8192x768xf32, #tpu.memory_space<hbm>> -> memref<1x16x768xf32, #tpu.memory_space<hbm>>
      %dma_wait3A_818 = tpu.memref_squeeze %dma_wait3A_817 : memref<1x16x768xf32, #tpu.memory_space<hbm>> -> memref<16x768xf32, #tpu.memory_space<hbm>>
      tpu.wait_dma2 semaphore(%arg29 : memref<!tpu.dma_semaphore, #tpu.memory_space<semaphore_mem>>) src(%arg11 : memref<16x768xf32, #tpu.memory_space<vmem>>) dst(%dma_wait3A_818 : memref<16x768xf32, #tpu.memory_space<hbm>>)
      %mul3A_819 = arith.constant 16 : i32
      %mul3A_820 = arith.muli %add3A_806, %mul3A_819 : i32
      %add3A_821 = arith.addi %mul3A_2, %mul3A_820 : i32
      %dma_start3A_822 = arith.constant 2 : i32
      %dma_start3A_823 = arith.constant 0 : i32
      %dma_start3A_824 = tpu.memref_slice %arg2[%dma_start3A_822, %add3A_821, %dma_start3A_823] : memref<4x8192x768xf32, #tpu.memory_space<hbm>> -> memref<1x16x768xf32, #tpu.memory_space<hbm>>
      %dma_start3A_825 = tpu.memref_squeeze %dma_start3A_824 : memref<1x16x768xf32, #tpu.memory_space<hbm>> -> memref<16x768xf32, #tpu.memory_space<hbm>>
      %dma_start3A_826 = arith.constant 0 : i32
      %dma_start3A_827 = tpu.memref_slice %arg2[%dma_start3A_822, %add3A_821, %dma_start3A_826] : memref<4x8192x768xf32, #tpu.memory_space<hbm>> -> memref<1x16x768xf32, #tpu.memory_space<hbm>>
      %dma_start3A_828 = tpu.memref_squeeze %dma_start3A_827 : memref<1x16x768xf32, #tpu.memory_space<hbm>> -> memref<16x768xf32, #tpu.memory_space<hbm>>
      tpu.enqueue_dma source(%dma_start3A_828 : memref<16x768xf32, #tpu.memory_space<hbm>>) target(%arg11 : memref<16x768xf32, #tpu.memory_space<vmem>>) target_semaphore(%arg21 : memref<!tpu.dma_semaphore, #tpu.memory_space<semaphore_mem>>)
      %parallel_loop3A_829 = arith.constant 0 : i32
      %parallel_loop3A_830 = arith.constant 16 : i32
      %parallel_loop3A_831 = arith.constant 1 : i32
      scf.for %parallel_loop3A_1105 = %parallel_loop3A_829 to %parallel_loop3A_830 step %parallel_loop3A_831  : i32 {
        %parallel_loop3A_1106 = arith.constant 0 : i32
        %parallel_loop3A_1107 = arith.constant 768 : i32
        %parallel_loop3A_1108 = arith.constant 16 : i32
        scf.for %parallel_loop3A_1109 = %parallel_loop3A_1106 to %parallel_loop3A_1107 step %parallel_loop3A_1108  : i32 {
          %parallel_loop3A_1110 = arith.index_cast %parallel_loop3A_1105 : i32 to index
          %parallel_loop3A_1111 = arith.index_cast %parallel_loop3A_1109 : i32 to index
          %parallel_loop3A_1112 = tpu.vector_load %arg13[%parallel_loop3A_1110, %parallel_loop3A_1111] {strides = array<i32>} : memref<16x768xf32, #tpu.memory_space<vmem>>, vector<1x16xf32>,
          %parallel_loop3A_1113 = vector.shape_cast %parallel_loop3A_1112 : vector<1x16xf32> to vector<16xf32>
          %parallel_loop3A_1114 = arith.index_cast %parallel_loop3A_1105 : i32 to index
          %parallel_loop3A_1115 = arith.index_cast %parallel_loop3A_1109 : i32 to index
          %parallel_loop3A_1116 = tpu.vector_load %arg7[%parallel_loop3A_1114, %parallel_loop3A_1115] {strides = array<i32>} : memref<16x768xf32, #tpu.memory_space<vmem>>, vector<1x16xf32>,
          %parallel_loop3A_1117 = vector.shape_cast %parallel_loop3A_1116 : vector<1x16xf32> to vector<16xf32>
          %parallel_loop3A_1118 = vector.shape_cast %parallel_loop3A_1113 : vector<16xf32> to vector<1x16xf32>
          tpu.vector_store %arg7[%parallel_loop3A_1114, %parallel_loop3A_1115], %parallel_loop3A_1118 {add = true, strides = array<i32>} : memref<16x768xf32, #tpu.memory_space<vmem>>, vector<1x16xf32>,
        } {sc.loop_unroll_factor = 6 : i64, sc.parallel_access}
      } {sc.loop_unroll_factor = 1 : i64, sc.parallel_access}
      %mul3A_832 = arith.constant 16 : i32
      %mul3A_833 = arith.muli %add3A_794, %mul3A_832 : i32
      %add3A_834 = arith.addi %mul3A_2, %mul3A_833 : i32
      %dma_start3A_835 = arith.constant 2 : i32
      %dma_start3A_836 = arith.constant 0 : i32
      %dma_start3A_837 = tpu.memref_slice %arg4[%dma_start3A_835, %add3A_834, %dma_start3A_836] : memref<4x8192x768xf32, #tpu.memory_space<hbm>> -> memref<1x16x768xf32, #tpu.memory_space<hbm>>
      %dma_start3A_838 = tpu.memref_squeeze %dma_start3A_837 : memref<1x16x768xf32, #tpu.memory_space<hbm>> -> memref<16x768xf32, #tpu.memory_space<hbm>>
      %dma_start3A_839 = arith.constant 0 : i32
      %dma_start3A_840 = tpu.memref_slice %arg4[%dma_start3A_835, %add3A_834, %dma_start3A_839] : memref<4x8192x768xf32, #tpu.memory_space<hbm>> -> memref<1x16x768xf32, #tpu.memory_space<hbm>>
      %dma_start3A_841 = tpu.memref_squeeze %dma_start3A_840 : memref<1x16x768xf32, #tpu.memory_space<hbm>> -> memref<16x768xf32, #tpu.memory_space<hbm>>
      tpu.enqueue_dma source(%arg7 : memref<16x768xf32, #tpu.memory_space<vmem>>) target(%dma_start3A_841 : memref<16x768xf32, #tpu.memory_space<hbm>>) target_semaphore(%arg25 : memref<!tpu.dma_semaphore, #tpu.memory_space<semaphore_mem>>)
      %add3A_842 = arith.constant 0 : i32
      %add3A_843 = arith.addi %mul3A_679, %add3A_842 : i32
      %mul3A_844 = arith.constant 16 : i32
      %mul3A_845 = arith.muli %add3A_843, %mul3A_844 : i32
      %add3A_846 = arith.addi %mul3A_2, %mul3A_845 : i32
      %dma_wait3A_847 = arith.constant 3 : i32
      %dma_wait3A_848 = arith.constant 0 : i32
      %dma_wait3A_849 = tpu.memref_slice %arg2[%dma_wait3A_847, %add3A_846, %dma_wait3A_848] : memref<4x8192x768xf32, #tpu.memory_space<hbm>> -> memref<1x16x768xf32, #tpu.memory_space<hbm>>
      %dma_wait3A_850 = tpu.memref_squeeze %dma_wait3A_849 : memref<1x16x768xf32, #tpu.memory_space<hbm>> -> memref<16x768xf32, #tpu.memory_space<hbm>>
      %dma_wait3A_851 = arith.constant 0 : i32
      %dma_wait3A_852 = tpu.memref_slice %arg2[%dma_wait3A_847, %add3A_846, %dma_wait3A_851] : memref<4x8192x768xf32, #tpu.memory_space<hbm>> -> memref<1x16x768xf32, #tpu.memory_space<hbm>>
      %dma_wait3A_853 = tpu.memref_squeeze %dma_wait3A_852 : memref<1x16x768xf32, #tpu.memory_space<hbm>> -> memref<16x768xf32, #tpu.memory_space<hbm>>
      tpu.wait_dma2 semaphore(%arg18 : memref<!tpu.dma_semaphore, #tpu.memory_space<semaphore_mem>>) src(%dma_wait3A_853 : memref<16x768xf32, #tpu.memory_space<hbm>>) dst(%arg8 : memref<16x768xf32, #tpu.memory_space<vmem>>)
      %add3A_854 = arith.constant 1 : i32
      %add3A_855 = arith.addi %add3A_843, %add3A_854 : i32
      %sub3A_856 = arith.constant 1 : i32
      %sub3A_857 = arith.subi %add3A_843, %sub3A_856 : i32
      %mul3A_858 = arith.constant 16 : i32
      %mul3A_859 = arith.muli %sub3A_857, %mul3A_858 : i32
      %add3A_860 = arith.addi %mul3A_2, %mul3A_859 : i32
      %dma_wait3A_861 = arith.constant 3 : i32
      %dma_wait3A_862 = arith.constant 0 : i32
      %dma_wait3A_863 = tpu.memref_slice %arg4[%dma_wait3A_861, %add3A_860, %dma_wait3A_862] : memref<4x8192x768xf32, #tpu.memory_space<hbm>> -> memref<1x16x768xf32, #tpu.memory_space<hbm>>
      %dma_wait3A_864 = tpu.memref_squeeze %dma_wait3A_863 : memref<1x16x768xf32, #tpu.memory_space<hbm>> -> memref<16x768xf32, #tpu.memory_space<hbm>>
      %dma_wait3A_865 = arith.constant 0 : i32
      %dma_wait3A_866 = tpu.memref_slice %arg4[%dma_wait3A_861, %add3A_860, %dma_wait3A_865] : memref<4x8192x768xf32, #tpu.memory_space<hbm>> -> memref<1x16x768xf32, #tpu.memory_space<hbm>>
      %dma_wait3A_867 = tpu.memref_squeeze %dma_wait3A_866 : memref<1x16x768xf32, #tpu.memory_space<hbm>> -> memref<16x768xf32, #tpu.memory_space<hbm>>
      tpu.wait_dma2 semaphore(%arg30 : memref<!tpu.dma_semaphore, #tpu.memory_space<semaphore_mem>>) src(%arg12 : memref<16x768xf32, #tpu.memory_space<vmem>>) dst(%dma_wait3A_867 : memref<16x768xf32, #tpu.memory_space<hbm>>)
      %mul3A_868 = arith.constant 16 : i32
      %mul3A_869 = arith.muli %add3A_855, %mul3A_868 : i32
      %add3A_870 = arith.addi %mul3A_2, %mul3A_869 : i32
      %dma_start3A_871 = arith.constant 3 : i32
      %dma_start3A_872 = arith.constant 0 : i32
      %dma_start3A_873 = tpu.memref_slice %arg2[%dma_start3A_871, %add3A_870, %dma_start3A_872] : memref<4x8192x768xf32, #tpu.memory_space<hbm>> -> memref<1x16x768xf32, #tpu.memory_space<hbm>>
      %dma_start3A_874 = tpu.memref_squeeze %dma_start3A_873 : memref<1x16x768xf32, #tpu.memory_space<hbm>> -> memref<16x768xf32, #tpu.memory_space<hbm>>
      %dma_start3A_875 = arith.constant 0 : i32
      %dma_start3A_876 = tpu.memref_slice %arg2[%dma_start3A_871, %add3A_870, %dma_start3A_875] : memref<4x8192x768xf32, #tpu.memory_space<hbm>> -> memref<1x16x768xf32, #tpu.memory_space<hbm>>
      %dma_start3A_877 = tpu.memref_squeeze %dma_start3A_876 : memref<1x16x768xf32, #tpu.memory_space<hbm>> -> memref<16x768xf32, #tpu.memory_space<hbm>>
      tpu.enqueue_dma source(%dma_start3A_877 : memref<16x768xf32, #tpu.memory_space<hbm>>) target(%arg12 : memref<16x768xf32, #tpu.memory_space<vmem>>) target_semaphore(%arg22 : memref<!tpu.dma_semaphore, #tpu.memory_space<semaphore_mem>>)
      %parallel_loop3A_878 = arith.constant 0 : i32
      %parallel_loop3A_879 = arith.constant 16 : i32
      %parallel_loop3A_880 = arith.constant 1 : i32
      scf.for %parallel_loop3A_1105 = %parallel_loop3A_878 to %parallel_loop3A_879 step %parallel_loop3A_880  : i32 {
        %parallel_loop3A_1106 = arith.constant 0 : i32
        %parallel_loop3A_1107 = arith.constant 768 : i32
        %parallel_loop3A_1108 = arith.constant 16 : i32
        scf.for %parallel_loop3A_1109 = %parallel_loop3A_1106 to %parallel_loop3A_1107 step %parallel_loop3A_1108  : i32 {
          %parallel_loop3A_1110 = arith.index_cast %parallel_loop3A_1105 : i32 to index
          %parallel_loop3A_1111 = arith.index_cast %parallel_loop3A_1109 : i32 to index
          %parallel_loop3A_1112 = tpu.vector_load %arg13[%parallel_loop3A_1110, %parallel_loop3A_1111] {strides = array<i32>} : memref<16x768xf32, #tpu.memory_space<vmem>>, vector<1x16xf32>,
          %parallel_loop3A_1113 = vector.shape_cast %parallel_loop3A_1112 : vector<1x16xf32> to vector<16xf32>
          %parallel_loop3A_1114 = arith.index_cast %parallel_loop3A_1105 : i32 to index
          %parallel_loop3A_1115 = arith.index_cast %parallel_loop3A_1109 : i32 to index
          %parallel_loop3A_1116 = tpu.vector_load %arg8[%parallel_loop3A_1114, %parallel_loop3A_1115] {strides = array<i32>} : memref<16x768xf32, #tpu.memory_space<vmem>>, vector<1x16xf32>,
          %parallel_loop3A_1117 = vector.shape_cast %parallel_loop3A_1116 : vector<1x16xf32> to vector<16xf32>
          %parallel_loop3A_1118 = vector.shape_cast %parallel_loop3A_1113 : vector<16xf32> to vector<1x16xf32>
          tpu.vector_store %arg8[%parallel_loop3A_1114, %parallel_loop3A_1115], %parallel_loop3A_1118 {add = true, strides = array<i32>} : memref<16x768xf32, #tpu.memory_space<vmem>>, vector<1x16xf32>,
        } {sc.loop_unroll_factor = 6 : i64, sc.parallel_access}
      } {sc.loop_unroll_factor = 1 : i64, sc.parallel_access}
      %mul3A_881 = arith.constant 16 : i32
      %mul3A_882 = arith.muli %add3A_843, %mul3A_881 : i32
      %add3A_883 = arith.addi %mul3A_2, %mul3A_882 : i32
      %dma_start3A_884 = arith.constant 3 : i32
      %dma_start3A_885 = arith.constant 0 : i32
      %dma_start3A_886 = tpu.memref_slice %arg4[%dma_start3A_884, %add3A_883, %dma_start3A_885] : memref<4x8192x768xf32, #tpu.memory_space<hbm>> -> memref<1x16x768xf32, #tpu.memory_space<hbm>>
      %dma_start3A_887 = tpu.memref_squeeze %dma_start3A_886 : memref<1x16x768xf32, #tpu.memory_space<hbm>> -> memref<16x768xf32, #tpu.memory_space<hbm>>
      %dma_start3A_888 = arith.constant 0 : i32
      %dma_start3A_889 = tpu.memref_slice %arg4[%dma_start3A_884, %add3A_883, %dma_start3A_888] : memref<4x8192x768xf32, #tpu.memory_space<hbm>> -> memref<1x16x768xf32, #tpu.memory_space<hbm>>
      %dma_start3A_890 = tpu.memref_squeeze %dma_start3A_889 : memref<1x16x768xf32, #tpu.memory_space<hbm>> -> memref<16x768xf32, #tpu.memory_space<hbm>>
      tpu.enqueue_dma source(%arg8 : memref<16x768xf32, #tpu.memory_space<vmem>>) target(%dma_start3A_890 : memref<16x768xf32, #tpu.memory_space<hbm>>) target_semaphore(%arg26 : memref<!tpu.dma_semaphore, #tpu.memory_space<semaphore_mem>>)
      %add3A_891 = arith.constant 1 : i32
      %add3A_892 = arith.addi %mul3A_679, %add3A_891 : i32
      %add3A_893 = arith.constant 1 : i32
      %add3A_894 = arith.addi %mul3A_679, %add3A_893 : i32
      %mul3A_895 = arith.constant 16 : i32
      %mul3A_896 = arith.muli %add3A_894, %mul3A_895 : i32
      %add3A_897 = arith.addi %mul3A_2, %mul3A_896 : i32
      %dma_wait3A_898 = arith.constant 0 : i32
      %dma_wait3A_899 = tpu.memref_slice %arg3[%add3A_897, %dma_wait3A_898] : memref<8192x768xf32, #tpu.memory_space<hbm>> -> memref<16x768xf32, #tpu.memory_space<hbm>>
      %dma_wait3A_900 = arith.constant 0 : i32
      %dma_wait3A_901 = tpu.memref_slice %arg3[%add3A_897, %dma_wait3A_900] : memref<8192x768xf32, #tpu.memory_space<hbm>> -> memref<16x768xf32, #tpu.memory_space<hbm>>
      tpu.wait_dma2 semaphore(%arg32 : memref<!tpu.dma_semaphore, #tpu.memory_space<semaphore_mem>>) src(%dma_wait3A_901 : memref<16x768xf32, #tpu.memory_space<hbm>>) dst(%arg14 : memref<16x768xf32, #tpu.memory_space<vmem>>)
      %add3A_902 = arith.constant 2 : i32
      %add3A_903 = arith.addi %mul3A_679, %add3A_902 : i32
      %mul3A_904 = arith.constant 16 : i32
      %mul3A_905 = arith.muli %add3A_903, %mul3A_904 : i32
      %add3A_906 = arith.addi %mul3A_2, %mul3A_905 : i32
      %dma_start3A_907 = arith.constant 0 : i32
      %dma_start3A_908 = tpu.memref_slice %arg3[%add3A_906, %dma_start3A_907] : memref<8192x768xf32, #tpu.memory_space<hbm>> -> memref<16x768xf32, #tpu.memory_space<hbm>>
      %dma_start3A_909 = arith.constant 0 : i32
      %dma_start3A_910 = tpu.memref_slice %arg3[%add3A_906, %dma_start3A_909] : memref<8192x768xf32, #tpu.memory_space<hbm>> -> memref<16x768xf32, #tpu.memory_space<hbm>>
      tpu.enqueue_dma source(%dma_start3A_910 : memref<16x768xf32, #tpu.memory_space<hbm>>) target(%arg13 : memref<16x768xf32, #tpu.memory_space<vmem>>) target_semaphore(%arg31 : memref<!tpu.dma_semaphore, #tpu.memory_space<semaphore_mem>>)
      %mul3A_911 = arith.constant 16 : i32
      %mul3A_912 = arith.muli %add3A_892, %mul3A_911 : i32
      %add3A_913 = arith.addi %mul3A_2, %mul3A_912 : i32
      %dma_wait3A_914 = arith.constant 0 : i32
      %dma_wait3A_915 = arith.constant 0 : i32
      %dma_wait3A_916 = tpu.memref_slice %arg2[%dma_wait3A_914, %add3A_913, %dma_wait3A_915] : memref<4x8192x768xf32, #tpu.memory_space<hbm>> -> memref<1x16x768xf32, #tpu.memory_space<hbm>>
      %dma_wait3A_917 = tpu.memref_squeeze %dma_wait3A_916 : memref<1x16x768xf32, #tpu.memory_space<hbm>> -> memref<16x768xf32, #tpu.memory_space<hbm>>
      %dma_wait3A_918 = arith.constant 0 : i32
      %dma_wait3A_919 = tpu.memref_slice %arg2[%dma_wait3A_914, %add3A_913, %dma_wait3A_918] : memref<4x8192x768xf32, #tpu.memory_space<hbm>> -> memref<1x16x768xf32, #tpu.memory_space<hbm>>
      %dma_wait3A_920 = tpu.memref_squeeze %dma_wait3A_919 : memref<1x16x768xf32, #tpu.memory_space<hbm>> -> memref<16x768xf32, #tpu.memory_space<hbm>>
      tpu.wait_dma2 semaphore(%arg19 : memref<!tpu.dma_semaphore, #tpu.memory_space<semaphore_mem>>) src(%dma_wait3A_920 : memref<16x768xf32, #tpu.memory_space<hbm>>) dst(%arg9 : memref<16x768xf32, #tpu.memory_space<vmem>>)
      %add3A_921 = arith.constant 1 : i32
      %add3A_922 = arith.addi %add3A_892, %add3A_921 : i32
      %sub3A_923 = arith.constant 1 : i32
      %sub3A_924 = arith.subi %add3A_892, %sub3A_923 : i32
      %mul3A_925 = arith.constant 16 : i32
      %mul3A_926 = arith.muli %sub3A_924, %mul3A_925 : i32
      %add3A_927 = arith.addi %mul3A_2, %mul3A_926 : i32
      %dma_wait3A_928 = arith.constant 0 : i32
      %dma_wait3A_929 = arith.constant 0 : i32
      %dma_wait3A_930 = tpu.memref_slice %arg4[%dma_wait3A_928, %add3A_927, %dma_wait3A_929] : memref<4x8192x768xf32, #tpu.memory_space<hbm>> -> memref<1x16x768xf32, #tpu.memory_space<hbm>>
      %dma_wait3A_931 = tpu.memref_squeeze %dma_wait3A_930 : memref<1x16x768xf32, #tpu.memory_space<hbm>> -> memref<16x768xf32, #tpu.memory_space<hbm>>
      %dma_wait3A_932 = arith.constant 0 : i32
      %dma_wait3A_933 = tpu.memref_slice %arg4[%dma_wait3A_928, %add3A_927, %dma_wait3A_932] : memref<4x8192x768xf32, #tpu.memory_space<hbm>> -> memref<1x16x768xf32, #tpu.memory_space<hbm>>
      %dma_wait3A_934 = tpu.memref_squeeze %dma_wait3A_933 : memref<1x16x768xf32, #tpu.memory_space<hbm>> -> memref<16x768xf32, #tpu.memory_space<hbm>>
      tpu.wait_dma2 semaphore(%arg23 : memref<!tpu.dma_semaphore, #tpu.memory_space<semaphore_mem>>) src(%arg5 : memref<16x768xf32, #tpu.memory_space<vmem>>) dst(%dma_wait3A_934 : memref<16x768xf32, #tpu.memory_space<hbm>>)
      %mul3A_935 = arith.constant 16 : i32
      %mul3A_936 = arith.muli %add3A_922, %mul3A_935 : i32
      %add3A_937 = arith.addi %mul3A_2, %mul3A_936 : i32
      %dma_start3A_938 = arith.constant 0 : i32
      %dma_start3A_939 = arith.constant 0 : i32
      %dma_start3A_940 = tpu.memref_slice %arg2[%dma_start3A_938, %add3A_937, %dma_start3A_939] : memref<4x8192x768xf32, #tpu.memory_space<hbm>> -> memref<1x16x768xf32, #tpu.memory_space<hbm>>
      %dma_start3A_941 = tpu.memref_squeeze %dma_start3A_940 : memref<1x16x768xf32, #tpu.memory_space<hbm>> -> memref<16x768xf32, #tpu.memory_space<hbm>>
      %dma_start3A_942 = arith.constant 0 : i32
      %dma_start3A_943 = tpu.memref_slice %arg2[%dma_start3A_938, %add3A_937, %dma_start3A_942] : memref<4x8192x768xf32, #tpu.memory_space<hbm>> -> memref<1x16x768xf32, #tpu.memory_space<hbm>>
      %dma_start3A_944 = tpu.memref_squeeze %dma_start3A_943 : memref<1x16x768xf32, #tpu.memory_space<hbm>> -> memref<16x768xf32, #tpu.memory_space<hbm>>
      tpu.enqueue_dma source(%dma_start3A_944 : memref<16x768xf32, #tpu.memory_space<hbm>>) target(%arg5 : memref<16x768xf32, #tpu.memory_space<vmem>>) target_semaphore(%arg15 : memref<!tpu.dma_semaphore, #tpu.memory_space<semaphore_mem>>)
      %parallel_loop3A_945 = arith.constant 0 : i32
      %parallel_loop3A_946 = arith.constant 16 : i32
      %parallel_loop3A_947 = arith.constant 1 : i32
      scf.for %parallel_loop3A_1105 = %parallel_loop3A_945 to %parallel_loop3A_946 step %parallel_loop3A_947  : i32 {
        %parallel_loop3A_1106 = arith.constant 0 : i32
        %parallel_loop3A_1107 = arith.constant 768 : i32
        %parallel_loop3A_1108 = arith.constant 16 : i32
        scf.for %parallel_loop3A_1109 = %parallel_loop3A_1106 to %parallel_loop3A_1107 step %parallel_loop3A_1108  : i32 {
          %parallel_loop3A_1110 = arith.index_cast %parallel_loop3A_1105 : i32 to index
          %parallel_loop3A_1111 = arith.index_cast %parallel_loop3A_1109 : i32 to index
          %parallel_loop3A_1112 = tpu.vector_load %arg14[%parallel_loop3A_1110, %parallel_loop3A_1111] {strides = array<i32>} : memref<16x768xf32, #tpu.memory_space<vmem>>, vector<1x16xf32>,
          %parallel_loop3A_1113 = vector.shape_cast %parallel_loop3A_1112 : vector<1x16xf32> to vector<16xf32>
          %parallel_loop3A_1114 = arith.index_cast %parallel_loop3A_1105 : i32 to index
          %parallel_loop3A_1115 = arith.index_cast %parallel_loop3A_1109 : i32 to index
          %parallel_loop3A_1116 = tpu.vector_load %arg9[%parallel_loop3A_1114, %parallel_loop3A_1115] {strides = array<i32>} : memref<16x768xf32, #tpu.memory_space<vmem>>, vector<1x16xf32>,
          %parallel_loop3A_1117 = vector.shape_cast %parallel_loop3A_1116 : vector<1x16xf32> to vector<16xf32>
          %parallel_loop3A_1118 = vector.shape_cast %parallel_loop3A_1113 : vector<16xf32> to vector<1x16xf32>
          tpu.vector_store %arg9[%parallel_loop3A_1114, %parallel_loop3A_1115], %parallel_loop3A_1118 {add = true, strides = array<i32>} : memref<16x768xf32, #tpu.memory_space<vmem>>, vector<1x16xf32>,
        } {sc.loop_unroll_factor = 6 : i64, sc.parallel_access}
      } {sc.loop_unroll_factor = 1 : i64, sc.parallel_access}
      %mul3A_948 = arith.constant 16 : i32
      %mul3A_949 = arith.muli %add3A_892, %mul3A_948 : i32
      %add3A_950 = arith.addi %mul3A_2, %mul3A_949 : i32
      %dma_start3A_951 = arith.constant 0 : i32
      %dma_start3A_952 = arith.constant 0 : i32
      %dma_start3A_953 = tpu.memref_slice %arg4[%dma_start3A_951, %add3A_950, %dma_start3A_952] : memref<4x8192x768xf32, #tpu.memory_space<hbm>> -> memref<1x16x768xf32, #tpu.memory_space<hbm>>
      %dma_start3A_954 = tpu.memref_squeeze %dma_start3A_953 : memref<1x16x768xf32, #tpu.memory_space<hbm>> -> memref<16x768xf32, #tpu.memory_space<hbm>>
      %dma_start3A_955 = arith.constant 0 : i32
      %dma_start3A_956 = tpu.memref_slice %arg4[%dma_start3A_951, %add3A_950, %dma_start3A_955] : memref<4x8192x768xf32, #tpu.memory_space<hbm>> -> memref<1x16x768xf32, #tpu.memory_space<hbm>>
      %dma_start3A_957 = tpu.memref_squeeze %dma_start3A_956 : memref<1x16x768xf32, #tpu.memory_space<hbm>> -> memref<16x768xf32, #tpu.memory_space<hbm>>
      tpu.enqueue_dma source(%arg9 : memref<16x768xf32, #tpu.memory_space<vmem>>) target(%dma_start3A_957 : memref<16x768xf32, #tpu.memory_space<hbm>>) target_semaphore(%arg27 : memref<!tpu.dma_semaphore, #tpu.memory_space<semaphore_mem>>)
      %add3A_958 = arith.constant 1 : i32
      %add3A_959 = arith.addi %mul3A_679, %add3A_958 : i32
      %mul3A_960 = arith.constant 16 : i32
      %mul3A_961 = arith.muli %add3A_959, %mul3A_960 : i32
      %add3A_962 = arith.addi %mul3A_2, %mul3A_961 : i32
      %dma_wait3A_963 = arith.constant 1 : i32
      %dma_wait3A_964 = arith.constant 0 : i32
      %dma_wait3A_965 = tpu.memref_slice %arg2[%dma_wait3A_963, %add3A_962, %dma_wait3A_964] : memref<4x8192x768xf32, #tpu.memory_space<hbm>> -> memref<1x16x768xf32, #tpu.memory_space<hbm>>
      %dma_wait3A_966 = tpu.memref_squeeze %dma_wait3A_965 : memref<1x16x768xf32, #tpu.memory_space<hbm>> -> memref<16x768xf32, #tpu.memory_space<hbm>>
      %dma_wait3A_967 = arith.constant 0 : i32
      %dma_wait3A_968 = tpu.memref_slice %arg2[%dma_wait3A_963, %add3A_962, %dma_wait3A_967] : memref<4x8192x768xf32, #tpu.memory_space<hbm>> -> memref<1x16x768xf32, #tpu.memory_space<hbm>>
      %dma_wait3A_969 = tpu.memref_squeeze %dma_wait3A_968 : memref<1x16x768xf32, #tpu.memory_space<hbm>> -> memref<16x768xf32, #tpu.memory_space<hbm>>
      tpu.wait_dma2 semaphore(%arg20 : memref<!tpu.dma_semaphore, #tpu.memory_space<semaphore_mem>>) src(%dma_wait3A_969 : memref<16x768xf32, #tpu.memory_space<hbm>>) dst(%arg10 : memref<16x768xf32, #tpu.memory_space<vmem>>)
      %add3A_970 = arith.constant 1 : i32
      %add3A_971 = arith.addi %add3A_959, %add3A_970 : i32
      %sub3A_972 = arith.constant 1 : i32
      %sub3A_973 = arith.subi %add3A_959, %sub3A_972 : i32
      %mul3A_974 = arith.constant 16 : i32
      %mul3A_975 = arith.muli %sub3A_973, %mul3A_974 : i32
      %add3A_976 = arith.addi %mul3A_2, %mul3A_975 : i32
      %dma_wait3A_977 = arith.constant 1 : i32
      %dma_wait3A_978 = arith.constant 0 : i32
      %dma_wait3A_979 = tpu.memref_slice %arg4[%dma_wait3A_977, %add3A_976, %dma_wait3A_978] : memref<4x8192x768xf32, #tpu.memory_space<hbm>> -> memref<1x16x768xf32, #tpu.memory_space<hbm>>
      %dma_wait3A_980 = tpu.memref_squeeze %dma_wait3A_979 : memref<1x16x768xf32, #tpu.memory_space<hbm>> -> memref<16x768xf32, #tpu.memory_space<hbm>>
      %dma_wait3A_981 = arith.constant 0 : i32
      %dma_wait3A_982 = tpu.memref_slice %arg4[%dma_wait3A_977, %add3A_976, %dma_wait3A_981] : memref<4x8192x768xf32, #tpu.memory_space<hbm>> -> memref<1x16x768xf32, #tpu.memory_space<hbm>>
      %dma_wait3A_983 = tpu.memref_squeeze %dma_wait3A_982 : memref<1x16x768xf32, #tpu.memory_space<hbm>> -> memref<16x768xf32, #tpu.memory_space<hbm>>
      tpu.wait_dma2 semaphore(%arg24 : memref<!tpu.dma_semaphore, #tpu.memory_space<semaphore_mem>>) src(%arg6 : memref<16x768xf32, #tpu.memory_space<vmem>>) dst(%dma_wait3A_983 : memref<16x768xf32, #tpu.memory_space<hbm>>)
      %mul3A_984 = arith.constant 16 : i32
      %mul3A_985 = arith.muli %add3A_971, %mul3A_984 : i32
      %add3A_986 = arith.addi %mul3A_2, %mul3A_985 : i32
      %dma_start3A_987 = arith.constant 1 : i32
      %dma_start3A_988 = arith.constant 0 : i32
      %dma_start3A_989 = tpu.memref_slice %arg2[%dma_start3A_987, %add3A_986, %dma_start3A_988] : memref<4x8192x768xf32, #tpu.memory_space<hbm>> -> memref<1x16x768xf32, #tpu.memory_space<hbm>>
      %dma_start3A_990 = tpu.memref_squeeze %dma_start3A_989 : memref<1x16x768xf32, #tpu.memory_space<hbm>> -> memref<16x768xf32, #tpu.memory_space<hbm>>
      %dma_start3A_991 = arith.constant 0 : i32
      %dma_start3A_992 = tpu.memref_slice %arg2[%dma_start3A_987, %add3A_986, %dma_start3A_991] : memref<4x8192x768xf32, #tpu.memory_space<hbm>> -> memref<1x16x768xf32, #tpu.memory_space<hbm>>
      %dma_start3A_993 = tpu.memref_squeeze %dma_start3A_992 : memref<1x16x768xf32, #tpu.memory_space<hbm>> -> memref<16x768xf32, #tpu.memory_space<hbm>>
      tpu.enqueue_dma source(%dma_start3A_993 : memref<16x768xf32, #tpu.memory_space<hbm>>) target(%arg6 : memref<16x768xf32, #tpu.memory_space<vmem>>) target_semaphore(%arg16 : memref<!tpu.dma_semaphore, #tpu.memory_space<semaphore_mem>>)
      %parallel_loop3A_994 = arith.constant 0 : i32
      %parallel_loop3A_995 = arith.constant 16 : i32
      %parallel_loop3A_996 = arith.constant 1 : i32
      scf.for %parallel_loop3A_1105 = %parallel_loop3A_994 to %parallel_loop3A_995 step %parallel_loop3A_996  : i32 {
        %parallel_loop3A_1106 = arith.constant 0 : i32
        %parallel_loop3A_1107 = arith.constant 768 : i32
        %parallel_loop3A_1108 = arith.constant 16 : i32
        scf.for %parallel_loop3A_1109 = %parallel_loop3A_1106 to %parallel_loop3A_1107 step %parallel_loop3A_1108  : i32 {
          %parallel_loop3A_1110 = arith.index_cast %parallel_loop3A_1105 : i32 to index
          %parallel_loop3A_1111 = arith.index_cast %parallel_loop3A_1109 : i32 to index
          %parallel_loop3A_1112 = tpu.vector_load %arg14[%parallel_loop3A_1110, %parallel_loop3A_1111] {strides = array<i32>} : memref<16x768xf32, #tpu.memory_space<vmem>>, vector<1x16xf32>,
          %parallel_loop3A_1113 = vector.shape_cast %parallel_loop3A_1112 : vector<1x16xf32> to vector<16xf32>
          %parallel_loop3A_1114 = arith.index_cast %parallel_loop3A_1105 : i32 to index
          %parallel_loop3A_1115 = arith.index_cast %parallel_loop3A_1109 : i32 to index
          %parallel_loop3A_1116 = tpu.vector_load %arg10[%parallel_loop3A_1114, %parallel_loop3A_1115] {strides = array<i32>} : memref<16x768xf32, #tpu.memory_space<vmem>>, vector<1x16xf32>,
          %parallel_loop3A_1117 = vector.shape_cast %parallel_loop3A_1116 : vector<1x16xf32> to vector<16xf32>
          %parallel_loop3A_1118 = vector.shape_cast %parallel_loop3A_1113 : vector<16xf32> to vector<1x16xf32>
          tpu.vector_store %arg10[%parallel_loop3A_1114, %parallel_loop3A_1115], %parallel_loop3A_1118 {add = true, strides = array<i32>} : memref<16x768xf32, #tpu.memory_space<vmem>>, vector<1x16xf32>,
        } {sc.loop_unroll_factor = 6 : i64, sc.parallel_access}
      } {sc.loop_unroll_factor = 1 : i64, sc.parallel_access}
      %mul3A_997 = arith.constant 16 : i32
      %mul3A_998 = arith.muli %add3A_959, %mul3A_997 : i32
      %add3A_999 = arith.addi %mul3A_2, %mul3A_998 : i32
      %dma_start3A_1000 = arith.constant 1 : i32
      %dma_start3A_1001 = arith.constant 0 : i32
      %dma_start3A_1002 = tpu.memref_slice %arg4[%dma_start3A_1000, %add3A_999, %dma_start3A_1001] : memref<4x8192x768xf32, #tpu.memory_space<hbm>> -> memref<1x16x768xf32, #tpu.memory_space<hbm>>
      %dma_start3A_1003 = tpu.memref_squeeze %dma_start3A_1002 : memref<1x16x768xf32, #tpu.memory_space<hbm>> -> memref<16x768xf32, #tpu.memory_space<hbm>>
      %dma_start3A_1004 = arith.constant 0 : i32
      %dma_start3A_1005 = tpu.memref_slice %arg4[%dma_start3A_1000, %add3A_999, %dma_start3A_1004] : memref<4x8192x768xf32, #tpu.memory_space<hbm>> -> memref<1x16x768xf32, #tpu.memory_space<hbm>>
      %dma_start3A_1006 = tpu.memref_squeeze %dma_start3A_1005 : memref<1x16x768xf32, #tpu.memory_space<hbm>> -> memref<16x768xf32, #tpu.memory_space<hbm>>
      tpu.enqueue_dma source(%arg10 : memref<16x768xf32, #tpu.memory_space<vmem>>) target(%dma_start3A_1006 : memref<16x768xf32, #tpu.memory_space<hbm>>) target_semaphore(%arg28 : memref<!tpu.dma_semaphore, #tpu.memory_space<semaphore_mem>>)
      %add3A_1007 = arith.constant 1 : i32
      %add3A_1008 = arith.addi %mul3A_679, %add3A_1007 : i32
      %mul3A_1009 = arith.constant 16 : i32
      %mul3A_1010 = arith.muli %add3A_1008, %mul3A_1009 : i32
      %add3A_1011 = arith.addi %mul3A_2, %mul3A_1010 : i32
      %dma_wait3A_1012 = arith.constant 2 : i32
      %dma_wait3A_1013 = arith.constant 0 : i32
      %dma_wait3A_1014 = tpu.memref_slice %arg2[%dma_wait3A_1012, %add3A_1011, %dma_wait3A_1013] : memref<4x8192x768xf32, #tpu.memory_space<hbm>> -> memref<1x16x768xf32, #tpu.memory_space<hbm>>
      %dma_wait3A_1015 = tpu.memref_squeeze %dma_wait3A_1014 : memref<1x16x768xf32, #tpu.memory_space<hbm>> -> memref<16x768xf32, #tpu.memory_space<hbm>>
      %dma_wait3A_1016 = arith.constant 0 : i32
      %dma_wait3A_1017 = tpu.memref_slice %arg2[%dma_wait3A_1012, %add3A_1011, %dma_wait3A_1016] : memref<4x8192x768xf32, #tpu.memory_space<hbm>> -> memref<1x16x768xf32, #tpu.memory_space<hbm>>
      %dma_wait3A_1018 = tpu.memref_squeeze %dma_wait3A_1017 : memref<1x16x768xf32, #tpu.memory_space<hbm>> -> memref<16x768xf32, #tpu.memory_space<hbm>>
      tpu.wait_dma2 semaphore(%arg21 : memref<!tpu.dma_semaphore, #tpu.memory_space<semaphore_mem>>) src(%dma_wait3A_1018 : memref<16x768xf32, #tpu.memory_space<hbm>>) dst(%arg11 : memref<16x768xf32, #tpu.memory_space<vmem>>)
      %add3A_1019 = arith.constant 1 : i32
      %add3A_1020 = arith.addi %add3A_1008, %add3A_1019 : i32
      %sub3A_1021 = arith.constant 1 : i32
      %sub3A_1022 = arith.subi %add3A_1008, %sub3A_1021 : i32
      %mul3A_1023 = arith.constant 16 : i32
      %mul3A_1024 = arith.muli %sub3A_1022, %mul3A_1023 : i32
      %add3A_1025 = arith.addi %mul3A_2, %mul3A_1024 : i32
      %dma_wait3A_1026 = arith.constant 2 : i32
      %dma_wait3A_1027 = arith.constant 0 : i32
      %dma_wait3A_1028 = tpu.memref_slice %arg4[%dma_wait3A_1026, %add3A_1025, %dma_wait3A_1027] : memref<4x8192x768xf32, #tpu.memory_space<hbm>> -> memref<1x16x768xf32, #tpu.memory_space<hbm>>
      %dma_wait3A_1029 = tpu.memref_squeeze %dma_wait3A_1028 : memref<1x16x768xf32, #tpu.memory_space<hbm>> -> memref<16x768xf32, #tpu.memory_space<hbm>>
      %dma_wait3A_1030 = arith.constant 0 : i32
      %dma_wait3A_1031 = tpu.memref_slice %arg4[%dma_wait3A_1026, %add3A_1025, %dma_wait3A_1030] : memref<4x8192x768xf32, #tpu.memory_space<hbm>> -> memref<1x16x768xf32, #tpu.memory_space<hbm>>
      %dma_wait3A_1032 = tpu.memref_squeeze %dma_wait3A_1031 : memref<1x16x768xf32, #tpu.memory_space<hbm>> -> memref<16x768xf32, #tpu.memory_space<hbm>>
      tpu.wait_dma2 semaphore(%arg25 : memref<!tpu.dma_semaphore, #tpu.memory_space<semaphore_mem>>) src(%arg7 : memref<16x768xf32, #tpu.memory_space<vmem>>) dst(%dma_wait3A_1032 : memref<16x768xf32, #tpu.memory_space<hbm>>)
      %mul3A_1033 = arith.constant 16 : i32
      %mul3A_1034 = arith.muli %add3A_1020, %mul3A_1033 : i32
      %add3A_1035 = arith.addi %mul3A_2, %mul3A_1034 : i32
      %dma_start3A_1036 = arith.constant 2 : i32
      %dma_start3A_1037 = arith.constant 0 : i32
      %dma_start3A_1038 = tpu.memref_slice %arg2[%dma_start3A_1036, %add3A_1035, %dma_start3A_1037] : memref<4x8192x768xf32, #tpu.memory_space<hbm>> -> memref<1x16x768xf32, #tpu.memory_space<hbm>>
      %dma_start3A_1039 = tpu.memref_squeeze %dma_start3A_1038 : memref<1x16x768xf32, #tpu.memory_space<hbm>> -> memref<16x768xf32, #tpu.memory_space<hbm>>
      %dma_start3A_1040 = arith.constant 0 : i32
      %dma_start3A_1041 = tpu.memref_slice %arg2[%dma_start3A_1036, %add3A_1035, %dma_start3A_1040] : memref<4x8192x768xf32, #tpu.memory_space<hbm>> -> memref<1x16x768xf32, #tpu.memory_space<hbm>>
      %dma_start3A_1042 = tpu.memref_squeeze %dma_start3A_1041 : memref<1x16x768xf32, #tpu.memory_space<hbm>> -> memref<16x768xf32, #tpu.memory_space<hbm>>
      tpu.enqueue_dma source(%dma_start3A_1042 : memref<16x768xf32, #tpu.memory_space<hbm>>) target(%arg7 : memref<16x768xf32, #tpu.memory_space<vmem>>) target_semaphore(%arg17 : memref<!tpu.dma_semaphore, #tpu.memory_space<semaphore_mem>>)
      %parallel_loop3A_1043 = arith.constant 0 : i32
      %parallel_loop3A_1044 = arith.constant 16 : i32
      %parallel_loop3A_1045 = arith.constant 1 : i32
      scf.for %parallel_loop3A_1105 = %parallel_loop3A_1043 to %parallel_loop3A_1044 step %parallel_loop3A_1045  : i32 {
        %parallel_loop3A_1106 = arith.constant 0 : i32
        %parallel_loop3A_1107 = arith.constant 768 : i32
        %parallel_loop3A_1108 = arith.constant 16 : i32
        scf.for %parallel_loop3A_1109 = %parallel_loop3A_1106 to %parallel_loop3A_1107 step %parallel_loop3A_1108  : i32 {
          %parallel_loop3A_1110 = arith.index_cast %parallel_loop3A_1105 : i32 to index
          %parallel_loop3A_1111 = arith.index_cast %parallel_loop3A_1109 : i32 to index
          %parallel_loop3A_1112 = tpu.vector_load %arg14[%parallel_loop3A_1110, %parallel_loop3A_1111] {strides = array<i32>} : memref<16x768xf32, #tpu.memory_space<vmem>>, vector<1x16xf32>,
          %parallel_loop3A_1113 = vector.shape_cast %parallel_loop3A_1112 : vector<1x16xf32> to vector<16xf32>
          %parallel_loop3A_1114 = arith.index_cast %parallel_loop3A_1105 : i32 to index
          %parallel_loop3A_1115 = arith.index_cast %parallel_loop3A_1109 : i32 to index
          %parallel_loop3A_1116 = tpu.vector_load %arg11[%parallel_loop3A_1114, %parallel_loop3A_1115] {strides = array<i32>} : memref<16x768xf32, #tpu.memory_space<vmem>>, vector<1x16xf32>,
          %parallel_loop3A_1117 = vector.shape_cast %parallel_loop3A_1116 : vector<1x16xf32> to vector<16xf32>
          %parallel_loop3A_1118 = vector.shape_cast %parallel_loop3A_1113 : vector<16xf32> to vector<1x16xf32>
          tpu.vector_store %arg11[%parallel_loop3A_1114, %parallel_loop3A_1115], %parallel_loop3A_1118 {add = true, strides = array<i32>} : memref<16x768xf32, #tpu.memory_space<vmem>>, vector<1x16xf32>,
        } {sc.loop_unroll_factor = 6 : i64, sc.parallel_access}
      } {sc.loop_unroll_factor = 1 : i64, sc.parallel_access}
      %mul3A_1046 = arith.constant 16 : i32
      %mul3A_1047 = arith.muli %add3A_1008, %mul3A_1046 : i32
      %add3A_1048 = arith.addi %mul3A_2, %mul3A_1047 : i32
      %dma_start3A_1049 = arith.constant 2 : i32
      %dma_start3A_1050 = arith.constant 0 : i32
      %dma_start3A_1051 = tpu.memref_slice %arg4[%dma_start3A_1049, %add3A_1048, %dma_start3A_1050] : memref<4x8192x768xf32, #tpu.memory_space<hbm>> -> memref<1x16x768xf32, #tpu.memory_space<hbm>>
      %dma_start3A_1052 = tpu.memref_squeeze %dma_start3A_1051 : memref<1x16x768xf32, #tpu.memory_space<hbm>> -> memref<16x768xf32, #tpu.memory_space<hbm>>
      %dma_start3A_1053 = arith.constant 0 : i32
      %dma_start3A_1054 = tpu.memref_slice %arg4[%dma_start3A_1049, %add3A_1048, %dma_start3A_1053] : memref<4x8192x768xf32, #tpu.memory_space<hbm>> -> memref<1x16x768xf32, #tpu.memory_space<hbm>>
      %dma_start3A_1055 = tpu.memref_squeeze %dma_start3A_1054 : memref<1x16x768xf32, #tpu.memory_space<hbm>> -> memref<16x768xf32, #tpu.memory_space<hbm>>
      tpu.enqueue_dma source(%arg11 : memref<16x768xf32, #tpu.memory_space<vmem>>) target(%dma_start3A_1055 : memref<16x768xf32, #tpu.memory_space<hbm>>) target_semaphore(%arg29 : memref<!tpu.dma_semaphore, #tpu.memory_space<semaphore_mem>>)
      %add3A_1056 = arith.constant 1 : i32
      %add3A_1057 = arith.addi %mul3A_679, %add3A_1056 : i32
      %mul3A_1058 = arith.constant 16 : i32
      %mul3A_1059 = arith.muli %add3A_1057, %mul3A_1058 : i32
      %add3A_1060 = arith.addi %mul3A_2, %mul3A_1059 : i32
      %dma_wait3A_1061 = arith.constant 3 : i32
      %dma_wait3A_1062 = arith.constant 0 : i32
      %dma_wait3A_1063 = tpu.memref_slice %arg2[%dma_wait3A_1061, %add3A_1060, %dma_wait3A_1062] : memref<4x8192x768xf32, #tpu.memory_space<hbm>> -> memref<1x16x768xf32, #tpu.memory_space<hbm>>
      %dma_wait3A_1064 = tpu.memref_squeeze %dma_wait3A_1063 : memref<1x16x768xf32, #tpu.memory_space<hbm>> -> memref<16x768xf32, #tpu.memory_space<hbm>>
      %dma_wait3A_1065 = arith.constant 0 : i32
      %dma_wait3A_1066 = tpu.memref_slice %arg2[%dma_wait3A_1061, %add3A_1060, %dma_wait3A_1065] : memref<4x8192x768xf32, #tpu.memory_space<hbm>> -> memref<1x16x768xf32, #tpu.memory_space<hbm>>
      %dma_wait3A_1067 = tpu.memref_squeeze %dma_wait3A_1066 : memref<1x16x768xf32, #tpu.memory_space<hbm>> -> memref<16x768xf32, #tpu.memory_space<hbm>>
      tpu.wait_dma2 semaphore(%arg22 : memref<!tpu.dma_semaphore, #tpu.memory_space<semaphore_mem>>) src(%dma_wait3A_1067 : memref<16x768xf32, #tpu.memory_space<hbm>>) dst(%arg12 : memref<16x768xf32, #tpu.memory_space<vmem>>)
      %add3A_1068 = arith.constant 1 : i32
      %add3A_1069 = arith.addi %add3A_1057, %add3A_1068 : i32
      %sub3A_1070 = arith.constant 1 : i32
      %sub3A_1071 = arith.subi %add3A_1057, %sub3A_1070 : i32
      %mul3A_1072 = arith.constant 16 : i32
      %mul3A_1073 = arith.muli %sub3A_1071, %mul3A_1072 : i32
      %add3A_1074 = arith.addi %mul3A_2, %mul3A_1073 : i32
      %dma_wait3A_1075 = arith.constant 3 : i32
      %dma_wait3A_1076 = arith.constant 0 : i32
      %dma_wait3A_1077 = tpu.memref_slice %arg4[%dma_wait3A_1075, %add3A_1074, %dma_wait3A_1076] : memref<4x8192x768xf32, #tpu.memory_space<hbm>> -> memref<1x16x768xf32, #tpu.memory_space<hbm>>
      %dma_wait3A_1078 = tpu.memref_squeeze %dma_wait3A_1077 : memref<1x16x768xf32, #tpu.memory_space<hbm>> -> memref<16x768xf32, #tpu.memory_space<hbm>>
      %dma_wait3A_1079 = arith.constant 0 : i32
      %dma_wait3A_1080 = tpu.memref_slice %arg4[%dma_wait3A_1075, %add3A_1074, %dma_wait3A_1079] : memref<4x8192x768xf32, #tpu.memory_space<hbm>> -> memref<1x16x768xf32, #tpu.memory_space<hbm>>
      %dma_wait3A_1081 = tpu.memref_squeeze %dma_wait3A_1080 : memref<1x16x768xf32, #tpu.memory_space<hbm>> -> memref<16x768xf32, #tpu.memory_space<hbm>>
      tpu.wait_dma2 semaphore(%arg26 : memref<!tpu.dma_semaphore, #tpu.memory_space<semaphore_mem>>) src(%arg8 : memref<16x768xf32, #tpu.memory_space<vmem>>) dst(%dma_wait3A_1081 : memref<16x768xf32, #tpu.memory_space<hbm>>)
      %mul3A_1082 = arith.constant 16 : i32
      %mul3A_1083 = arith.muli %add3A_1069, %mul3A_1082 : i32
      %add3A_1084 = arith.addi %mul3A_2, %mul3A_1083 : i32
      %dma_start3A_1085 = arith.constant 3 : i32
      %dma_start3A_1086 = arith.constant 0 : i32
      %dma_start3A_1087 = tpu.memref_slice %arg2[%dma_start3A_1085, %add3A_1084, %dma_start3A_1086] : memref<4x8192x768xf32, #tpu.memory_space<hbm>> -> memref<1x16x768xf32, #tpu.memory_space<hbm>>
      %dma_start3A_1088 = tpu.memref_squeeze %dma_start3A_1087 : memref<1x16x768xf32, #tpu.memory_space<hbm>> -> memref<16x768xf32, #tpu.memory_space<hbm>>
      %dma_start3A_1089 = arith.constant 0 : i32
      %dma_start3A_1090 = tpu.memref_slice %arg2[%dma_start3A_1085, %add3A_1084, %dma_start3A_1089] : memref<4x8192x768xf32, #tpu.memory_space<hbm>> -> memref<1x16x768xf32, #tpu.memory_space<hbm>>
      %dma_start3A_1091 = tpu.memref_squeeze %dma_start3A_1090 : memref<1x16x768xf32, #tpu.memory_space<hbm>> -> memref<16x768xf32, #tpu.memory_space<hbm>>
      tpu.enqueue_dma source(%dma_start3A_1091 : memref<16x768xf32, #tpu.memory_space<hbm>>) target(%arg8 : memref<16x768xf32, #tpu.memory_space<vmem>>) target_semaphore(%arg18 : memref<!tpu.dma_semaphore, #tpu.memory_space<semaphore_mem>>)
      %parallel_loop3A_1092 = arith.constant 0 : i32
      %parallel_loop3A_1093 = arith.constant 16 : i32
      %parallel_loop3A_1094 = arith.constant 1 : i32
      scf.for %parallel_loop3A_1105 = %parallel_loop3A_1092 to %parallel_loop3A_1093 step %parallel_loop3A_1094  : i32 {
        %parallel_loop3A_1106 = arith.constant 0 : i32
        %parallel_loop3A_1107 = arith.constant 768 : i32
        %parallel_loop3A_1108 = arith.constant 16 : i32
        scf.for %parallel_loop3A_1109 = %parallel_loop3A_1106 to %parallel_loop3A_1107 step %parallel_loop3A_1108  : i32 {
          %parallel_loop3A_1110 = arith.index_cast %parallel_loop3A_1105 : i32 to index
          %parallel_loop3A_1111 = arith.index_cast %parallel_loop3A_1109 : i32 to index
          %parallel_loop3A_1112 = tpu.vector_load %arg14[%parallel_loop3A_1110, %parallel_loop3A_1111] {strides = array<i32>} : memref<16x768xf32, #tpu.memory_space<vmem>>, vector<1x16xf32>,
          %parallel_loop3A_1113 = vector.shape_cast %parallel_loop3A_1112 : vector<1x16xf32> to vector<16xf32>
          %parallel_loop3A_1114 = arith.index_cast %parallel_loop3A_1105 : i32 to index
          %parallel_loop3A_1115 = arith.index_cast %parallel_loop3A_1109 : i32 to index
          %parallel_loop3A_1116 = tpu.vector_load %arg12[%parallel_loop3A_1114, %parallel_loop3A_1115] {strides = array<i32>} : memref<16x768xf32, #tpu.memory_space<vmem>>, vector<1x16xf32>,
          %parallel_loop3A_1117 = vector.shape_cast %parallel_loop3A_1116 : vector<1x16xf32> to vector<16xf32>
          %parallel_loop3A_1118 = vector.shape_cast %parallel_loop3A_1113 : vector<16xf32> to vector<1x16xf32>
          tpu.vector_store %arg12[%parallel_loop3A_1114, %parallel_loop3A_1115], %parallel_loop3A_1118 {add = true, strides = array<i32>} : memref<16x768xf32, #tpu.memory_space<vmem>>, vector<1x16xf32>,
        } {sc.loop_unroll_factor = 6 : i64, sc.parallel_access}
      } {sc.loop_unroll_factor = 1 : i64, sc.parallel_access}
      %mul3A_1095 = arith.constant 16 : i32
      %mul3A_1096 = arith.muli %add3A_1057, %mul3A_1095 : i32
      %add3A_1097 = arith.addi %mul3A_2, %mul3A_1096 : i32
      %dma_start3A_1098 = arith.constant 3 : i32
      %dma_start3A_1099 = arith.constant 0 : i32
      %dma_start3A_1100 = tpu.memref_slice %arg4[%dma_start3A_1098, %add3A_1097, %dma_start3A_1099] : memref<4x8192x768xf32, #tpu.memory_space<hbm>> -> memref<1x16x768xf32, #tpu.memory_space<hbm>>
      %dma_start3A_1101 = tpu.memref_squeeze %dma_start3A_1100 : memref<1x16x768xf32, #tpu.memory_space<hbm>> -> memref<16x768xf32, #tpu.memory_space<hbm>>
      %dma_start3A_1102 = arith.constant 0 : i32
      %dma_start3A_1103 = tpu.memref_slice %arg4[%dma_start3A_1098, %add3A_1097, %dma_start3A_1102] : memref<4x8192x768xf32, #tpu.memory_space<hbm>> -> memref<1x16x768xf32, #tpu.memory_space<hbm>>
      %dma_start3A_1104 = tpu.memref_squeeze %dma_start3A_1103 : memref<1x16x768xf32, #tpu.memory_space<hbm>> -> memref<16x768xf32, #tpu.memory_space<hbm>>
      tpu.enqueue_dma source(%arg12 : memref<16x768xf32, #tpu.memory_space<vmem>>) target(%dma_start3A_1104 : memref<16x768xf32, #tpu.memory_space<hbm>>) target_semaphore(%arg30 : memref<!tpu.dma_semaphore, #tpu.memory_space<semaphore_mem>>)
    }
    %scan3A_346 = arith.constant 6 : i32
    %add3A_347 = arith.constant 240 : i32
    %add3A_348 = arith.addi %mul3A_2, %add3A_347 : i32
    %dma_start3A_349 = arith.constant 0 : i32
    %dma_start3A_350 = tpu.memref_slice %arg3[%add3A_348, %dma_start3A_349] : memref<8192x768xf32, #tpu.memory_space<hbm>> -> memref<16x768xf32, #tpu.memory_space<hbm>>
    %dma_start3A_351 = arith.constant 0 : i32
    %dma_start3A_352 = tpu.memref_slice %arg3[%add3A_348, %dma_start3A_351] : memref<8192x768xf32, #tpu.memory_space<hbm>> -> memref<16x768xf32, #tpu.memory_space<hbm>>
    tpu.enqueue_dma source(%dma_start3A_352 : memref<16x768xf32, #tpu.memory_space<hbm>>) target(%arg14 : memref<16x768xf32, #tpu.memory_space<vmem>>) target_semaphore(%arg32 : memref<!tpu.dma_semaphore, #tpu.memory_space<semaphore_mem>>)
    %add3A_353 = arith.constant 224 : i32
    %add3A_354 = arith.addi %mul3A_2, %add3A_353 : i32
    %dma_wait3A_355 = arith.constant 0 : i32
    %dma_wait3A_356 = tpu.memref_slice %arg3[%add3A_354, %dma_wait3A_355] : memref<8192x768xf32, #tpu.memory_space<hbm>> -> memref<16x768xf32, #tpu.memory_space<hbm>>
    %dma_wait3A_357 = arith.constant 0 : i32
    %dma_wait3A_358 = tpu.memref_slice %arg3[%add3A_354, %dma_wait3A_357] : memref<8192x768xf32, #tpu.memory_space<hbm>> -> memref<16x768xf32, #tpu.memory_space<hbm>>
    tpu.wait_dma2 semaphore(%arg31 : memref<!tpu.dma_semaphore, #tpu.memory_space<semaphore_mem>>) src(%dma_wait3A_358 : memref<16x768xf32, #tpu.memory_space<hbm>>) dst(%arg13 : memref<16x768xf32, #tpu.memory_space<vmem>>)
    %add3A_359 = arith.constant 224 : i32
    %add3A_360 = arith.addi %mul3A_2, %add3A_359 : i32
    %dma_wait3A_361 = arith.constant 0 : i32
    %dma_wait3A_362 = arith.constant 0 : i32
    %dma_wait3A_363 = tpu.memref_slice %arg2[%dma_wait3A_361, %add3A_360, %dma_wait3A_362] : memref<4x8192x768xf32, #tpu.memory_space<hbm>> -> memref<1x16x768xf32, #tpu.memory_space<hbm>>
    %dma_wait3A_364 = tpu.memref_squeeze %dma_wait3A_363 : memref<1x16x768xf32, #tpu.memory_space<hbm>> -> memref<16x768xf32, #tpu.memory_space<hbm>>
    %dma_wait3A_365 = arith.constant 0 : i32
    %dma_wait3A_366 = tpu.memref_slice %arg2[%dma_wait3A_361, %add3A_360, %dma_wait3A_365] : memref<4x8192x768xf32, #tpu.memory_space<hbm>> -> memref<1x16x768xf32, #tpu.memory_space<hbm>>
    %dma_wait3A_367 = tpu.memref_squeeze %dma_wait3A_366 : memref<1x16x768xf32, #tpu.memory_space<hbm>> -> memref<16x768xf32, #tpu.memory_space<hbm>>
    tpu.wait_dma2 semaphore(%arg15 : memref<!tpu.dma_semaphore, #tpu.memory_space<semaphore_mem>>) src(%dma_wait3A_367 : memref<16x768xf32, #tpu.memory_space<hbm>>) dst(%arg5 : memref<16x768xf32, #tpu.memory_space<vmem>>)
    %add3A_368 = arith.constant 208 : i32
    %add3A_369 = arith.addi %mul3A_2, %add3A_368 : i32
    %dma_wait3A_370 = arith.constant 0 : i32
    %dma_wait3A_371 = arith.constant 0 : i32
    %dma_wait3A_372 = tpu.memref_slice %arg4[%dma_wait3A_370, %add3A_369, %dma_wait3A_371] : memref<4x8192x768xf32, #tpu.memory_space<hbm>> -> memref<1x16x768xf32, #tpu.memory_space<hbm>>
    %dma_wait3A_373 = tpu.memref_squeeze %dma_wait3A_372 : memref<1x16x768xf32, #tpu.memory_space<hbm>> -> memref<16x768xf32, #tpu.memory_space<hbm>>
    %dma_wait3A_374 = arith.constant 0 : i32
    %dma_wait3A_375 = tpu.memref_slice %arg4[%dma_wait3A_370, %add3A_369, %dma_wait3A_374] : memref<4x8192x768xf32, #tpu.memory_space<hbm>> -> memref<1x16x768xf32, #tpu.memory_space<hbm>>
    %dma_wait3A_376 = tpu.memref_squeeze %dma_wait3A_375 : memref<1x16x768xf32, #tpu.memory_space<hbm>> -> memref<16x768xf32, #tpu.memory_space<hbm>>
    tpu.wait_dma2 semaphore(%arg27 : memref<!tpu.dma_semaphore, #tpu.memory_space<semaphore_mem>>) src(%arg9 : memref<16x768xf32, #tpu.memory_space<vmem>>) dst(%dma_wait3A_376 : memref<16x768xf32, #tpu.memory_space<hbm>>)
    %add3A_377 = arith.constant 240 : i32
    %add3A_378 = arith.addi %mul3A_2, %add3A_377 : i32
    %dma_start3A_379 = arith.constant 0 : i32
    %dma_start3A_380 = arith.constant 0 : i32
    %dma_start3A_381 = tpu.memref_slice %arg2[%dma_start3A_379, %add3A_378, %dma_start3A_380] : memref<4x8192x768xf32, #tpu.memory_space<hbm>> -> memref<1x16x768xf32, #tpu.memory_space<hbm>>
    %dma_start3A_382 = tpu.memref_squeeze %dma_start3A_381 : memref<1x16x768xf32, #tpu.memory_space<hbm>> -> memref<16x768xf32, #tpu.memory_space<hbm>>
    %dma_start3A_383 = arith.constant 0 : i32
    %dma_start3A_384 = tpu.memref_slice %arg2[%dma_start3A_379, %add3A_378, %dma_start3A_383] : memref<4x8192x768xf32, #tpu.memory_space<hbm>> -> memref<1x16x768xf32, #tpu.memory_space<hbm>>
    %dma_start3A_385 = tpu.memref_squeeze %dma_start3A_384 : memref<1x16x768xf32, #tpu.memory_space<hbm>> -> memref<16x768xf32, #tpu.memory_space<hbm>>
    tpu.enqueue_dma source(%dma_start3A_385 : memref<16x768xf32, #tpu.memory_space<hbm>>) target(%arg9 : memref<16x768xf32, #tpu.memory_space<vmem>>) target_semaphore(%arg19 : memref<!tpu.dma_semaphore, #tpu.memory_space<semaphore_mem>>)
    %parallel_loop3A_386 = arith.constant 0 : i32
    %parallel_loop3A_387 = arith.constant 16 : i32
    %parallel_loop3A_388 = arith.constant 1 : i32
    scf.for %parallel_loop3A_677 = %parallel_loop3A_386 to %parallel_loop3A_387 step %parallel_loop3A_388  : i32 {
      %parallel_loop3A_678 = arith.constant 0 : i32
      %parallel_loop3A_679 = arith.constant 768 : i32
      %parallel_loop3A_680 = arith.constant 16 : i32
      scf.for %parallel_loop3A_681 = %parallel_loop3A_678 to %parallel_loop3A_679 step %parallel_loop3A_680  : i32 {
        %parallel_loop3A_682 = arith.index_cast %parallel_loop3A_677 : i32 to index
        %parallel_loop3A_683 = arith.index_cast %parallel_loop3A_681 : i32 to index
        %parallel_loop3A_684 = tpu.vector_load %arg13[%parallel_loop3A_682, %parallel_loop3A_683] {strides = array<i32>} : memref<16x768xf32, #tpu.memory_space<vmem>>, vector<1x16xf32>,
        %parallel_loop3A_685 = vector.shape_cast %parallel_loop3A_684 : vector<1x16xf32> to vector<16xf32>
        %parallel_loop3A_686 = arith.index_cast %parallel_loop3A_677 : i32 to index
        %parallel_loop3A_687 = arith.index_cast %parallel_loop3A_681 : i32 to index
        %parallel_loop3A_688 = tpu.vector_load %arg5[%parallel_loop3A_686, %parallel_loop3A_687] {strides = array<i32>} : memref<16x768xf32, #tpu.memory_space<vmem>>, vector<1x16xf32>,
        %parallel_loop3A_689 = vector.shape_cast %parallel_loop3A_688 : vector<1x16xf32> to vector<16xf32>
        %parallel_loop3A_690 = vector.shape_cast %parallel_loop3A_685 : vector<16xf32> to vector<1x16xf32>
        tpu.vector_store %arg5[%parallel_loop3A_686, %parallel_loop3A_687], %parallel_loop3A_690 {add = true, strides = array<i32>} : memref<16x768xf32, #tpu.memory_space<vmem>>, vector<1x16xf32>,
      } {sc.loop_unroll_factor = 6 : i64, sc.parallel_access}
    } {sc.loop_unroll_factor = 1 : i64, sc.parallel_access}
    %add3A_389 = arith.constant 224 : i32
    %add3A_390 = arith.addi %mul3A_2, %add3A_389 : i32
    %dma_start3A_391 = arith.constant 0 : i32
    %dma_start3A_392 = arith.constant 0 : i32
    %dma_start3A_393 = tpu.memref_slice %arg4[%dma_start3A_391, %add3A_390, %dma_start3A_392] : memref<4x8192x768xf32, #tpu.memory_space<hbm>> -> memref<1x16x768xf32, #tpu.memory_space<hbm>>
    %dma_start3A_394 = tpu.memref_squeeze %dma_start3A_393 : memref<1x16x768xf32, #tpu.memory_space<hbm>> -> memref<16x768xf32, #tpu.memory_space<hbm>>
    %dma_start3A_395 = arith.constant 0 : i32
    %dma_start3A_396 = tpu.memref_slice %arg4[%dma_start3A_391, %add3A_390, %dma_start3A_395] : memref<4x8192x768xf32, #tpu.memory_space<hbm>> -> memref<1x16x768xf32, #tpu.memory_space<hbm>>
    %dma_start3A_397 = tpu.memref_squeeze %dma_start3A_396 : memref<1x16x768xf32, #tpu.memory_space<hbm>> -> memref<16x768xf32, #tpu.memory_space<hbm>>
    tpu.enqueue_dma source(%arg5 : memref<16x768xf32, #tpu.memory_space<vmem>>) target(%dma_start3A_397 : memref<16x768xf32, #tpu.memory_space<hbm>>) target_semaphore(%arg23 : memref<!tpu.dma_semaphore, #tpu.memory_space<semaphore_mem>>)
    %add3A_398 = arith.constant 224 : i32
    %add3A_399 = arith.addi %mul3A_2, %add3A_398 : i32
    %dma_wait3A_400 = arith.constant 1 : i32
    %dma_wait3A_401 = arith.constant 0 : i32
    %dma_wait3A_402 = tpu.memref_slice %arg2[%dma_wait3A_400, %add3A_399, %dma_wait3A_401] : memref<4x8192x768xf32, #tpu.memory_space<hbm>> -> memref<1x16x768xf32, #tpu.memory_space<hbm>>
    %dma_wait3A_403 = tpu.memref_squeeze %dma_wait3A_402 : memref<1x16x768xf32, #tpu.memory_space<hbm>> -> memref<16x768xf32, #tpu.memory_space<hbm>>
    %dma_wait3A_404 = arith.constant 0 : i32
    %dma_wait3A_405 = tpu.memref_slice %arg2[%dma_wait3A_400, %add3A_399, %dma_wait3A_404] : memref<4x8192x768xf32, #tpu.memory_space<hbm>> -> memref<1x16x768xf32, #tpu.memory_space<hbm>>
    %dma_wait3A_406 = tpu.memref_squeeze %dma_wait3A_405 : memref<1x16x768xf32, #tpu.memory_space<hbm>> -> memref<16x768xf32, #tpu.memory_space<hbm>>
    tpu.wait_dma2 semaphore(%arg16 : memref<!tpu.dma_semaphore, #tpu.memory_space<semaphore_mem>>) src(%dma_wait3A_406 : memref<16x768xf32, #tpu.memory_space<hbm>>) dst(%arg6 : memref<16x768xf32, #tpu.memory_space<vmem>>)
    %add3A_407 = arith.constant 208 : i32
    %add3A_408 = arith.addi %mul3A_2, %add3A_407 : i32
    %dma_wait3A_409 = arith.constant 1 : i32
    %dma_wait3A_410 = arith.constant 0 : i32
    %dma_wait3A_411 = tpu.memref_slice %arg4[%dma_wait3A_409, %add3A_408, %dma_wait3A_410] : memref<4x8192x768xf32, #tpu.memory_space<hbm>> -> memref<1x16x768xf32, #tpu.memory_space<hbm>>
    %dma_wait3A_412 = tpu.memref_squeeze %dma_wait3A_411 : memref<1x16x768xf32, #tpu.memory_space<hbm>> -> memref<16x768xf32, #tpu.memory_space<hbm>>
    %dma_wait3A_413 = arith.constant 0 : i32
    %dma_wait3A_414 = tpu.memref_slice %arg4[%dma_wait3A_409, %add3A_408, %dma_wait3A_413] : memref<4x8192x768xf32, #tpu.memory_space<hbm>> -> memref<1x16x768xf32, #tpu.memory_space<hbm>>
    %dma_wait3A_415 = tpu.memref_squeeze %dma_wait3A_414 : memref<1x16x768xf32, #tpu.memory_space<hbm>> -> memref<16x768xf32, #tpu.memory_space<hbm>>
    tpu.wait_dma2 semaphore(%arg28 : memref<!tpu.dma_semaphore, #tpu.memory_space<semaphore_mem>>) src(%arg10 : memref<16x768xf32, #tpu.memory_space<vmem>>) dst(%dma_wait3A_415 : memref<16x768xf32, #tpu.memory_space<hbm>>)
    %add3A_416 = arith.constant 240 : i32
    %add3A_417 = arith.addi %mul3A_2, %add3A_416 : i32
    %dma_start3A_418 = arith.constant 1 : i32
    %dma_start3A_419 = arith.constant 0 : i32
    %dma_start3A_420 = tpu.memref_slice %arg2[%dma_start3A_418, %add3A_417, %dma_start3A_419] : memref<4x8192x768xf32, #tpu.memory_space<hbm>> -> memref<1x16x768xf32, #tpu.memory_space<hbm>>
    %dma_start3A_421 = tpu.memref_squeeze %dma_start3A_420 : memref<1x16x768xf32, #tpu.memory_space<hbm>> -> memref<16x768xf32, #tpu.memory_space<hbm>>
    %dma_start3A_422 = arith.constant 0 : i32
    %dma_start3A_423 = tpu.memref_slice %arg2[%dma_start3A_418, %add3A_417, %dma_start3A_422] : memref<4x8192x768xf32, #tpu.memory_space<hbm>> -> memref<1x16x768xf32, #tpu.memory_space<hbm>>
    %dma_start3A_424 = tpu.memref_squeeze %dma_start3A_423 : memref<1x16x768xf32, #tpu.memory_space<hbm>> -> memref<16x768xf32, #tpu.memory_space<hbm>>
    tpu.enqueue_dma source(%dma_start3A_424 : memref<16x768xf32, #tpu.memory_space<hbm>>) target(%arg10 : memref<16x768xf32, #tpu.memory_space<vmem>>) target_semaphore(%arg20 : memref<!tpu.dma_semaphore, #tpu.memory_space<semaphore_mem>>)
    %parallel_loop3A_425 = arith.constant 0 : i32
    %parallel_loop3A_426 = arith.constant 16 : i32
    %parallel_loop3A_427 = arith.constant 1 : i32
    scf.for %parallel_loop3A_677 = %parallel_loop3A_425 to %parallel_loop3A_426 step %parallel_loop3A_427  : i32 {
      %parallel_loop3A_678 = arith.constant 0 : i32
      %parallel_loop3A_679 = arith.constant 768 : i32
      %parallel_loop3A_680 = arith.constant 16 : i32
      scf.for %parallel_loop3A_681 = %parallel_loop3A_678 to %parallel_loop3A_679 step %parallel_loop3A_680  : i32 {
        %parallel_loop3A_682 = arith.index_cast %parallel_loop3A_677 : i32 to index
        %parallel_loop3A_683 = arith.index_cast %parallel_loop3A_681 : i32 to index
        %parallel_loop3A_684 = tpu.vector_load %arg13[%parallel_loop3A_682, %parallel_loop3A_683] {strides = array<i32>} : memref<16x768xf32, #tpu.memory_space<vmem>>, vector<1x16xf32>,
        %parallel_loop3A_685 = vector.shape_cast %parallel_loop3A_684 : vector<1x16xf32> to vector<16xf32>
        %parallel_loop3A_686 = arith.index_cast %parallel_loop3A_677 : i32 to index
        %parallel_loop3A_687 = arith.index_cast %parallel_loop3A_681 : i32 to index
        %parallel_loop3A_688 = tpu.vector_load %arg6[%parallel_loop3A_686, %parallel_loop3A_687] {strides = array<i32>} : memref<16x768xf32, #tpu.memory_space<vmem>>, vector<1x16xf32>,
        %parallel_loop3A_689 = vector.shape_cast %parallel_loop3A_688 : vector<1x16xf32> to vector<16xf32>
        %parallel_loop3A_690 = vector.shape_cast %parallel_loop3A_685 : vector<16xf32> to vector<1x16xf32>
        tpu.vector_store %arg6[%parallel_loop3A_686, %parallel_loop3A_687], %parallel_loop3A_690 {add = true, strides = array<i32>} : memref<16x768xf32, #tpu.memory_space<vmem>>, vector<1x16xf32>,
      } {sc.loop_unroll_factor = 6 : i64, sc.parallel_access}
    } {sc.loop_unroll_factor = 1 : i64, sc.parallel_access}
    %add3A_428 = arith.constant 224 : i32
    %add3A_429 = arith.addi %mul3A_2, %add3A_428 : i32
    %dma_start3A_430 = arith.constant 1 : i32
    %dma_start3A_431 = arith.constant 0 : i32
    %dma_start3A_432 = tpu.memref_slice %arg4[%dma_start3A_430, %add3A_429, %dma_start3A_431] : memref<4x8192x768xf32, #tpu.memory_space<hbm>> -> memref<1x16x768xf32, #tpu.memory_space<hbm>>
    %dma_start3A_433 = tpu.memref_squeeze %dma_start3A_432 : memref<1x16x768xf32, #tpu.memory_space<hbm>> -> memref<16x768xf32, #tpu.memory_space<hbm>>
    %dma_start3A_434 = arith.constant 0 : i32
    %dma_start3A_435 = tpu.memref_slice %arg4[%dma_start3A_430, %add3A_429, %dma_start3A_434] : memref<4x8192x768xf32, #tpu.memory_space<hbm>> -> memref<1x16x768xf32, #tpu.memory_space<hbm>>
    %dma_start3A_436 = tpu.memref_squeeze %dma_start3A_435 : memref<1x16x768xf32, #tpu.memory_space<hbm>> -> memref<16x768xf32, #tpu.memory_space<hbm>>
    tpu.enqueue_dma source(%arg6 : memref<16x768xf32, #tpu.memory_space<vmem>>) target(%dma_start3A_436 : memref<16x768xf32, #tpu.memory_space<hbm>>) target_semaphore(%arg24 : memref<!tpu.dma_semaphore, #tpu.memory_space<semaphore_mem>>)
    %add3A_437 = arith.constant 224 : i32
    %add3A_438 = arith.addi %mul3A_2, %add3A_437 : i32
    %dma_wait3A_439 = arith.constant 2 : i32
    %dma_wait3A_440 = arith.constant 0 : i32
    %dma_wait3A_441 = tpu.memref_slice %arg2[%dma_wait3A_439, %add3A_438, %dma_wait3A_440] : memref<4x8192x768xf32, #tpu.memory_space<hbm>> -> memref<1x16x768xf32, #tpu.memory_space<hbm>>
    %dma_wait3A_442 = tpu.memref_squeeze %dma_wait3A_441 : memref<1x16x768xf32, #tpu.memory_space<hbm>> -> memref<16x768xf32, #tpu.memory_space<hbm>>
    %dma_wait3A_443 = arith.constant 0 : i32
    %dma_wait3A_444 = tpu.memref_slice %arg2[%dma_wait3A_439, %add3A_438, %dma_wait3A_443] : memref<4x8192x768xf32, #tpu.memory_space<hbm>> -> memref<1x16x768xf32, #tpu.memory_space<hbm>>
    %dma_wait3A_445 = tpu.memref_squeeze %dma_wait3A_444 : memref<1x16x768xf32, #tpu.memory_space<hbm>> -> memref<16x768xf32, #tpu.memory_space<hbm>>
    tpu.wait_dma2 semaphore(%arg17 : memref<!tpu.dma_semaphore, #tpu.memory_space<semaphore_mem>>) src(%dma_wait3A_445 : memref<16x768xf32, #tpu.memory_space<hbm>>) dst(%arg7 : memref<16x768xf32, #tpu.memory_space<vmem>>)
    %add3A_446 = arith.constant 208 : i32
    %add3A_447 = arith.addi %mul3A_2, %add3A_446 : i32
    %dma_wait3A_448 = arith.constant 2 : i32
    %dma_wait3A_449 = arith.constant 0 : i32
    %dma_wait3A_450 = tpu.memref_slice %arg4[%dma_wait3A_448, %add3A_447, %dma_wait3A_449] : memref<4x8192x768xf32, #tpu.memory_space<hbm>> -> memref<1x16x768xf32, #tpu.memory_space<hbm>>
    %dma_wait3A_451 = tpu.memref_squeeze %dma_wait3A_450 : memref<1x16x768xf32, #tpu.memory_space<hbm>> -> memref<16x768xf32, #tpu.memory_space<hbm>>
    %dma_wait3A_452 = arith.constant 0 : i32
    %dma_wait3A_453 = tpu.memref_slice %arg4[%dma_wait3A_448, %add3A_447, %dma_wait3A_452] : memref<4x8192x768xf32, #tpu.memory_space<hbm>> -> memref<1x16x768xf32, #tpu.memory_space<hbm>>
    %dma_wait3A_454 = tpu.memref_squeeze %dma_wait3A_453 : memref<1x16x768xf32, #tpu.memory_space<hbm>> -> memref<16x768xf32, #tpu.memory_space<hbm>>
    tpu.wait_dma2 semaphore(%arg29 : memref<!tpu.dma_semaphore, #tpu.memory_space<semaphore_mem>>) src(%arg11 : memref<16x768xf32, #tpu.memory_space<vmem>>) dst(%dma_wait3A_454 : memref<16x768xf32, #tpu.memory_space<hbm>>)
    %add3A_455 = arith.constant 240 : i32
    %add3A_456 = arith.addi %mul3A_2, %add3A_455 : i32
    %dma_start3A_457 = arith.constant 2 : i32
    %dma_start3A_458 = arith.constant 0 : i32
    %dma_start3A_459 = tpu.memref_slice %arg2[%dma_start3A_457, %add3A_456, %dma_start3A_458] : memref<4x8192x768xf32, #tpu.memory_space<hbm>> -> memref<1x16x768xf32, #tpu.memory_space<hbm>>
    %dma_start3A_460 = tpu.memref_squeeze %dma_start3A_459 : memref<1x16x768xf32, #tpu.memory_space<hbm>> -> memref<16x768xf32, #tpu.memory_space<hbm>>
    %dma_start3A_461 = arith.constant 0 : i32
    %dma_start3A_462 = tpu.memref_slice %arg2[%dma_start3A_457, %add3A_456, %dma_start3A_461] : memref<4x8192x768xf32, #tpu.memory_space<hbm>> -> memref<1x16x768xf32, #tpu.memory_space<hbm>>
    %dma_start3A_463 = tpu.memref_squeeze %dma_start3A_462 : memref<1x16x768xf32, #tpu.memory_space<hbm>> -> memref<16x768xf32, #tpu.memory_space<hbm>>
    tpu.enqueue_dma source(%dma_start3A_463 : memref<16x768xf32, #tpu.memory_space<hbm>>) target(%arg11 : memref<16x768xf32, #tpu.memory_space<vmem>>) target_semaphore(%arg21 : memref<!tpu.dma_semaphore, #tpu.memory_space<semaphore_mem>>)
    %parallel_loop3A_464 = arith.constant 0 : i32
    %parallel_loop3A_465 = arith.constant 16 : i32
    %parallel_loop3A_466 = arith.constant 1 : i32
    scf.for %parallel_loop3A_677 = %parallel_loop3A_464 to %parallel_loop3A_465 step %parallel_loop3A_466  : i32 {
      %parallel_loop3A_678 = arith.constant 0 : i32
      %parallel_loop3A_679 = arith.constant 768 : i32
      %parallel_loop3A_680 = arith.constant 16 : i32
      scf.for %parallel_loop3A_681 = %parallel_loop3A_678 to %parallel_loop3A_679 step %parallel_loop3A_680  : i32 {
        %parallel_loop3A_682 = arith.index_cast %parallel_loop3A_677 : i32 to index
        %parallel_loop3A_683 = arith.index_cast %parallel_loop3A_681 : i32 to index
        %parallel_loop3A_684 = tpu.vector_load %arg13[%parallel_loop3A_682, %parallel_loop3A_683] {strides = array<i32>} : memref<16x768xf32, #tpu.memory_space<vmem>>, vector<1x16xf32>,
        %parallel_loop3A_685 = vector.shape_cast %parallel_loop3A_684 : vector<1x16xf32> to vector<16xf32>
        %parallel_loop3A_686 = arith.index_cast %parallel_loop3A_677 : i32 to index
        %parallel_loop3A_687 = arith.index_cast %parallel_loop3A_681 : i32 to index
        %parallel_loop3A_688 = tpu.vector_load %arg7[%parallel_loop3A_686, %parallel_loop3A_687] {strides = array<i32>} : memref<16x768xf32, #tpu.memory_space<vmem>>, vector<1x16xf32>,
        %parallel_loop3A_689 = vector.shape_cast %parallel_loop3A_688 : vector<1x16xf32> to vector<16xf32>
        %parallel_loop3A_690 = vector.shape_cast %parallel_loop3A_685 : vector<16xf32> to vector<1x16xf32>
        tpu.vector_store %arg7[%parallel_loop3A_686, %parallel_loop3A_687], %parallel_loop3A_690 {add = true, strides = array<i32>} : memref<16x768xf32, #tpu.memory_space<vmem>>, vector<1x16xf32>,
      } {sc.loop_unroll_factor = 6 : i64, sc.parallel_access}
    } {sc.loop_unroll_factor = 1 : i64, sc.parallel_access}
    %add3A_467 = arith.constant 224 : i32
    %add3A_468 = arith.addi %mul3A_2, %add3A_467 : i32
    %dma_start3A_469 = arith.constant 2 : i32
    %dma_start3A_470 = arith.constant 0 : i32
    %dma_start3A_471 = tpu.memref_slice %arg4[%dma_start3A_469, %add3A_468, %dma_start3A_470] : memref<4x8192x768xf32, #tpu.memory_space<hbm>> -> memref<1x16x768xf32, #tpu.memory_space<hbm>>
    %dma_start3A_472 = tpu.memref_squeeze %dma_start3A_471 : memref<1x16x768xf32, #tpu.memory_space<hbm>> -> memref<16x768xf32, #tpu.memory_space<hbm>>
    %dma_start3A_473 = arith.constant 0 : i32
    %dma_start3A_474 = tpu.memref_slice %arg4[%dma_start3A_469, %add3A_468, %dma_start3A_473] : memref<4x8192x768xf32, #tpu.memory_space<hbm>> -> memref<1x16x768xf32, #tpu.memory_space<hbm>>
    %dma_start3A_475 = tpu.memref_squeeze %dma_start3A_474 : memref<1x16x768xf32, #tpu.memory_space<hbm>> -> memref<16x768xf32, #tpu.memory_space<hbm>>
    tpu.enqueue_dma source(%arg7 : memref<16x768xf32, #tpu.memory_space<vmem>>) target(%dma_start3A_475 : memref<16x768xf32, #tpu.memory_space<hbm>>) target_semaphore(%arg25 : memref<!tpu.dma_semaphore, #tpu.memory_space<semaphore_mem>>)
    %add3A_476 = arith.constant 224 : i32
    %add3A_477 = arith.addi %mul3A_2, %add3A_476 : i32
    %dma_wait3A_478 = arith.constant 3 : i32
    %dma_wait3A_479 = arith.constant 0 : i32
    %dma_wait3A_480 = tpu.memref_slice %arg2[%dma_wait3A_478, %add3A_477, %dma_wait3A_479] : memref<4x8192x768xf32, #tpu.memory_space<hbm>> -> memref<1x16x768xf32, #tpu.memory_space<hbm>>
    %dma_wait3A_481 = tpu.memref_squeeze %dma_wait3A_480 : memref<1x16x768xf32, #tpu.memory_space<hbm>> -> memref<16x768xf32, #tpu.memory_space<hbm>>
    %dma_wait3A_482 = arith.constant 0 : i32
    %dma_wait3A_483 = tpu.memref_slice %arg2[%dma_wait3A_478, %add3A_477, %dma_wait3A_482] : memref<4x8192x768xf32, #tpu.memory_space<hbm>> -> memref<1x16x768xf32, #tpu.memory_space<hbm>>
    %dma_wait3A_484 = tpu.memref_squeeze %dma_wait3A_483 : memref<1x16x768xf32, #tpu.memory_space<hbm>> -> memref<16x768xf32, #tpu.memory_space<hbm>>
    tpu.wait_dma2 semaphore(%arg18 : memref<!tpu.dma_semaphore, #tpu.memory_space<semaphore_mem>>) src(%dma_wait3A_484 : memref<16x768xf32, #tpu.memory_space<hbm>>) dst(%arg8 : memref<16x768xf32, #tpu.memory_space<vmem>>)
    %add3A_485 = arith.constant 208 : i32
    %add3A_486 = arith.addi %mul3A_2, %add3A_485 : i32
    %dma_wait3A_487 = arith.constant 3 : i32
    %dma_wait3A_488 = arith.constant 0 : i32
    %dma_wait3A_489 = tpu.memref_slice %arg4[%dma_wait3A_487, %add3A_486, %dma_wait3A_488] : memref<4x8192x768xf32, #tpu.memory_space<hbm>> -> memref<1x16x768xf32, #tpu.memory_space<hbm>>
    %dma_wait3A_490 = tpu.memref_squeeze %dma_wait3A_489 : memref<1x16x768xf32, #tpu.memory_space<hbm>> -> memref<16x768xf32, #tpu.memory_space<hbm>>
    %dma_wait3A_491 = arith.constant 0 : i32
    %dma_wait3A_492 = tpu.memref_slice %arg4[%dma_wait3A_487, %add3A_486, %dma_wait3A_491] : memref<4x8192x768xf32, #tpu.memory_space<hbm>> -> memref<1x16x768xf32, #tpu.memory_space<hbm>>
    %dma_wait3A_493 = tpu.memref_squeeze %dma_wait3A_492 : memref<1x16x768xf32, #tpu.memory_space<hbm>> -> memref<16x768xf32, #tpu.memory_space<hbm>>
    tpu.wait_dma2 semaphore(%arg30 : memref<!tpu.dma_semaphore, #tpu.memory_space<semaphore_mem>>) src(%arg12 : memref<16x768xf32, #tpu.memory_space<vmem>>) dst(%dma_wait3A_493 : memref<16x768xf32, #tpu.memory_space<hbm>>)
    %add3A_494 = arith.constant 240 : i32
    %add3A_495 = arith.addi %mul3A_2, %add3A_494 : i32
    %dma_start3A_496 = arith.constant 3 : i32
    %dma_start3A_497 = arith.constant 0 : i32
    %dma_start3A_498 = tpu.memref_slice %arg2[%dma_start3A_496, %add3A_495, %dma_start3A_497] : memref<4x8192x768xf32, #tpu.memory_space<hbm>> -> memref<1x16x768xf32, #tpu.memory_space<hbm>>
    %dma_start3A_499 = tpu.memref_squeeze %dma_start3A_498 : memref<1x16x768xf32, #tpu.memory_space<hbm>> -> memref<16x768xf32, #tpu.memory_space<hbm>>
    %dma_start3A_500 = arith.constant 0 : i32
    %dma_start3A_501 = tpu.memref_slice %arg2[%dma_start3A_496, %add3A_495, %dma_start3A_500] : memref<4x8192x768xf32, #tpu.memory_space<hbm>> -> memref<1x16x768xf32, #tpu.memory_space<hbm>>
    %dma_start3A_502 = tpu.memref_squeeze %dma_start3A_501 : memref<1x16x768xf32, #tpu.memory_space<hbm>> -> memref<16x768xf32, #tpu.memory_space<hbm>>
    tpu.enqueue_dma source(%dma_start3A_502 : memref<16x768xf32, #tpu.memory_space<hbm>>) target(%arg12 : memref<16x768xf32, #tpu.memory_space<vmem>>) target_semaphore(%arg22 : memref<!tpu.dma_semaphore, #tpu.memory_space<semaphore_mem>>)
    %parallel_loop3A_503 = arith.constant 0 : i32
    %parallel_loop3A_504 = arith.constant 16 : i32
    %parallel_loop3A_505 = arith.constant 1 : i32
    scf.for %parallel_loop3A_677 = %parallel_loop3A_503 to %parallel_loop3A_504 step %parallel_loop3A_505  : i32 {
      %parallel_loop3A_678 = arith.constant 0 : i32
      %parallel_loop3A_679 = arith.constant 768 : i32
      %parallel_loop3A_680 = arith.constant 16 : i32
      scf.for %parallel_loop3A_681 = %parallel_loop3A_678 to %parallel_loop3A_679 step %parallel_loop3A_680  : i32 {
        %parallel_loop3A_682 = arith.index_cast %parallel_loop3A_677 : i32 to index
        %parallel_loop3A_683 = arith.index_cast %parallel_loop3A_681 : i32 to index
        %parallel_loop3A_684 = tpu.vector_load %arg13[%parallel_loop3A_682, %parallel_loop3A_683] {strides = array<i32>} : memref<16x768xf32, #tpu.memory_space<vmem>>, vector<1x16xf32>,
        %parallel_loop3A_685 = vector.shape_cast %parallel_loop3A_684 : vector<1x16xf32> to vector<16xf32>
        %parallel_loop3A_686 = arith.index_cast %parallel_loop3A_677 : i32 to index
        %parallel_loop3A_687 = arith.index_cast %parallel_loop3A_681 : i32 to index
        %parallel_loop3A_688 = tpu.vector_load %arg8[%parallel_loop3A_686, %parallel_loop3A_687] {strides = array<i32>} : memref<16x768xf32, #tpu.memory_space<vmem>>, vector<1x16xf32>,
        %parallel_loop3A_689 = vector.shape_cast %parallel_loop3A_688 : vector<1x16xf32> to vector<16xf32>
        %parallel_loop3A_690 = vector.shape_cast %parallel_loop3A_685 : vector<16xf32> to vector<1x16xf32>
        tpu.vector_store %arg8[%parallel_loop3A_686, %parallel_loop3A_687], %parallel_loop3A_690 {add = true, strides = array<i32>} : memref<16x768xf32, #tpu.memory_space<vmem>>, vector<1x16xf32>,
      } {sc.loop_unroll_factor = 6 : i64, sc.parallel_access}
    } {sc.loop_unroll_factor = 1 : i64, sc.parallel_access}
    %add3A_506 = arith.constant 224 : i32
    %add3A_507 = arith.addi %mul3A_2, %add3A_506 : i32
    %dma_start3A_508 = arith.constant 3 : i32
    %dma_start3A_509 = arith.constant 0 : i32
    %dma_start3A_510 = tpu.memref_slice %arg4[%dma_start3A_508, %add3A_507, %dma_start3A_509] : memref<4x8192x768xf32, #tpu.memory_space<hbm>> -> memref<1x16x768xf32, #tpu.memory_space<hbm>>
    %dma_start3A_511 = tpu.memref_squeeze %dma_start3A_510 : memref<1x16x768xf32, #tpu.memory_space<hbm>> -> memref<16x768xf32, #tpu.memory_space<hbm>>
    %dma_start3A_512 = arith.constant 0 : i32
    %dma_start3A_513 = tpu.memref_slice %arg4[%dma_start3A_508, %add3A_507, %dma_start3A_512] : memref<4x8192x768xf32, #tpu.memory_space<hbm>> -> memref<1x16x768xf32, #tpu.memory_space<hbm>>
    %dma_start3A_514 = tpu.memref_squeeze %dma_start3A_513 : memref<1x16x768xf32, #tpu.memory_space<hbm>> -> memref<16x768xf32, #tpu.memory_space<hbm>>
    tpu.enqueue_dma source(%arg8 : memref<16x768xf32, #tpu.memory_space<vmem>>) target(%dma_start3A_514 : memref<16x768xf32, #tpu.memory_space<hbm>>) target_semaphore(%arg26 : memref<!tpu.dma_semaphore, #tpu.memory_space<semaphore_mem>>)
    %add3A_515 = arith.constant 240 : i32
    %add3A_516 = arith.addi %mul3A_2, %add3A_515 : i32
    %dma_wait3A_517 = arith.constant 0 : i32
    %dma_wait3A_518 = tpu.memref_slice %arg3[%add3A_516, %dma_wait3A_517] : memref<8192x768xf32, #tpu.memory_space<hbm>> -> memref<16x768xf32, #tpu.memory_space<hbm>>
    %dma_wait3A_519 = arith.constant 0 : i32
    %dma_wait3A_520 = tpu.memref_slice %arg3[%add3A_516, %dma_wait3A_519] : memref<8192x768xf32, #tpu.memory_space<hbm>> -> memref<16x768xf32, #tpu.memory_space<hbm>>
    tpu.wait_dma2 semaphore(%arg32 : memref<!tpu.dma_semaphore, #tpu.memory_space<semaphore_mem>>) src(%dma_wait3A_520 : memref<16x768xf32, #tpu.memory_space<hbm>>) dst(%arg14 : memref<16x768xf32, #tpu.memory_space<vmem>>)
    %add3A_521 = arith.constant 240 : i32
    %add3A_522 = arith.addi %mul3A_2, %add3A_521 : i32
    %dma_wait3A_523 = arith.constant 0 : i32
    %dma_wait3A_524 = arith.constant 0 : i32
    %dma_wait3A_525 = tpu.memref_slice %arg2[%dma_wait3A_523, %add3A_522, %dma_wait3A_524] : memref<4x8192x768xf32, #tpu.memory_space<hbm>> -> memref<1x16x768xf32, #tpu.memory_space<hbm>>
    %dma_wait3A_526 = tpu.memref_squeeze %dma_wait3A_525 : memref<1x16x768xf32, #tpu.memory_space<hbm>> -> memref<16x768xf32, #tpu.memory_space<hbm>>
    %dma_wait3A_527 = arith.constant 0 : i32
    %dma_wait3A_528 = tpu.memref_slice %arg2[%dma_wait3A_523, %add3A_522, %dma_wait3A_527] : memref<4x8192x768xf32, #tpu.memory_space<hbm>> -> memref<1x16x768xf32, #tpu.memory_space<hbm>>
    %dma_wait3A_529 = tpu.memref_squeeze %dma_wait3A_528 : memref<1x16x768xf32, #tpu.memory_space<hbm>> -> memref<16x768xf32, #tpu.memory_space<hbm>>
    tpu.wait_dma2 semaphore(%arg19 : memref<!tpu.dma_semaphore, #tpu.memory_space<semaphore_mem>>) src(%dma_wait3A_529 : memref<16x768xf32, #tpu.memory_space<hbm>>) dst(%arg9 : memref<16x768xf32, #tpu.memory_space<vmem>>)
    %parallel_loop3A_530 = arith.constant 0 : i32
    %parallel_loop3A_531 = arith.constant 16 : i32
    %parallel_loop3A_532 = arith.constant 1 : i32
    scf.for %parallel_loop3A_677 = %parallel_loop3A_530 to %parallel_loop3A_531 step %parallel_loop3A_532  : i32 {
      %parallel_loop3A_678 = arith.constant 0 : i32
      %parallel_loop3A_679 = arith.constant 768 : i32
      %parallel_loop3A_680 = arith.constant 16 : i32
      scf.for %parallel_loop3A_681 = %parallel_loop3A_678 to %parallel_loop3A_679 step %parallel_loop3A_680  : i32 {
        %parallel_loop3A_682 = arith.index_cast %parallel_loop3A_677 : i32 to index
        %parallel_loop3A_683 = arith.index_cast %parallel_loop3A_681 : i32 to index
        %parallel_loop3A_684 = tpu.vector_load %arg14[%parallel_loop3A_682, %parallel_loop3A_683] {strides = array<i32>} : memref<16x768xf32, #tpu.memory_space<vmem>>, vector<1x16xf32>,
        %parallel_loop3A_685 = vector.shape_cast %parallel_loop3A_684 : vector<1x16xf32> to vector<16xf32>
        %parallel_loop3A_686 = arith.index_cast %parallel_loop3A_677 : i32 to index
        %parallel_loop3A_687 = arith.index_cast %parallel_loop3A_681 : i32 to index
        %parallel_loop3A_688 = tpu.vector_load %arg9[%parallel_loop3A_686, %parallel_loop3A_687] {strides = array<i32>} : memref<16x768xf32, #tpu.memory_space<vmem>>, vector<1x16xf32>,
        %parallel_loop3A_689 = vector.shape_cast %parallel_loop3A_688 : vector<1x16xf32> to vector<16xf32>
        %parallel_loop3A_690 = vector.shape_cast %parallel_loop3A_685 : vector<16xf32> to vector<1x16xf32>
        tpu.vector_store %arg9[%parallel_loop3A_686, %parallel_loop3A_687], %parallel_loop3A_690 {add = true, strides = array<i32>} : memref<16x768xf32, #tpu.memory_space<vmem>>, vector<1x16xf32>,
      } {sc.loop_unroll_factor = 6 : i64, sc.parallel_access}
    } {sc.loop_unroll_factor = 1 : i64, sc.parallel_access}
    %add3A_533 = arith.constant 240 : i32
    %add3A_534 = arith.addi %mul3A_2, %add3A_533 : i32
    %dma_start3A_535 = arith.constant 0 : i32
    %dma_start3A_536 = arith.constant 0 : i32
    %dma_start3A_537 = tpu.memref_slice %arg4[%dma_start3A_535, %add3A_534, %dma_start3A_536] : memref<4x8192x768xf32, #tpu.memory_space<hbm>> -> memref<1x16x768xf32, #tpu.memory_space<hbm>>
    %dma_start3A_538 = tpu.memref_squeeze %dma_start3A_537 : memref<1x16x768xf32, #tpu.memory_space<hbm>> -> memref<16x768xf32, #tpu.memory_space<hbm>>
    %dma_start3A_539 = arith.constant 0 : i32
    %dma_start3A_540 = tpu.memref_slice %arg4[%dma_start3A_535, %add3A_534, %dma_start3A_539] : memref<4x8192x768xf32, #tpu.memory_space<hbm>> -> memref<1x16x768xf32, #tpu.memory_space<hbm>>
    %dma_start3A_541 = tpu.memref_squeeze %dma_start3A_540 : memref<1x16x768xf32, #tpu.memory_space<hbm>> -> memref<16x768xf32, #tpu.memory_space<hbm>>
    tpu.enqueue_dma source(%arg9 : memref<16x768xf32, #tpu.memory_space<vmem>>) target(%dma_start3A_541 : memref<16x768xf32, #tpu.memory_space<hbm>>) target_semaphore(%arg27 : memref<!tpu.dma_semaphore, #tpu.memory_space<semaphore_mem>>)
    %add3A_542 = arith.constant 240 : i32
    %add3A_543 = arith.addi %mul3A_2, %add3A_542 : i32
    %dma_wait3A_544 = arith.constant 1 : i32
    %dma_wait3A_545 = arith.constant 0 : i32
    %dma_wait3A_546 = tpu.memref_slice %arg2[%dma_wait3A_544, %add3A_543, %dma_wait3A_545] : memref<4x8192x768xf32, #tpu.memory_space<hbm>> -> memref<1x16x768xf32, #tpu.memory_space<hbm>>
    %dma_wait3A_547 = tpu.memref_squeeze %dma_wait3A_546 : memref<1x16x768xf32, #tpu.memory_space<hbm>> -> memref<16x768xf32, #tpu.memory_space<hbm>>
    %dma_wait3A_548 = arith.constant 0 : i32
    %dma_wait3A_549 = tpu.memref_slice %arg2[%dma_wait3A_544, %add3A_543, %dma_wait3A_548] : memref<4x8192x768xf32, #tpu.memory_space<hbm>> -> memref<1x16x768xf32, #tpu.memory_space<hbm>>
    %dma_wait3A_550 = tpu.memref_squeeze %dma_wait3A_549 : memref<1x16x768xf32, #tpu.memory_space<hbm>> -> memref<16x768xf32, #tpu.memory_space<hbm>>
    tpu.wait_dma2 semaphore(%arg20 : memref<!tpu.dma_semaphore, #tpu.memory_space<semaphore_mem>>) src(%dma_wait3A_550 : memref<16x768xf32, #tpu.memory_space<hbm>>) dst(%arg10 : memref<16x768xf32, #tpu.memory_space<vmem>>)
    %parallel_loop3A_551 = arith.constant 0 : i32
    %parallel_loop3A_552 = arith.constant 16 : i32
    %parallel_loop3A_553 = arith.constant 1 : i32
    scf.for %parallel_loop3A_677 = %parallel_loop3A_551 to %parallel_loop3A_552 step %parallel_loop3A_553  : i32 {
      %parallel_loop3A_678 = arith.constant 0 : i32
      %parallel_loop3A_679 = arith.constant 768 : i32
      %parallel_loop3A_680 = arith.constant 16 : i32
      scf.for %parallel_loop3A_681 = %parallel_loop3A_678 to %parallel_loop3A_679 step %parallel_loop3A_680  : i32 {
        %parallel_loop3A_682 = arith.index_cast %parallel_loop3A_677 : i32 to index
        %parallel_loop3A_683 = arith.index_cast %parallel_loop3A_681 : i32 to index
        %parallel_loop3A_684 = tpu.vector_load %arg14[%parallel_loop3A_682, %parallel_loop3A_683] {strides = array<i32>} : memref<16x768xf32, #tpu.memory_space<vmem>>, vector<1x16xf32>,
        %parallel_loop3A_685 = vector.shape_cast %parallel_loop3A_684 : vector<1x16xf32> to vector<16xf32>
        %parallel_loop3A_686 = arith.index_cast %parallel_loop3A_677 : i32 to index
        %parallel_loop3A_687 = arith.index_cast %parallel_loop3A_681 : i32 to index
        %parallel_loop3A_688 = tpu.vector_load %arg10[%parallel_loop3A_686, %parallel_loop3A_687] {strides = array<i32>} : memref<16x768xf32, #tpu.memory_space<vmem>>, vector<1x16xf32>,
        %parallel_loop3A_689 = vector.shape_cast %parallel_loop3A_688 : vector<1x16xf32> to vector<16xf32>
        %parallel_loop3A_690 = vector.shape_cast %parallel_loop3A_685 : vector<16xf32> to vector<1x16xf32>
        tpu.vector_store %arg10[%parallel_loop3A_686, %parallel_loop3A_687], %parallel_loop3A_690 {add = true, strides = array<i32>} : memref<16x768xf32, #tpu.memory_space<vmem>>, vector<1x16xf32>,
      } {sc.loop_unroll_factor = 6 : i64, sc.parallel_access}
    } {sc.loop_unroll_factor = 1 : i64, sc.parallel_access}
    %add3A_554 = arith.constant 240 : i32
    %add3A_555 = arith.addi %mul3A_2, %add3A_554 : i32
    %dma_start3A_556 = arith.constant 1 : i32
    %dma_start3A_557 = arith.constant 0 : i32
    %dma_start3A_558 = tpu.memref_slice %arg4[%dma_start3A_556, %add3A_555, %dma_start3A_557] : memref<4x8192x768xf32, #tpu.memory_space<hbm>> -> memref<1x16x768xf32, #tpu.memory_space<hbm>>
    %dma_start3A_559 = tpu.memref_squeeze %dma_start3A_558 : memref<1x16x768xf32, #tpu.memory_space<hbm>> -> memref<16x768xf32, #tpu.memory_space<hbm>>
    %dma_start3A_560 = arith.constant 0 : i32
    %dma_start3A_561 = tpu.memref_slice %arg4[%dma_start3A_556, %add3A_555, %dma_start3A_560] : memref<4x8192x768xf32, #tpu.memory_space<hbm>> -> memref<1x16x768xf32, #tpu.memory_space<hbm>>
    %dma_start3A_562 = tpu.memref_squeeze %dma_start3A_561 : memref<1x16x768xf32, #tpu.memory_space<hbm>> -> memref<16x768xf32, #tpu.memory_space<hbm>>
    tpu.enqueue_dma source(%arg10 : memref<16x768xf32, #tpu.memory_space<vmem>>) target(%dma_start3A_562 : memref<16x768xf32, #tpu.memory_space<hbm>>) target_semaphore(%arg28 : memref<!tpu.dma_semaphore, #tpu.memory_space<semaphore_mem>>)
    %add3A_563 = arith.constant 240 : i32
    %add3A_564 = arith.addi %mul3A_2, %add3A_563 : i32
    %dma_wait3A_565 = arith.constant 2 : i32
    %dma_wait3A_566 = arith.constant 0 : i32
    %dma_wait3A_567 = tpu.memref_slice %arg2[%dma_wait3A_565, %add3A_564, %dma_wait3A_566] : memref<4x8192x768xf32, #tpu.memory_space<hbm>> -> memref<1x16x768xf32, #tpu.memory_space<hbm>>
    %dma_wait3A_568 = tpu.memref_squeeze %dma_wait3A_567 : memref<1x16x768xf32, #tpu.memory_space<hbm>> -> memref<16x768xf32, #tpu.memory_space<hbm>>
    %dma_wait3A_569 = arith.constant 0 : i32
    %dma_wait3A_570 = tpu.memref_slice %arg2[%dma_wait3A_565, %add3A_564, %dma_wait3A_569] : memref<4x8192x768xf32, #tpu.memory_space<hbm>> -> memref<1x16x768xf32, #tpu.memory_space<hbm>>
    %dma_wait3A_571 = tpu.memref_squeeze %dma_wait3A_570 : memref<1x16x768xf32, #tpu.memory_space<hbm>> -> memref<16x768xf32, #tpu.memory_space<hbm>>
    tpu.wait_dma2 semaphore(%arg21 : memref<!tpu.dma_semaphore, #tpu.memory_space<semaphore_mem>>) src(%dma_wait3A_571 : memref<16x768xf32, #tpu.memory_space<hbm>>) dst(%arg11 : memref<16x768xf32, #tpu.memory_space<vmem>>)
    %parallel_loop3A_572 = arith.constant 0 : i32
    %parallel_loop3A_573 = arith.constant 16 : i32
    %parallel_loop3A_574 = arith.constant 1 : i32
    scf.for %parallel_loop3A_677 = %parallel_loop3A_572 to %parallel_loop3A_573 step %parallel_loop3A_574  : i32 {
      %parallel_loop3A_678 = arith.constant 0 : i32
      %parallel_loop3A_679 = arith.constant 768 : i32
      %parallel_loop3A_680 = arith.constant 16 : i32
      scf.for %parallel_loop3A_681 = %parallel_loop3A_678 to %parallel_loop3A_679 step %parallel_loop3A_680  : i32 {
        %parallel_loop3A_682 = arith.index_cast %parallel_loop3A_677 : i32 to index
        %parallel_loop3A_683 = arith.index_cast %parallel_loop3A_681 : i32 to index
        %parallel_loop3A_684 = tpu.vector_load %arg14[%parallel_loop3A_682, %parallel_loop3A_683] {strides = array<i32>} : memref<16x768xf32, #tpu.memory_space<vmem>>, vector<1x16xf32>,
        %parallel_loop3A_685 = vector.shape_cast %parallel_loop3A_684 : vector<1x16xf32> to vector<16xf32>
        %parallel_loop3A_686 = arith.index_cast %parallel_loop3A_677 : i32 to index
        %parallel_loop3A_687 = arith.index_cast %parallel_loop3A_681 : i32 to index
        %parallel_loop3A_688 = tpu.vector_load %arg11[%parallel_loop3A_686, %parallel_loop3A_687] {strides = array<i32>} : memref<16x768xf32, #tpu.memory_space<vmem>>, vector<1x16xf32>,
        %parallel_loop3A_689 = vector.shape_cast %parallel_loop3A_688 : vector<1x16xf32> to vector<16xf32>
        %parallel_loop3A_690 = vector.shape_cast %parallel_loop3A_685 : vector<16xf32> to vector<1x16xf32>
        tpu.vector_store %arg11[%parallel_loop3A_686, %parallel_loop3A_687], %parallel_loop3A_690 {add = true, strides = array<i32>} : memref<16x768xf32, #tpu.memory_space<vmem>>, vector<1x16xf32>,
      } {sc.loop_unroll_factor = 6 : i64, sc.parallel_access}
    } {sc.loop_unroll_factor = 1 : i64, sc.parallel_access}
    %add3A_575 = arith.constant 240 : i32
    %add3A_576 = arith.addi %mul3A_2, %add3A_575 : i32
    %dma_start3A_577 = arith.constant 2 : i32
    %dma_start3A_578 = arith.constant 0 : i32
    %dma_start3A_579 = tpu.memref_slice %arg4[%dma_start3A_577, %add3A_576, %dma_start3A_578] : memref<4x8192x768xf32, #tpu.memory_space<hbm>> -> memref<1x16x768xf32, #tpu.memory_space<hbm>>
    %dma_start3A_580 = tpu.memref_squeeze %dma_start3A_579 : memref<1x16x768xf32, #tpu.memory_space<hbm>> -> memref<16x768xf32, #tpu.memory_space<hbm>>
    %dma_start3A_581 = arith.constant 0 : i32
    %dma_start3A_582 = tpu.memref_slice %arg4[%dma_start3A_577, %add3A_576, %dma_start3A_581] : memref<4x8192x768xf32, #tpu.memory_space<hbm>> -> memref<1x16x768xf32, #tpu.memory_space<hbm>>
    %dma_start3A_583 = tpu.memref_squeeze %dma_start3A_582 : memref<1x16x768xf32, #tpu.memory_space<hbm>> -> memref<16x768xf32, #tpu.memory_space<hbm>>
    tpu.enqueue_dma source(%arg11 : memref<16x768xf32, #tpu.memory_space<vmem>>) target(%dma_start3A_583 : memref<16x768xf32, #tpu.memory_space<hbm>>) target_semaphore(%arg29 : memref<!tpu.dma_semaphore, #tpu.memory_space<semaphore_mem>>)
    %add3A_584 = arith.constant 240 : i32
    %add3A_585 = arith.addi %mul3A_2, %add3A_584 : i32
    %dma_wait3A_586 = arith.constant 3 : i32
    %dma_wait3A_587 = arith.constant 0 : i32
    %dma_wait3A_588 = tpu.memref_slice %arg2[%dma_wait3A_586, %add3A_585, %dma_wait3A_587] : memref<4x8192x768xf32, #tpu.memory_space<hbm>> -> memref<1x16x768xf32, #tpu.memory_space<hbm>>
    %dma_wait3A_589 = tpu.memref_squeeze %dma_wait3A_588 : memref<1x16x768xf32, #tpu.memory_space<hbm>> -> memref<16x768xf32, #tpu.memory_space<hbm>>
    %dma_wait3A_590 = arith.constant 0 : i32
    %dma_wait3A_591 = tpu.memref_slice %arg2[%dma_wait3A_586, %add3A_585, %dma_wait3A_590] : memref<4x8192x768xf32, #tpu.memory_space<hbm>> -> memref<1x16x768xf32, #tpu.memory_space<hbm>>
    %dma_wait3A_592 = tpu.memref_squeeze %dma_wait3A_591 : memref<1x16x768xf32, #tpu.memory_space<hbm>> -> memref<16x768xf32, #tpu.memory_space<hbm>>
    tpu.wait_dma2 semaphore(%arg22 : memref<!tpu.dma_semaphore, #tpu.memory_space<semaphore_mem>>) src(%dma_wait3A_592 : memref<16x768xf32, #tpu.memory_space<hbm>>) dst(%arg12 : memref<16x768xf32, #tpu.memory_space<vmem>>)
    %parallel_loop3A_593 = arith.constant 0 : i32
    %parallel_loop3A_594 = arith.constant 16 : i32
    %parallel_loop3A_595 = arith.constant 1 : i32
    scf.for %parallel_loop3A_677 = %parallel_loop3A_593 to %parallel_loop3A_594 step %parallel_loop3A_595  : i32 {
      %parallel_loop3A_678 = arith.constant 0 : i32
      %parallel_loop3A_679 = arith.constant 768 : i32
      %parallel_loop3A_680 = arith.constant 16 : i32
      scf.for %parallel_loop3A_681 = %parallel_loop3A_678 to %parallel_loop3A_679 step %parallel_loop3A_680  : i32 {
        %parallel_loop3A_682 = arith.index_cast %parallel_loop3A_677 : i32 to index
        %parallel_loop3A_683 = arith.index_cast %parallel_loop3A_681 : i32 to index
        %parallel_loop3A_684 = tpu.vector_load %arg14[%parallel_loop3A_682, %parallel_loop3A_683] {strides = array<i32>} : memref<16x768xf32, #tpu.memory_space<vmem>>, vector<1x16xf32>,
        %parallel_loop3A_685 = vector.shape_cast %parallel_loop3A_684 : vector<1x16xf32> to vector<16xf32>
        %parallel_loop3A_686 = arith.index_cast %parallel_loop3A_677 : i32 to index
        %parallel_loop3A_687 = arith.index_cast %parallel_loop3A_681 : i32 to index
        %parallel_loop3A_688 = tpu.vector_load %arg12[%parallel_loop3A_686, %parallel_loop3A_687] {strides = array<i32>} : memref<16x768xf32, #tpu.memory_space<vmem>>, vector<1x16xf32>,
        %parallel_loop3A_689 = vector.shape_cast %parallel_loop3A_688 : vector<1x16xf32> to vector<16xf32>
        %parallel_loop3A_690 = vector.shape_cast %parallel_loop3A_685 : vector<16xf32> to vector<1x16xf32>
        tpu.vector_store %arg12[%parallel_loop3A_686, %parallel_loop3A_687], %parallel_loop3A_690 {add = true, strides = array<i32>} : memref<16x768xf32, #tpu.memory_space<vmem>>, vector<1x16xf32>,
      } {sc.loop_unroll_factor = 6 : i64, sc.parallel_access}
    } {sc.loop_unroll_factor = 1 : i64, sc.parallel_access}
    %add3A_596 = arith.constant 240 : i32
    %add3A_597 = arith.addi %mul3A_2, %add3A_596 : i32
    %dma_start3A_598 = arith.constant 3 : i32
    %dma_start3A_599 = arith.constant 0 : i32
    %dma_start3A_600 = tpu.memref_slice %arg4[%dma_start3A_598, %add3A_597, %dma_start3A_599] : memref<4x8192x768xf32, #tpu.memory_space<hbm>> -> memref<1x16x768xf32, #tpu.memory_space<hbm>>
    %dma_start3A_601 = tpu.memref_squeeze %dma_start3A_600 : memref<1x16x768xf32, #tpu.memory_space<hbm>> -> memref<16x768xf32, #tpu.memory_space<hbm>>
    %dma_start3A_602 = arith.constant 0 : i32
    %dma_start3A_603 = tpu.memref_slice %arg4[%dma_start3A_598, %add3A_597, %dma_start3A_602] : memref<4x8192x768xf32, #tpu.memory_space<hbm>> -> memref<1x16x768xf32, #tpu.memory_space<hbm>>
    %dma_start3A_604 = tpu.memref_squeeze %dma_start3A_603 : memref<1x16x768xf32, #tpu.memory_space<hbm>> -> memref<16x768xf32, #tpu.memory_space<hbm>>
    tpu.enqueue_dma source(%arg12 : memref<16x768xf32, #tpu.memory_space<vmem>>) target(%dma_start3A_604 : memref<16x768xf32, #tpu.memory_space<hbm>>) target_semaphore(%arg30 : memref<!tpu.dma_semaphore, #tpu.memory_space<semaphore_mem>>)
    %add3A_605 = arith.constant 224 : i32
    %add3A_606 = arith.addi %mul3A_2, %add3A_605 : i32
    %dma_wait3A_607 = arith.constant 0 : i32
    %dma_wait3A_608 = arith.constant 0 : i32
    %dma_wait3A_609 = tpu.memref_slice %arg4[%dma_wait3A_607, %add3A_606, %dma_wait3A_608] : memref<4x8192x768xf32, #tpu.memory_space<hbm>> -> memref<1x16x768xf32, #tpu.memory_space<hbm>>
    %dma_wait3A_610 = tpu.memref_squeeze %dma_wait3A_609 : memref<1x16x768xf32, #tpu.memory_space<hbm>> -> memref<16x768xf32, #tpu.memory_space<hbm>>
    %dma_wait3A_611 = arith.constant 0 : i32
    %dma_wait3A_612 = tpu.memref_slice %arg4[%dma_wait3A_607, %add3A_606, %dma_wait3A_611] : memref<4x8192x768xf32, #tpu.memory_space<hbm>> -> memref<1x16x768xf32, #tpu.memory_space<hbm>>
    %dma_wait3A_613 = tpu.memref_squeeze %dma_wait3A_612 : memref<1x16x768xf32, #tpu.memory_space<hbm>> -> memref<16x768xf32, #tpu.memory_space<hbm>>
    tpu.wait_dma2 semaphore(%arg23 : memref<!tpu.dma_semaphore, #tpu.memory_space<semaphore_mem>>) src(%arg5 : memref<16x768xf32, #tpu.memory_space<vmem>>) dst(%dma_wait3A_613 : memref<16x768xf32, #tpu.memory_space<hbm>>)
    %add3A_614 = arith.constant 224 : i32
    %add3A_615 = arith.addi %mul3A_2, %add3A_614 : i32
    %dma_wait3A_616 = arith.constant 1 : i32
    %dma_wait3A_617 = arith.constant 0 : i32
    %dma_wait3A_618 = tpu.memref_slice %arg4[%dma_wait3A_616, %add3A_615, %dma_wait3A_617] : memref<4x8192x768xf32, #tpu.memory_space<hbm>> -> memref<1x16x768xf32, #tpu.memory_space<hbm>>
    %dma_wait3A_619 = tpu.memref_squeeze %dma_wait3A_618 : memref<1x16x768xf32, #tpu.memory_space<hbm>> -> memref<16x768xf32, #tpu.memory_space<hbm>>
    %dma_wait3A_620 = arith.constant 0 : i32
    %dma_wait3A_621 = tpu.memref_slice %arg4[%dma_wait3A_616, %add3A_615, %dma_wait3A_620] : memref<4x8192x768xf32, #tpu.memory_space<hbm>> -> memref<1x16x768xf32, #tpu.memory_space<hbm>>
    %dma_wait3A_622 = tpu.memref_squeeze %dma_wait3A_621 : memref<1x16x768xf32, #tpu.memory_space<hbm>> -> memref<16x768xf32, #tpu.memory_space<hbm>>
    tpu.wait_dma2 semaphore(%arg24 : memref<!tpu.dma_semaphore, #tpu.memory_space<semaphore_mem>>) src(%arg6 : memref<16x768xf32, #tpu.memory_space<vmem>>) dst(%dma_wait3A_622 : memref<16x768xf32, #tpu.memory_space<hbm>>)
    %add3A_623 = arith.constant 224 : i32
    %add3A_624 = arith.addi %mul3A_2, %add3A_623 : i32
    %dma_wait3A_625 = arith.constant 2 : i32
    %dma_wait3A_626 = arith.constant 0 : i32
    %dma_wait3A_627 = tpu.memref_slice %arg4[%dma_wait3A_625, %add3A_624, %dma_wait3A_626] : memref<4x8192x768xf32, #tpu.memory_space<hbm>> -> memref<1x16x768xf32, #tpu.memory_space<hbm>>
    %dma_wait3A_628 = tpu.memref_squeeze %dma_wait3A_627 : memref<1x16x768xf32, #tpu.memory_space<hbm>> -> memref<16x768xf32, #tpu.memory_space<hbm>>
    %dma_wait3A_629 = arith.constant 0 : i32
    %dma_wait3A_630 = tpu.memref_slice %arg4[%dma_wait3A_625, %add3A_624, %dma_wait3A_629] : memref<4x8192x768xf32, #tpu.memory_space<hbm>> -> memref<1x16x768xf32, #tpu.memory_space<hbm>>
    %dma_wait3A_631 = tpu.memref_squeeze %dma_wait3A_630 : memref<1x16x768xf32, #tpu.memory_space<hbm>> -> memref<16x768xf32, #tpu.memory_space<hbm>>
    tpu.wait_dma2 semaphore(%arg25 : memref<!tpu.dma_semaphore, #tpu.memory_space<semaphore_mem>>) src(%arg7 : memref<16x768xf32, #tpu.memory_space<vmem>>) dst(%dma_wait3A_631 : memref<16x768xf32, #tpu.memory_space<hbm>>)
    %add3A_632 = arith.constant 224 : i32
    %add3A_633 = arith.addi %mul3A_2, %add3A_632 : i32
    %dma_wait3A_634 = arith.constant 3 : i32
    %dma_wait3A_635 = arith.constant 0 : i32
    %dma_wait3A_636 = tpu.memref_slice %arg4[%dma_wait3A_634, %add3A_633, %dma_wait3A_635] : memref<4x8192x768xf32, #tpu.memory_space<hbm>> -> memref<1x16x768xf32, #tpu.memory_space<hbm>>
    %dma_wait3A_637 = tpu.memref_squeeze %dma_wait3A_636 : memref<1x16x768xf32, #tpu.memory_space<hbm>> -> memref<16x768xf32, #tpu.memory_space<hbm>>
    %dma_wait3A_638 = arith.constant 0 : i32
    %dma_wait3A_639 = tpu.memref_slice %arg4[%dma_wait3A_634, %add3A_633, %dma_wait3A_638] : memref<4x8192x768xf32, #tpu.memory_space<hbm>> -> memref<1x16x768xf32, #tpu.memory_space<hbm>>
    %dma_wait3A_640 = tpu.memref_squeeze %dma_wait3A_639 : memref<1x16x768xf32, #tpu.memory_space<hbm>> -> memref<16x768xf32, #tpu.memory_space<hbm>>
    tpu.wait_dma2 semaphore(%arg26 : memref<!tpu.dma_semaphore, #tpu.memory_space<semaphore_mem>>) src(%arg8 : memref<16x768xf32, #tpu.memory_space<vmem>>) dst(%dma_wait3A_640 : memref<16x768xf32, #tpu.memory_space<hbm>>)
    %add3A_641 = arith.constant 240 : i32
    %add3A_642 = arith.addi %mul3A_2, %add3A_641 : i32
    %dma_wait3A_643 = arith.constant 0 : i32
    %dma_wait3A_644 = arith.constant 0 : i32
    %dma_wait3A_645 = tpu.memref_slice %arg4[%dma_wait3A_643, %add3A_642, %dma_wait3A_644] : memref<4x8192x768xf32, #tpu.memory_space<hbm>> -> memref<1x16x768xf32, #tpu.memory_space<hbm>>
    %dma_wait3A_646 = tpu.memref_squeeze %dma_wait3A_645 : memref<1x16x768xf32, #tpu.memory_space<hbm>> -> memref<16x768xf32, #tpu.memory_space<hbm>>
    %dma_wait3A_647 = arith.constant 0 : i32
    %dma_wait3A_648 = tpu.memref_slice %arg4[%dma_wait3A_643, %add3A_642, %dma_wait3A_647] : memref<4x8192x768xf32, #tpu.memory_space<hbm>> -> memref<1x16x768xf32, #tpu.memory_space<hbm>>
    %dma_wait3A_649 = tpu.memref_squeeze %dma_wait3A_648 : memref<1x16x768xf32, #tpu.memory_space<hbm>> -> memref<16x768xf32, #tpu.memory_space<hbm>>
    tpu.wait_dma2 semaphore(%arg27 : memref<!tpu.dma_semaphore, #tpu.memory_space<semaphore_mem>>) src(%arg9 : memref<16x768xf32, #tpu.memory_space<vmem>>) dst(%dma_wait3A_649 : memref<16x768xf32, #tpu.memory_space<hbm>>)
    %add3A_650 = arith.constant 240 : i32
    %add3A_651 = arith.addi %mul3A_2, %add3A_650 : i32
    %dma_wait3A_652 = arith.constant 1 : i32
    %dma_wait3A_653 = arith.constant 0 : i32
    %dma_wait3A_654 = tpu.memref_slice %arg4[%dma_wait3A_652, %add3A_651, %dma_wait3A_653] : memref<4x8192x768xf32, #tpu.memory_space<hbm>> -> memref<1x16x768xf32, #tpu.memory_space<hbm>>
    %dma_wait3A_655 = tpu.memref_squeeze %dma_wait3A_654 : memref<1x16x768xf32, #tpu.memory_space<hbm>> -> memref<16x768xf32, #tpu.memory_space<hbm>>
    %dma_wait3A_656 = arith.constant 0 : i32
    %dma_wait3A_657 = tpu.memref_slice %arg4[%dma_wait3A_652, %add3A_651, %dma_wait3A_656] : memref<4x8192x768xf32, #tpu.memory_space<hbm>> -> memref<1x16x768xf32, #tpu.memory_space<hbm>>
    %dma_wait3A_658 = tpu.memref_squeeze %dma_wait3A_657 : memref<1x16x768xf32, #tpu.memory_space<hbm>> -> memref<16x768xf32, #tpu.memory_space<hbm>>
    tpu.wait_dma2 semaphore(%arg28 : memref<!tpu.dma_semaphore, #tpu.memory_space<semaphore_mem>>) src(%arg10 : memref<16x768xf32, #tpu.memory_space<vmem>>) dst(%dma_wait3A_658 : memref<16x768xf32, #tpu.memory_space<hbm>>)
    %add3A_659 = arith.constant 240 : i32
    %add3A_660 = arith.addi %mul3A_2, %add3A_659 : i32
    %dma_wait3A_661 = arith.constant 2 : i32
    %dma_wait3A_662 = arith.constant 0 : i32
    %dma_wait3A_663 = tpu.memref_slice %arg4[%dma_wait3A_661, %add3A_660, %dma_wait3A_662] : memref<4x8192x768xf32, #tpu.memory_space<hbm>> -> memref<1x16x768xf32, #tpu.memory_space<hbm>>
    %dma_wait3A_664 = tpu.memref_squeeze %dma_wait3A_663 : memref<1x16x768xf32, #tpu.memory_space<hbm>> -> memref<16x768xf32, #tpu.memory_space<hbm>>
    %dma_wait3A_665 = arith.constant 0 : i32
    %dma_wait3A_666 = tpu.memref_slice %arg4[%dma_wait3A_661, %add3A_660, %dma_wait3A_665] : memref<4x8192x768xf32, #tpu.memory_space<hbm>> -> memref<1x16x768xf32, #tpu.memory_space<hbm>>
    %dma_wait3A_667 = tpu.memref_squeeze %dma_wait3A_666 : memref<1x16x768xf32, #tpu.memory_space<hbm>> -> memref<16x768xf32, #tpu.memory_space<hbm>>
    tpu.wait_dma2 semaphore(%arg29 : memref<!tpu.dma_semaphore, #tpu.memory_space<semaphore_mem>>) src(%arg11 : memref<16x768xf32, #tpu.memory_space<vmem>>) dst(%dma_wait3A_667 : memref<16x768xf32, #tpu.memory_space<hbm>>)
    %add3A_668 = arith.constant 240 : i32
    %add3A_669 = arith.addi %mul3A_2, %add3A_668 : i32
    %dma_wait3A_670 = arith.constant 3 : i32
    %dma_wait3A_671 = arith.constant 0 : i32
    %dma_wait3A_672 = tpu.memref_slice %arg4[%dma_wait3A_670, %add3A_669, %dma_wait3A_671] : memref<4x8192x768xf32, #tpu.memory_space<hbm>> -> memref<1x16x768xf32, #tpu.memory_space<hbm>>
    %dma_wait3A_673 = tpu.memref_squeeze %dma_wait3A_672 : memref<1x16x768xf32, #tpu.memory_space<hbm>> -> memref<16x768xf32, #tpu.memory_space<hbm>>
    %dma_wait3A_674 = arith.constant 0 : i32
    %dma_wait3A_675 = tpu.memref_slice %arg4[%dma_wait3A_670, %add3A_669, %dma_wait3A_674] : memref<4x8192x768xf32, #tpu.memory_space<hbm>> -> memref<1x16x768xf32, #tpu.memory_space<hbm>>
    %dma_wait3A_676 = tpu.memref_squeeze %dma_wait3A_675 : memref<1x16x768xf32, #tpu.memory_space<hbm>> -> memref<16x768xf32, #tpu.memory_space<hbm>>
    tpu.wait_dma2 semaphore(%arg30 : memref<!tpu.dma_semaphore, #tpu.memory_space<semaphore_mem>>) src(%arg12 : memref<16x768xf32, #tpu.memory_space<vmem>>) dst(%dma_wait3A_676 : memref<16x768xf32, #tpu.memory_space<hbm>>)
    return
  }
}

</mosaic_0001>

<sc_bundles>
// kernel: _run.3.cloned.1.call-start
scs
__scs_entry_jumppad:
0x0: {  	(pc) =	sbr.rel $0x88, $3  }
0x1: {  	(tag) =	ssettag $0x0;
	lr =	simm.s32 $0x1  }
0x2: {  	[smem:$0x3F9F] =	sst lr;
	_ =	strace $0xD0000000  }
0x3: {  	_ = 	snop  }
0x4: {  	_ = 	snop  }
0x5: {  	_ = 	snop  }
0x6: {  	_ = 	snop  }
0x7: {  	_ = 	snop  }
__scs_overlays_trampoline_lowered:
0x8: {  	[smem:$0x3FAE] =	sst s0  }
0x9: {  	[smem:$0x3FAF] =	sst s1  }
0xa: {  	[smem:$0x3FB0] =	sst s2  }
0xb: {  	[smem:$0x3FB1] =	sst s3  }
0xc: {  	[smem:$0x3FB2] =	sst s4  }
0xd: {  	[smem:$0x3FB3] =	sst s5  }
0xe: {  	[smem:$0x3FB4] =	sst s6  }
0xf: {  	[smem:$0x3FB5] =	sst s7  }
0x10: {  	[smem:$0x3FB6] =	sst s8  }
0x11: {  	[smem:$0x3FB7] =	sst s9;
	s0 =	simm.s32 @!p0 $0x0  }
0x12: {  	s1 =	sld [smem:$0x3F9D];
	s0 =	simm.s32 @p0 $0x1  }
0x13: {  	[smem:$0x3FB8] =	sst s0;
	s0 =	simm.s32 @!p1 $0x0  }
0x14: {  	s2 =	sld [smem:$0x3F9C];
	s0 =	simm.s32 @p1 $0x1  }
0x15: {  	[smem:$0x3FB9] =	sst s0;
	s0 =	simm.s32 @!p2 $0x0  }
0x16: {  	s3 =	sld [smem:$0x3FDB];
	s0 =	simm.s32 @p2 $0x1  }
0x17: {  	s4 =	simm.s32 $0x1BF5;
	[smem:$0x3FBB] =	sst s0  }
0x18: {  	s0 =	sld [smem:$0x3F9E];
	_ =	swait.ge [sflag:s4], $0x0  }
0x19: {  	s7 =	sld [smem:$0x3F9F]  }
0x1a: {  	s8 =	sadd.s32 $0xFFFFE003, lr  }
0x1b: {  	s9 =	sadd.s32 $0xFFFFFEF7, lr;
	s5 =	simm.s32 $0xFFFFFFFF;
	p2 =	slt.u32 s8, $0xFFFFF086  }
0x1c: {  	p1 =	slt.u32 s9, $0xF7A;
	s5 =	simm.s32 @!p2 $0x0  }
0x1d: {  	s5 =	simm.s32 @p1 $0x1;
	p0 =	seq.s32 s7, s2  }
0x1e: {  	s7 =	smul.u32 @!p0 $0xF7A, s2;
	p2 =	seq.s32 @!p0 s5, $0x0  }
0x1f: {  	s9 =	smul.u32 $0xF7A, s1;
	s8 =	simm.s32 @!p0 $0x1BF5;
	p2 =	por !p2, p0  }
0x20: {  	[sflag:s8] =	ssyncset.s32 @!p0 $0xFFFFF086;
	s6 =	sadd.s32 @!p0 s3, s7;
	s7 =	simm.s32 @!p0 $0x108  }
0x21: {  	s3 =	sadd.s32 s3, s9;
	s6 =	sadd.s32 @!p0 $0x88, s6;
	s7 =	simm.s32 @p2 $0x1082  }
0x22: {  	[simem:s7], [sflag:s8] =	dma.local @!p0 [hbm:s6], $0xF7A  }
0x23: {  	s9 =	sor.u32 $0xD0000000, s2;
	s6 =	simm.s32 $0x108;
	_ =	swait.ge @!p0 [sflag:s8], $0x0  }
0x24: {  	s3 =	sadd.s32 $0x88, s3;
	s6 =	simm.s32 @!p1 $0x1082;
	[sflag:s4] =	ssyncset.s32 $0xFFFFF086  }
0x25: {  	[simem:s6], [sflag:s4] =	dma.local [hbm:s3], $0xF7A  }
0x26: {  	[smem:$0x3F9F] =	sst s1;
	(tag) =	ssettag s2;
	_ =	strace s9  }
0x27: {  	s1 =	sld [smem:$0x3FAF]  }
0x28: {  	s2 =	sld [smem:$0x3FB0]  }
0x29: {  	s4 =	sld [smem:$0x3FB2]  }
0x2a: {  	p0 =	seq.s32 s5, $0x0;
	s5 =	sld [smem:$0x3FB3]  }
0x2b: {  	s6 =	sld [smem:$0x3FB4]  }
0x2c: {  	s7 =	sld [smem:$0x3FB5]  }
0x2d: {  	s3 =	simm.s32 $0x108;
	s8 =	sld [smem:$0x3FB6]  }
0x2e: {  	s3 =	simm.s32 @!p0 $0x1082;
	s9 =	sld [smem:$0x3FB7]  }
0x2f: {  	lr =	sadd.s32 s0, s3;
	s0 =	sld [smem:$0x3FAE]  }
0x30: {  	s3 =	sld [smem:$0x3FB1]  }
0x31: {  	[smem:$0x3FBA] =	sst s10  }
0x32: {  	s10 =	sld [smem:$0x3FB8];
	_ =	sdelay $0x3  }
0x33: {  	p0 =	seq.s32 s10, $0x1;
	s10 =	sld [smem:$0x3FBA];
	_ =	sdelay $0x3  }
0x34: {  	[smem:$0x3FBA] =	sst s10  }
0x35: {  	s10 =	sld [smem:$0x3FB9];
	_ =	sdelay $0x3  }
0x36: {  	p1 =	seq.s32 s10, $0x1;
	s10 =	sld [smem:$0x3FBA];
	_ =	sdelay $0x3  }
0x37: {  	[smem:$0x3FBA] =	sst s10  }
0x38: {  	s10 =	sld [smem:$0x3FBB]  }
0x39: {  	_ = 	snop;
	(pc) =	sbr.ind lr, $3  }
0x3a: {  	_ = 	snop  }
0x3b: {  	_ = 	snop  }
0x3c: {  	p2 =	seq.s32 s10, $0x1;
	s10 =	sld [smem:$0x3FBA]  }
0x3d: {  	_ =	shalt  }
0x3e: {  	_ =	shalt  }
0x3f: {  	_ =	shalt  }
0x40: {  	_ =	shalt  }
0x41: {  	_ =	shalt  }
0x42: {  	_ =	shalt  }
0x43: {  	_ =	shalt  }
0x44: {  	_ =	shalt  }
0x45: {  	_ =	shalt  }
0x46: {  	_ =	shalt  }
0x47: {  	_ =	shalt  }
0x48: {  	_ =	shalt  }
0x49: {  	_ =	shalt  }
0x4a: {  	_ =	shalt  }
0x4b: {  	_ =	shalt  }
0x4c: {  	_ =	shalt  }
0x4d: {  	_ =	shalt  }
0x4e: {  	_ =	shalt  }
0x4f: {  	_ =	shalt  }
0x50: {  	_ =	shalt  }
0x51: {  	_ =	shalt  }
0x52: {  	_ =	shalt  }
0x53: {  	_ =	shalt  }
0x54: {  	_ =	shalt  }
0x55: {  	_ =	shalt  }
0x56: {  	_ =	shalt  }
0x57: {  	_ =	shalt  }
0x58: {  	_ =	shalt  }
0x59: {  	_ =	shalt  }
0x5a: {  	_ =	shalt  }
0x5b: {  	_ =	shalt  }
0x5c: {  	_ =	shalt  }
0x5d: {  	_ =	shalt  }
0x5e: {  	_ =	shalt  }
0x5f: {  	_ =	shalt  }
0x60: {  	_ =	shalt  }
0x61: {  	_ =	shalt  }
0x62: {  	_ =	shalt  }
0x63: {  	_ =	shalt  }
0x64: {  	_ =	shalt  }
0x65: {  	_ =	shalt  }
0x66: {  	_ =	shalt  }
0x67: {  	_ =	shalt  }
0x68: {  	_ =	shalt  }
0x69: {  	_ =	shalt  }
0x6a: {  	_ =	shalt  }
0x6b: {  	_ =	shalt  }
0x6c: {  	_ =	shalt  }
0x6d: {  	_ =	shalt  }
0x6e: {  	_ =	shalt  }
0x6f: {  	_ =	shalt  }
0x70: {  	_ =	shalt  }
0x71: {  	_ =	shalt  }
0x72: {  	_ =	shalt  }
0x73: {  	_ =	shalt  }
0x74: {  	_ =	shalt  }
0x75: {  	_ =	shalt  }
0x76: {  	_ =	shalt  }
0x77: {  	_ =	shalt  }
0x78: {  	_ =	shalt  }
0x79: {  	_ =	shalt  }
0x7a: {  	_ =	shalt  }
0x7b: {  	_ =	shalt  }
0x7c: {  	_ =	shalt  }
0x7d: {  	_ =	shalt  }
0x7e: {  	_ =	shalt  }
0x7f: {  	_ =	shalt  }
0x80: {  	_ =	shalt  }
0x81: {  	_ =	shalt  }
0x82: {  	_ =	shalt  }
0x83: {  	_ =	shalt  }
0x84: {  	_ =	shalt  }
0x85: {  	_ =	shalt  }
0x86: {  	_ =	shalt  }
0x87: {  	_ =	shalt  }
.Lfunc_end0:
.L_simem_size_0:
called_computation_lowered:
.L_overlay_start_0:
0x88: {  	s2 =	sld [smem:$0x3FD9]  }
0x89: {  	s3 =	sld [smem:$0x3FFE];
	_ =	sdelay $0x1  }
0x8a: {  	s1 =	srdreg.scid  }
0x8b: {  	s0 =	sand.u32 $0x1, s1  }
0x8c: {  	s18 =	sshll.u32 s0, $0xA;
	s2 =	sadd.s32 s3, s2  }
0x8d: {  	s2 =	sadd.s32 s2, s18  }
0x8e: {  	[smem:$0x3FC6] =	sst s2  }
0x8f: {  	_ = 	snop  }
0x90: {  	s2 =	sld [smem:$0x3FC9]  }
0x91: {  	s19 =	sld [smem:$0x3FC8]  }
0x92: {  	s4 =	sld [smem:$0x3FD0];
	(tm) =	ssettm $0x1  }
0x93: {  	s5 =	sld [smem:$0x3FFB];
	_ =	sdelay $0x3  }
0x94: {  	_ =	strace s5  }
0x95: {  	s5 =	sld [smem:$0x3FFC];
	_ =	sdelay $0x3  }
0x96: {  	_ =	strace s5  }
0x97: {  	s5 =	sld [smem:$0x3FFD];
	_ =	sdelay $0x3  }
0x98: {  	_ =	strace s5  }
0x99: {  	_ =	strace $0x8FFFFFFF  }
0x9a: {  	s20 =	sld [smem:$0x3FDB];
	_ =	sdelay $0x1  }
0x9b: {  	s6 =	simm.s32 $_scs_section_size  }
0x9c: {  	s7 =	simm.s32 $_size__tile_overlayer_lowered;
	s8 =	simm.s32 $_tile_overlayer_lowered  }
0x9d: {  	s23 =	simm.s32 $0x1BFF;
	s22 =	sshll.u32 s8, $0x1;
	s5 =	sadd.s32 s6, s20  }
0x9e: {  	s9 =	simm.s32 $0x0;
	s21 =	sshll.u32 s7, $0x1;
	s7 =	sadd.s32 s22, s5  }
0x9f: {  	[timem:s9], [sflag:s23] =	dma.local [hbm:s7], s21  }
0xa0: {  	_ =	swait.ge [sflag:s23], s21  }
0xa1: {  	s6 =	ssub.s32 $0x0, s21;
	[sflag:s23] =	ssyncset.done $0x0  }
0xa2: {  	[sflag:s23] =	ssyncadd.s32 s6;
	_ =	sdelay $0x1  }
0xa3: {  	s24 =	simm.s32 $0x1B8B  }
0xa4: {  	_ =	swait.ge [sflag:s24], $0x1  }
0xa5: {  	[sflag:s24] =	ssyncset.done $0x0  }
0xa6: {  	s25 =	simm.s32 $0x1B8E;
	[sflag:s24] =	ssyncadd.s32 $0xFFFFFFFF  }
0xa7: {  	s26 =	simm.s32 $execute0_lowered;
	[smem:$0x3FD2] =	sst s25  }
0xa8: {  	s6 =	sshll.u32 s26, $0x1;
	_ =	strace $0x80000046;
	[dreg:$0x1] =	wrdreg $0xFFFFFFFF  }
0xa9: {  	s28 =	simm.s32 $_size_execute0_lowered;
	s5 =	sadd.s32 s5, s6;
	[dreg:$0x0] =	wrdreg $0x0  }
0xaa: {  	s6 =	sshll.u32 s28, $0x1;
	[dreg:$0x2] =	wrdreg s5  }
0xab: {  	[dreg:$0x3] =	wrdreg s6  }
0xac: {  	[dreg:$0x4] =	wrdreg $0xC0  }
0xad: {  	_ =	task [dreg:s9], $0x5FFFF  }
0xae: {  	[dreg:$0x1] =	wrdreg $0xFFFFFFFF  }
0xaf: {  	[dreg:$0x0] =	wrdreg $0x60  }
0xb0: {  	[dreg:$0x2] =	wrdreg s2  }
0xb1: {  	[dreg:$0x3] =	wrdreg s19  }
0xb2: {  	[dreg:$0x4] =	wrdreg s4  }
0xb3: {  	[dreg:$0x5] =	wrdreg $0x9  }
0xb4: {  	_ =	task.clear_ibuf [dreg:s9], $0x6FFFF;
	_ =	strace $0x90000046  }
0xb5: {  	s29 =	simm.s32 $0x9;
	_ =	strace $0x80000048  }
0xb6: {  	_ =	swait.ge [sflag:s29], $0x1  }
0xb7: {  	[sflag:s29] =	ssyncadd.s32 $0xFFFFFFFF  }
0xb8: {  	_ =	strace $0x90000048  }
0xb9: {  	_ =	sfence  }
0xba: {  	s30 =	sld [smem:$0x0];
	_ =	sdelay $0x2  }
0xbb: {  	s31 =	sshll.u32 s1, $0xD;
	s1 =	sshrl.u32 s1, $0x2  }
0xbc: {  	s3 =	sand.u32 $0x4000, s31;
	s1 =	sadd.s32 s1, s30  }
0xbd: {  	s0 =	sor.u32 s3, s0;
	s1 =	sshll.u32 s1, $0x11  }
0xbe: {  	s0 =	sor.u32 s1, s0  }
0xbf: {  	s0 =	sadd.s32 $0x8F2B, s0  }
0xc0: {  	[sflag:s0] =	ssyncadd.remote.s32 $0x1  }
0xc1: {  	_ =	sfence.sel $0xFFFF  }
0xc2: {  	[dreg:$0x0] =	wrdreg $0xFFFFFFFF;
	(pc) =	sbr.abs _section_cstart, $3  }
0xc3: {  	[dreg:$0x1] =	wrdreg $0xFFFFFFFF  }
0xc4: {  	_ =	task.clear_ibuf [dreg:s9], $0x2FFFF;
	_ =	strace $0x9FFFFFFF  }
0xc5: {  	(tm) =	ssettm $0x7FFFFFFF  }
tec
execute0_lowered:
.L_overlay_start_1:
0x0: {  	(tag) =	ssettag $0x1  }
0x1: {  	s0 =	srdreg.scid  }
0x2: {  	s1 =	stileid.u32;
	s0 =	sand.u32 $0x1, s0  }
0x3: {  	s2 =	rddreg [dreg:$0x0];
	s1 =	sshll.u32 s1, $0x9;
	s3 =	sshll.u32 s0, $0x8  }
0x4: {  	s11 =	rddreg [dreg:$0x1];
	s10 =	sor.u32 s3, s1  }
0x5: {  	s25 =	simm.s32 $0x0;
	s0 =	ssub.s32 $0x2, s0;
	s1 =	sshrl.u32 s10, $0x3  }
0x6: {  	[smem:$0x7FF] =	sst s25;
	s9 =	sshrl.u32 s0, $0x1;
	s1 =	smul.u32 $0x1800, s1  }
0x7: {  	s5 =	rddreg [dreg:$0x2];
	_ =	strace $0x80000047;
	s0 =	ssub.s32 s0, s9  }
0x8: {  	[dreg:$0x1c] =	wrdreg s10;
	s0 =	smax.u32 s0, $0x1;
	s1 =	sshrl.u32 s1, $0x3  }
0x9: {  	[smem:$0x7F4] =	sst s0;
	s28 =	sadd.s32 s11, s1  }
0xa: {  	s29 =	sadd.s32 s2, s1;
	[smem:$0x7E9] =	sst s28  }
0xb: {  	s4 =	sor.u32 $0x600, s1;
	s31 =	sadd.s32 s5, s1;
	[smem:$0x7F6] =	sst s29  }
0xc: {  	s13 =	sadd.s32 $0xC0000, s1;
	s12 =	sadd.s32 s11, s4;
	[smem:$0x7FC] =	sst s31  }
0xd: {  	s14 =	sadd.s32 $0x180000, s1;
	s6 =	sadd.s32 s2, s13;
	[dreg:$0x1d] =	wrdreg s12  }
0xe: {  	s7 =	sadd.s32 $0x240000, s1;
	s8 =	sadd.s32 s2, s14;
	[dreg:$0x1e] =	wrdreg s6  }
0xf: {  	s15 =	sadd.s32 s2, s7;
	[dreg:$0x1f] =	wrdreg s8  }
0x10: {  	s16 =	sadd.s32 $0xC0600, s1;
	s9 =	sadd.s32 s2, s4;
	[smem:$0x7DB] =	sst s15  }
0x11: {  	s17 =	sadd.s32 s2, s16;
	[smem:$0x7DC] =	sst s9  }
0x12: {  	s18 =	sadd.s32 $0x180600, s1;
	s3 =	sadd.s32 s5, s13;
	[smem:$0x7DD] =	sst s17  }
0x13: {  	s20 =	sadd.s32 $0x240600, s1;
	s19 =	sadd.s32 s2, s18;
	[smem:$0x7DE] =	sst s3  }
0x14: {  	s21 =	sadd.s32 s2, s20;
	[smem:$0x7DF] =	sst s19  }
0x15: {  	s22 =	sor.u32 $0xC00, s1;
	s7 =	sadd.s32 s5, s7;
	[smem:$0x7E1] =	sst s21  }
0x16: {  	s23 =	sadd.s32 s11, s22;
	[smem:$0x7E2] =	sst s7  }
0x17: {  	s4 =	sadd.s32 s5, s4;
	[smem:$0x7E3] =	sst s23  }
0x18: {  	s24 =	sadd.s32 s5, s16;
	[smem:$0x7E5] =	sst s4  }
0x19: {  	s26 =	sadd.s32 s5, s18;
	[smem:$0x7E6] =	sst s24  }
0x1a: {  	s28 =	sadd.s32 $0x185400, s31;
	[smem:$0x7E7] =	sst s26  }
0x1b: {  	s6 =	sadd.s32 s5, s14;
	[smem:$0x7FA] =	sst s28  }
0x1c: {  	s13 =	sadd.s32 $0x185A00, s1;
	s3 =	sadd.s32 s5, s20;
	[smem:$0x7E0] =	sst s6  }
0x1d: {  	s18 =	sadd.s32 s2, s13;
	[smem:$0x7E8] =	sst s3  }
0x1e: {  	s19 =	sadd.s32 s5, s13;
	[smem:$0x7EF] =	sst s18  }
0x1f: {  	s21 =	sadd.s32 $0xC0C00, s29;
	[smem:$0x7F0] =	sst s19  }
0x20: {  	s23 =	sadd.s32 $0x240C00, s29;
	[smem:$0x7F3] =	sst s21  }
0x21: {  	s24 =	sor.u32 $0x20, s10;
	[smem:$0x7F7] =	sst s23  }
0x22: {  	s26 =	sadd.s32 $0x5400, s31;
	[smem:$0x7F8] =	sst s24  }
0x23: {  	s12 =	sadd.s32 $0xC5A00, s1;
	s6 =	sadd.s32 s2, s22;
	[smem:$0x7F9] =	sst s26  }
0x24: {  	s16 =	sadd.s32 s2, s12;
	[smem:$0x7E4] =	sst s6  }
0x25: {  	s17 =	sadd.s32 s5, s12;
	[smem:$0x7ED] =	sst s16  }
0x26: {  	s22 =	sadd.s32 $0x180C00, s29;
	[smem:$0x7EE] =	sst s17  }
0x27: {  	s29 =	sadd.s32 $0xC5400, s31;
	[smem:$0x7F5] =	sst s22  }
0x28: {  	s31 =	sadd.s32 $0x245400, s31;
	s6 =	sadd.s32 $0x5A00, s1;
	[smem:$0x7FB] =	sst s29  }
0x29: {  	[smem:$0x7FD] =	sst s31;
	s14 =	sadd.s32 s11, s6  }
0x2a: {  	s30 =	simm.s32 $0xC000;
	s15 =	sadd.s32 s2, s6;
	[smem:$0x7EA] =	sst s14  }
0x2b: {  	s1 =	sadd.s32 $0x245A00, s1;
	s3 =	sadd.s32 s5, s6;
	[smem:$0x7EB] =	sst s15  }
0x2c: {  	s26 =	simm.s32 $0xE;
	s20 =	sadd.s32 s2, s1;
	[smem:$0x7EC] =	sst s3  }
0x2d: {  	s19 =	simm.s32 $0xF;
	s1 =	sadd.s32 s5, s1;
	[smem:$0x7F1] =	sst s20  }
0x2e: {  	[smem:$0x7F2] =	sst s1;
	s20 =	simm.s32 $0x10;
	s1 =	simm.s32 $0x0  }
.LBB2_1:
0x2f: {  	s0 =	sld [smem:$0x7E9];
	_ =	sdelay $0x1  }
0x30: {  	s13 =	simm.s32 $0x18000;
	s14 =	rddreg [dreg:$0x1d]  }
0x31: {  	[tilespmem:s13], [sflag:$0x11] =	stream.linear.gather [hbm4b:s0+s25], $0x3000, $0x38;
	[tilespmem:$0x1E000] =	vst v63  }
0x32: {  	s15 =	simm.s32 $0x1B000;
	s16 =	sld [smem:$0x7F6]  }
0x33: {  	[tilespmem:s15], [sflag:$0x12] =	stream.linear.gather [hbm4b:s14+s25], $0x3000, $0x38;
	[tilespmem:$0x1E000] =	vst v63  }
0x34: {  	s17 =	rddreg [dreg:$0x1e]  }
0x35: {  	[tilespmem:s25], [sflag:$0x1] =	stream.linear.gather [hbm4b:s16+s25], $0x3000, $0x38;
	[tilespmem:$0x1E000] =	vst v63  }
0x36: {  	s18 =	simm.s32 $0x3000;
	s21 =	rddreg [dreg:$0x1f]  }
0x37: {  	[tilespmem:s18], [sflag:$0x2] =	stream.linear.gather [hbm4b:s17+s25], $0x3000, $0x38;
	[tilespmem:$0x1E000] =	vst v63  }
0x38: {  	s22 =	simm.s32 $0x6000;
	s23 =	sld [smem:$0x7DB]  }
0x39: {  	[tilespmem:s22], [sflag:$0x3] =	stream.linear.gather [hbm4b:s21+s25], $0x3000, $0x38;
	[tilespmem:$0x1E000] =	vst v63  }
0x3a: {  	[smem:$0x7DA] =	sst s1;
	s24 =	simm.s32 $0x9000;
	s28 =	simm.s32 $0x11  }
0x3b: {  	[tilespmem:s24], [sflag:$0x4] =	stream.linear.gather [hbm4b:s23+s25], $0x3000, $0x38;
	[tilespmem:$0x1E000] =	vst v63  }
0x3c: {  	_ =	swait.ge [sflag:s28], $0x3000  }
0x3d: {  	[sflag:s28] =	ssyncset.done $0x0  }
0x3e: {  	s29 =	simm.s32 $0x1;
	[sflag:s28] =	ssyncadd.s32 $0xFFFFD000  }
0x3f: {  	_ =	swait.ge [sflag:s29], $0x3000  }
0x40: {  	s31 =	sld [smem:$0x7DC]  }
0x41: {  	[sflag:s29] =	ssyncset.done $0x0  }
0x42: {  	s12 =	simm.s32 $0xC000;
	s3 =	simm.s32 $0x0;
	[sflag:s29] =	ssyncadd.s32 $0xFFFFD000  }
0x43: {  	[tilespmem:s30], [sflag:$0x5] =	stream.linear.gather [hbm4b:s31+s25], $0x3000, $0x38;
	[tilespmem:$0x1E000] =	vst v63  }
.LBB2_2:
0x44: {  	s0 =	sshll.u32 s3, $0x7;
	s1 =	sshrl.u32 s3, $0x3  }
0x45: {  	s8 =	simm.s32 $0x0;
	s7 =	simm.s32 $0x20;
	s10 =	simm.s32 $0x30  }
0x46: {  	s14 =	simm.s32 $0x50;
	s29 =	simm.s32 $0x100;
	s22 =	simm.s32 $0x200  }
0x47: {  	s23 =	simm.s32 $0x180;
	s24 =	simm.s32 $0x40;
	s4 =	sand.u32 $0x380, s0  }
0x48: {  	s6 =	smul.u32 $0x1800, s1;
	s9 =	sand.u32 $0x60, s8;
	s7 =	sand.u32 $0x60, s7  }
0x49: {  	s10 =	sand.u32 $0x70, s10;
	s14 =	sand.u32 $0x70, s14;
	s22 =	sand.u32 $0x3C00, s22  }
0x4a: {  	s24 =	sand.u32 $0x60, s24;
	s23 =	sand.u32 $0x3C00, s23;
	s0 =	sor.u32 $0x10, s4  }
0x4b: {  	s21 =	sor.u32 s4, s9;
	[dreg:$0x4] =	wrdreg s0;
	s0 =	simm.s32 $0x280  }
0x4c: {  	s22 =	sadd.s32 s6, s22;
	s23 =	sadd.s32 s6, s23;
	s28 =	rddreg [dreg:$0x4]  }
0x4d: {  	s22 =	sor.u32 s24, s22;
	s1 =	sor.u32 s28, s9;
	s28 =	simm.s32 $0x0  }
0x4e: {  	s30 =	sand.u32 $0x3C00, s0;
	s9 =	sand.u32 $0x3C00, s29;
	s28 =	sand.u32 $0x1C00, s28  }
0x4f: {  	s29 =	sadd.s32 s6, s9;
	s9 =	sor.u32 s4, s22;
	s28 =	sadd.s32 s6, s28  }
0x50: {  	s24 =	sadd.s32 s6, s30;
	s31 =	sor.u32 s7, s29;
	v2 =	vld [tilespmem:s9+$0x18000];
	s7 =	sor.u32 s28, s1  }
0x51: {  	s10 =	sor.u32 s10, s23;
	s14 =	sor.u32 s14, s24;
	s1 =	sor.u32 s4, s31;
	v0 =	vld [tilespmem:s7+$0x18000]  }
0x52: {  	s22 =	sor.u32 s4, s10;
	s14 =	sor.u32 s4, s14;
	s21 =	sor.u32 s28, s21;
	v1 =	vld [tilespmem:s1+$0x18000]  }
.LBB2_3:
0x53: {  	s10 =	rddreg [dreg:$0x4];
	s23 =	sadd.s32 $0x80, s8  }
0x54: {  	s18 =	smov.u32 s8;
	s8 =	sadd.s32 $0x60, s8;
	s0 =	sadd.s32 $0x300, s0  }
0x55: {  	v3 =	vld [tilespmem:s21+$0x18000];
	s24 =	sand.u32 $0x60, s8;
	s28 =	sadd.s32 $0x90, s18;
	s29 =	sadd.s32 $0xB0, s18  }
0x56: {  	v4 =	vld [tilespmem:s14+$0x18000];
	s23 =	sand.u32 $0x60, s23;
	s13 =	sadd.s32 $0xFFFFFE80, s0;
	s31 =	sadd.s32 $0xFFFFFF00, s0  }
0x57: {  	s11 =	sadd.s32 $0xFFFFFF80, s0;
	s17 =	sadd.s32 $0xFFFFFD80, s0;
	p0 =	slt.u32 s8, $0x2A0;
	[tilespmem:s9+$0x0] =	vst.add.f32.msk $0xffff, v2  }
0x58: {  	s28 =	sand.u32 $0x70, s28;
	s29 =	sand.u32 $0x70, s29;
	s30 =	sor.u32 s4, s24;
	v2 =	vld [tilespmem:s22+$0x18000]  }
0x59: {  	s10 =	sor.u32 s10, s24;
	s15 =	sand.u32 $0x3C00, s13;
	s11 =	sand.u32 $0x3C00, s11;
	[tilespmem:s7+$0x0] =	vst.add.f32.msk $0xffff, v0  }
0x5a: {  	s16 =	sand.u32 $0x3C00, s31;
	s11 =	sadd.s32 s6, s11;
	s9 =	sadd.s32 $0xA0, s18;
	[tilespmem:s1+$0x0] =	vst.add.f32.msk $0xffff, v1  }
0x5b: {  	s18 =	sand.u32 $0x3C00, s0;
	s7 =	sadd.s32 s6, s15;
	s9 =	sand.u32 $0x60, s9;
	[tilespmem:s21+$0x0] =	vst.add.f32.msk $0xffff, v3  }
.Ltmp0:
0x5c: {  	[tilespmem:s14+$0x0] =	vst.add.f32.msk $0xffff, v4;
	s21 =	sand.u32 $0x1C00, s17;
	s9 =	sor.u32 s9, s11;
	(pc) =	sbr.rel @p0 .LBB2_3-.Ltmp0, $4  }
0x5d: {  	s1 =	sadd.s32 s6, s16;
	s24 =	sadd.s32 s6, s21;
	s9 =	sor.u32 s4, s9;
	[tilespmem:s22+$0x0] =	vst.add.f32.msk $0xffff, v2  }
0x5e: {  	s22 =	sor.u32 s23, s7;
	v2 =	vld [tilespmem:s9+$0x18000];
	s23 =	sadd.s32 s6, s18;
	s7 =	sor.u32 s24, s10  }
0x5f: {  	s28 =	sor.u32 s28, s1;
	s31 =	sor.u32 s29, s23;
	s1 =	sor.u32 s4, s22;
	v0 =	vld [tilespmem:s7+$0x18000]  }
0x60: {  	s21 =	sor.u32 s24, s30;
	s22 =	sor.u32 s4, s28;
	s14 =	sor.u32 s4, s31;
	v1 =	vld [tilespmem:s1+$0x18000]  }
0x61: {  	v63 =	vld [tilespmem:s22+$0x18000]  }
0x62: {  	v3 =	vld [tilespmem:s21+$0x18000]  }
0x63: {  	v4 =	vld [tilespmem:s14+$0x18000];
	s3 =	sadd.s32 $0x1, s3  }
0x64: {  	p0 =	sne.s32 s3, $0x10;
	[tilespmem:s9+$0x0] =	vst.add.f32.msk $0xffff, v2  }
.Ltmp1:
0x65: {  	[tilespmem:s7+$0x0] =	vst.add.f32.msk $0xffff, v0;
	(pc) =	sbr.rel @p0 .LBB2_2-.Ltmp1, $4  }
0x66: {  	[tilespmem:s1+$0x0] =	vst.add.f32.msk $0xffff, v1  }
0x67: {  	[tilespmem:s22+$0x0] =	vst.add.f32.msk $0xffff, v63  }
0x68: {  	[tilespmem:s21+$0x0] =	vst.add.f32.msk $0xffff, v3  }
0x69: {  	[tilespmem:s14+$0x0] =	vst.add.f32.msk $0xffff, v4  }
0x6a: {  	s0 =	sld [smem:$0x7FC];
	_ =	sdelay $0x1  }
0x6b: {  	s3 =	simm.s32 $0x0;
	s30 =	simm.s32 $0x2  }
0x6c: {  	[hbm4b:s0+s3] =	stream.linear.scatter [tilespmem:s3], [sflag:$0x9], $0x3000, $0x38;
	[tilespmem:$0x1E000] =	vst v63  }
0x6d: {  	_ =	swait.ge [sflag:s30], $0x3000  }
0x6e: {  	s31 =	sld [smem:$0x7DD]  }
0x6f: {  	[sflag:s30] =	ssyncset.done $0x0  }
0x70: {  	s1 =	simm.s32 $0xF000;
	[sflag:s30] =	ssyncadd.s32 $0xFFFFD000  }
0x71: {  	[tilespmem:s1], [sflag:$0x6] =	stream.linear.gather [hbm4b:s31+s3], $0x3000, $0x38;
	[tilespmem:$0x1E000] =	vst v63  }
.LBB2_6:
0x72: {  	s0 =	sshll.u32 s3, $0x7;
	s1 =	sshrl.u32 s3, $0x3  }
0x73: {  	s8 =	simm.s32 $0x0;
	s7 =	simm.s32 $0x20;
	s10 =	simm.s32 $0x30  }
0x74: {  	s11 =	simm.s32 $0x50;
	s28 =	simm.s32 $0x100;
	s21 =	simm.s32 $0x200  }
0x75: {  	s22 =	simm.s32 $0x180;
	s23 =	simm.s32 $0x40;
	s4 =	sand.u32 $0x380, s0  }
0x76: {  	s6 =	smul.u32 $0x1800, s1;
	s9 =	sand.u32 $0x60, s8;
	s7 =	sand.u32 $0x60, s7  }
0x77: {  	s10 =	sand.u32 $0x70, s10;
	s11 =	sand.u32 $0x70, s11;
	s21 =	sand.u32 $0x3C00, s21  }
0x78: {  	s23 =	sand.u32 $0x60, s23;
	s22 =	sand.u32 $0x3C00, s22;
	s0 =	sor.u32 $0x10, s4  }
0x79: {  	s14 =	sor.u32 s4, s9;
	[dreg:$0x5] =	wrdreg s0;
	s0 =	simm.s32 $0x280  }
0x7a: {  	s21 =	sadd.s32 s6, s21;
	s22 =	sadd.s32 s6, s22;
	s24 =	rddreg [dreg:$0x5]  }
0x7b: {  	s21 =	sor.u32 s23, s21;
	s1 =	sor.u32 s24, s9;
	s24 =	simm.s32 $0x0  }
0x7c: {  	s29 =	sand.u32 $0x3C00, s0;
	s9 =	sand.u32 $0x3C00, s28;
	s24 =	sand.u32 $0x1C00, s24  }
0x7d: {  	s28 =	sadd.s32 s6, s9;
	s9 =	sor.u32 s4, s21;
	s30 =	sadd.s32 s6, s24  }
0x7e: {  	s23 =	sadd.s32 s6, s29;
	s31 =	sor.u32 s7, s28;
	v2 =	vld [tilespmem:s9+$0x18000];
	s7 =	sor.u32 s30, s1  }
0x7f: {  	s10 =	sor.u32 s10, s22;
	s11 =	sor.u32 s11, s23;
	s1 =	sor.u32 s4, s31;
	v0 =	vld [tilespmem:s7+$0x18000]  }
0x80: {  	s22 =	sor.u32 s4, s10;
	s21 =	sor.u32 s30, s14;
	s14 =	sor.u32 s4, s11;
	v1 =	vld [tilespmem:s1+$0x18000]  }
.LBB2_7:
0x81: {  	s11 =	sadd.s32 $0x80, s8;
	s17 =	smov.u32 s8;
	s8 =	sadd.s32 $0x60, s8  }
0x82: {  	s10 =	rddreg [dreg:$0x5];
	s0 =	sadd.s32 $0x300, s0;
	s23 =	sand.u32 $0x60, s8  }
0x83: {  	v3 =	vld [tilespmem:s21+$0x18000];
	s24 =	sadd.s32 $0x90, s17;
	s28 =	sadd.s32 $0xB0, s17;
	s11 =	sand.u32 $0x60, s11  }
0x84: {  	v4 =	vld [tilespmem:s14+$0x18000];
	s18 =	sadd.s32 $0xFFFFFE80, s0;
	s30 =	sadd.s32 $0xFFFFFF00, s0;
	s31 =	sadd.s32 $0xFFFFFF80, s0  }
0x85: {  	p0 =	slt.u32 s8, $0x2A0;
	s24 =	sand.u32 $0x70, s24;
	s28 =	sand.u32 $0x70, s28;
	[tilespmem:s9+$0x3000] =	vst.add.f32.msk $0xffff, v2  }
0x86: {  	s29 =	sor.u32 s4, s23;
	s10 =	sor.u32 s10, s23;
	s13 =	sand.u32 $0x3C00, s18;
	v2 =	vld [tilespmem:s22+$0x18000]  }
0x87: {  	s15 =	sand.u32 $0x3C00, s31;
	s16 =	sand.u32 $0x3C00, s30;
	s18 =	sand.u32 $0x3C00, s0;
	[tilespmem:s7+$0x3000] =	vst.add.f32.msk $0xffff, v0  }
0x88: {  	s23 =	sadd.s32 s6, s15;
	s9 =	sadd.s32 $0xA0, s17;
	[tilespmem:s1+$0x3000] =	vst.add.f32.msk $0xffff, v1;
	s17 =	sadd.s32 $0xFFFFFD80, s0  }
0x89: {  	s7 =	sadd.s32 s6, s13;
	s1 =	sadd.s32 s6, s16;
	s9 =	sand.u32 $0x60, s9;
	[tilespmem:s21+$0x3000] =	vst.add.f32.msk $0xffff, v3  }
.Ltmp2:
0x8a: {  	[tilespmem:s14+$0x3000] =	vst.add.f32.msk $0xffff, v4;
	s11 =	sor.u32 s11, s7;
	s31 =	sor.u32 s24, s1;
	(pc) =	sbr.rel @p0 .LBB2_7-.Ltmp2, $4  }
0x8b: {  	s9 =	sor.u32 s9, s23;
	s1 =	sor.u32 s4, s11;
	[tilespmem:s22+$0x3000] =	vst.add.f32.msk $0xffff, v2;
	s22 =	sand.u32 $0x1C00, s17  }
0x8c: {  	s30 =	sadd.s32 s6, s18;
	s9 =	sor.u32 s4, s9;
	v1 =	vld [tilespmem:s1+$0x18000];
	s14 =	sadd.s32 s6, s22  }
0x8d: {  	s23 =	sor.u32 s28, s30;
	v2 =	vld [tilespmem:s9+$0x18000];
	s7 =	sor.u32 s14, s10  }
0x8e: {  	s22 =	sor.u32 s4, s31;
	s21 =	sor.u32 s14, s29;
	s14 =	sor.u32 s4, s23;
	v0 =	vld [tilespmem:s7+$0x18000]  }
0x8f: {  	v63 =	vld [tilespmem:s22+$0x18000]  }
0x90: {  	v3 =	vld [tilespmem:s21+$0x18000]  }
0x91: {  	v4 =	vld [tilespmem:s14+$0x18000];
	s3 =	sadd.s32 $0x1, s3  }
0x92: {  	p0 =	sne.s32 s3, $0x10;
	[tilespmem:s1+$0x3000] =	vst.add.f32.msk $0xffff, v1  }
.Ltmp3:
0x93: {  	[tilespmem:s9+$0x3000] =	vst.add.f32.msk $0xffff, v2;
	(pc) =	sbr.rel @p0 .LBB2_6-.Ltmp3, $4  }
0x94: {  	[tilespmem:s7+$0x3000] =	vst.add.f32.msk $0xffff, v0  }
0x95: {  	[tilespmem:s22+$0x3000] =	vst.add.f32.msk $0xffff, v63  }
0x96: {  	[tilespmem:s21+$0x3000] =	vst.add.f32.msk $0xffff, v3  }
0x97: {  	[tilespmem:s14+$0x3000] =	vst.add.f32.msk $0xffff, v4  }
0x98: {  	s0 =	sld [smem:$0x7DE];
	_ =	sdelay $0x1  }
0x99: {  	s3 =	simm.s32 $0x0;
	s1 =	simm.s32 $0x3000;
	s29 =	simm.s32 $0x3  }
0x9a: {  	[hbm4b:s0+s3] =	stream.linear.scatter [tilespmem:s1], [sflag:$0xA], $0x3000, $0x38;
	[tilespmem:$0x1E000] =	vst v63  }
0x9b: {  	_ =	swait.ge [sflag:s29], $0x3000  }
0x9c: {  	s30 =	sld [smem:$0x7DF]  }
0x9d: {  	[sflag:s29] =	ssyncset.done $0x0  }
0x9e: {  	s31 =	simm.s32 $0x12000;
	[sflag:s29] =	ssyncadd.s32 $0xFFFFD000  }
0x9f: {  	[tilespmem:s31], [sflag:$0x7] =	stream.linear.gather [hbm4b:s30+s3], $0x3000, $0x38;
	[tilespmem:$0x1E000] =	vst v63  }
.LBB2_10:
0xa0: {  	s0 =	sshll.u32 s3, $0x7;
	s1 =	sshrl.u32 s3, $0x3  }
0xa1: {  	s8 =	simm.s32 $0x0;
	s7 =	simm.s32 $0x20;
	s10 =	simm.s32 $0x30  }
0xa2: {  	s11 =	simm.s32 $0x50;
	s28 =	simm.s32 $0x100;
	s21 =	simm.s32 $0x200  }
0xa3: {  	s22 =	simm.s32 $0x180;
	s23 =	simm.s32 $0x40;
	s4 =	sand.u32 $0x380, s0  }
0xa4: {  	s6 =	smul.u32 $0x1800, s1;
	s9 =	sand.u32 $0x60, s8;
	s7 =	sand.u32 $0x60, s7  }
0xa5: {  	s10 =	sand.u32 $0x70, s10;
	s11 =	sand.u32 $0x70, s11;
	s21 =	sand.u32 $0x3C00, s21  }
0xa6: {  	s23 =	sand.u32 $0x60, s23;
	s22 =	sand.u32 $0x3C00, s22;
	s0 =	sor.u32 $0x10, s4  }
0xa7: {  	s14 =	sor.u32 s4, s9;
	[dreg:$0x6] =	wrdreg s0;
	s0 =	simm.s32 $0x280  }
0xa8: {  	s21 =	sadd.s32 s6, s21;
	s22 =	sadd.s32 s6, s22;
	s24 =	rddreg [dreg:$0x6]  }
0xa9: {  	s21 =	sor.u32 s23, s21;
	s1 =	sor.u32 s24, s9;
	s24 =	simm.s32 $0x0  }
0xaa: {  	s29 =	sand.u32 $0x3C00, s0;
	s9 =	sand.u32 $0x3C00, s28;
	s24 =	sand.u32 $0x1C00, s24  }
0xab: {  	s28 =	sadd.s32 s6, s9;
	s9 =	sor.u32 s4, s21;
	s30 =	sadd.s32 s6, s24  }
0xac: {  	s23 =	sadd.s32 s6, s29;
	s31 =	sor.u32 s7, s28;
	v2 =	vld [tilespmem:s9+$0x18000];
	s7 =	sor.u32 s30, s1  }
0xad: {  	s10 =	sor.u32 s10, s22;
	s11 =	sor.u32 s11, s23;
	s1 =	sor.u32 s4, s31;
	v0 =	vld [tilespmem:s7+$0x18000]  }
0xae: {  	s22 =	sor.u32 s4, s10;
	s21 =	sor.u32 s30, s14;
	s14 =	sor.u32 s4, s11;
	v1 =	vld [tilespmem:s1+$0x18000]  }
.LBB2_11:
0xaf: {  	s11 =	sadd.s32 $0x80, s8;
	s17 =	smov.u32 s8;
	s8 =	sadd.s32 $0x60, s8  }
0xb0: {  	s10 =	rddreg [dreg:$0x6];
	s0 =	sadd.s32 $0x300, s0;
	s23 =	sand.u32 $0x60, s8  }
0xb1: {  	v3 =	vld [tilespmem:s21+$0x18000];
	s24 =	sadd.s32 $0x90, s17;
	s28 =	sadd.s32 $0xB0, s17;
	s11 =	sand.u32 $0x60, s11  }
0xb2: {  	v4 =	vld [tilespmem:s14+$0x18000];
	s18 =	sadd.s32 $0xFFFFFE80, s0;
	s30 =	sadd.s32 $0xFFFFFF00, s0;
	s31 =	sadd.s32 $0xFFFFFF80, s0  }
0xb3: {  	p0 =	slt.u32 s8, $0x2A0;
	s24 =	sand.u32 $0x70, s24;
	s28 =	sand.u32 $0x70, s28;
	[tilespmem:s9+$0x6000] =	vst.add.f32.msk $0xffff, v2  }
0xb4: {  	s29 =	sor.u32 s4, s23;
	s10 =	sor.u32 s10, s23;
	s13 =	sand.u32 $0x3C00, s18;
	v2 =	vld [tilespmem:s22+$0x18000]  }
0xb5: {  	s15 =	sand.u32 $0x3C00, s31;
	s16 =	sand.u32 $0x3C00, s30;
	s18 =	sand.u32 $0x3C00, s0;
	[tilespmem:s7+$0x6000] =	vst.add.f32.msk $0xffff, v0  }
0xb6: {  	s23 =	sadd.s32 s6, s15;
	s9 =	sadd.s32 $0xA0, s17;
	[tilespmem:s1+$0x6000] =	vst.add.f32.msk $0xffff, v1;
	s17 =	sadd.s32 $0xFFFFFD80, s0  }
0xb7: {  	s7 =	sadd.s32 s6, s13;
	s1 =	sadd.s32 s6, s16;
	s9 =	sand.u32 $0x60, s9;
	[tilespmem:s21+$0x6000] =	vst.add.f32.msk $0xffff, v3  }
.Ltmp4:
0xb8: {  	[tilespmem:s14+$0x6000] =	vst.add.f32.msk $0xffff, v4;
	s11 =	sor.u32 s11, s7;
	s31 =	sor.u32 s24, s1;
	(pc) =	sbr.rel @p0 .LBB2_11-.Ltmp4, $4  }
0xb9: {  	s9 =	sor.u32 s9, s23;
	s1 =	sor.u32 s4, s11;
	[tilespmem:s22+$0x6000] =	vst.add.f32.msk $0xffff, v2;
	s22 =	sand.u32 $0x1C00, s17  }
0xba: {  	s30 =	sadd.s32 s6, s18;
	s9 =	sor.u32 s4, s9;
	v1 =	vld [tilespmem:s1+$0x18000];
	s14 =	sadd.s32 s6, s22  }
0xbb: {  	s23 =	sor.u32 s28, s30;
	v2 =	vld [tilespmem:s9+$0x18000];
	s7 =	sor.u32 s14, s10  }
0xbc: {  	s22 =	sor.u32 s4, s31;
	s21 =	sor.u32 s14, s29;
	s14 =	sor.u32 s4, s23;
	v0 =	vld [tilespmem:s7+$0x18000]  }
0xbd: {  	v63 =	vld [tilespmem:s22+$0x18000]  }
0xbe: {  	v3 =	vld [tilespmem:s21+$0x18000]  }
0xbf: {  	v4 =	vld [tilespmem:s14+$0x18000];
	s3 =	sadd.s32 $0x1, s3  }
0xc0: {  	p0 =	sne.s32 s3, $0x10;
	[tilespmem:s1+$0x6000] =	vst.add.f32.msk $0xffff, v1  }
.Ltmp5:
0xc1: {  	[tilespmem:s9+$0x6000] =	vst.add.f32.msk $0xffff, v2;
	(pc) =	sbr.rel @p0 .LBB2_10-.Ltmp5, $4  }
0xc2: {  	[tilespmem:s7+$0x6000] =	vst.add.f32.msk $0xffff, v0  }
0xc3: {  	[tilespmem:s22+$0x6000] =	vst.add.f32.msk $0xffff, v63  }
0xc4: {  	[tilespmem:s21+$0x6000] =	vst.add.f32.msk $0xffff, v3  }
0xc5: {  	[tilespmem:s14+$0x6000] =	vst.add.f32.msk $0xffff, v4  }
0xc6: {  	s0 =	sld [smem:$0x7E0];
	_ =	sdelay $0x1  }
0xc7: {  	s3 =	simm.s32 $0x0;
	s1 =	simm.s32 $0x6000;
	s29 =	simm.s32 $0x4  }
0xc8: {  	[hbm4b:s0+s3] =	stream.linear.scatter [tilespmem:s1], [sflag:$0xB], $0x3000, $0x38;
	[tilespmem:$0x1E000] =	vst v63  }
0xc9: {  	_ =	swait.ge [sflag:s29], $0x3000  }
0xca: {  	s30 =	sld [smem:$0x7E1]  }
0xcb: {  	[sflag:s29] =	ssyncset.done $0x0  }
0xcc: {  	s31 =	simm.s32 $0x15000;
	[sflag:s29] =	ssyncadd.s32 $0xFFFFD000  }
0xcd: {  	[tilespmem:s31], [sflag:$0x8] =	stream.linear.gather [hbm4b:s30+s3], $0x3000, $0x38;
	[tilespmem:$0x1E000] =	vst v63  }
.LBB2_14:
0xce: {  	s0 =	sshll.u32 s3, $0x7;
	s1 =	sshrl.u32 s3, $0x3  }
0xcf: {  	s8 =	simm.s32 $0x0;
	s7 =	simm.s32 $0x20;
	s10 =	simm.s32 $0x30  }
0xd0: {  	s11 =	simm.s32 $0x50;
	s28 =	simm.s32 $0x100;
	s21 =	simm.s32 $0x200  }
0xd1: {  	s22 =	simm.s32 $0x180;
	s23 =	simm.s32 $0x40;
	s4 =	sand.u32 $0x380, s0  }
0xd2: {  	s6 =	smul.u32 $0x1800, s1;
	s9 =	sand.u32 $0x60, s8;
	s7 =	sand.u32 $0x60, s7  }
0xd3: {  	s10 =	sand.u32 $0x70, s10;
	s11 =	sand.u32 $0x70, s11;
	s21 =	sand.u32 $0x3C00, s21  }
0xd4: {  	s23 =	sand.u32 $0x60, s23;
	s22 =	sand.u32 $0x3C00, s22;
	s0 =	sor.u32 $0x10, s4  }
0xd5: {  	s14 =	sor.u32 s4, s9;
	[dreg:$0x7] =	wrdreg s0;
	s0 =	simm.s32 $0x280  }
0xd6: {  	s21 =	sadd.s32 s6, s21;
	s22 =	sadd.s32 s6, s22;
	s24 =	rddreg [dreg:$0x7]  }
0xd7: {  	s21 =	sor.u32 s23, s21;
	s1 =	sor.u32 s24, s9;
	s24 =	simm.s32 $0x0  }
0xd8: {  	s29 =	sand.u32 $0x3C00, s0;
	s9 =	sand.u32 $0x3C00, s28;
	s24 =	sand.u32 $0x1C00, s24  }
0xd9: {  	s28 =	sadd.s32 s6, s9;
	s9 =	sor.u32 s4, s21;
	s30 =	sadd.s32 s6, s24  }
0xda: {  	s23 =	sadd.s32 s6, s29;
	s31 =	sor.u32 s7, s28;
	v2 =	vld [tilespmem:s9+$0x18000];
	s7 =	sor.u32 s30, s1  }
0xdb: {  	s10 =	sor.u32 s10, s22;
	s11 =	sor.u32 s11, s23;
	s1 =	sor.u32 s4, s31;
	v0 =	vld [tilespmem:s7+$0x18000]  }
0xdc: {  	s22 =	sor.u32 s4, s10;
	s21 =	sor.u32 s30, s14;
	s14 =	sor.u32 s4, s11;
	v1 =	vld [tilespmem:s1+$0x18000]  }
.LBB2_15:
0xdd: {  	s11 =	sadd.s32 $0x80, s8;
	s17 =	smov.u32 s8;
	s8 =	sadd.s32 $0x60, s8  }
0xde: {  	s10 =	rddreg [dreg:$0x7];
	s0 =	sadd.s32 $0x300, s0;
	s23 =	sand.u32 $0x60, s8  }
0xdf: {  	v3 =	vld [tilespmem:s21+$0x18000];
	s24 =	sadd.s32 $0x90, s17;
	s28 =	sadd.s32 $0xB0, s17;
	s11 =	sand.u32 $0x60, s11  }
0xe0: {  	v4 =	vld [tilespmem:s14+$0x18000];
	s18 =	sadd.s32 $0xFFFFFE80, s0;
	s30 =	sadd.s32 $0xFFFFFF00, s0;
	s31 =	sadd.s32 $0xFFFFFF80, s0  }
0xe1: {  	p0 =	slt.u32 s8, $0x2A0;
	s24 =	sand.u32 $0x70, s24;
	s28 =	sand.u32 $0x70, s28;
	[tilespmem:s9+$0x9000] =	vst.add.f32.msk $0xffff, v2  }
0xe2: {  	s29 =	sor.u32 s4, s23;
	s10 =	sor.u32 s10, s23;
	s13 =	sand.u32 $0x3C00, s18;
	v2 =	vld [tilespmem:s22+$0x18000]  }
0xe3: {  	s15 =	sand.u32 $0x3C00, s31;
	s16 =	sand.u32 $0x3C00, s30;
	s18 =	sand.u32 $0x3C00, s0;
	[tilespmem:s7+$0x9000] =	vst.add.f32.msk $0xffff, v0  }
0xe4: {  	s23 =	sadd.s32 s6, s15;
	s9 =	sadd.s32 $0xA0, s17;
	[tilespmem:s1+$0x9000] =	vst.add.f32.msk $0xffff, v1;
	s17 =	sadd.s32 $0xFFFFFD80, s0  }
0xe5: {  	s7 =	sadd.s32 s6, s13;
	s1 =	sadd.s32 s6, s16;
	s9 =	sand.u32 $0x60, s9;
	[tilespmem:s21+$0x9000] =	vst.add.f32.msk $0xffff, v3  }
.Ltmp6:
0xe6: {  	[tilespmem:s14+$0x9000] =	vst.add.f32.msk $0xffff, v4;
	s11 =	sor.u32 s11, s7;
	s31 =	sor.u32 s24, s1;
	(pc) =	sbr.rel @p0 .LBB2_15-.Ltmp6, $4  }
0xe7: {  	s9 =	sor.u32 s9, s23;
	s1 =	sor.u32 s4, s11;
	[tilespmem:s22+$0x9000] =	vst.add.f32.msk $0xffff, v2;
	s22 =	sand.u32 $0x1C00, s17  }
0xe8: {  	s30 =	sadd.s32 s6, s18;
	s9 =	sor.u32 s4, s9;
	v1 =	vld [tilespmem:s1+$0x18000];
	s14 =	sadd.s32 s6, s22  }
0xe9: {  	s23 =	sor.u32 s28, s30;
	v2 =	vld [tilespmem:s9+$0x18000];
	s7 =	sor.u32 s14, s10  }
0xea: {  	s22 =	sor.u32 s4, s31;
	s21 =	sor.u32 s14, s29;
	s14 =	sor.u32 s4, s23;
	v0 =	vld [tilespmem:s7+$0x18000]  }
0xeb: {  	v63 =	vld [tilespmem:s22+$0x18000]  }
0xec: {  	v3 =	vld [tilespmem:s21+$0x18000]  }
0xed: {  	v4 =	vld [tilespmem:s14+$0x18000];
	s3 =	sadd.s32 $0x1, s3  }
0xee: {  	p0 =	sne.s32 s3, $0x10;
	[tilespmem:s1+$0x9000] =	vst.add.f32.msk $0xffff, v1  }
.Ltmp7:
0xef: {  	[tilespmem:s9+$0x9000] =	vst.add.f32.msk $0xffff, v2;
	(pc) =	sbr.rel @p0 .LBB2_14-.Ltmp7, $4  }
0xf0: {  	[tilespmem:s7+$0x9000] =	vst.add.f32.msk $0xffff, v0  }
0xf1: {  	[tilespmem:s22+$0x9000] =	vst.add.f32.msk $0xffff, v63  }
0xf2: {  	[tilespmem:s21+$0x9000] =	vst.add.f32.msk $0xffff, v3  }
0xf3: {  	[tilespmem:s14+$0x9000] =	vst.add.f32.msk $0xffff, v4  }
0xf4: {  	s0 =	sld [smem:$0x7E2];
	_ =	sdelay $0x1  }
0xf5: {  	s3 =	simm.s32 $0x0;
	s1 =	simm.s32 $0x9000;
	s23 =	simm.s32 $0x12  }
0xf6: {  	[hbm4b:s0+s3] =	stream.linear.scatter [tilespmem:s1], [sflag:$0xC], $0x3000, $0x38;
	[tilespmem:$0x1E000] =	vst v63  }
0xf7: {  	_ =	swait.ge [sflag:s23], $0x3000  }
0xf8: {  	s24 =	sld [smem:$0x7E3]  }
0xf9: {  	[sflag:s23] =	ssyncset.done $0x0  }
0xfa: {  	s28 =	simm.s32 $0x18000;
	s29 =	simm.s32 $0x5;
	[sflag:s23] =	ssyncadd.s32 $0xFFFFD000  }
0xfb: {  	[tilespmem:s28], [sflag:$0x11] =	stream.linear.gather [hbm4b:s24+s3], $0x3000, $0x38;
	[tilespmem:$0x1E000] =	vst v63  }
0xfc: {  	_ =	swait.ge [sflag:s29], $0x3000  }
0xfd: {  	[sflag:s29] =	ssyncset.done $0x0  }
0xfe: {  	s30 =	simm.s32 $0x9;
	[sflag:s29] =	ssyncadd.s32 $0xFFFFD000  }
0xff: {  	_ =	swait.ge [sflag:s30], $0x3000  }
0x100: {  	s31 =	sld [smem:$0x7E4]  }
0x101: {  	[sflag:s30] =	ssyncset.done $0x0  }
0x102: {  	[sflag:s30] =	ssyncadd.s32 $0xFFFFD000  }
0x103: {  	[tilespmem:s3], [sflag:$0x1] =	stream.linear.gather [hbm4b:s31+s3], $0x3000, $0x38;
	[tilespmem:$0x1E000] =	vst v63  }
.LBB2_18:
0x104: {  	s0 =	sshll.u32 s3, $0x7;
	s1 =	sshrl.u32 s3, $0x3  }
0x105: {  	s8 =	simm.s32 $0x0;
	s7 =	simm.s32 $0x20;
	s10 =	simm.s32 $0x30  }
0x106: {  	s11 =	simm.s32 $0x50;
	s28 =	simm.s32 $0x100;
	s21 =	simm.s32 $0x200  }
0x107: {  	s22 =	simm.s32 $0x180;
	s23 =	simm.s32 $0x40;
	s4 =	sand.u32 $0x380, s0  }
0x108: {  	s6 =	smul.u32 $0x1800, s1;
	s9 =	sand.u32 $0x60, s8;
	s7 =	sand.u32 $0x60, s7  }
0x109: {  	s10 =	sand.u32 $0x70, s10;
	s11 =	sand.u32 $0x70, s11;
	s21 =	sand.u32 $0x3C00, s21  }
0x10a: {  	s23 =	sand.u32 $0x60, s23;
	s22 =	sand.u32 $0x3C00, s22;
	s0 =	sor.u32 $0x10, s4  }
0x10b: {  	s14 =	sor.u32 s4, s9;
	[dreg:$0x8] =	wrdreg s0;
	s0 =	simm.s32 $0x280  }
0x10c: {  	s21 =	sadd.s32 s6, s21;
	s22 =	sadd.s32 s6, s22;
	s24 =	rddreg [dreg:$0x8]  }
0x10d: {  	s21 =	sor.u32 s23, s21;
	s1 =	sor.u32 s24, s9;
	s24 =	simm.s32 $0x0  }
0x10e: {  	s29 =	sand.u32 $0x3C00, s0;
	s9 =	sand.u32 $0x3C00, s28;
	s24 =	sand.u32 $0x1C00, s24  }
0x10f: {  	s28 =	sadd.s32 s6, s9;
	s9 =	sor.u32 s4, s21;
	s30 =	sadd.s32 s6, s24  }
0x110: {  	s23 =	sadd.s32 s6, s29;
	s31 =	sor.u32 s7, s28;
	v2 =	vld [tilespmem:s9+$0x1B000];
	s7 =	sor.u32 s30, s1  }
0x111: {  	s10 =	sor.u32 s10, s22;
	s11 =	sor.u32 s11, s23;
	s1 =	sor.u32 s4, s31;
	v0 =	vld [tilespmem:s7+$0x1B000]  }
0x112: {  	s22 =	sor.u32 s4, s10;
	s21 =	sor.u32 s30, s14;
	s14 =	sor.u32 s4, s11;
	v1 =	vld [tilespmem:s1+$0x1B000]  }
.LBB2_19:
0x113: {  	s11 =	sadd.s32 $0x80, s8;
	s17 =	smov.u32 s8;
	s8 =	sadd.s32 $0x60, s8  }
0x114: {  	s10 =	rddreg [dreg:$0x8];
	s0 =	sadd.s32 $0x300, s0;
	s23 =	sand.u32 $0x60, s8  }
0x115: {  	v3 =	vld [tilespmem:s21+$0x1B000];
	s24 =	sadd.s32 $0x90, s17;
	s28 =	sadd.s32 $0xB0, s17;
	s11 =	sand.u32 $0x60, s11  }
0x116: {  	v4 =	vld [tilespmem:s14+$0x1B000];
	s18 =	sadd.s32 $0xFFFFFE80, s0;
	s30 =	sadd.s32 $0xFFFFFF00, s0;
	s31 =	sadd.s32 $0xFFFFFF80, s0  }
0x117: {  	p0 =	slt.u32 s8, $0x2A0;
	s24 =	sand.u32 $0x70, s24;
	s28 =	sand.u32 $0x70, s28;
	[tilespmem:s9+$0xC000] =	vst.add.f32.msk $0xffff, v2  }
0x118: {  	s29 =	sor.u32 s4, s23;
	s10 =	sor.u32 s10, s23;
	s13 =	sand.u32 $0x3C00, s18;
	v2 =	vld [tilespmem:s22+$0x1B000]  }
0x119: {  	s15 =	sand.u32 $0x3C00, s31;
	s16 =	sand.u32 $0x3C00, s30;
	s18 =	sand.u32 $0x3C00, s0;
	[tilespmem:s7+$0xC000] =	vst.add.f32.msk $0xffff, v0  }
0x11a: {  	s23 =	sadd.s32 s6, s15;
	s9 =	sadd.s32 $0xA0, s17;
	[tilespmem:s1+$0xC000] =	vst.add.f32.msk $0xffff, v1;
	s17 =	sadd.s32 $0xFFFFFD80, s0  }
0x11b: {  	s7 =	sadd.s32 s6, s13;
	s1 =	sadd.s32 s6, s16;
	s9 =	sand.u32 $0x60, s9;
	[tilespmem:s21+$0xC000] =	vst.add.f32.msk $0xffff, v3  }
.Ltmp8:
0x11c: {  	[tilespmem:s14+$0xC000] =	vst.add.f32.msk $0xffff, v4;
	s11 =	sor.u32 s11, s7;
	s31 =	sor.u32 s24, s1;
	(pc) =	sbr.rel @p0 .LBB2_19-.Ltmp8, $4  }
0x11d: {  	s9 =	sor.u32 s9, s23;
	s1 =	sor.u32 s4, s11;
	[tilespmem:s22+$0xC000] =	vst.add.f32.msk $0xffff, v2;
	s22 =	sand.u32 $0x1C00, s17  }
0x11e: {  	s30 =	sadd.s32 s6, s18;
	s9 =	sor.u32 s4, s9;
	v1 =	vld [tilespmem:s1+$0x1B000];
	s14 =	sadd.s32 s6, s22  }
0x11f: {  	s23 =	sor.u32 s28, s30;
	v2 =	vld [tilespmem:s9+$0x1B000];
	s7 =	sor.u32 s14, s10  }
0x120: {  	s22 =	sor.u32 s4, s31;
	s21 =	sor.u32 s14, s29;
	s14 =	sor.u32 s4, s23;
	v0 =	vld [tilespmem:s7+$0x1B000]  }
0x121: {  	v63 =	vld [tilespmem:s22+$0x1B000]  }
0x122: {  	v3 =	vld [tilespmem:s21+$0x1B000]  }
0x123: {  	v4 =	vld [tilespmem:s14+$0x1B000];
	s3 =	sadd.s32 $0x1, s3  }
0x124: {  	p0 =	sne.s32 s3, $0x10;
	[tilespmem:s1+$0xC000] =	vst.add.f32.msk $0xffff, v1  }
.Ltmp9:
0x125: {  	[tilespmem:s9+$0xC000] =	vst.add.f32.msk $0xffff, v2;
	(pc) =	sbr.rel @p0 .LBB2_18-.Ltmp9, $4  }
0x126: {  	[tilespmem:s7+$0xC000] =	vst.add.f32.msk $0xffff, v0  }
0x127: {  	[tilespmem:s22+$0xC000] =	vst.add.f32.msk $0xffff, v63  }
0x128: {  	[tilespmem:s21+$0xC000] =	vst.add.f32.msk $0xffff, v3  }
0x129: {  	[tilespmem:s14+$0xC000] =	vst.add.f32.msk $0xffff, v4  }
0x12a: {  	s0 =	sld [smem:$0x7E5];
	_ =	sdelay $0x1  }
0x12b: {  	s3 =	simm.s32 $0x0;
	s29 =	simm.s32 $0x6  }
0x12c: {  	[hbm4b:s0+s3] =	stream.linear.scatter [tilespmem:s12], [sflag:$0xD], $0x3000, $0x38;
	[tilespmem:$0x1E000] =	vst v63  }
0x12d: {  	_ =	swait.ge [sflag:s29], $0x3000  }
0x12e: {  	[sflag:s29] =	ssyncset.done $0x0  }
0x12f: {  	s30 =	simm.s32 $0xA;
	[sflag:s29] =	ssyncadd.s32 $0xFFFFD000  }
0x130: {  	_ =	swait.ge [sflag:s30], $0x3000  }
0x131: {  	s31 =	sld [smem:$0x7F3]  }
0x132: {  	[sflag:s30] =	ssyncset.done $0x0  }
0x133: {  	s1 =	simm.s32 $0x3000;
	[sflag:s30] =	ssyncadd.s32 $0xFFFFD000  }
0x134: {  	[tilespmem:s1], [sflag:$0x2] =	stream.linear.gather [hbm4b:s31+s3], $0x3000, $0x38;
	[tilespmem:$0x1E000] =	vst v63  }
.LBB2_22:
0x135: {  	s0 =	sshll.u32 s3, $0x7;
	s1 =	sshrl.u32 s3, $0x3  }
0x136: {  	s8 =	simm.s32 $0x0;
	s7 =	simm.s32 $0x20;
	s10 =	simm.s32 $0x30  }
0x137: {  	s11 =	simm.s32 $0x50;
	s28 =	simm.s32 $0x100;
	s21 =	simm.s32 $0x200  }
0x138: {  	s22 =	simm.s32 $0x180;
	s23 =	simm.s32 $0x40;
	s4 =	sand.u32 $0x380, s0  }
0x139: {  	s6 =	smul.u32 $0x1800, s1;
	s9 =	sand.u32 $0x60, s8;
	s7 =	sand.u32 $0x60, s7  }
0x13a: {  	s10 =	sand.u32 $0x70, s10;
	s11 =	sand.u32 $0x70, s11;
	s21 =	sand.u32 $0x3C00, s21  }
0x13b: {  	s23 =	sand.u32 $0x60, s23;
	s22 =	sand.u32 $0x3C00, s22;
	s0 =	sor.u32 $0x10, s4  }
0x13c: {  	s14 =	sor.u32 s4, s9;
	[dreg:$0x9] =	wrdreg s0;
	s0 =	simm.s32 $0x280  }
0x13d: {  	s21 =	sadd.s32 s6, s21;
	s22 =	sadd.s32 s6, s22;
	s24 =	rddreg [dreg:$0x9]  }
0x13e: {  	s21 =	sor.u32 s23, s21;
	s1 =	sor.u32 s24, s9;
	s24 =	simm.s32 $0x0  }
0x13f: {  	s29 =	sand.u32 $0x3C00, s0;
	s9 =	sand.u32 $0x3C00, s28;
	s24 =	sand.u32 $0x1C00, s24  }
0x140: {  	s28 =	sadd.s32 s6, s9;
	s9 =	sor.u32 s4, s21;
	s30 =	sadd.s32 s6, s24  }
0x141: {  	s23 =	sadd.s32 s6, s29;
	s31 =	sor.u32 s7, s28;
	v2 =	vld [tilespmem:s9+$0x1B000];
	s7 =	sor.u32 s30, s1  }
0x142: {  	s10 =	sor.u32 s10, s22;
	s11 =	sor.u32 s11, s23;
	s1 =	sor.u32 s4, s31;
	v0 =	vld [tilespmem:s7+$0x1B000]  }
0x143: {  	s22 =	sor.u32 s4, s10;
	s21 =	sor.u32 s30, s14;
	s14 =	sor.u32 s4, s11;
	v1 =	vld [tilespmem:s1+$0x1B000]  }
.LBB2_23:
0x144: {  	s11 =	sadd.s32 $0x80, s8;
	s18 =	smov.u32 s8;
	s8 =	sadd.s32 $0x60, s8  }
0x145: {  	s10 =	rddreg [dreg:$0x9];
	s0 =	sadd.s32 $0x300, s0;
	s23 =	sand.u32 $0x60, s8  }
0x146: {  	v3 =	vld [tilespmem:s21+$0x1B000];
	s24 =	sadd.s32 $0x90, s18;
	s28 =	sadd.s32 $0xB0, s18;
	s11 =	sand.u32 $0x60, s11  }
0x147: {  	v4 =	vld [tilespmem:s14+$0x1B000];
	s12 =	sadd.s32 $0xFFFFFE80, s0;
	s30 =	sadd.s32 $0xFFFFFF00, s0;
	s31 =	sadd.s32 $0xFFFFFF80, s0  }
0x148: {  	s17 =	sadd.s32 $0xFFFFFD80, s0;
	p0 =	slt.u32 s8, $0x2A0;
	s24 =	sand.u32 $0x70, s24;
	[tilespmem:s9+$0xF000] =	vst.add.f32.msk $0xffff, v2  }
0x149: {  	s28 =	sand.u32 $0x70, s28;
	s29 =	sor.u32 s4, s23;
	s10 =	sor.u32 s10, s23;
	v2 =	vld [tilespmem:s22+$0x1B000]  }
0x14a: {  	s13 =	sand.u32 $0x3C00, s12;
	s15 =	sand.u32 $0x3C00, s31;
	s16 =	sand.u32 $0x3C00, s30;
	[tilespmem:s7+$0xF000] =	vst.add.f32.msk $0xffff, v0  }
0x14b: {  	s23 =	sadd.s32 s6, s15;
	s9 =	sadd.s32 $0xA0, s18;
	[tilespmem:s1+$0xF000] =	vst.add.f32.msk $0xffff, v1;
	s18 =	sand.u32 $0x3C00, s0  }
0x14c: {  	s7 =	sadd.s32 s6, s13;
	s1 =	sadd.s32 s6, s16;
	s9 =	sand.u32 $0x60, s9;
	[tilespmem:s21+$0xF000] =	vst.add.f32.msk $0xffff, v3  }
.Ltmp10:
0x14d: {  	[tilespmem:s14+$0xF000] =	vst.add.f32.msk $0xffff, v4;
	s11 =	sor.u32 s11, s7;
	s31 =	sor.u32 s24, s1;
	(pc) =	sbr.rel @p0 .LBB2_23-.Ltmp10, $4  }
0x14e: {  	s9 =	sor.u32 s9, s23;
	s1 =	sor.u32 s4, s11;
	[tilespmem:s22+$0xF000] =	vst.add.f32.msk $0xffff, v2;
	s22 =	sand.u32 $0x1C00, s17  }
0x14f: {  	s30 =	sadd.s32 s6, s18;
	s9 =	sor.u32 s4, s9;
	v1 =	vld [tilespmem:s1+$0x1B000];
	s14 =	sadd.s32 s6, s22  }
0x150: {  	s23 =	sor.u32 s28, s30;
	v2 =	vld [tilespmem:s9+$0x1B000];
	s7 =	sor.u32 s14, s10  }
0x151: {  	s22 =	sor.u32 s4, s31;
	s21 =	sor.u32 s14, s29;
	s14 =	sor.u32 s4, s23;
	v0 =	vld [tilespmem:s7+$0x1B000]  }
0x152: {  	v63 =	vld [tilespmem:s22+$0x1B000]  }
0x153: {  	v3 =	vld [tilespmem:s21+$0x1B000]  }
0x154: {  	v4 =	vld [tilespmem:s14+$0x1B000];
	s3 =	sadd.s32 $0x1, s3  }
0x155: {  	p0 =	sne.s32 s3, $0x10;
	[tilespmem:s1+$0xF000] =	vst.add.f32.msk $0xffff, v1  }
.Ltmp11:
0x156: {  	[tilespmem:s9+$0xF000] =	vst.add.f32.msk $0xffff, v2;
	(pc) =	sbr.rel @p0 .LBB2_22-.Ltmp11, $4  }
0x157: {  	[tilespmem:s7+$0xF000] =	vst.add.f32.msk $0xffff, v0  }
0x158: {  	[tilespmem:s22+$0xF000] =	vst.add.f32.msk $0xffff, v63  }
0x159: {  	[tilespmem:s21+$0xF000] =	vst.add.f32.msk $0xffff, v3  }
0x15a: {  	[tilespmem:s14+$0xF000] =	vst.add.f32.msk $0xffff, v4  }
0x15b: {  	s0 =	sld [smem:$0x7E6];
	_ =	sdelay $0x1  }
0x15c: {  	s3 =	simm.s32 $0x0;
	s1 =	simm.s32 $0xF000;
	s28 =	simm.s32 $0x7  }
0x15d: {  	[hbm4b:s0+s3] =	stream.linear.scatter [tilespmem:s1], [sflag:$0xE], $0x3000, $0x38;
	[tilespmem:$0x1E000] =	vst v63  }
0x15e: {  	_ =	swait.ge [sflag:s28], $0x3000  }
0x15f: {  	[sflag:s28] =	ssyncset.done $0x0  }
0x160: {  	s29 =	simm.s32 $0xB;
	[sflag:s28] =	ssyncadd.s32 $0xFFFFD000  }
0x161: {  	_ =	swait.ge [sflag:s29], $0x3000  }
0x162: {  	s30 =	sld [smem:$0x7F5]  }
0x163: {  	[sflag:s29] =	ssyncset.done $0x0  }
0x164: {  	s31 =	simm.s32 $0x6000;
	[sflag:s29] =	ssyncadd.s32 $0xFFFFD000  }
0x165: {  	[tilespmem:s31], [sflag:$0x3] =	stream.linear.gather [hbm4b:s30+s3], $0x3000, $0x38;
	[tilespmem:$0x1E000] =	vst v63  }
.LBB2_26:
0x166: {  	s0 =	sshll.u32 s3, $0x7;
	s1 =	sshrl.u32 s3, $0x3  }
0x167: {  	s8 =	simm.s32 $0x0;
	s7 =	simm.s32 $0x20;
	s10 =	simm.s32 $0x30  }
0x168: {  	s11 =	simm.s32 $0x50;
	s28 =	simm.s32 $0x100;
	s21 =	simm.s32 $0x200  }
0x169: {  	s22 =	simm.s32 $0x180;
	s23 =	simm.s32 $0x40;
	s4 =	sand.u32 $0x380, s0  }
0x16a: {  	s6 =	smul.u32 $0x1800, s1;
	s9 =	sand.u32 $0x60, s8;
	s7 =	sand.u32 $0x60, s7  }
0x16b: {  	s10 =	sand.u32 $0x70, s10;
	s11 =	sand.u32 $0x70, s11;
	s21 =	sand.u32 $0x3C00, s21  }
0x16c: {  	s23 =	sand.u32 $0x60, s23;
	s22 =	sand.u32 $0x3C00, s22;
	s0 =	sor.u32 $0x10, s4  }
0x16d: {  	s14 =	sor.u32 s4, s9;
	[dreg:$0xa] =	wrdreg s0;
	s0 =	simm.s32 $0x280  }
0x16e: {  	s21 =	sadd.s32 s6, s21;
	s22 =	sadd.s32 s6, s22;
	s24 =	rddreg [dreg:$0xa]  }
0x16f: {  	s21 =	sor.u32 s23, s21;
	s1 =	sor.u32 s24, s9;
	s24 =	simm.s32 $0x0  }
0x170: {  	s29 =	sand.u32 $0x3C00, s0;
	s9 =	sand.u32 $0x3C00, s28;
	s24 =	sand.u32 $0x1C00, s24  }
0x171: {  	s28 =	sadd.s32 s6, s9;
	s9 =	sor.u32 s4, s21;
	s30 =	sadd.s32 s6, s24  }
0x172: {  	s23 =	sadd.s32 s6, s29;
	s31 =	sor.u32 s7, s28;
	v2 =	vld [tilespmem:s9+$0x1B000];
	s7 =	sor.u32 s30, s1  }
0x173: {  	s10 =	sor.u32 s10, s22;
	s11 =	sor.u32 s11, s23;
	s1 =	sor.u32 s4, s31;
	v0 =	vld [tilespmem:s7+$0x1B000]  }
0x174: {  	s22 =	sor.u32 s4, s10;
	s21 =	sor.u32 s30, s14;
	s14 =	sor.u32 s4, s11;
	v1 =	vld [tilespmem:s1+$0x1B000]  }
.LBB2_27:
0x175: {  	s11 =	sadd.s32 $0x80, s8;
	s18 =	smov.u32 s8;
	s8 =	sadd.s32 $0x60, s8  }
0x176: {  	s10 =	rddreg [dreg:$0xa];
	s0 =	sadd.s32 $0x300, s0;
	s23 =	sand.u32 $0x60, s8  }
0x177: {  	v3 =	vld [tilespmem:s21+$0x1B000];
	s24 =	sadd.s32 $0x90, s18;
	s28 =	sadd.s32 $0xB0, s18;
	s11 =	sand.u32 $0x60, s11  }
0x178: {  	v4 =	vld [tilespmem:s14+$0x1B000];
	s12 =	sadd.s32 $0xFFFFFE80, s0;
	s30 =	sadd.s32 $0xFFFFFF00, s0;
	s31 =	sadd.s32 $0xFFFFFF80, s0  }
0x179: {  	s17 =	sadd.s32 $0xFFFFFD80, s0;
	p0 =	slt.u32 s8, $0x2A0;
	s24 =	sand.u32 $0x70, s24;
	[tilespmem:s9+$0x12000] =	vst.add.f32.msk $0xffff, v2  }
0x17a: {  	s28 =	sand.u32 $0x70, s28;
	s29 =	sor.u32 s4, s23;
	s10 =	sor.u32 s10, s23;
	v2 =	vld [tilespmem:s22+$0x1B000]  }
0x17b: {  	s13 =	sand.u32 $0x3C00, s12;
	s15 =	sand.u32 $0x3C00, s31;
	s16 =	sand.u32 $0x3C00, s30;
	[tilespmem:s7+$0x12000] =	vst.add.f32.msk $0xffff, v0  }
0x17c: {  	s23 =	sadd.s32 s6, s15;
	s9 =	sadd.s32 $0xA0, s18;
	[tilespmem:s1+$0x12000] =	vst.add.f32.msk $0xffff, v1;
	s18 =	sand.u32 $0x3C00, s0  }
0x17d: {  	s7 =	sadd.s32 s6, s13;
	s1 =	sadd.s32 s6, s16;
	s9 =	sand.u32 $0x60, s9;
	[tilespmem:s21+$0x12000] =	vst.add.f32.msk $0xffff, v3  }
.Ltmp12:
0x17e: {  	[tilespmem:s14+$0x12000] =	vst.add.f32.msk $0xffff, v4;
	s11 =	sor.u32 s11, s7;
	s31 =	sor.u32 s24, s1;
	(pc) =	sbr.rel @p0 .LBB2_27-.Ltmp12, $4  }
0x17f: {  	s9 =	sor.u32 s9, s23;
	s1 =	sor.u32 s4, s11;
	[tilespmem:s22+$0x12000] =	vst.add.f32.msk $0xffff, v2;
	s22 =	sand.u32 $0x1C00, s17  }
0x180: {  	s30 =	sadd.s32 s6, s18;
	s9 =	sor.u32 s4, s9;
	v1 =	vld [tilespmem:s1+$0x1B000];
	s14 =	sadd.s32 s6, s22  }
0x181: {  	s23 =	sor.u32 s28, s30;
	v2 =	vld [tilespmem:s9+$0x1B000];
	s7 =	sor.u32 s14, s10  }
0x182: {  	s22 =	sor.u32 s4, s31;
	s21 =	sor.u32 s14, s29;
	s14 =	sor.u32 s4, s23;
	v0 =	vld [tilespmem:s7+$0x1B000]  }
0x183: {  	v63 =	vld [tilespmem:s22+$0x1B000]  }
0x184: {  	v3 =	vld [tilespmem:s21+$0x1B000]  }
0x185: {  	v4 =	vld [tilespmem:s14+$0x1B000];
	s3 =	sadd.s32 $0x1, s3  }
0x186: {  	p0 =	sne.s32 s3, $0x10;
	[tilespmem:s1+$0x12000] =	vst.add.f32.msk $0xffff, v1  }
.Ltmp13:
0x187: {  	[tilespmem:s9+$0x12000] =	vst.add.f32.msk $0xffff, v2;
	(pc) =	sbr.rel @p0 .LBB2_26-.Ltmp13, $4  }
0x188: {  	[tilespmem:s7+$0x12000] =	vst.add.f32.msk $0xffff, v0  }
0x189: {  	[tilespmem:s22+$0x12000] =	vst.add.f32.msk $0xffff, v63  }
0x18a: {  	[tilespmem:s21+$0x12000] =	vst.add.f32.msk $0xffff, v3  }
0x18b: {  	[tilespmem:s14+$0x12000] =	vst.add.f32.msk $0xffff, v4  }
0x18c: {  	s0 =	sld [smem:$0x7E7];
	_ =	sdelay $0x1  }
0x18d: {  	s3 =	simm.s32 $0x0;
	s1 =	simm.s32 $0x12000;
	s28 =	simm.s32 $0x8  }
0x18e: {  	[hbm4b:s0+s3] =	stream.linear.scatter [tilespmem:s1], [sflag:$0xF], $0x3000, $0x38;
	[tilespmem:$0x1E000] =	vst v63  }
0x18f: {  	_ =	swait.ge [sflag:s28], $0x3000  }
0x190: {  	[sflag:s28] =	ssyncset.done $0x0  }
0x191: {  	s29 =	simm.s32 $0xC;
	[sflag:s28] =	ssyncadd.s32 $0xFFFFD000  }
0x192: {  	_ =	swait.ge [sflag:s29], $0x3000  }
0x193: {  	s30 =	sld [smem:$0x7F7]  }
0x194: {  	[sflag:s29] =	ssyncset.done $0x0  }
0x195: {  	s31 =	simm.s32 $0x9000;
	[sflag:s29] =	ssyncadd.s32 $0xFFFFD000  }
0x196: {  	[tilespmem:s31], [sflag:$0x4] =	stream.linear.gather [hbm4b:s30+s3], $0x3000, $0x38;
	[tilespmem:$0x1E000] =	vst v63  }
.LBB2_30:
0x197: {  	s0 =	sshll.u32 s3, $0x7;
	s1 =	sshrl.u32 s3, $0x3  }
0x198: {  	s8 =	simm.s32 $0x0;
	s7 =	simm.s32 $0x20;
	s10 =	simm.s32 $0x30  }
0x199: {  	s11 =	simm.s32 $0x50;
	s28 =	simm.s32 $0x100;
	s21 =	simm.s32 $0x200  }
0x19a: {  	s22 =	simm.s32 $0x180;
	s23 =	simm.s32 $0x40;
	s4 =	sand.u32 $0x380, s0  }
0x19b: {  	s6 =	smul.u32 $0x1800, s1;
	s9 =	sand.u32 $0x60, s8;
	s7 =	sand.u32 $0x60, s7  }
0x19c: {  	s10 =	sand.u32 $0x70, s10;
	s11 =	sand.u32 $0x70, s11;
	s21 =	sand.u32 $0x3C00, s21  }
0x19d: {  	s23 =	sand.u32 $0x60, s23;
	s22 =	sand.u32 $0x3C00, s22;
	s0 =	sor.u32 $0x10, s4  }
0x19e: {  	s14 =	sor.u32 s4, s9;
	[dreg:$0xb] =	wrdreg s0;
	s0 =	simm.s32 $0x280  }
0x19f: {  	s21 =	sadd.s32 s6, s21;
	s22 =	sadd.s32 s6, s22;
	s24 =	rddreg [dreg:$0xb]  }
0x1a0: {  	s21 =	sor.u32 s23, s21;
	s1 =	sor.u32 s24, s9;
	s24 =	simm.s32 $0x0  }
0x1a1: {  	s29 =	sand.u32 $0x3C00, s0;
	s9 =	sand.u32 $0x3C00, s28;
	s24 =	sand.u32 $0x1C00, s24  }
0x1a2: {  	s28 =	sadd.s32 s6, s9;
	s9 =	sor.u32 s4, s21;
	s30 =	sadd.s32 s6, s24  }
0x1a3: {  	s23 =	sadd.s32 s6, s29;
	s31 =	sor.u32 s7, s28;
	v2 =	vld [tilespmem:s9+$0x1B000];
	s7 =	sor.u32 s30, s1  }
0x1a4: {  	s10 =	sor.u32 s10, s22;
	s11 =	sor.u32 s11, s23;
	s1 =	sor.u32 s4, s31;
	v0 =	vld [tilespmem:s7+$0x1B000]  }
0x1a5: {  	s22 =	sor.u32 s4, s10;
	s21 =	sor.u32 s30, s14;
	s14 =	sor.u32 s4, s11;
	v1 =	vld [tilespmem:s1+$0x1B000]  }
.LBB2_31:
0x1a6: {  	s11 =	sadd.s32 $0x80, s8;
	s18 =	smov.u32 s8;
	s8 =	sadd.s32 $0x60, s8  }
0x1a7: {  	s10 =	rddreg [dreg:$0xb];
	s0 =	sadd.s32 $0x300, s0;
	s23 =	sand.u32 $0x60, s8  }
0x1a8: {  	v3 =	vld [tilespmem:s21+$0x1B000];
	s24 =	sadd.s32 $0x90, s18;
	s28 =	sadd.s32 $0xB0, s18;
	s11 =	sand.u32 $0x60, s11  }
0x1a9: {  	v4 =	vld [tilespmem:s14+$0x1B000];
	s12 =	sadd.s32 $0xFFFFFE80, s0;
	s30 =	sadd.s32 $0xFFFFFF00, s0;
	s31 =	sadd.s32 $0xFFFFFF80, s0  }
0x1aa: {  	s17 =	sadd.s32 $0xFFFFFD80, s0;
	p0 =	slt.u32 s8, $0x2A0;
	s24 =	sand.u32 $0x70, s24;
	[tilespmem:s9+$0x15000] =	vst.add.f32.msk $0xffff, v2  }
0x1ab: {  	s28 =	sand.u32 $0x70, s28;
	s29 =	sor.u32 s4, s23;
	s10 =	sor.u32 s10, s23;
	v2 =	vld [tilespmem:s22+$0x1B000]  }
0x1ac: {  	s13 =	sand.u32 $0x3C00, s12;
	s15 =	sand.u32 $0x3C00, s31;
	s16 =	sand.u32 $0x3C00, s30;
	[tilespmem:s7+$0x15000] =	vst.add.f32.msk $0xffff, v0  }
0x1ad: {  	s23 =	sadd.s32 s6, s15;
	s9 =	sadd.s32 $0xA0, s18;
	[tilespmem:s1+$0x15000] =	vst.add.f32.msk $0xffff, v1;
	s18 =	sand.u32 $0x3C00, s0  }
0x1ae: {  	s7 =	sadd.s32 s6, s13;
	s1 =	sadd.s32 s6, s16;
	s9 =	sand.u32 $0x60, s9;
	[tilespmem:s21+$0x15000] =	vst.add.f32.msk $0xffff, v3  }
.Ltmp14:
0x1af: {  	[tilespmem:s14+$0x15000] =	vst.add.f32.msk $0xffff, v4;
	s11 =	sor.u32 s11, s7;
	s31 =	sor.u32 s24, s1;
	(pc) =	sbr.rel @p0 .LBB2_31-.Ltmp14, $4  }
0x1b0: {  	s9 =	sor.u32 s9, s23;
	s1 =	sor.u32 s4, s11;
	[tilespmem:s22+$0x15000] =	vst.add.f32.msk $0xffff, v2;
	s22 =	sand.u32 $0x1C00, s17  }
0x1b1: {  	s30 =	sadd.s32 s6, s18;
	s9 =	sor.u32 s4, s9;
	v1 =	vld [tilespmem:s1+$0x1B000];
	s14 =	sadd.s32 s6, s22  }
0x1b2: {  	s23 =	sor.u32 s28, s30;
	v2 =	vld [tilespmem:s9+$0x1B000];
	s7 =	sor.u32 s14, s10  }
0x1b3: {  	s22 =	sor.u32 s4, s31;
	s21 =	sor.u32 s14, s29;
	s14 =	sor.u32 s4, s23;
	v0 =	vld [tilespmem:s7+$0x1B000]  }
0x1b4: {  	v63 =	vld [tilespmem:s22+$0x1B000]  }
0x1b5: {  	v3 =	vld [tilespmem:s21+$0x1B000]  }
0x1b6: {  	v4 =	vld [tilespmem:s14+$0x1B000];
	s3 =	sadd.s32 $0x1, s3  }
0x1b7: {  	p0 =	sne.s32 s3, $0x10;
	[tilespmem:s1+$0x15000] =	vst.add.f32.msk $0xffff, v1  }
.Ltmp15:
0x1b8: {  	[tilespmem:s9+$0x15000] =	vst.add.f32.msk $0xffff, v2;
	(pc) =	sbr.rel @p0 .LBB2_30-.Ltmp15, $4  }
0x1b9: {  	[tilespmem:s7+$0x15000] =	vst.add.f32.msk $0xffff, v0  }
0x1ba: {  	[tilespmem:s22+$0x15000] =	vst.add.f32.msk $0xffff, v63  }
0x1bb: {  	[tilespmem:s21+$0x15000] =	vst.add.f32.msk $0xffff, v3  }
0x1bc: {  	[tilespmem:s14+$0x15000] =	vst.add.f32.msk $0xffff, v4  }
0x1bd: {  	s0 =	sld [smem:$0x7E8];
	_ =	sdelay $0x1  }
0x1be: {  	s1 =	simm.s32 $0x15000;
	s6 =	simm.s32 $0x1;
	s30 =	simm.s32 $0xC000  }
0x1bf: {  	[hbm4b:s0+s25] =	stream.linear.scatter [tilespmem:s1], [sflag:$0x10], $0x3000, $0x38;
	[tilespmem:$0x1E000] =	vst v63  }
.LBB2_34:
0x1c0: {  	s22 =	sshll.u32 s6, $0x5;
	s0 =	rddreg [dreg:$0x1c]  }
0x1c1: {  	s0 =	sor.u32 s22, s0  }
0x1c2: {  	s0 =	sshrl.u32 s0, $0x3  }
0x1c3: {  	s0 =	smul.u32 $0x1800, s0;
	_ =	sdelay $0x1  }
0x1c4: {  	s21 =	sshrl.u32 s0, $0x3  }
0x1c5: {  	s24 =	rddreg [dreg:$0x1];
	s3 =	simm.s32 $0x0;
	s4 =	sadd.s32 $0x600, s21  }
0x1c6: {  	s1 =	simm.s32 $0x1B000;
	s25 =	simm.s32 $0x11;
	s0 =	sadd.s32 s24, s4  }
0x1c7: {  	[tilespmem:s1], [sflag:$0x12] =	stream.linear.gather [hbm4b:s0+s3], $0x3000, $0x38;
	[tilespmem:$0x1E000] =	vst v63  }
0x1c8: {  	_ =	swait.ge [sflag:s25], $0x3000  }
0x1c9: {  	[sflag:s25] =	ssyncset.done $0x0  }
0x1ca: {  	s28 =	simm.s32 $0x1;
	[sflag:s25] =	ssyncadd.s32 $0xFFFFD000  }
0x1cb: {  	_ =	swait.ge [sflag:s28], $0x3000  }
0x1cc: {  	[sflag:s28] =	ssyncset.done $0x0  }
0x1cd: {  	s29 =	simm.s32 $0xD;
	[sflag:s28] =	ssyncadd.s32 $0xFFFFD000  }
0x1ce: {  	_ =	swait.ge [sflag:s29], $0x3000  }
0x1cf: {  	[sflag:s29] =	ssyncset.done $0x0  }
0x1d0: {  	s31 =	sadd.s32 s2, s4;
	[sflag:s29] =	ssyncadd.s32 $0xFFFFD000  }
0x1d1: {  	[tilespmem:s30], [sflag:$0x5] =	stream.linear.gather [hbm4b:s31+s3], $0x3000, $0x38;
	[tilespmem:$0x1E000] =	vst v63  }
.LBB2_35:
0x1d2: {  	s0 =	sshll.u32 s3, $0x7;
	s1 =	sshrl.u32 s3, $0x3  }
0x1d3: {  	s8 =	simm.s32 $0x0;
	s7 =	simm.s32 $0x20;
	s10 =	simm.s32 $0x30  }
0x1d4: {  	s11 =	simm.s32 $0x50;
	s18 =	simm.s32 $0x100;
	s28 =	simm.s32 $0x200  }
0x1d5: {  	s29 =	simm.s32 $0x180;
	s30 =	simm.s32 $0x40;
	s31 =	simm.s32 $0x0  }
0x1d6: {  	s14 =	sand.u32 $0x380, s0;
	s23 =	smul.u32 $0x1800, s1;
	s9 =	sand.u32 $0x60, s8  }
0x1d7: {  	s7 =	sand.u32 $0x60, s7;
	s10 =	sand.u32 $0x70, s10;
	s11 =	sand.u32 $0x70, s11  }
0x1d8: {  	s28 =	sand.u32 $0x3C00, s28;
	s30 =	sand.u32 $0x60, s30;
	s29 =	sand.u32 $0x3C00, s29  }
0x1d9: {  	s31 =	sand.u32 $0x1C00, s31;
	s0 =	sor.u32 $0x10, s14;
	s24 =	sor.u32 s14, s9  }
0x1da: {  	[dreg:$0xc] =	wrdreg s0;
	s0 =	simm.s32 $0x280;
	s28 =	sadd.s32 s23, s28  }
0x1db: {  	s29 =	sadd.s32 s23, s29;
	s17 =	rddreg [dreg:$0xc];
	s28 =	sor.u32 s30, s28  }
0x1dc: {  	s25 =	sand.u32 $0x3C00, s0;
	s1 =	sor.u32 s17, s9;
	s9 =	sand.u32 $0x3C00, s18  }
0x1dd: {  	s12 =	sadd.s32 s23, s9;
	s9 =	sor.u32 s14, s28;
	s28 =	sadd.s32 s23, s31  }
0x1de: {  	s30 =	sadd.s32 s23, s25;
	s12 =	sor.u32 s7, s12;
	v2 =	vld [tilespmem:s9+$0x18000];
	s7 =	sor.u32 s28, s1  }
0x1df: {  	s10 =	sor.u32 s10, s29;
	s11 =	sor.u32 s11, s30;
	s1 =	sor.u32 s14, s12;
	v0 =	vld [tilespmem:s7+$0x18000]  }
0x1e0: {  	s29 =	sor.u32 s14, s10;
	s28 =	sor.u32 s28, s24;
	s24 =	sor.u32 s14, s11;
	v1 =	vld [tilespmem:s1+$0x18000]  }
.LBB2_36:
0x1e1: {  	s11 =	sadd.s32 $0x80, s8;
	s17 =	smov.u32 s8;
	s8 =	sadd.s32 $0x60, s8  }
0x1e2: {  	s10 =	rddreg [dreg:$0xc];
	s0 =	sadd.s32 $0x300, s0;
	s12 =	sand.u32 $0x60, s8  }
0x1e3: {  	v3 =	vld [tilespmem:s28+$0x18000];
	s30 =	sadd.s32 $0x90, s17;
	s31 =	sadd.s32 $0xB0, s17;
	s11 =	sand.u32 $0x60, s11  }
0x1e4: {  	v4 =	vld [tilespmem:s24+$0x18000];
	s18 =	sadd.s32 $0xFFFFFE80, s0;
	s15 =	sadd.s32 $0xFFFFFF00, s0;
	s16 =	sadd.s32 $0xFFFFFF80, s0  }
0x1e5: {  	p0 =	slt.u32 s8, $0x2A0;
	s30 =	sand.u32 $0x70, s30;
	s13 =	sor.u32 s14, s12;
	[tilespmem:s9+$0x0] =	vst.add.f32.msk $0xffff, v2  }
0x1e6: {  	s10 =	sor.u32 s10, s12;
	s25 =	sand.u32 $0x3C00, s16;
	s16 =	sand.u32 $0x3C00, s15;
	v2 =	vld [tilespmem:s29+$0x18000]  }
0x1e7: {  	s12 =	sadd.s32 s23, s25;
	[tilespmem:s7+$0x0] =	vst.add.f32.msk $0xffff, v0;
	s9 =	sadd.s32 $0xA0, s17;
	s17 =	sadd.s32 $0xFFFFFD80, s0  }
0x1e8: {  	s7 =	sand.u32 $0x3C00, s18;
	[tilespmem:s1+$0x0] =	vst.add.f32.msk $0xffff, v1;
	s18 =	sand.u32 $0x3C00, s0;
	s15 =	sand.u32 $0x1C00, s17  }
0x1e9: {  	s1 =	sadd.s32 s23, s16;
	[tilespmem:s28+$0x0] =	vst.add.f32.msk $0xffff, v3;
	s7 =	sadd.s32 s23, s7;
	s25 =	sadd.s32 s23, s15  }
.Ltmp16:
0x1ea: {  	[tilespmem:s24+$0x0] =	vst.add.f32.msk $0xffff, v4;
	s11 =	sor.u32 s11, s7;
	s7 =	sor.u32 s25, s10;
	(pc) =	sbr.rel @p0 .LBB2_36-.Ltmp16, $4  }
0x1eb: {  	s9 =	sand.u32 $0x60, s9;
	s30 =	sor.u32 s30, s1;
	s1 =	sor.u32 s14, s11;
	v0 =	vld [tilespmem:s7+$0x18000]  }
0x1ec: {  	s31 =	sand.u32 $0x70, s31;
	s24 =	sadd.s32 s23, s18;
	s9 =	sor.u32 s9, s12;
	v1 =	vld [tilespmem:s1+$0x18000]  }
0x1ed: {  	s31 =	sor.u32 s31, s24;
	s9 =	sor.u32 s14, s9;
	[tilespmem:s29+$0x0] =	vst.add.f32.msk $0xffff, v2  }
0x1ee: {  	s28 =	sor.u32 s25, s13;
	s24 =	sor.u32 s14, s31;
	v2 =	vld [tilespmem:s9+$0x18000];
	s29 =	sor.u32 s14, s30  }
0x1ef: {  	v63 =	vld [tilespmem:s29+$0x18000]  }
0x1f0: {  	v3 =	vld [tilespmem:s28+$0x18000]  }
0x1f1: {  	v4 =	vld [tilespmem:s24+$0x18000];
	s3 =	sadd.s32 $0x1, s3  }
0x1f2: {  	[tilespmem:s7+$0x0] =	vst.add.f32.msk $0xffff, v0;
	p0 =	sne.s32 s3, $0x10  }
.Ltmp17:
0x1f3: {  	[tilespmem:s1+$0x0] =	vst.add.f32.msk $0xffff, v1;
	(pc) =	sbr.rel @p0 .LBB2_35-.Ltmp17, $4  }
0x1f4: {  	[tilespmem:s9+$0x0] =	vst.add.f32.msk $0xffff, v2  }
0x1f5: {  	[tilespmem:s29+$0x0] =	vst.add.f32.msk $0xffff, v63  }
0x1f6: {  	[tilespmem:s28+$0x0] =	vst.add.f32.msk $0xffff, v3  }
0x1f7: {  	[tilespmem:s24+$0x0] =	vst.add.f32.msk $0xffff, v4  }
0x1f8: {  	s23 =	sadd.s32 s5, s21;
	s14 =	simm.s32 $0x0;
	s0 =	simm.s32 $0x2  }
0x1f9: {  	[hbm4b:s23+s14] =	stream.linear.scatter [tilespmem:s14], [sflag:$0x9], $0x3000, $0x38;
	[tilespmem:$0x1E000] =	vst v63  }
0x1fa: {  	_ =	swait.ge [sflag:s0], $0x3000  }
0x1fb: {  	[sflag:s0] =	ssyncset.done $0x0  }
0x1fc: {  	[sflag:s0] =	ssyncadd.s32 $0xFFFFD000  }
0x1fd: {  	_ =	swait.ge [sflag:s26], $0x3000  }
0x1fe: {  	s3 =	sadd.s32 $0xC0600, s21;
	[sflag:s26] =	ssyncset.done $0x0  }
0x1ff: {  	s1 =	simm.s32 $0xF000;
	s31 =	sadd.s32 s2, s3;
	[sflag:s26] =	ssyncadd.s32 $0xFFFFD000  }
0x200: {  	[tilespmem:s1], [sflag:$0x6] =	stream.linear.gather [hbm4b:s31+s14], $0x3000, $0x38;
	[tilespmem:$0x1E000] =	vst v63  }
.LBB2_39:
0x201: {  	s0 =	sshll.u32 s14, $0x7;
	s1 =	sshrl.u32 s14, $0x3  }
0x202: {  	s8 =	simm.s32 $0x0;
	s7 =	simm.s32 $0x20;
	s10 =	simm.s32 $0x30  }
0x203: {  	s11 =	simm.s32 $0x50;
	s25 =	simm.s32 $0x100;
	s13 =	simm.s32 $0x200  }
0x204: {  	s15 =	simm.s32 $0x180;
	s16 =	simm.s32 $0x40;
	s29 =	sand.u32 $0x380, s0  }
0x205: {  	s31 =	smul.u32 $0x1800, s1;
	s9 =	sand.u32 $0x60, s8;
	s7 =	sand.u32 $0x60, s7  }
0x206: {  	s10 =	sand.u32 $0x70, s10;
	s11 =	sand.u32 $0x70, s11;
	s13 =	sand.u32 $0x3C00, s13  }
0x207: {  	s16 =	sand.u32 $0x60, s16;
	s15 =	sand.u32 $0x3C00, s15;
	s0 =	sor.u32 $0x10, s29  }
0x208: {  	s12 =	sor.u32 s29, s9;
	[dreg:$0xd] =	wrdreg s0;
	s0 =	simm.s32 $0x280  }
0x209: {  	s13 =	sadd.s32 s31, s13;
	s15 =	sadd.s32 s31, s15;
	s24 =	rddreg [dreg:$0xd]  }
0x20a: {  	s13 =	sor.u32 s16, s13;
	s1 =	sor.u32 s24, s9;
	s24 =	simm.s32 $0x0  }
0x20b: {  	s17 =	sand.u32 $0x3C00, s0;
	s9 =	sand.u32 $0x3C00, s25;
	s24 =	sand.u32 $0x1C00, s24  }
0x20c: {  	s28 =	sadd.s32 s31, s9;
	s9 =	sor.u32 s29, s13;
	s18 =	sadd.s32 s31, s24  }
0x20d: {  	s16 =	sadd.s32 s31, s17;
	s25 =	sor.u32 s7, s28;
	v2 =	vld [tilespmem:s9+$0x18000];
	s7 =	sor.u32 s18, s1  }
0x20e: {  	s10 =	sor.u32 s10, s15;
	s11 =	sor.u32 s11, s16;
	s1 =	sor.u32 s29, s25;
	v0 =	vld [tilespmem:s7+$0x18000]  }
0x20f: {  	s30 =	sor.u32 s29, s10;
	s24 =	sor.u32 s29, s11;
	s28 =	sor.u32 s18, s12;
	v1 =	vld [tilespmem:s1+$0x18000]  }
.LBB2_40:
0x210: {  	_ = 	snop  }
0x211: {  	s10 =	rddreg [dreg:$0xd];
	s11 =	sadd.s32 $0x80, s8;
	v3 =	vld [tilespmem:s28+$0x18000];
	s0 =	sadd.s32 $0x300, s0  }
0x212: {  	v4 =	vld [tilespmem:s24+$0x18000];
	s11 =	sand.u32 $0x60, s11;
	s25 =	sadd.s32 $0xFFFFFE80, s0;
	s17 =	sadd.s32 $0xFFFFFF00, s0  }
0x213: {  	s18 =	sadd.s32 $0xFFFFFF80, s0;
	s17 =	sand.u32 $0x3C00, s17;
	[tilespmem:s9+$0x3000] =	vst.add.f32.msk $0xffff, v2;
	s9 =	smov.u32 s8  }
0x214: {  	s8 =	sadd.s32 $0x60, s8;
	[tilespmem:s7+$0x3000] =	vst.add.f32.msk $0xffff, v0;
	s7 =	sand.u32 $0x3C00, s25;
	s25 =	sand.u32 $0x3C00, s18  }
0x215: {  	[tilespmem:s1+$0x3000] =	vst.add.f32.msk $0xffff, v1;
	s18 =	sand.u32 $0x3C00, s0;
	s1 =	sadd.s32 s31, s17;
	s12 =	sand.u32 $0x60, s8  }
0x216: {  	s13 =	sadd.s32 $0x90, s9;
	s15 =	sadd.s32 $0xB0, s9;
	s9 =	sadd.s32 $0xA0, s9  }
0x217: {  	v2 =	vld [tilespmem:s30+$0x18000];
	s7 =	sadd.s32 s31, s7;
	p0 =	slt.u32 s8, $0x2A0;
	s13 =	sand.u32 $0x70, s13  }
0x218: {  	s16 =	sor.u32 s29, s12;
	s10 =	sor.u32 s10, s12;
	s9 =	sand.u32 $0x60, s9  }
0x219: {  	[tilespmem:s28+$0x3000] =	vst.add.f32.msk $0xffff, v3;
	s12 =	sadd.s32 s31, s25;
	s25 =	sadd.s32 $0xFFFFFD80, s0;
	s11 =	sor.u32 s11, s7  }
.Ltmp18:
0x21a: {  	[tilespmem:s24+$0x3000] =	vst.add.f32.msk $0xffff, v4;
	s13 =	sor.u32 s13, s1;
	s1 =	sor.u32 s29, s11;
	(pc) =	sbr.rel @p0 .LBB2_40-.Ltmp18, $4  }
0x21b: {  	s24 =	sadd.s32 s31, s18;
	s9 =	sor.u32 s9, s12;
	s17 =	sand.u32 $0x1C00, s25;
	v1 =	vld [tilespmem:s1+$0x18000]  }
0x21c: {  	s15 =	sand.u32 $0x70, s15;
	s9 =	sor.u32 s29, s9;
	s25 =	sadd.s32 s31, s17;
	[tilespmem:s30+$0x3000] =	vst.add.f32.msk $0xffff, v2  }
0x21d: {  	s15 =	sor.u32 s15, s24;
	v2 =	vld [tilespmem:s9+$0x18000];
	s7 =	sor.u32 s25, s10  }
0x21e: {  	s24 =	sor.u32 s29, s15;
	s30 =	sor.u32 s29, s13;
	s28 =	sor.u32 s25, s16;
	v0 =	vld [tilespmem:s7+$0x18000]  }
0x21f: {  	v63 =	vld [tilespmem:s30+$0x18000]  }
0x220: {  	v3 =	vld [tilespmem:s28+$0x18000]  }
0x221: {  	v4 =	vld [tilespmem:s24+$0x18000];
	s14 =	sadd.s32 $0x1, s14  }
0x222: {  	[tilespmem:s1+$0x3000] =	vst.add.f32.msk $0xffff, v1;
	p0 =	sne.s32 s14, $0x10  }
.Ltmp19:
0x223: {  	[tilespmem:s9+$0x3000] =	vst.add.f32.msk $0xffff, v2;
	(pc) =	sbr.rel @p0 .LBB2_39-.Ltmp19, $4  }
0x224: {  	[tilespmem:s7+$0x3000] =	vst.add.f32.msk $0xffff, v0  }
0x225: {  	[tilespmem:s30+$0x3000] =	vst.add.f32.msk $0xffff, v63  }
0x226: {  	[tilespmem:s28+$0x3000] =	vst.add.f32.msk $0xffff, v3  }
0x227: {  	[tilespmem:s24+$0x3000] =	vst.add.f32.msk $0xffff, v4  }
0x228: {  	s0 =	sadd.s32 $0xC0000, s23  }
0x229: {  	s29 =	simm.s32 $0x0;
	s1 =	simm.s32 $0x3000;
	s28 =	simm.s32 $0x3  }
0x22a: {  	[hbm4b:s0+s29] =	stream.linear.scatter [tilespmem:s1], [sflag:$0xA], $0x3000, $0x38;
	[tilespmem:$0x1E000] =	vst v63  }
0x22b: {  	_ =	swait.ge [sflag:s28], $0x3000  }
0x22c: {  	[sflag:s28] =	ssyncset.done $0x0  }
0x22d: {  	[sflag:s28] =	ssyncadd.s32 $0xFFFFD000  }
0x22e: {  	_ =	swait.ge [sflag:s19], $0x3000  }
0x22f: {  	s14 =	sadd.s32 $0x180600, s21;
	[sflag:s19] =	ssyncset.done $0x0  }
0x230: {  	s31 =	simm.s32 $0x12000;
	s30 =	sadd.s32 s2, s14;
	[sflag:s19] =	ssyncadd.s32 $0xFFFFD000  }
0x231: {  	[tilespmem:s31], [sflag:$0x7] =	stream.linear.gather [hbm4b:s30+s29], $0x3000, $0x38;
	[tilespmem:$0x1E000] =	vst v63  }
.LBB2_43:
0x232: {  	s0 =	sshll.u32 s29, $0x7;
	s1 =	sshrl.u32 s29, $0x3  }
0x233: {  	s8 =	simm.s32 $0x280;
	s7 =	simm.s32 $0x20;
	s10 =	simm.s32 $0x30  }
0x234: {  	s11 =	simm.s32 $0x50;
	s25 =	simm.s32 $0x100;
	s17 =	simm.s32 $0x200  }
0x235: {  	s15 =	simm.s32 $0x180;
	s16 =	simm.s32 $0x40;
	s31 =	sand.u32 $0x380, s0  }
0x236: {  	s0 =	smul.u32 $0x1800, s1;
	s7 =	sand.u32 $0x60, s7;
	s12 =	sand.u32 $0x70, s10  }
0x237: {  	s11 =	sand.u32 $0x70, s11;
	s10 =	sand.u32 $0x3C00, s17;
	s16 =	sand.u32 $0x60, s16  }
0x238: {  	s15 =	sand.u32 $0x3C00, s15;
	s17 =	simm.s32 $0x0;
	s24 =	sor.u32 $0x10, s31  }
0x239: {  	s18 =	sand.u32 $0x3C00, s8;
	[dreg:$0xe] =	wrdreg s24;
	s24 =	simm.s32 $0x0  }
0x23a: {  	s10 =	sadd.s32 s0, s10;
	s1 =	rddreg [dreg:$0xe];
	s9 =	sand.u32 $0x60, s24  }
0x23b: {  	s13 =	sor.u32 s31, s9;
	s1 =	sor.u32 s1, s9;
	s9 =	sand.u32 $0x3C00, s25  }
0x23c: {  	s17 =	sand.u32 $0x1C00, s17;
	s10 =	sor.u32 s16, s10;
	s9 =	sadd.s32 s0, s9  }
0x23d: {  	s15 =	sadd.s32 s0, s15;
	s10 =	sor.u32 s31, s10;
	s7 =	sor.u32 s7, s9  }
0x23e: {  	s17 =	sadd.s32 s0, s17;
	s16 =	sadd.s32 s0, s18;
	v2 =	vld [tilespmem:s10+$0x18000];
	s7 =	sor.u32 s31, s7  }
0x23f: {  	s25 =	sor.u32 s12, s15;
	s11 =	sor.u32 s11, s16;
	s9 =	sor.u32 s17, s1;
	v1 =	vld [tilespmem:s7+$0x18000]  }
0x240: {  	s30 =	sor.u32 s17, s13;
	s28 =	sor.u32 s31, s11;
	s1 =	sor.u32 s31, s25;
	v0 =	vld [tilespmem:s9+$0x18000]  }
.LBB2_44:
0x241: {  	s11 =	rddreg [dreg:$0xe];
	s12 =	sadd.s32 $0x80, s24;
	s8 =	sadd.s32 $0x300, s8  }
0x242: {  	v3 =	vld [tilespmem:s30+$0x18000];
	s12 =	sand.u32 $0x60, s12;
	s18 =	sadd.s32 $0xFFFFFF00, s8;
	s25 =	sadd.s32 $0xFFFFFF80, s8  }
0x243: {  	s25 =	sand.u32 $0x3C00, s25;
	[tilespmem:s10+$0x6000] =	vst.add.f32.msk $0xffff, v2;
	s10 =	smov.u32 s24;
	s24 =	sadd.s32 $0x60, s24  }
0x244: {  	[tilespmem:s7+$0x6000] =	vst.add.f32.msk $0xffff, v1;
	s7 =	sand.u32 $0x3C00, s18;
	s18 =	sand.u32 $0x3C00, s8;
	s13 =	sand.u32 $0x60, s24  }
0x245: {  	v4 =	vld [tilespmem:s28+$0x18000];
	s15 =	sadd.s32 $0x90, s10;
	s16 =	sadd.s32 $0xB0, s10;
	s10 =	sadd.s32 $0xA0, s10  }
0x246: {  	v2 =	vld [tilespmem:s1+$0x18000];
	s7 =	sadd.s32 s0, s7;
	p0 =	slt.u32 s24, $0x2A0;
	s15 =	sand.u32 $0x70, s15  }
0x247: {  	s17 =	sor.u32 s31, s13;
	s11 =	sor.u32 s11, s13;
	s13 =	sadd.s32 $0xFFFFFE80, s8  }
0x248: {  	[tilespmem:s9+$0x6000] =	vst.add.f32.msk $0xffff, v0;
	s10 =	sand.u32 $0x60, s10;
	s9 =	sand.u32 $0x3C00, s13;
	s13 =	sadd.s32 s0, s25  }
0x249: {  	[tilespmem:s30+$0x6000] =	vst.add.f32.msk $0xffff, v3;
	s16 =	sand.u32 $0x70, s16;
	s25 =	sadd.s32 $0xFFFFFD80, s8;
	s10 =	sor.u32 s10, s13  }
.Ltmp20:
0x24a: {  	[tilespmem:s28+$0x6000] =	vst.add.f32.msk $0xffff, v4;
	s9 =	sadd.s32 s0, s9;
	s10 =	sor.u32 s31, s10;
	(pc) =	sbr.rel @p0 .LBB2_44-.Ltmp20, $4  }
0x24b: {  	[tilespmem:s1+$0x6000] =	vst.add.f32.msk $0xffff, v2;
	s1 =	sand.u32 $0x1C00, s25;
	s12 =	sor.u32 s12, s9;
	s25 =	sadd.s32 s0, s18  }
0x24c: {  	s18 =	sor.u32 s15, s7;
	v2 =	vld [tilespmem:s10+$0x18000];
	s13 =	sadd.s32 s0, s1;
	s7 =	sor.u32 s31, s12  }
0x24d: {  	s25 =	sor.u32 s16, s25;
	s9 =	sor.u32 s13, s11;
	v1 =	vld [tilespmem:s7+$0x18000]  }
0x24e: {  	s1 =	sor.u32 s31, s18;
	s30 =	sor.u32 s13, s17;
	s28 =	sor.u32 s31, s25;
	v0 =	vld [tilespmem:s9+$0x18000]  }
0x24f: {  	v63 =	vld [tilespmem:s1+$0x18000]  }
0x250: {  	v3 =	vld [tilespmem:s30+$0x18000]  }
0x251: {  	v4 =	vld [tilespmem:s28+$0x18000];
	s29 =	sadd.s32 $0x1, s29  }
0x252: {  	p0 =	sne.s32 s29, $0x10;
	[tilespmem:s10+$0x6000] =	vst.add.f32.msk $0xffff, v2  }
.Ltmp21:
0x253: {  	[tilespmem:s7+$0x6000] =	vst.add.f32.msk $0xffff, v1;
	(pc) =	sbr.rel @p0 .LBB2_43-.Ltmp21, $4  }
0x254: {  	[tilespmem:s9+$0x6000] =	vst.add.f32.msk $0xffff, v0  }
0x255: {  	[tilespmem:s1+$0x6000] =	vst.add.f32.msk $0xffff, v63  }
0x256: {  	[tilespmem:s30+$0x6000] =	vst.add.f32.msk $0xffff, v3  }
0x257: {  	[tilespmem:s28+$0x6000] =	vst.add.f32.msk $0xffff, v4  }
0x258: {  	s0 =	sadd.s32 $0x180000, s23  }
0x259: {  	s29 =	simm.s32 $0x0;
	s1 =	simm.s32 $0x6000;
	s28 =	simm.s32 $0x4  }
0x25a: {  	[hbm4b:s0+s29] =	stream.linear.scatter [tilespmem:s1], [sflag:$0xB], $0x3000, $0x38;
	[tilespmem:$0x1E000] =	vst v63  }
0x25b: {  	_ =	swait.ge [sflag:s28], $0x3000  }
0x25c: {  	[sflag:s28] =	ssyncset.done $0x0  }
0x25d: {  	[sflag:s28] =	ssyncadd.s32 $0xFFFFD000  }
0x25e: {  	_ =	swait.ge [sflag:s20], $0x3000  }
0x25f: {  	s21 =	sadd.s32 $0x240600, s21;
	[sflag:s20] =	ssyncset.done $0x0  }
0x260: {  	s31 =	simm.s32 $0x15000;
	s30 =	sadd.s32 s2, s21;
	[sflag:s20] =	ssyncadd.s32 $0xFFFFD000  }
0x261: {  	[tilespmem:s31], [sflag:$0x8] =	stream.linear.gather [hbm4b:s30+s29], $0x3000, $0x38;
	[tilespmem:$0x1E000] =	vst v63  }
.LBB2_47:
0x262: {  	s0 =	sshll.u32 s29, $0x7;
	s1 =	sshrl.u32 s29, $0x3  }
0x263: {  	s8 =	simm.s32 $0x280;
	s7 =	simm.s32 $0x20;
	s10 =	simm.s32 $0x30  }
0x264: {  	s11 =	simm.s32 $0x50;
	s25 =	simm.s32 $0x100;
	s17 =	simm.s32 $0x200  }
0x265: {  	s15 =	simm.s32 $0x180;
	s16 =	simm.s32 $0x40;
	s31 =	sand.u32 $0x380, s0  }
0x266: {  	s0 =	smul.u32 $0x1800, s1;
	s7 =	sand.u32 $0x60, s7;
	s12 =	sand.u32 $0x70, s10  }
0x267: {  	s11 =	sand.u32 $0x70, s11;
	s10 =	sand.u32 $0x3C00, s17;
	s16 =	sand.u32 $0x60, s16  }
0x268: {  	s15 =	sand.u32 $0x3C00, s15;
	s17 =	simm.s32 $0x0;
	s24 =	sor.u32 $0x10, s31  }
0x269: {  	s18 =	sand.u32 $0x3C00, s8;
	[dreg:$0xf] =	wrdreg s24;
	s24 =	simm.s32 $0x0  }
0x26a: {  	s10 =	sadd.s32 s0, s10;
	s1 =	rddreg [dreg:$0xf];
	s9 =	sand.u32 $0x60, s24  }
0x26b: {  	s13 =	sor.u32 s31, s9;
	s1 =	sor.u32 s1, s9;
	s9 =	sand.u32 $0x3C00, s25  }
0x26c: {  	s17 =	sand.u32 $0x1C00, s17;
	s10 =	sor.u32 s16, s10;
	s9 =	sadd.s32 s0, s9  }
0x26d: {  	s15 =	sadd.s32 s0, s15;
	s10 =	sor.u32 s31, s10;
	s7 =	sor.u32 s7, s9  }
0x26e: {  	s17 =	sadd.s32 s0, s17;
	s16 =	sadd.s32 s0, s18;
	v2 =	vld [tilespmem:s10+$0x18000];
	s7 =	sor.u32 s31, s7  }
0x26f: {  	s25 =	sor.u32 s12, s15;
	s11 =	sor.u32 s11, s16;
	s9 =	sor.u32 s17, s1;
	v1 =	vld [tilespmem:s7+$0x18000]  }
0x270: {  	s30 =	sor.u32 s17, s13;
	s28 =	sor.u32 s31, s11;
	s1 =	sor.u32 s31, s25;
	v0 =	vld [tilespmem:s9+$0x18000]  }
.LBB2_48:
0x271: {  	s11 =	rddreg [dreg:$0xf];
	s12 =	sadd.s32 $0x80, s24;
	s8 =	sadd.s32 $0x300, s8  }
0x272: {  	v3 =	vld [tilespmem:s30+$0x18000];
	s12 =	sand.u32 $0x60, s12;
	s18 =	sadd.s32 $0xFFFFFF00, s8;
	s25 =	sadd.s32 $0xFFFFFF80, s8  }
0x273: {  	s25 =	sand.u32 $0x3C00, s25;
	[tilespmem:s10+$0x9000] =	vst.add.f32.msk $0xffff, v2;
	s10 =	smov.u32 s24;
	s24 =	sadd.s32 $0x60, s24  }
0x274: {  	[tilespmem:s7+$0x9000] =	vst.add.f32.msk $0xffff, v1;
	s7 =	sand.u32 $0x3C00, s18;
	s18 =	sand.u32 $0x3C00, s8;
	s13 =	sand.u32 $0x60, s24  }
0x275: {  	v4 =	vld [tilespmem:s28+$0x18000];
	s15 =	sadd.s32 $0x90, s10;
	s16 =	sadd.s32 $0xB0, s10;
	s10 =	sadd.s32 $0xA0, s10  }
0x276: {  	v2 =	vld [tilespmem:s1+$0x18000];
	s7 =	sadd.s32 s0, s7;
	p0 =	slt.u32 s24, $0x2A0;
	s15 =	sand.u32 $0x70, s15  }
0x277: {  	s17 =	sor.u32 s31, s13;
	s11 =	sor.u32 s11, s13;
	s13 =	sadd.s32 $0xFFFFFE80, s8  }
0x278: {  	[tilespmem:s9+$0x9000] =	vst.add.f32.msk $0xffff, v0;
	s10 =	sand.u32 $0x60, s10;
	s9 =	sand.u32 $0x3C00, s13;
	s13 =	sadd.s32 s0, s25  }
0x279: {  	[tilespmem:s30+$0x9000] =	vst.add.f32.msk $0xffff, v3;
	s16 =	sand.u32 $0x70, s16;
	s25 =	sadd.s32 $0xFFFFFD80, s8;
	s10 =	sor.u32 s10, s13  }
.Ltmp22:
0x27a: {  	[tilespmem:s28+$0x9000] =	vst.add.f32.msk $0xffff, v4;
	s9 =	sadd.s32 s0, s9;
	s10 =	sor.u32 s31, s10;
	(pc) =	sbr.rel @p0 .LBB2_48-.Ltmp22, $4  }
0x27b: {  	[tilespmem:s1+$0x9000] =	vst.add.f32.msk $0xffff, v2;
	s1 =	sand.u32 $0x1C00, s25;
	s12 =	sor.u32 s12, s9;
	s25 =	sadd.s32 s0, s18  }
0x27c: {  	s18 =	sor.u32 s15, s7;
	v2 =	vld [tilespmem:s10+$0x18000];
	s13 =	sadd.s32 s0, s1;
	s7 =	sor.u32 s31, s12  }
0x27d: {  	s25 =	sor.u32 s16, s25;
	s9 =	sor.u32 s13, s11;
	v1 =	vld [tilespmem:s7+$0x18000]  }
0x27e: {  	s1 =	sor.u32 s31, s18;
	s30 =	sor.u32 s13, s17;
	s28 =	sor.u32 s31, s25;
	v0 =	vld [tilespmem:s9+$0x18000]  }
0x27f: {  	v63 =	vld [tilespmem:s1+$0x18000]  }
0x280: {  	v3 =	vld [tilespmem:s30+$0x18000]  }
0x281: {  	v4 =	vld [tilespmem:s28+$0x18000];
	s29 =	sadd.s32 $0x1, s29  }
0x282: {  	p0 =	sne.s32 s29, $0x10;
	[tilespmem:s10+$0x9000] =	vst.add.f32.msk $0xffff, v2  }
.Ltmp23:
0x283: {  	[tilespmem:s7+$0x9000] =	vst.add.f32.msk $0xffff, v1;
	(pc) =	sbr.rel @p0 .LBB2_47-.Ltmp23, $4  }
0x284: {  	[tilespmem:s9+$0x9000] =	vst.add.f32.msk $0xffff, v0  }
0x285: {  	[tilespmem:s1+$0x9000] =	vst.add.f32.msk $0xffff, v63  }
0x286: {  	[tilespmem:s30+$0x9000] =	vst.add.f32.msk $0xffff, v3  }
0x287: {  	[tilespmem:s28+$0x9000] =	vst.add.f32.msk $0xffff, v4  }
0x288: {  	s28 =	sld [smem:$0x7F8]  }
0x289: {  	s0 =	sadd.s32 $0x240000, s23;
	s23 =	simm.s32 $0x0;
	s1 =	simm.s32 $0x9000  }
0x28a: {  	[hbm4b:s0+s23] =	stream.linear.scatter [tilespmem:s1], [sflag:$0xC], $0x3000, $0x38;
	[tilespmem:$0x1E000] =	vst v63  }
0x28b: {  	s29 =	simm.s32 $0x12;
	s0 =	sadd.s32 s22, s28  }
0x28c: {  	_ =	swait.ge [sflag:s29], $0x3000;
	s0 =	sshrl.u32 s0, $0x3  }
0x28d: {  	[sflag:s29] =	ssyncset.done $0x0;
	s0 =	smul.u32 $0x1800, s0  }
0x28e: {  	[sflag:s29] =	ssyncadd.s32 $0xFFFFD000  }
0x28f: {  	s1 =	rddreg [dreg:$0x1];
	s0 =	sshrl.u32 s0, $0x3  }
0x290: {  	s7 =	simm.s32 $0x18000;
	s30 =	simm.s32 $0x5;
	s1 =	sadd.s32 s1, s0  }
0x291: {  	[tilespmem:s7], [sflag:$0x11] =	stream.linear.gather [hbm4b:s1+s23], $0x3000, $0x38;
	[tilespmem:$0x1E000] =	vst v63  }
0x292: {  	_ =	swait.ge [sflag:s30], $0x3000  }
0x293: {  	[sflag:s30] =	ssyncset.done $0x0  }
0x294: {  	s31 =	simm.s32 $0x9;
	[sflag:s30] =	ssyncadd.s32 $0xFFFFD000  }
0x295: {  	_ =	swait.ge [sflag:s31], $0x3000  }
0x296: {  	[sflag:s31] =	ssyncset.done $0x0  }
0x297: {  	s22 =	sadd.s32 s2, s0;
	[sflag:s31] =	ssyncadd.s32 $0xFFFFD000  }
0x298: {  	[tilespmem:s23], [sflag:$0x1] =	stream.linear.gather [hbm4b:s22+s23], $0x3000, $0x38;
	[tilespmem:$0x1E000] =	vst v63  }
.LBB2_51:
0x299: {  	s0 =	sshll.u32 s23, $0x7;
	s1 =	sshrl.u32 s23, $0x3  }
0x29a: {  	s8 =	simm.s32 $0x280;
	s24 =	simm.s32 $0x0;
	s7 =	simm.s32 $0x20  }
0x29b: {  	s10 =	simm.s32 $0x30;
	s11 =	simm.s32 $0x50;
	s17 =	simm.s32 $0x100  }
0x29c: {  	s18 =	simm.s32 $0x200;
	s15 =	simm.s32 $0x180;
	s29 =	sand.u32 $0x380, s0  }
0x29d: {  	s0 =	smul.u32 $0x1800, s1;
	s9 =	sand.u32 $0x60, s24;
	s7 =	sand.u32 $0x60, s7  }
0x29e: {  	s12 =	sand.u32 $0x70, s10;
	s11 =	sand.u32 $0x70, s11;
	s10 =	sand.u32 $0x3C00, s18  }
0x29f: {  	s15 =	sand.u32 $0x3C00, s15;
	s25 =	sand.u32 $0x3C00, s8;
	s16 =	sor.u32 $0x10, s29  }
0x2a0: {  	s13 =	sor.u32 s29, s9;
	[dreg:$0x10] =	wrdreg s16;
	s16 =	simm.s32 $0x40  }
0x2a1: {  	s10 =	sadd.s32 s0, s10;
	s1 =	rddreg [dreg:$0x10];
	s16 =	sand.u32 $0x60, s16  }
0x2a2: {  	s1 =	sor.u32 s1, s9;
	s9 =	sand.u32 $0x3C00, s17;
	s17 =	simm.s32 $0x0  }
0x2a3: {  	s15 =	sadd.s32 s0, s15;
	s10 =	sor.u32 s16, s10;
	s17 =	sand.u32 $0x1C00, s17  }
0x2a4: {  	s9 =	sadd.s32 s0, s9;
	s10 =	sor.u32 s29, s10;
	s17 =	sadd.s32 s0, s17  }
0x2a5: {  	s16 =	sadd.s32 s0, s25;
	s7 =	sor.u32 s7, s9;
	v2 =	vld [tilespmem:s10+$0x1B000];
	s9 =	sor.u32 s17, s1  }
0x2a6: {  	s31 =	sor.u32 s12, s15;
	s11 =	sor.u32 s11, s16;
	s7 =	sor.u32 s29, s7;
	v0 =	vld [tilespmem:s9+$0x1B000]  }
0x2a7: {  	s28 =	sor.u32 s29, s11;
	s1 =	sor.u32 s29, s31;
	s30 =	sor.u32 s17, s13;
	v1 =	vld [tilespmem:s7+$0x1B000]  }
.LBB2_52:
0x2a8: {  	_ = 	snop  }
0x2a9: {  	s11 =	rddreg [dreg:$0x10];
	s12 =	sadd.s32 $0x80, s24;
	v3 =	vld [tilespmem:s30+$0x1B000];
	s8 =	sadd.s32 $0x300, s8  }
0x2aa: {  	v4 =	vld [tilespmem:s28+$0x1B000];
	s12 =	sand.u32 $0x60, s12;
	s31 =	sadd.s32 $0xFFFFFE80, s8;
	s18 =	sadd.s32 $0xFFFFFF00, s8  }
0x2ab: {  	s25 =	sadd.s32 $0xFFFFFF80, s8;
	s18 =	sand.u32 $0x3C00, s18;
	[tilespmem:s10+$0xC000] =	vst.add.f32.msk $0xffff, v2;
	s10 =	smov.u32 s24  }
0x2ac: {  	s24 =	sadd.s32 $0x60, s24;
	[tilespmem:s9+$0xC000] =	vst.add.f32.msk $0xffff, v0;
	s9 =	sand.u32 $0x3C00, s31;
	s31 =	sand.u32 $0x3C00, s25  }
0x2ad: {  	[tilespmem:s7+$0xC000] =	vst.add.f32.msk $0xffff, v1;
	s25 =	sadd.s32 $0xFFFFFD80, s8;
	s7 =	sadd.s32 s0, s18;
	s13 =	sand.u32 $0x60, s24  }
0x2ae: {  	v2 =	vld [tilespmem:s1+$0x1B000];
	s15 =	sadd.s32 $0x90, s10;
	s16 =	sadd.s32 $0xB0, s10;
	s10 =	sadd.s32 $0xA0, s10  }
0x2af: {  	s9 =	sadd.s32 s0, s9;
	p0 =	slt.u32 s24, $0x2A0;
	s15 =	sand.u32 $0x70, s15  }
0x2b0: {  	s16 =	sand.u32 $0x70, s16;
	s17 =	sor.u32 s29, s13;
	s11 =	sor.u32 s11, s13  }
0x2b1: {  	[tilespmem:s30+$0xC000] =	vst.add.f32.msk $0xffff, v3;
	s10 =	sand.u32 $0x60, s10;
	s13 =	sadd.s32 s0, s31;
	s31 =	sand.u32 $0x3C00, s8  }
.Ltmp24:
0x2b2: {  	[tilespmem:s28+$0xC000] =	vst.add.f32.msk $0xffff, v4;
	s12 =	sor.u32 s12, s9;
	s10 =	sor.u32 s10, s13;
	(pc) =	sbr.rel @p0 .LBB2_52-.Ltmp24, $4  }
0x2b3: {  	s13 =	sadd.s32 s0, s31;
	s10 =	sor.u32 s29, s10;
	[tilespmem:s1+$0xC000] =	vst.add.f32.msk $0xffff, v2;
	s1 =	sand.u32 $0x1C00, s25  }
0x2b4: {  	v2 =	vld [tilespmem:s10+$0x1B000];
	s25 =	sor.u32 s15, s7;
	s7 =	sor.u32 s29, s12;
	s18 =	sadd.s32 s0, s1  }
0x2b5: {  	s31 =	sor.u32 s16, s13;
	v1 =	vld [tilespmem:s7+$0x1B000];
	s9 =	sor.u32 s18, s11  }
0x2b6: {  	s28 =	sor.u32 s29, s31;
	s1 =	sor.u32 s29, s25;
	s30 =	sor.u32 s18, s17;
	v0 =	vld [tilespmem:s9+$0x1B000]  }
0x2b7: {  	v63 =	vld [tilespmem:s1+$0x1B000]  }
0x2b8: {  	v3 =	vld [tilespmem:s30+$0x1B000]  }
0x2b9: {  	v4 =	vld [tilespmem:s28+$0x1B000];
	s23 =	sadd.s32 $0x1, s23  }
0x2ba: {  	p0 =	sne.s32 s23, $0x10;
	[tilespmem:s10+$0xC000] =	vst.add.f32.msk $0xffff, v2  }
.Ltmp25:
0x2bb: {  	[tilespmem:s7+$0xC000] =	vst.add.f32.msk $0xffff, v1;
	(pc) =	sbr.rel @p0 .LBB2_51-.Ltmp25, $4  }
0x2bc: {  	[tilespmem:s9+$0xC000] =	vst.add.f32.msk $0xffff, v0  }
0x2bd: {  	[tilespmem:s1+$0xC000] =	vst.add.f32.msk $0xffff, v63  }
0x2be: {  	[tilespmem:s30+$0xC000] =	vst.add.f32.msk $0xffff, v3  }
0x2bf: {  	[tilespmem:s28+$0xC000] =	vst.add.f32.msk $0xffff, v4  }
0x2c0: {  	s0 =	sadd.s32 s5, s4  }
0x2c1: {  	s4 =	simm.s32 $0x0;
	s30 =	simm.s32 $0xC000;
	s28 =	simm.s32 $0x6  }
0x2c2: {  	[hbm4b:s0+s4] =	stream.linear.scatter [tilespmem:s30], [sflag:$0xD], $0x3000, $0x38;
	[tilespmem:$0x1E000] =	vst v63  }
0x2c3: {  	_ =	swait.ge [sflag:s28], $0x3000  }
0x2c4: {  	[sflag:s28] =	ssyncset.done $0x0  }
0x2c5: {  	s29 =	simm.s32 $0xA;
	[sflag:s28] =	ssyncadd.s32 $0xFFFFD000  }
0x2c6: {  	_ =	swait.ge [sflag:s29], $0x3000  }
0x2c7: {  	[sflag:s29] =	ssyncset.done $0x0  }
0x2c8: {  	s31 =	sadd.s32 $0xC0000, s22;
	s1 =	simm.s32 $0x3000;
	[sflag:s29] =	ssyncadd.s32 $0xFFFFD000  }
0x2c9: {  	[tilespmem:s1], [sflag:$0x2] =	stream.linear.gather [hbm4b:s31+s4], $0x3000, $0x38;
	[tilespmem:$0x1E000] =	vst v63  }
.LBB2_55:
0x2ca: {  	s0 =	sshll.u32 s4, $0x7;
	s1 =	sshrl.u32 s4, $0x3  }
0x2cb: {  	s8 =	simm.s32 $0x280;
	s24 =	simm.s32 $0x0;
	s7 =	simm.s32 $0x20  }
0x2cc: {  	s10 =	simm.s32 $0x30;
	s11 =	simm.s32 $0x50;
	s17 =	simm.s32 $0x100  }
0x2cd: {  	s18 =	simm.s32 $0x200;
	s15 =	simm.s32 $0x180;
	s23 =	sand.u32 $0x380, s0  }
0x2ce: {  	s0 =	smul.u32 $0x1800, s1;
	s9 =	sand.u32 $0x60, s24;
	s7 =	sand.u32 $0x60, s7  }
0x2cf: {  	s12 =	sand.u32 $0x70, s10;
	s11 =	sand.u32 $0x70, s11;
	s10 =	sand.u32 $0x3C00, s18  }
0x2d0: {  	s15 =	sand.u32 $0x3C00, s15;
	s25 =	sand.u32 $0x3C00, s8;
	s16 =	sor.u32 $0x10, s23  }
0x2d1: {  	s13 =	sor.u32 s23, s9;
	[dreg:$0x11] =	wrdreg s16;
	s16 =	simm.s32 $0x40  }
0x2d2: {  	s10 =	sadd.s32 s0, s10;
	s1 =	rddreg [dreg:$0x11];
	s16 =	sand.u32 $0x60, s16  }
0x2d3: {  	s1 =	sor.u32 s1, s9;
	s9 =	sand.u32 $0x3C00, s17;
	s17 =	simm.s32 $0x0  }
0x2d4: {  	s15 =	sadd.s32 s0, s15;
	s10 =	sor.u32 s16, s10;
	s17 =	sand.u32 $0x1C00, s17  }
0x2d5: {  	s9 =	sadd.s32 s0, s9;
	s10 =	sor.u32 s23, s10;
	s17 =	sadd.s32 s0, s17  }
0x2d6: {  	s16 =	sadd.s32 s0, s25;
	s7 =	sor.u32 s7, s9;
	v2 =	vld [tilespmem:s10+$0x1B000];
	s9 =	sor.u32 s17, s1  }
0x2d7: {  	s31 =	sor.u32 s12, s15;
	s11 =	sor.u32 s11, s16;
	s7 =	sor.u32 s23, s7;
	v0 =	vld [tilespmem:s9+$0x1B000]  }
0x2d8: {  	s28 =	sor.u32 s23, s11;
	s1 =	sor.u32 s23, s31;
	s29 =	sor.u32 s17, s13;
	v1 =	vld [tilespmem:s7+$0x1B000]  }
.LBB2_56:
0x2d9: {  	_ = 	snop  }
0x2da: {  	s11 =	rddreg [dreg:$0x11];
	s12 =	sadd.s32 $0x80, s24;
	v3 =	vld [tilespmem:s29+$0x1B000];
	s8 =	sadd.s32 $0x300, s8  }
0x2db: {  	v4 =	vld [tilespmem:s28+$0x1B000];
	s12 =	sand.u32 $0x60, s12;
	s31 =	sadd.s32 $0xFFFFFE80, s8;
	s18 =	sadd.s32 $0xFFFFFF00, s8  }
0x2dc: {  	s25 =	sadd.s32 $0xFFFFFF80, s8;
	s18 =	sand.u32 $0x3C00, s18;
	[tilespmem:s10+$0xF000] =	vst.add.f32.msk $0xffff, v2;
	s10 =	smov.u32 s24  }
0x2dd: {  	s24 =	sadd.s32 $0x60, s24;
	[tilespmem:s9+$0xF000] =	vst.add.f32.msk $0xffff, v0;
	s9 =	sand.u32 $0x3C00, s31;
	s31 =	sand.u32 $0x3C00, s25  }
0x2de: {  	[tilespmem:s7+$0xF000] =	vst.add.f32.msk $0xffff, v1;
	s25 =	sadd.s32 $0xFFFFFD80, s8;
	s7 =	sadd.s32 s0, s18;
	s13 =	sand.u32 $0x60, s24  }
0x2df: {  	v2 =	vld [tilespmem:s1+$0x1B000];
	s15 =	sadd.s32 $0x90, s10;
	s16 =	sadd.s32 $0xB0, s10;
	s10 =	sadd.s32 $0xA0, s10  }
0x2e0: {  	s9 =	sadd.s32 s0, s9;
	p0 =	slt.u32 s24, $0x2A0;
	s15 =	sand.u32 $0x70, s15  }
0x2e1: {  	s16 =	sand.u32 $0x70, s16;
	s17 =	sor.u32 s23, s13;
	s11 =	sor.u32 s11, s13  }
0x2e2: {  	[tilespmem:s29+$0xF000] =	vst.add.f32.msk $0xffff, v3;
	s10 =	sand.u32 $0x60, s10;
	s13 =	sadd.s32 s0, s31;
	s31 =	sand.u32 $0x3C00, s8  }
.Ltmp26:
0x2e3: {  	[tilespmem:s28+$0xF000] =	vst.add.f32.msk $0xffff, v4;
	s12 =	sor.u32 s12, s9;
	s10 =	sor.u32 s10, s13;
	(pc) =	sbr.rel @p0 .LBB2_56-.Ltmp26, $4  }
0x2e4: {  	s13 =	sadd.s32 s0, s31;
	s10 =	sor.u32 s23, s10;
	[tilespmem:s1+$0xF000] =	vst.add.f32.msk $0xffff, v2;
	s1 =	sand.u32 $0x1C00, s25  }
0x2e5: {  	v2 =	vld [tilespmem:s10+$0x1B000];
	s25 =	sor.u32 s15, s7;
	s7 =	sor.u32 s23, s12;
	s18 =	sadd.s32 s0, s1  }
0x2e6: {  	s31 =	sor.u32 s16, s13;
	v1 =	vld [tilespmem:s7+$0x1B000];
	s9 =	sor.u32 s18, s11  }
0x2e7: {  	s28 =	sor.u32 s23, s31;
	s1 =	sor.u32 s23, s25;
	s29 =	sor.u32 s18, s17;
	v0 =	vld [tilespmem:s9+$0x1B000]  }
0x2e8: {  	v63 =	vld [tilespmem:s1+$0x1B000]  }
0x2e9: {  	v3 =	vld [tilespmem:s29+$0x1B000]  }
0x2ea: {  	v4 =	vld [tilespmem:s28+$0x1B000];
	s4 =	sadd.s32 $0x1, s4  }
0x2eb: {  	p0 =	sne.s32 s4, $0x10;
	[tilespmem:s10+$0xF000] =	vst.add.f32.msk $0xffff, v2  }
.Ltmp27:
0x2ec: {  	[tilespmem:s7+$0xF000] =	vst.add.f32.msk $0xffff, v1;
	(pc) =	sbr.rel @p0 .LBB2_55-.Ltmp27, $4  }
0x2ed: {  	[tilespmem:s9+$0xF000] =	vst.add.f32.msk $0xffff, v0  }
0x2ee: {  	[tilespmem:s1+$0xF000] =	vst.add.f32.msk $0xffff, v63  }
0x2ef: {  	[tilespmem:s29+$0xF000] =	vst.add.f32.msk $0xffff, v3  }
0x2f0: {  	[tilespmem:s28+$0xF000] =	vst.add.f32.msk $0xffff, v4  }
0x2f1: {  	s0 =	sadd.s32 s5, s3  }
0x2f2: {  	s3 =	simm.s32 $0x0;
	s1 =	simm.s32 $0xF000;
	s25 =	simm.s32 $0x7  }
0x2f3: {  	[hbm4b:s0+s3] =	stream.linear.scatter [tilespmem:s1], [sflag:$0xE], $0x3000, $0x38;
	[tilespmem:$0x1E000] =	vst v63  }
0x2f4: {  	_ =	swait.ge [sflag:s25], $0x3000  }
0x2f5: {  	[sflag:s25] =	ssyncset.done $0x0  }
0x2f6: {  	s28 =	simm.s32 $0xB;
	[sflag:s25] =	ssyncadd.s32 $0xFFFFD000  }
0x2f7: {  	_ =	swait.ge [sflag:s28], $0x3000  }
0x2f8: {  	[sflag:s28] =	ssyncset.done $0x0  }
0x2f9: {  	s29 =	sadd.s32 $0x180000, s22;
	s31 =	simm.s32 $0x6000;
	[sflag:s28] =	ssyncadd.s32 $0xFFFFD000  }
0x2fa: {  	[tilespmem:s31], [sflag:$0x3] =	stream.linear.gather [hbm4b:s29+s3], $0x3000, $0x38;
	[tilespmem:$0x1E000] =	vst v63  }
.LBB2_59:
0x2fb: {  	s0 =	sshll.u32 s3, $0x7;
	s1 =	sshrl.u32 s3, $0x3  }
0x2fc: {  	s8 =	simm.s32 $0x280;
	s7 =	simm.s32 $0x20;
	s10 =	simm.s32 $0x30  }
0x2fd: {  	s11 =	simm.s32 $0x50;
	s24 =	simm.s32 $0x100;
	s25 =	simm.s32 $0x200  }
0x2fe: {  	s15 =	simm.s32 $0x180;
	s16 =	simm.s32 $0x40;
	s17 =	simm.s32 $0x0  }
0x2ff: {  	s4 =	sand.u32 $0x380, s0;
	s0 =	smul.u32 $0x1800, s1;
	s7 =	sand.u32 $0x60, s7  }
0x300: {  	s12 =	sand.u32 $0x70, s10;
	s11 =	sand.u32 $0x70, s11;
	s10 =	sand.u32 $0x3C00, s25  }
0x301: {  	s16 =	sand.u32 $0x60, s16;
	s15 =	sand.u32 $0x3C00, s15;
	s23 =	sor.u32 $0x10, s4  }
0x302: {  	s29 =	sand.u32 $0x3C00, s8;
	s17 =	sand.u32 $0x1C00, s17;
	[dreg:$0x12] =	wrdreg s23  }
0x303: {  	s23 =	simm.s32 $0x0;
	s10 =	sadd.s32 s0, s10;
	s15 =	sadd.s32 s0, s15  }
0x304: {  	s1 =	rddreg [dreg:$0x12];
	s9 =	sand.u32 $0x60, s23;
	s10 =	sor.u32 s16, s10  }
0x305: {  	s13 =	sor.u32 s4, s9;
	s1 =	sor.u32 s1, s9;
	s9 =	sand.u32 $0x3C00, s24  }
0x306: {  	s17 =	sadd.s32 s0, s17;
	s10 =	sor.u32 s4, s10;
	s9 =	sadd.s32 s0, s9  }
0x307: {  	s16 =	sadd.s32 s0, s29;
	v2 =	vld [tilespmem:s10+$0x1B000];
	s7 =	sor.u32 s7, s9;
	s9 =	sor.u32 s17, s1  }
0x308: {  	s31 =	sor.u32 s12, s15;
	s11 =	sor.u32 s11, s16;
	s7 =	sor.u32 s4, s7;
	v0 =	vld [tilespmem:s9+$0x1B000]  }
0x309: {  	s28 =	sor.u32 s17, s13;
	s24 =	sor.u32 s4, s11;
	s1 =	sor.u32 s4, s31;
	v1 =	vld [tilespmem:s7+$0x1B000]  }
.LBB2_60:
0x30a: {  	s12 =	sadd.s32 $0x80, s23;
	s29 =	smov.u32 s23;
	s23 =	sadd.s32 $0x60, s23  }
0x30b: {  	s11 =	rddreg [dreg:$0x12];
	s8 =	sadd.s32 $0x300, s8;
	s13 =	sand.u32 $0x60, s23  }
0x30c: {  	v3 =	vld [tilespmem:s28+$0x1B000];
	s15 =	sadd.s32 $0x90, s29;
	s16 =	sadd.s32 $0xB0, s29;
	s12 =	sand.u32 $0x60, s12  }
0x30d: {  	v4 =	vld [tilespmem:s24+$0x1B000];
	s31 =	sadd.s32 $0xFFFFFE80, s8;
	s18 =	sadd.s32 $0xFFFFFF00, s8;
	s25 =	sadd.s32 $0xFFFFFF80, s8  }
0x30e: {  	p0 =	slt.u32 s23, $0x2A0;
	s15 =	sand.u32 $0x70, s15;
	s16 =	sand.u32 $0x70, s16;
	[tilespmem:s10+$0x12000] =	vst.add.f32.msk $0xffff, v2  }
0x30f: {  	s17 =	sor.u32 s4, s13;
	s11 =	sor.u32 s11, s13;
	s25 =	sand.u32 $0x3C00, s25;
	v2 =	vld [tilespmem:s1+$0x1B000]  }
0x310: {  	s13 =	sadd.s32 s0, s25;
	[tilespmem:s9+$0x12000] =	vst.add.f32.msk $0xffff, v0;
	s9 =	sand.u32 $0x3C00, s31;
	s10 =	sadd.s32 $0xA0, s29  }
0x311: {  	[tilespmem:s7+$0x12000] =	vst.add.f32.msk $0xffff, v1;
	s29 =	sand.u32 $0x3C00, s18;
	s31 =	sadd.s32 $0xFFFFFD80, s8;
	s18 =	sand.u32 $0x3C00, s8  }
0x312: {  	s10 =	sand.u32 $0x60, s10;
	[tilespmem:s28+$0x12000] =	vst.add.f32.msk $0xffff, v3;
	s9 =	sadd.s32 s0, s9;
	s7 =	sadd.s32 s0, s29  }
.Ltmp28:
0x313: {  	[tilespmem:s24+$0x12000] =	vst.add.f32.msk $0xffff, v4;
	s10 =	sor.u32 s10, s13;
	s12 =	sor.u32 s12, s9;
	(pc) =	sbr.rel @p0 .LBB2_60-.Ltmp28, $4  }
0x314: {  	s29 =	sor.u32 s15, s7;
	s7 =	sor.u32 s4, s12;
	[tilespmem:s1+$0x12000] =	vst.add.f32.msk $0xffff, v2;
	s1 =	sand.u32 $0x1C00, s31  }
0x315: {  	s24 =	sadd.s32 s0, s18;
	s10 =	sor.u32 s4, s10;
	v1 =	vld [tilespmem:s7+$0x1B000];
	s25 =	sadd.s32 s0, s1  }
0x316: {  	v2 =	vld [tilespmem:s10+$0x1B000];
	s31 =	sor.u32 s16, s24;
	s9 =	sor.u32 s25, s11  }
0x317: {  	s1 =	sor.u32 s4, s29;
	s24 =	sor.u32 s4, s31;
	s28 =	sor.u32 s25, s17;
	v0 =	vld [tilespmem:s9+$0x1B000]  }
0x318: {  	v63 =	vld [tilespmem:s1+$0x1B000]  }
0x319: {  	v3 =	vld [tilespmem:s28+$0x1B000]  }
0x31a: {  	v4 =	vld [tilespmem:s24+$0x1B000];
	s3 =	sadd.s32 $0x1, s3  }
0x31b: {  	p0 =	sne.s32 s3, $0x10;
	[tilespmem:s7+$0x12000] =	vst.add.f32.msk $0xffff, v1  }
.Ltmp29:
0x31c: {  	[tilespmem:s10+$0x12000] =	vst.add.f32.msk $0xffff, v2;
	(pc) =	sbr.rel @p0 .LBB2_59-.Ltmp29, $4  }
0x31d: {  	[tilespmem:s9+$0x12000] =	vst.add.f32.msk $0xffff, v0  }
0x31e: {  	[tilespmem:s1+$0x12000] =	vst.add.f32.msk $0xffff, v63  }
0x31f: {  	[tilespmem:s28+$0x12000] =	vst.add.f32.msk $0xffff, v3  }
0x320: {  	[tilespmem:s24+$0x12000] =	vst.add.f32.msk $0xffff, v4  }
0x321: {  	s0 =	sadd.s32 s5, s14  }
0x322: {  	s3 =	simm.s32 $0x0;
	s1 =	simm.s32 $0x12000;
	s25 =	simm.s32 $0x8  }
0x323: {  	[hbm4b:s0+s3] =	stream.linear.scatter [tilespmem:s1], [sflag:$0xF], $0x3000, $0x38;
	[tilespmem:$0x1E000] =	vst v63  }
0x324: {  	_ =	swait.ge [sflag:s25], $0x3000  }
0x325: {  	[sflag:s25] =	ssyncset.done $0x0  }
0x326: {  	s28 =	simm.s32 $0xC;
	[sflag:s25] =	ssyncadd.s32 $0xFFFFD000  }
0x327: {  	_ =	swait.ge [sflag:s28], $0x3000  }
0x328: {  	s29 =	sadd.s32 $0x240000, s22;
	[sflag:s28] =	ssyncset.done $0x0  }
0x329: {  	s31 =	simm.s32 $0x9000;
	s25 =	simm.s32 $0x0;
	[sflag:s28] =	ssyncadd.s32 $0xFFFFD000  }
0x32a: {  	[tilespmem:s31], [sflag:$0x4] =	stream.linear.gather [hbm4b:s29+s3], $0x3000, $0x38;
	[tilespmem:$0x1E000] =	vst v63  }
.LBB2_63:
0x32b: {  	s0 =	sshll.u32 s3, $0x7;
	s1 =	sshrl.u32 s3, $0x3  }
0x32c: {  	s8 =	simm.s32 $0x280;
	s14 =	simm.s32 $0x0;
	s7 =	simm.s32 $0x20  }
0x32d: {  	s10 =	simm.s32 $0x30;
	s11 =	simm.s32 $0x50;
	s24 =	simm.s32 $0x100  }
0x32e: {  	s28 =	simm.s32 $0x200;
	s15 =	simm.s32 $0x180;
	s16 =	simm.s32 $0x40  }
0x32f: {  	s17 =	simm.s32 $0x0;
	s4 =	sand.u32 $0x380, s0;
	s0 =	smul.u32 $0x1800, s1  }
0x330: {  	s9 =	sand.u32 $0x60, s14;
	s7 =	sand.u32 $0x60, s7;
	s12 =	sand.u32 $0x70, s10  }
0x331: {  	s11 =	sand.u32 $0x70, s11;
	s10 =	sand.u32 $0x3C00, s28;
	s16 =	sand.u32 $0x60, s16  }
0x332: {  	s15 =	sand.u32 $0x3C00, s15;
	s29 =	sand.u32 $0x3C00, s8;
	s23 =	sor.u32 $0x10, s4  }
0x333: {  	s17 =	sand.u32 $0x1C00, s17;
	s13 =	sor.u32 s4, s9;
	[dreg:$0x13] =	wrdreg s23  }
0x334: {  	s10 =	sadd.s32 s0, s10;
	s15 =	sadd.s32 s0, s15;
	s1 =	rddreg [dreg:$0x13]  }
0x335: {  	s10 =	sor.u32 s16, s10;
	s1 =	sor.u32 s1, s9;
	s9 =	sand.u32 $0x3C00, s24  }
0x336: {  	s17 =	sadd.s32 s0, s17;
	s10 =	sor.u32 s4, s10;
	s9 =	sadd.s32 s0, s9  }
0x337: {  	s16 =	sadd.s32 s0, s29;
	v2 =	vld [tilespmem:s10+$0x1B000];
	s7 =	sor.u32 s7, s9;
	s9 =	sor.u32 s17, s1  }
0x338: {  	s31 =	sor.u32 s12, s15;
	s11 =	sor.u32 s11, s16;
	s7 =	sor.u32 s4, s7;
	v0 =	vld [tilespmem:s9+$0x1B000]  }
0x339: {  	s23 =	sor.u32 s17, s13;
	s22 =	sor.u32 s4, s11;
	s1 =	sor.u32 s4, s31;
	v1 =	vld [tilespmem:s7+$0x1B000]  }
.LBB2_64:
0x33a: {  	s12 =	sadd.s32 $0x80, s14;
	s29 =	smov.u32 s14;
	s14 =	sadd.s32 $0x60, s14  }
0x33b: {  	s11 =	rddreg [dreg:$0x13];
	s8 =	sadd.s32 $0x300, s8;
	s13 =	sand.u32 $0x60, s14  }
0x33c: {  	v3 =	vld [tilespmem:s23+$0x1B000];
	s15 =	sadd.s32 $0x90, s29;
	s16 =	sadd.s32 $0xB0, s29;
	s12 =	sand.u32 $0x60, s12  }
0x33d: {  	v4 =	vld [tilespmem:s22+$0x1B000];
	s31 =	sadd.s32 $0xFFFFFE80, s8;
	s18 =	sadd.s32 $0xFFFFFF00, s8;
	s24 =	sadd.s32 $0xFFFFFF80, s8  }
0x33e: {  	p0 =	slt.u32 s14, $0x2A0;
	s15 =	sand.u32 $0x70, s15;
	s16 =	sand.u32 $0x70, s16;
	[tilespmem:s10+$0x15000] =	vst.add.f32.msk $0xffff, v2  }
0x33f: {  	s17 =	sor.u32 s4, s13;
	s11 =	sor.u32 s11, s13;
	s28 =	sand.u32 $0x3C00, s24;
	v2 =	vld [tilespmem:s1+$0x1B000]  }
0x340: {  	s13 =	sadd.s32 s0, s28;
	[tilespmem:s9+$0x15000] =	vst.add.f32.msk $0xffff, v0;
	s9 =	sand.u32 $0x3C00, s31;
	s10 =	sadd.s32 $0xA0, s29  }
0x341: {  	[tilespmem:s7+$0x15000] =	vst.add.f32.msk $0xffff, v1;
	s29 =	sand.u32 $0x3C00, s18;
	s31 =	sadd.s32 $0xFFFFFD80, s8;
	s18 =	sand.u32 $0x3C00, s8  }
0x342: {  	s10 =	sand.u32 $0x60, s10;
	[tilespmem:s23+$0x15000] =	vst.add.f32.msk $0xffff, v3;
	s9 =	sadd.s32 s0, s9;
	s7 =	sadd.s32 s0, s29  }
.Ltmp30:
0x343: {  	[tilespmem:s22+$0x15000] =	vst.add.f32.msk $0xffff, v4;
	s10 =	sor.u32 s10, s13;
	s12 =	sor.u32 s12, s9;
	(pc) =	sbr.rel @p0 .LBB2_64-.Ltmp30, $4  }
0x344: {  	s29 =	sor.u32 s15, s7;
	s7 =	sor.u32 s4, s12;
	[tilespmem:s1+$0x15000] =	vst.add.f32.msk $0xffff, v2;
	s1 =	sand.u32 $0x1C00, s31  }
0x345: {  	s24 =	sadd.s32 s0, s18;
	s10 =	sor.u32 s4, s10;
	v1 =	vld [tilespmem:s7+$0x1B000];
	s28 =	sadd.s32 s0, s1  }
0x346: {  	v2 =	vld [tilespmem:s10+$0x1B000];
	s31 =	sor.u32 s16, s24;
	s9 =	sor.u32 s28, s11  }
0x347: {  	s1 =	sor.u32 s4, s29;
	s22 =	sor.u32 s4, s31;
	s23 =	sor.u32 s28, s17;
	v0 =	vld [tilespmem:s9+$0x1B000]  }
0x348: {  	v63 =	vld [tilespmem:s1+$0x1B000]  }
0x349: {  	v3 =	vld [tilespmem:s23+$0x1B000]  }
0x34a: {  	v4 =	vld [tilespmem:s22+$0x1B000];
	s3 =	sadd.s32 $0x1, s3  }
0x34b: {  	p0 =	sne.s32 s3, $0x10;
	[tilespmem:s7+$0x15000] =	vst.add.f32.msk $0xffff, v1  }
.Ltmp31:
0x34c: {  	[tilespmem:s10+$0x15000] =	vst.add.f32.msk $0xffff, v2;
	(pc) =	sbr.rel @p0 .LBB2_63-.Ltmp31, $4  }
0x34d: {  	[tilespmem:s9+$0x15000] =	vst.add.f32.msk $0xffff, v0  }
0x34e: {  	[tilespmem:s1+$0x15000] =	vst.add.f32.msk $0xffff, v63  }
0x34f: {  	[tilespmem:s23+$0x15000] =	vst.add.f32.msk $0xffff, v3  }
0x350: {  	[tilespmem:s22+$0x15000] =	vst.add.f32.msk $0xffff, v4  }
0x351: {  	s6 =	sadd.s32 $0x1, s6  }
0x352: {  	p0 =	sne.s32 s6, $0x7  }
.Ltmp32:
0x353: {  	_ = 	snop;
	(pc) =	sbr.rel @p0 .LBB2_34-.Ltmp32, $3  }
0x354: {  	_ =	sdelay $0x1  }
0x355: {  	s0 =	sadd.s32 s5, s21;
	s1 =	simm.s32 $0x15000  }
0x356: {  	[hbm4b:s0+s25] =	stream.linear.scatter [tilespmem:s1], [sflag:$0x10], $0x3000, $0x38;
	[tilespmem:$0x1E000] =	vst v63  }
0x357: {  	s0 =	sld [smem:$0x7EA];
	_ =	sdelay $0x1  }
0x358: {  	s3 =	simm.s32 $0x0;
	s1 =	simm.s32 $0x1B000;
	s24 =	simm.s32 $0x11  }
0x359: {  	[tilespmem:s1], [sflag:$0x12] =	stream.linear.gather [hbm4b:s0+s3], $0x3000, $0x38;
	[tilespmem:$0x1E000] =	vst v63  }
0x35a: {  	_ =	swait.ge [sflag:s24], $0x3000  }
0x35b: {  	[sflag:s24] =	ssyncset.done $0x0  }
0x35c: {  	s28 =	simm.s32 $0x1;
	[sflag:s24] =	ssyncadd.s32 $0xFFFFD000  }
0x35d: {  	_ =	swait.ge [sflag:s28], $0x3000  }
0x35e: {  	[sflag:s28] =	ssyncset.done $0x0  }
0x35f: {  	s29 =	simm.s32 $0xD;
	[sflag:s28] =	ssyncadd.s32 $0xFFFFD000  }
0x360: {  	_ =	swait.ge [sflag:s29], $0x3000  }
0x361: {  	s31 =	sld [smem:$0x7EB]  }
0x362: {  	[sflag:s29] =	ssyncset.done $0x0  }
0x363: {  	[sflag:s29] =	ssyncadd.s32 $0xFFFFD000  }
0x364: {  	[tilespmem:s30], [sflag:$0x5] =	stream.linear.gather [hbm4b:s31+s3], $0x3000, $0x38;
	[tilespmem:$0x1E000] =	vst v63  }
.LBB2_68:
0x365: {  	s0 =	sshll.u32 s3, $0x7;
	s1 =	sshrl.u32 s3, $0x3  }
0x366: {  	s6 =	simm.s32 $0x280;
	s8 =	simm.s32 $0x0;
	s7 =	simm.s32 $0x20  }
0x367: {  	s10 =	simm.s32 $0x30;
	s11 =	simm.s32 $0x50;
	s24 =	simm.s32 $0x100  }
0x368: {  	s28 =	simm.s32 $0x200;
	s14 =	simm.s32 $0x180;
	s15 =	simm.s32 $0x40  }
0x369: {  	s16 =	simm.s32 $0x0;
	s4 =	sand.u32 $0x380, s0;
	s0 =	smul.u32 $0x1800, s1  }
0x36a: {  	s9 =	sand.u32 $0x60, s8;
	s7 =	sand.u32 $0x60, s7;
	s12 =	sand.u32 $0x70, s10  }
0x36b: {  	s11 =	sand.u32 $0x70, s11;
	s10 =	sand.u32 $0x3C00, s28;
	s15 =	sand.u32 $0x60, s15  }
0x36c: {  	s14 =	sand.u32 $0x3C00, s14;
	s29 =	sand.u32 $0x3C00, s6;
	s23 =	sor.u32 $0x10, s4  }
0x36d: {  	s16 =	sand.u32 $0x1C00, s16;
	s13 =	sor.u32 s4, s9;
	[dreg:$0x14] =	wrdreg s23  }
0x36e: {  	s10 =	sadd.s32 s0, s10;
	s14 =	sadd.s32 s0, s14;
	s1 =	rddreg [dreg:$0x14]  }
0x36f: {  	s10 =	sor.u32 s15, s10;
	s1 =	sor.u32 s1, s9;
	s9 =	sand.u32 $0x3C00, s24  }
0x370: {  	s16 =	sadd.s32 s0, s16;
	s10 =	sor.u32 s4, s10;
	s9 =	sadd.s32 s0, s9  }
0x371: {  	s15 =	sadd.s32 s0, s29;
	v2 =	vld [tilespmem:s10+$0x18000];
	s7 =	sor.u32 s7, s9;
	s9 =	sor.u32 s16, s1  }
0x372: {  	s31 =	sor.u32 s12, s14;
	s11 =	sor.u32 s11, s15;
	s7 =	sor.u32 s4, s7;
	v0 =	vld [tilespmem:s9+$0x18000]  }
0x373: {  	s21 =	sor.u32 s16, s13;
	s14 =	sor.u32 s4, s11;
	s1 =	sor.u32 s4, s31;
	v1 =	vld [tilespmem:s7+$0x18000]  }
.LBB2_69:
0x374: {  	s12 =	sadd.s32 $0x80, s8;
	s24 =	smov.u32 s8;
	s8 =	sadd.s32 $0x60, s8  }
0x375: {  	s11 =	rddreg [dreg:$0x14];
	s6 =	sadd.s32 $0x300, s6;
	s13 =	sand.u32 $0x60, s8  }
0x376: {  	v3 =	vld [tilespmem:s21+$0x18000];
	s15 =	sadd.s32 $0x90, s24;
	s16 =	sadd.s32 $0xB0, s24;
	s12 =	sand.u32 $0x60, s12  }
0x377: {  	v4 =	vld [tilespmem:s14+$0x18000];
	s28 =	sadd.s32 $0xFFFFFE80, s6;
	s18 =	sadd.s32 $0xFFFFFF00, s6;
	s22 =	sadd.s32 $0xFFFFFF80, s6  }
0x378: {  	s23 =	sand.u32 $0x3C00, s6;
	p0 =	slt.u32 s8, $0x2A0;
	s15 =	sand.u32 $0x70, s15;
	[tilespmem:s10+$0x0] =	vst.add.f32.msk $0xffff, v2  }
0x379: {  	s16 =	sand.u32 $0x70, s16;
	s17 =	sor.u32 s4, s13;
	s11 =	sor.u32 s11, s13;
	v2 =	vld [tilespmem:s1+$0x18000]  }
0x37a: {  	s29 =	sand.u32 $0x3C00, s28;
	s31 =	sand.u32 $0x3C00, s22;
	s18 =	sand.u32 $0x3C00, s18;
	[tilespmem:s9+$0x0] =	vst.add.f32.msk $0xffff, v0  }
0x37b: {  	s22 =	sadd.s32 $0xFFFFFD80, s6;
	s13 =	sadd.s32 s0, s31;
	s10 =	sadd.s32 $0xA0, s24;
	[tilespmem:s7+$0x0] =	vst.add.f32.msk $0xffff, v1  }
0x37c: {  	s9 =	sadd.s32 s0, s29;
	s7 =	sadd.s32 s0, s18;
	s10 =	sand.u32 $0x60, s10;
	[tilespmem:s21+$0x0] =	vst.add.f32.msk $0xffff, v3  }
.Ltmp33:
0x37d: {  	[tilespmem:s14+$0x0] =	vst.add.f32.msk $0xffff, v4;
	s12 =	sor.u32 s12, s9;
	s29 =	sor.u32 s15, s7;
	(pc) =	sbr.rel @p0 .LBB2_69-.Ltmp33, $4  }
0x37e: {  	s10 =	sor.u32 s10, s13;
	s7 =	sor.u32 s4, s12;
	[tilespmem:s1+$0x0] =	vst.add.f32.msk $0xffff, v2;
	s1 =	sand.u32 $0x1C00, s22  }
0x37f: {  	s24 =	sadd.s32 s0, s23;
	s10 =	sor.u32 s4, s10;
	v1 =	vld [tilespmem:s7+$0x18000];
	s28 =	sadd.s32 s0, s1  }
0x380: {  	s31 =	sor.u32 s16, s24;
	v2 =	vld [tilespmem:s10+$0x18000];
	s9 =	sor.u32 s28, s11  }
0x381: {  	s14 =	sor.u32 s4, s31;
	s1 =	sor.u32 s4, s29;
	s21 =	sor.u32 s28, s17;
	v0 =	vld [tilespmem:s9+$0x18000]  }
0x382: {  	v63 =	vld [tilespmem:s1+$0x18000]  }
0x383: {  	v3 =	vld [tilespmem:s21+$0x18000]  }
0x384: {  	v4 =	vld [tilespmem:s14+$0x18000];
	s3 =	sadd.s32 $0x1, s3  }
0x385: {  	p0 =	sne.s32 s3, $0x10;
	[tilespmem:s7+$0x0] =	vst.add.f32.msk $0xffff, v1  }
.Ltmp34:
0x386: {  	[tilespmem:s10+$0x0] =	vst.add.f32.msk $0xffff, v2;
	(pc) =	sbr.rel @p0 .LBB2_68-.Ltmp34, $4  }
0x387: {  	[tilespmem:s9+$0x0] =	vst.add.f32.msk $0xffff, v0  }
0x388: {  	[tilespmem:s1+$0x0] =	vst.add.f32.msk $0xffff, v63  }
0x389: {  	[tilespmem:s21+$0x0] =	vst.add.f32.msk $0xffff, v3  }
0x38a: {  	[tilespmem:s14+$0x0] =	vst.add.f32.msk $0xffff, v4  }
0x38b: {  	s0 =	sld [smem:$0x7F9];
	_ =	sdelay $0x1  }
0x38c: {  	s3 =	simm.s32 $0x0;
	s29 =	simm.s32 $0x2  }
0x38d: {  	[hbm4b:s0+s3] =	stream.linear.scatter [tilespmem:s3], [sflag:$0x9], $0x3000, $0x38;
	[tilespmem:$0x1E000] =	vst v63  }
0x38e: {  	_ =	swait.ge [sflag:s29], $0x3000  }
0x38f: {  	[sflag:s29] =	ssyncset.done $0x0  }
0x390: {  	[sflag:s29] =	ssyncadd.s32 $0xFFFFD000  }
0x391: {  	_ =	swait.ge [sflag:s26], $0x3000  }
0x392: {  	s31 =	sld [smem:$0x7ED]  }
0x393: {  	[sflag:s26] =	ssyncset.done $0x0  }
0x394: {  	s1 =	simm.s32 $0xF000;
	[sflag:s26] =	ssyncadd.s32 $0xFFFFD000  }
0x395: {  	[tilespmem:s1], [sflag:$0x6] =	stream.linear.gather [hbm4b:s31+s3], $0x3000, $0x38;
	[tilespmem:$0x1E000] =	vst v63  }
.LBB2_72:
0x396: {  	s0 =	sshll.u32 s3, $0x7;
	s1 =	sshrl.u32 s3, $0x3  }
0x397: {  	s6 =	simm.s32 $0x280;
	s8 =	simm.s32 $0x0;
	s7 =	simm.s32 $0x20  }
0x398: {  	s10 =	simm.s32 $0x30;
	s11 =	simm.s32 $0x50;
	s24 =	simm.s32 $0x100  }
0x399: {  	s28 =	simm.s32 $0x200;
	s14 =	simm.s32 $0x180;
	s15 =	simm.s32 $0x40  }
0x39a: {  	s16 =	simm.s32 $0x0;
	s4 =	sand.u32 $0x380, s0;
	s0 =	smul.u32 $0x1800, s1  }
0x39b: {  	s9 =	sand.u32 $0x60, s8;
	s7 =	sand.u32 $0x60, s7;
	s12 =	sand.u32 $0x70, s10  }
0x39c: {  	s11 =	sand.u32 $0x70, s11;
	s10 =	sand.u32 $0x3C00, s28;
	s15 =	sand.u32 $0x60, s15  }
0x39d: {  	s14 =	sand.u32 $0x3C00, s14;
	s29 =	sand.u32 $0x3C00, s6;
	s23 =	sor.u32 $0x10, s4  }
0x39e: {  	s16 =	sand.u32 $0x1C00, s16;
	s13 =	sor.u32 s4, s9;
	[dreg:$0x15] =	wrdreg s23  }
0x39f: {  	s10 =	sadd.s32 s0, s10;
	s14 =	sadd.s32 s0, s14;
	s1 =	rddreg [dreg:$0x15]  }
0x3a0: {  	s10 =	sor.u32 s15, s10;
	s1 =	sor.u32 s1, s9;
	s9 =	sand.u32 $0x3C00, s24  }
0x3a1: {  	s16 =	sadd.s32 s0, s16;
	s10 =	sor.u32 s4, s10;
	s9 =	sadd.s32 s0, s9  }
0x3a2: {  	s15 =	sadd.s32 s0, s29;
	v2 =	vld [tilespmem:s10+$0x18000];
	s7 =	sor.u32 s7, s9;
	s9 =	sor.u32 s16, s1  }
0x3a3: {  	s31 =	sor.u32 s12, s14;
	s11 =	sor.u32 s11, s15;
	s7 =	sor.u32 s4, s7;
	v0 =	vld [tilespmem:s9+$0x18000]  }
0x3a4: {  	s21 =	sor.u32 s16, s13;
	s14 =	sor.u32 s4, s11;
	s1 =	sor.u32 s4, s31;
	v1 =	vld [tilespmem:s7+$0x18000]  }
.LBB2_73:
0x3a5: {  	s12 =	sadd.s32 $0x80, s8;
	s24 =	smov.u32 s8;
	s8 =	sadd.s32 $0x60, s8  }
0x3a6: {  	s11 =	rddreg [dreg:$0x15];
	s6 =	sadd.s32 $0x300, s6;
	s13 =	sand.u32 $0x60, s8  }
0x3a7: {  	v3 =	vld [tilespmem:s21+$0x18000];
	s15 =	sadd.s32 $0x90, s24;
	s16 =	sadd.s32 $0xB0, s24;
	s12 =	sand.u32 $0x60, s12  }
0x3a8: {  	v4 =	vld [tilespmem:s14+$0x18000];
	s28 =	sadd.s32 $0xFFFFFE80, s6;
	s18 =	sadd.s32 $0xFFFFFF00, s6;
	s22 =	sadd.s32 $0xFFFFFF80, s6  }
0x3a9: {  	s23 =	sand.u32 $0x3C00, s6;
	p0 =	slt.u32 s8, $0x2A0;
	s15 =	sand.u32 $0x70, s15;
	[tilespmem:s10+$0x3000] =	vst.add.f32.msk $0xffff, v2  }
0x3aa: {  	s16 =	sand.u32 $0x70, s16;
	s17 =	sor.u32 s4, s13;
	s11 =	sor.u32 s11, s13;
	v2 =	vld [tilespmem:s1+$0x18000]  }
0x3ab: {  	s29 =	sand.u32 $0x3C00, s28;
	s31 =	sand.u32 $0x3C00, s22;
	s18 =	sand.u32 $0x3C00, s18;
	[tilespmem:s9+$0x3000] =	vst.add.f32.msk $0xffff, v0  }
0x3ac: {  	s22 =	sadd.s32 $0xFFFFFD80, s6;
	s13 =	sadd.s32 s0, s31;
	s10 =	sadd.s32 $0xA0, s24;
	[tilespmem:s7+$0x3000] =	vst.add.f32.msk $0xffff, v1  }
0x3ad: {  	s9 =	sadd.s32 s0, s29;
	s7 =	sadd.s32 s0, s18;
	s10 =	sand.u32 $0x60, s10;
	[tilespmem:s21+$0x3000] =	vst.add.f32.msk $0xffff, v3  }
.Ltmp35:
0x3ae: {  	[tilespmem:s14+$0x3000] =	vst.add.f32.msk $0xffff, v4;
	s12 =	sor.u32 s12, s9;
	s29 =	sor.u32 s15, s7;
	(pc) =	sbr.rel @p0 .LBB2_73-.Ltmp35, $4  }
0x3af: {  	s10 =	sor.u32 s10, s13;
	s7 =	sor.u32 s4, s12;
	[tilespmem:s1+$0x3000] =	vst.add.f32.msk $0xffff, v2;
	s1 =	sand.u32 $0x1C00, s22  }
0x3b0: {  	s24 =	sadd.s32 s0, s23;
	s10 =	sor.u32 s4, s10;
	v1 =	vld [tilespmem:s7+$0x18000];
	s28 =	sadd.s32 s0, s1  }
0x3b1: {  	s31 =	sor.u32 s16, s24;
	v2 =	vld [tilespmem:s10+$0x18000];
	s9 =	sor.u32 s28, s11  }
0x3b2: {  	s14 =	sor.u32 s4, s31;
	s1 =	sor.u32 s4, s29;
	s21 =	sor.u32 s28, s17;
	v0 =	vld [tilespmem:s9+$0x18000]  }
0x3b3: {  	v63 =	vld [tilespmem:s1+$0x18000]  }
0x3b4: {  	v3 =	vld [tilespmem:s21+$0x18000]  }
0x3b5: {  	v4 =	vld [tilespmem:s14+$0x18000];
	s3 =	sadd.s32 $0x1, s3  }
0x3b6: {  	p0 =	sne.s32 s3, $0x10;
	[tilespmem:s7+$0x3000] =	vst.add.f32.msk $0xffff, v1  }
.Ltmp36:
0x3b7: {  	[tilespmem:s10+$0x3000] =	vst.add.f32.msk $0xffff, v2;
	(pc) =	sbr.rel @p0 .LBB2_72-.Ltmp36, $4  }
0x3b8: {  	[tilespmem:s9+$0x3000] =	vst.add.f32.msk $0xffff, v0  }
0x3b9: {  	[tilespmem:s1+$0x3000] =	vst.add.f32.msk $0xffff, v63  }
0x3ba: {  	[tilespmem:s21+$0x3000] =	vst.add.f32.msk $0xffff, v3  }
0x3bb: {  	[tilespmem:s14+$0x3000] =	vst.add.f32.msk $0xffff, v4  }
0x3bc: {  	s0 =	sld [smem:$0x7FB];
	_ =	sdelay $0x1  }
0x3bd: {  	s3 =	simm.s32 $0x0;
	s1 =	simm.s32 $0x3000;
	s28 =	simm.s32 $0x3  }
0x3be: {  	[hbm4b:s0+s3] =	stream.linear.scatter [tilespmem:s1], [sflag:$0xA], $0x3000, $0x38;
	[tilespmem:$0x1E000] =	vst v63  }
0x3bf: {  	_ =	swait.ge [sflag:s28], $0x3000  }
0x3c0: {  	[sflag:s28] =	ssyncset.done $0x0  }
0x3c1: {  	[sflag:s28] =	ssyncadd.s32 $0xFFFFD000  }
0x3c2: {  	_ =	swait.ge [sflag:s19], $0x3000  }
0x3c3: {  	s29 =	sld [smem:$0x7EF]  }
0x3c4: {  	[sflag:s19] =	ssyncset.done $0x0  }
0x3c5: {  	s31 =	simm.s32 $0x12000;
	[sflag:s19] =	ssyncadd.s32 $0xFFFFD000  }
0x3c6: {  	[tilespmem:s31], [sflag:$0x7] =	stream.linear.gather [hbm4b:s29+s3], $0x3000, $0x38;
	[tilespmem:$0x1E000] =	vst v63  }
.LBB2_76:
0x3c7: {  	s0 =	sshll.u32 s3, $0x7;
	s1 =	sshrl.u32 s3, $0x3  }
0x3c8: {  	s6 =	simm.s32 $0x280;
	s8 =	simm.s32 $0x0;
	s7 =	simm.s32 $0x20  }
0x3c9: {  	s10 =	simm.s32 $0x30;
	s11 =	simm.s32 $0x50;
	s24 =	simm.s32 $0x100  }
0x3ca: {  	s28 =	simm.s32 $0x200;
	s14 =	simm.s32 $0x180;
	s15 =	simm.s32 $0x40  }
0x3cb: {  	s16 =	simm.s32 $0x0;
	s4 =	sand.u32 $0x380, s0;
	s0 =	smul.u32 $0x1800, s1  }
0x3cc: {  	s9 =	sand.u32 $0x60, s8;
	s7 =	sand.u32 $0x60, s7;
	s12 =	sand.u32 $0x70, s10  }
0x3cd: {  	s11 =	sand.u32 $0x70, s11;
	s10 =	sand.u32 $0x3C00, s28;
	s15 =	sand.u32 $0x60, s15  }
0x3ce: {  	s14 =	sand.u32 $0x3C00, s14;
	s29 =	sand.u32 $0x3C00, s6;
	s23 =	sor.u32 $0x10, s4  }
0x3cf: {  	s16 =	sand.u32 $0x1C00, s16;
	s13 =	sor.u32 s4, s9;
	[dreg:$0x16] =	wrdreg s23  }
0x3d0: {  	s10 =	sadd.s32 s0, s10;
	s14 =	sadd.s32 s0, s14;
	s1 =	rddreg [dreg:$0x16]  }
0x3d1: {  	s10 =	sor.u32 s15, s10;
	s1 =	sor.u32 s1, s9;
	s9 =	sand.u32 $0x3C00, s24  }
0x3d2: {  	s16 =	sadd.s32 s0, s16;
	s10 =	sor.u32 s4, s10;
	s9 =	sadd.s32 s0, s9  }
0x3d3: {  	s15 =	sadd.s32 s0, s29;
	v2 =	vld [tilespmem:s10+$0x18000];
	s7 =	sor.u32 s7, s9;
	s9 =	sor.u32 s16, s1  }
0x3d4: {  	s31 =	sor.u32 s12, s14;
	s11 =	sor.u32 s11, s15;
	s7 =	sor.u32 s4, s7;
	v0 =	vld [tilespmem:s9+$0x18000]  }
0x3d5: {  	s21 =	sor.u32 s16, s13;
	s14 =	sor.u32 s4, s11;
	s1 =	sor.u32 s4, s31;
	v1 =	vld [tilespmem:s7+$0x18000]  }
.LBB2_77:
0x3d6: {  	s12 =	sadd.s32 $0x80, s8;
	s24 =	smov.u32 s8;
	s8 =	sadd.s32 $0x60, s8  }
0x3d7: {  	s11 =	rddreg [dreg:$0x16];
	s6 =	sadd.s32 $0x300, s6;
	s13 =	sand.u32 $0x60, s8  }
0x3d8: {  	v3 =	vld [tilespmem:s21+$0x18000];
	s15 =	sadd.s32 $0x90, s24;
	s16 =	sadd.s32 $0xB0, s24;
	s12 =	sand.u32 $0x60, s12  }
0x3d9: {  	v4 =	vld [tilespmem:s14+$0x18000];
	s28 =	sadd.s32 $0xFFFFFE80, s6;
	s18 =	sadd.s32 $0xFFFFFF00, s6;
	s22 =	sadd.s32 $0xFFFFFF80, s6  }
0x3da: {  	s23 =	sand.u32 $0x3C00, s6;
	p0 =	slt.u32 s8, $0x2A0;
	s15 =	sand.u32 $0x70, s15;
	[tilespmem:s10+$0x6000] =	vst.add.f32.msk $0xffff, v2  }
0x3db: {  	s16 =	sand.u32 $0x70, s16;
	s17 =	sor.u32 s4, s13;
	s11 =	sor.u32 s11, s13;
	v2 =	vld [tilespmem:s1+$0x18000]  }
0x3dc: {  	s29 =	sand.u32 $0x3C00, s28;
	s31 =	sand.u32 $0x3C00, s22;
	s18 =	sand.u32 $0x3C00, s18;
	[tilespmem:s9+$0x6000] =	vst.add.f32.msk $0xffff, v0  }
0x3dd: {  	s22 =	sadd.s32 $0xFFFFFD80, s6;
	s13 =	sadd.s32 s0, s31;
	s10 =	sadd.s32 $0xA0, s24;
	[tilespmem:s7+$0x6000] =	vst.add.f32.msk $0xffff, v1  }
0x3de: {  	s9 =	sadd.s32 s0, s29;
	s7 =	sadd.s32 s0, s18;
	s10 =	sand.u32 $0x60, s10;
	[tilespmem:s21+$0x6000] =	vst.add.f32.msk $0xffff, v3  }
.Ltmp37:
0x3df: {  	[tilespmem:s14+$0x6000] =	vst.add.f32.msk $0xffff, v4;
	s12 =	sor.u32 s12, s9;
	s29 =	sor.u32 s15, s7;
	(pc) =	sbr.rel @p0 .LBB2_77-.Ltmp37, $4  }
0x3e0: {  	s10 =	sor.u32 s10, s13;
	s7 =	sor.u32 s4, s12;
	[tilespmem:s1+$0x6000] =	vst.add.f32.msk $0xffff, v2;
	s1 =	sand.u32 $0x1C00, s22  }
0x3e1: {  	s24 =	sadd.s32 s0, s23;
	s10 =	sor.u32 s4, s10;
	v1 =	vld [tilespmem:s7+$0x18000];
	s28 =	sadd.s32 s0, s1  }
0x3e2: {  	s31 =	sor.u32 s16, s24;
	v2 =	vld [tilespmem:s10+$0x18000];
	s9 =	sor.u32 s28, s11  }
0x3e3: {  	s14 =	sor.u32 s4, s31;
	s1 =	sor.u32 s4, s29;
	s21 =	sor.u32 s28, s17;
	v0 =	vld [tilespmem:s9+$0x18000]  }
0x3e4: {  	v63 =	vld [tilespmem:s1+$0x18000]  }
0x3e5: {  	v3 =	vld [tilespmem:s21+$0x18000]  }
0x3e6: {  	v4 =	vld [tilespmem:s14+$0x18000];
	s3 =	sadd.s32 $0x1, s3  }
0x3e7: {  	p0 =	sne.s32 s3, $0x10;
	[tilespmem:s7+$0x6000] =	vst.add.f32.msk $0xffff, v1  }
.Ltmp38:
0x3e8: {  	[tilespmem:s10+$0x6000] =	vst.add.f32.msk $0xffff, v2;
	(pc) =	sbr.rel @p0 .LBB2_76-.Ltmp38, $4  }
0x3e9: {  	[tilespmem:s9+$0x6000] =	vst.add.f32.msk $0xffff, v0  }
0x3ea: {  	[tilespmem:s1+$0x6000] =	vst.add.f32.msk $0xffff, v63  }
0x3eb: {  	[tilespmem:s21+$0x6000] =	vst.add.f32.msk $0xffff, v3  }
0x3ec: {  	[tilespmem:s14+$0x6000] =	vst.add.f32.msk $0xffff, v4  }
0x3ed: {  	s0 =	sld [smem:$0x7FA];
	_ =	sdelay $0x1  }
0x3ee: {  	s3 =	simm.s32 $0x0;
	s1 =	simm.s32 $0x6000;
	s28 =	simm.s32 $0x4  }
0x3ef: {  	[hbm4b:s0+s3] =	stream.linear.scatter [tilespmem:s1], [sflag:$0xB], $0x3000, $0x38;
	[tilespmem:$0x1E000] =	vst v63  }
0x3f0: {  	_ =	swait.ge [sflag:s28], $0x3000  }
0x3f1: {  	[sflag:s28] =	ssyncset.done $0x0  }
0x3f2: {  	[sflag:s28] =	ssyncadd.s32 $0xFFFFD000  }
0x3f3: {  	_ =	swait.ge [sflag:s20], $0x3000  }
0x3f4: {  	s29 =	sld [smem:$0x7F1]  }
0x3f5: {  	[sflag:s20] =	ssyncset.done $0x0  }
0x3f6: {  	s31 =	simm.s32 $0x15000;
	[sflag:s20] =	ssyncadd.s32 $0xFFFFD000  }
0x3f7: {  	[tilespmem:s31], [sflag:$0x8] =	stream.linear.gather [hbm4b:s29+s3], $0x3000, $0x38;
	[tilespmem:$0x1E000] =	vst v63  }
.LBB2_80:
0x3f8: {  	s0 =	sshll.u32 s3, $0x7;
	s1 =	sshrl.u32 s3, $0x3  }
0x3f9: {  	s6 =	simm.s32 $0x280;
	s8 =	simm.s32 $0x0;
	s7 =	simm.s32 $0x20  }
0x3fa: {  	s10 =	simm.s32 $0x30;
	s11 =	simm.s32 $0x50;
	s24 =	simm.s32 $0x100  }
0x3fb: {  	s28 =	simm.s32 $0x200;
	s14 =	simm.s32 $0x180;
	s15 =	simm.s32 $0x40  }
0x3fc: {  	s16 =	simm.s32 $0x0;
	s4 =	sand.u32 $0x380, s0;
	s0 =	smul.u32 $0x1800, s1  }
0x3fd: {  	s9 =	sand.u32 $0x60, s8;
	s7 =	sand.u32 $0x60, s7;
	s12 =	sand.u32 $0x70, s10  }
0x3fe: {  	s11 =	sand.u32 $0x70, s11;
	s10 =	sand.u32 $0x3C00, s28;
	s15 =	sand.u32 $0x60, s15  }
0x3ff: {  	s14 =	sand.u32 $0x3C00, s14;
	s29 =	sand.u32 $0x3C00, s6;
	s23 =	sor.u32 $0x10, s4  }
0x400: {  	s16 =	sand.u32 $0x1C00, s16;
	s13 =	sor.u32 s4, s9;
	[dreg:$0x17] =	wrdreg s23  }
0x401: {  	s10 =	sadd.s32 s0, s10;
	s14 =	sadd.s32 s0, s14;
	s1 =	rddreg [dreg:$0x17]  }
0x402: {  	s10 =	sor.u32 s15, s10;
	s1 =	sor.u32 s1, s9;
	s9 =	sand.u32 $0x3C00, s24  }
0x403: {  	s16 =	sadd.s32 s0, s16;
	s10 =	sor.u32 s4, s10;
	s9 =	sadd.s32 s0, s9  }
0x404: {  	s15 =	sadd.s32 s0, s29;
	v2 =	vld [tilespmem:s10+$0x18000];
	s7 =	sor.u32 s7, s9;
	s9 =	sor.u32 s16, s1  }
0x405: {  	s31 =	sor.u32 s12, s14;
	s11 =	sor.u32 s11, s15;
	s7 =	sor.u32 s4, s7;
	v0 =	vld [tilespmem:s9+$0x18000]  }
0x406: {  	s21 =	sor.u32 s16, s13;
	s14 =	sor.u32 s4, s11;
	s1 =	sor.u32 s4, s31;
	v1 =	vld [tilespmem:s7+$0x18000]  }
.LBB2_81:
0x407: {  	s12 =	sadd.s32 $0x80, s8;
	s24 =	smov.u32 s8;
	s8 =	sadd.s32 $0x60, s8  }
0x408: {  	s11 =	rddreg [dreg:$0x17];
	s6 =	sadd.s32 $0x300, s6;
	s13 =	sand.u32 $0x60, s8  }
0x409: {  	v3 =	vld [tilespmem:s21+$0x18000];
	s15 =	sadd.s32 $0x90, s24;
	s16 =	sadd.s32 $0xB0, s24;
	s12 =	sand.u32 $0x60, s12  }
0x40a: {  	v4 =	vld [tilespmem:s14+$0x18000];
	s28 =	sadd.s32 $0xFFFFFE80, s6;
	s18 =	sadd.s32 $0xFFFFFF00, s6;
	s22 =	sadd.s32 $0xFFFFFF80, s6  }
0x40b: {  	s23 =	sand.u32 $0x3C00, s6;
	p0 =	slt.u32 s8, $0x2A0;
	s15 =	sand.u32 $0x70, s15;
	[tilespmem:s10+$0x9000] =	vst.add.f32.msk $0xffff, v2  }
0x40c: {  	s16 =	sand.u32 $0x70, s16;
	s17 =	sor.u32 s4, s13;
	s11 =	sor.u32 s11, s13;
	v2 =	vld [tilespmem:s1+$0x18000]  }
0x40d: {  	s29 =	sand.u32 $0x3C00, s28;
	s31 =	sand.u32 $0x3C00, s22;
	s18 =	sand.u32 $0x3C00, s18;
	[tilespmem:s9+$0x9000] =	vst.add.f32.msk $0xffff, v0  }
0x40e: {  	s22 =	sadd.s32 $0xFFFFFD80, s6;
	s13 =	sadd.s32 s0, s31;
	s10 =	sadd.s32 $0xA0, s24;
	[tilespmem:s7+$0x9000] =	vst.add.f32.msk $0xffff, v1  }
0x40f: {  	s9 =	sadd.s32 s0, s29;
	s7 =	sadd.s32 s0, s18;
	s10 =	sand.u32 $0x60, s10;
	[tilespmem:s21+$0x9000] =	vst.add.f32.msk $0xffff, v3  }
.Ltmp39:
0x410: {  	[tilespmem:s14+$0x9000] =	vst.add.f32.msk $0xffff, v4;
	s12 =	sor.u32 s12, s9;
	s29 =	sor.u32 s15, s7;
	(pc) =	sbr.rel @p0 .LBB2_81-.Ltmp39, $4  }
0x411: {  	s10 =	sor.u32 s10, s13;
	s7 =	sor.u32 s4, s12;
	[tilespmem:s1+$0x9000] =	vst.add.f32.msk $0xffff, v2;
	s1 =	sand.u32 $0x1C00, s22  }
0x412: {  	s24 =	sadd.s32 s0, s23;
	s10 =	sor.u32 s4, s10;
	v1 =	vld [tilespmem:s7+$0x18000];
	s28 =	sadd.s32 s0, s1  }
0x413: {  	s31 =	sor.u32 s16, s24;
	v2 =	vld [tilespmem:s10+$0x18000];
	s9 =	sor.u32 s28, s11  }
0x414: {  	s14 =	sor.u32 s4, s31;
	s1 =	sor.u32 s4, s29;
	s21 =	sor.u32 s28, s17;
	v0 =	vld [tilespmem:s9+$0x18000]  }
0x415: {  	v63 =	vld [tilespmem:s1+$0x18000]  }
0x416: {  	v3 =	vld [tilespmem:s21+$0x18000]  }
0x417: {  	v4 =	vld [tilespmem:s14+$0x18000];
	s3 =	sadd.s32 $0x1, s3  }
0x418: {  	p0 =	sne.s32 s3, $0x10;
	[tilespmem:s7+$0x9000] =	vst.add.f32.msk $0xffff, v1  }
.Ltmp40:
0x419: {  	[tilespmem:s10+$0x9000] =	vst.add.f32.msk $0xffff, v2;
	(pc) =	sbr.rel @p0 .LBB2_80-.Ltmp40, $4  }
0x41a: {  	[tilespmem:s9+$0x9000] =	vst.add.f32.msk $0xffff, v0  }
0x41b: {  	[tilespmem:s1+$0x9000] =	vst.add.f32.msk $0xffff, v63  }
0x41c: {  	[tilespmem:s21+$0x9000] =	vst.add.f32.msk $0xffff, v3  }
0x41d: {  	[tilespmem:s14+$0x9000] =	vst.add.f32.msk $0xffff, v4  }
0x41e: {  	s0 =	sld [smem:$0x7FD];
	_ =	sdelay $0x1  }
0x41f: {  	s3 =	simm.s32 $0x0;
	s1 =	simm.s32 $0x9000;
	s29 =	simm.s32 $0x12  }
0x420: {  	[hbm4b:s0+s3] =	stream.linear.scatter [tilespmem:s1], [sflag:$0xC], $0x3000, $0x38;
	[tilespmem:$0x1E000] =	vst v63  }
0x421: {  	_ =	swait.ge [sflag:s29], $0x3000  }
0x422: {  	[sflag:s29] =	ssyncset.done $0x0  }
0x423: {  	s31 =	simm.s32 $0x5;
	[sflag:s29] =	ssyncadd.s32 $0xFFFFD000  }
0x424: {  	_ =	swait.ge [sflag:s31], $0x3000  }
0x425: {  	[sflag:s31] =	ssyncset.done $0x0  }
0x426: {  	[sflag:s31] =	ssyncadd.s32 $0xFFFFD000  }
.LBB2_84:
0x427: {  	s0 =	sshll.u32 s3, $0x7;
	s1 =	sshrl.u32 s3, $0x3  }
0x428: {  	s6 =	simm.s32 $0x280;
	s8 =	simm.s32 $0x0;
	s7 =	simm.s32 $0x20  }
0x429: {  	s10 =	simm.s32 $0x30;
	s11 =	simm.s32 $0x50;
	s24 =	simm.s32 $0x100  }
0x42a: {  	s28 =	simm.s32 $0x200;
	s14 =	simm.s32 $0x180;
	s15 =	simm.s32 $0x40  }
0x42b: {  	s16 =	simm.s32 $0x0;
	s4 =	sand.u32 $0x380, s0;
	s0 =	smul.u32 $0x1800, s1  }
0x42c: {  	s9 =	sand.u32 $0x60, s8;
	s7 =	sand.u32 $0x60, s7;
	s12 =	sand.u32 $0x70, s10  }
0x42d: {  	s11 =	sand.u32 $0x70, s11;
	s10 =	sand.u32 $0x3C00, s28;
	s15 =	sand.u32 $0x60, s15  }
0x42e: {  	s14 =	sand.u32 $0x3C00, s14;
	s29 =	sand.u32 $0x3C00, s6;
	s23 =	sor.u32 $0x10, s4  }
0x42f: {  	s16 =	sand.u32 $0x1C00, s16;
	s13 =	sor.u32 s4, s9;
	[dreg:$0x18] =	wrdreg s23  }
0x430: {  	s10 =	sadd.s32 s0, s10;
	s14 =	sadd.s32 s0, s14;
	s1 =	rddreg [dreg:$0x18]  }
0x431: {  	s10 =	sor.u32 s15, s10;
	s1 =	sor.u32 s1, s9;
	s9 =	sand.u32 $0x3C00, s24  }
0x432: {  	s16 =	sadd.s32 s0, s16;
	s10 =	sor.u32 s4, s10;
	s9 =	sadd.s32 s0, s9  }
0x433: {  	s15 =	sadd.s32 s0, s29;
	v2 =	vld [tilespmem:s10+$0x1B000];
	s7 =	sor.u32 s7, s9;
	s9 =	sor.u32 s16, s1  }
0x434: {  	s31 =	sor.u32 s12, s14;
	s11 =	sor.u32 s11, s15;
	s7 =	sor.u32 s4, s7;
	v0 =	vld [tilespmem:s9+$0x1B000]  }
0x435: {  	s21 =	sor.u32 s16, s13;
	s14 =	sor.u32 s4, s11;
	s1 =	sor.u32 s4, s31;
	v1 =	vld [tilespmem:s7+$0x1B000]  }
.LBB2_85:
0x436: {  	s12 =	sadd.s32 $0x80, s8;
	s24 =	smov.u32 s8;
	s8 =	sadd.s32 $0x60, s8  }
0x437: {  	s11 =	rddreg [dreg:$0x18];
	s6 =	sadd.s32 $0x300, s6;
	s13 =	sand.u32 $0x60, s8  }
0x438: {  	v3 =	vld [tilespmem:s21+$0x1B000];
	s15 =	sadd.s32 $0x90, s24;
	s16 =	sadd.s32 $0xB0, s24;
	s12 =	sand.u32 $0x60, s12  }
0x439: {  	v4 =	vld [tilespmem:s14+$0x1B000];
	s28 =	sadd.s32 $0xFFFFFE80, s6;
	s18 =	sadd.s32 $0xFFFFFF00, s6;
	s22 =	sadd.s32 $0xFFFFFF80, s6  }
0x43a: {  	s23 =	sand.u32 $0x3C00, s6;
	p0 =	slt.u32 s8, $0x2A0;
	s15 =	sand.u32 $0x70, s15;
	[tilespmem:s10+$0xC000] =	vst.add.f32.msk $0xffff, v2  }
0x43b: {  	s16 =	sand.u32 $0x70, s16;
	s17 =	sor.u32 s4, s13;
	s11 =	sor.u32 s11, s13;
	v2 =	vld [tilespmem:s1+$0x1B000]  }
0x43c: {  	s29 =	sand.u32 $0x3C00, s28;
	s31 =	sand.u32 $0x3C00, s22;
	s18 =	sand.u32 $0x3C00, s18;
	[tilespmem:s9+$0xC000] =	vst.add.f32.msk $0xffff, v0  }
0x43d: {  	s22 =	sadd.s32 $0xFFFFFD80, s6;
	s13 =	sadd.s32 s0, s31;
	s10 =	sadd.s32 $0xA0, s24;
	[tilespmem:s7+$0xC000] =	vst.add.f32.msk $0xffff, v1  }
0x43e: {  	s9 =	sadd.s32 s0, s29;
	s7 =	sadd.s32 s0, s18;
	s10 =	sand.u32 $0x60, s10;
	[tilespmem:s21+$0xC000] =	vst.add.f32.msk $0xffff, v3  }
.Ltmp41:
0x43f: {  	[tilespmem:s14+$0xC000] =	vst.add.f32.msk $0xffff, v4;
	s12 =	sor.u32 s12, s9;
	s29 =	sor.u32 s15, s7;
	(pc) =	sbr.rel @p0 .LBB2_85-.Ltmp41, $4  }
0x440: {  	s10 =	sor.u32 s10, s13;
	s7 =	sor.u32 s4, s12;
	[tilespmem:s1+$0xC000] =	vst.add.f32.msk $0xffff, v2;
	s1 =	sand.u32 $0x1C00, s22  }
0x441: {  	s24 =	sadd.s32 s0, s23;
	s10 =	sor.u32 s4, s10;
	v1 =	vld [tilespmem:s7+$0x1B000];
	s28 =	sadd.s32 s0, s1  }
0x442: {  	s31 =	sor.u32 s16, s24;
	v2 =	vld [tilespmem:s10+$0x1B000];
	s9 =	sor.u32 s28, s11  }
0x443: {  	s14 =	sor.u32 s4, s31;
	s1 =	sor.u32 s4, s29;
	s21 =	sor.u32 s28, s17;
	v0 =	vld [tilespmem:s9+$0x1B000]  }
0x444: {  	v63 =	vld [tilespmem:s1+$0x1B000]  }
0x445: {  	v3 =	vld [tilespmem:s21+$0x1B000]  }
0x446: {  	v4 =	vld [tilespmem:s14+$0x1B000];
	s3 =	sadd.s32 $0x1, s3  }
0x447: {  	p0 =	sne.s32 s3, $0x10;
	[tilespmem:s7+$0xC000] =	vst.add.f32.msk $0xffff, v1  }
.Ltmp42:
0x448: {  	[tilespmem:s10+$0xC000] =	vst.add.f32.msk $0xffff, v2;
	(pc) =	sbr.rel @p0 .LBB2_84-.Ltmp42, $4  }
0x449: {  	[tilespmem:s9+$0xC000] =	vst.add.f32.msk $0xffff, v0  }
0x44a: {  	[tilespmem:s1+$0xC000] =	vst.add.f32.msk $0xffff, v63  }
0x44b: {  	[tilespmem:s21+$0xC000] =	vst.add.f32.msk $0xffff, v3  }
0x44c: {  	[tilespmem:s14+$0xC000] =	vst.add.f32.msk $0xffff, v4  }
0x44d: {  	s0 =	sld [smem:$0x7EC];
	_ =	sdelay $0x1  }
0x44e: {  	s3 =	simm.s32 $0x0;
	s31 =	simm.s32 $0x6  }
0x44f: {  	[hbm4b:s0+s3] =	stream.linear.scatter [tilespmem:s30], [sflag:$0xD], $0x3000, $0x38;
	[tilespmem:$0x1E000] =	vst v63  }
0x450: {  	_ =	swait.ge [sflag:s31], $0x3000  }
0x451: {  	[sflag:s31] =	ssyncset.done $0x0  }
0x452: {  	[sflag:s31] =	ssyncadd.s32 $0xFFFFD000  }
.LBB2_88:
0x453: {  	s0 =	sshll.u32 s3, $0x7;
	s1 =	sshrl.u32 s3, $0x3  }
0x454: {  	s6 =	simm.s32 $0x280;
	s8 =	simm.s32 $0x0;
	s7 =	simm.s32 $0x20  }
0x455: {  	s10 =	simm.s32 $0x30;
	s11 =	simm.s32 $0x50;
	s24 =	simm.s32 $0x100  }
0x456: {  	s28 =	simm.s32 $0x200;
	s14 =	simm.s32 $0x180;
	s15 =	simm.s32 $0x40  }
0x457: {  	s16 =	simm.s32 $0x0;
	s4 =	sand.u32 $0x380, s0;
	s0 =	smul.u32 $0x1800, s1  }
0x458: {  	s9 =	sand.u32 $0x60, s8;
	s7 =	sand.u32 $0x60, s7;
	s12 =	sand.u32 $0x70, s10  }
0x459: {  	s11 =	sand.u32 $0x70, s11;
	s10 =	sand.u32 $0x3C00, s28;
	s15 =	sand.u32 $0x60, s15  }
0x45a: {  	s14 =	sand.u32 $0x3C00, s14;
	s29 =	sand.u32 $0x3C00, s6;
	s23 =	sor.u32 $0x10, s4  }
0x45b: {  	s16 =	sand.u32 $0x1C00, s16;
	s13 =	sor.u32 s4, s9;
	[dreg:$0x19] =	wrdreg s23  }
0x45c: {  	s10 =	sadd.s32 s0, s10;
	s14 =	sadd.s32 s0, s14;
	s1 =	rddreg [dreg:$0x19]  }
0x45d: {  	s10 =	sor.u32 s15, s10;
	s1 =	sor.u32 s1, s9;
	s9 =	sand.u32 $0x3C00, s24  }
0x45e: {  	s16 =	sadd.s32 s0, s16;
	s10 =	sor.u32 s4, s10;
	s9 =	sadd.s32 s0, s9  }
0x45f: {  	s15 =	sadd.s32 s0, s29;
	v2 =	vld [tilespmem:s10+$0x1B000];
	s7 =	sor.u32 s7, s9;
	s9 =	sor.u32 s16, s1  }
0x460: {  	s31 =	sor.u32 s12, s14;
	s11 =	sor.u32 s11, s15;
	s7 =	sor.u32 s4, s7;
	v0 =	vld [tilespmem:s9+$0x1B000]  }
0x461: {  	s21 =	sor.u32 s16, s13;
	s14 =	sor.u32 s4, s11;
	s1 =	sor.u32 s4, s31;
	v1 =	vld [tilespmem:s7+$0x1B000]  }
.LBB2_89:
0x462: {  	s12 =	sadd.s32 $0x80, s8;
	s24 =	smov.u32 s8;
	s8 =	sadd.s32 $0x60, s8  }
0x463: {  	s11 =	rddreg [dreg:$0x19];
	s6 =	sadd.s32 $0x300, s6;
	s13 =	sand.u32 $0x60, s8  }
0x464: {  	v3 =	vld [tilespmem:s21+$0x1B000];
	s15 =	sadd.s32 $0x90, s24;
	s16 =	sadd.s32 $0xB0, s24;
	s12 =	sand.u32 $0x60, s12  }
0x465: {  	v4 =	vld [tilespmem:s14+$0x1B000];
	s28 =	sadd.s32 $0xFFFFFE80, s6;
	s18 =	sadd.s32 $0xFFFFFF00, s6;
	s22 =	sadd.s32 $0xFFFFFF80, s6  }
0x466: {  	s23 =	sand.u32 $0x3C00, s6;
	p0 =	slt.u32 s8, $0x2A0;
	s15 =	sand.u32 $0x70, s15;
	[tilespmem:s10+$0xF000] =	vst.add.f32.msk $0xffff, v2  }
0x467: {  	s16 =	sand.u32 $0x70, s16;
	s17 =	sor.u32 s4, s13;
	s11 =	sor.u32 s11, s13;
	v2 =	vld [tilespmem:s1+$0x1B000]  }
0x468: {  	s29 =	sand.u32 $0x3C00, s28;
	s31 =	sand.u32 $0x3C00, s22;
	s18 =	sand.u32 $0x3C00, s18;
	[tilespmem:s9+$0xF000] =	vst.add.f32.msk $0xffff, v0  }
0x469: {  	s22 =	sadd.s32 $0xFFFFFD80, s6;
	s13 =	sadd.s32 s0, s31;
	s10 =	sadd.s32 $0xA0, s24;
	[tilespmem:s7+$0xF000] =	vst.add.f32.msk $0xffff, v1  }
0x46a: {  	s9 =	sadd.s32 s0, s29;
	s7 =	sadd.s32 s0, s18;
	s10 =	sand.u32 $0x60, s10;
	[tilespmem:s21+$0xF000] =	vst.add.f32.msk $0xffff, v3  }
.Ltmp43:
0x46b: {  	[tilespmem:s14+$0xF000] =	vst.add.f32.msk $0xffff, v4;
	s12 =	sor.u32 s12, s9;
	s29 =	sor.u32 s15, s7;
	(pc) =	sbr.rel @p0 .LBB2_89-.Ltmp43, $4  }
0x46c: {  	s10 =	sor.u32 s10, s13;
	s7 =	sor.u32 s4, s12;
	[tilespmem:s1+$0xF000] =	vst.add.f32.msk $0xffff, v2;
	s1 =	sand.u32 $0x1C00, s22  }
0x46d: {  	s24 =	sadd.s32 s0, s23;
	s10 =	sor.u32 s4, s10;
	v1 =	vld [tilespmem:s7+$0x1B000];
	s28 =	sadd.s32 s0, s1  }
0x46e: {  	s31 =	sor.u32 s16, s24;
	v2 =	vld [tilespmem:s10+$0x1B000];
	s9 =	sor.u32 s28, s11  }
0x46f: {  	s14 =	sor.u32 s4, s31;
	s1 =	sor.u32 s4, s29;
	s21 =	sor.u32 s28, s17;
	v0 =	vld [tilespmem:s9+$0x1B000]  }
0x470: {  	v63 =	vld [tilespmem:s1+$0x1B000]  }
0x471: {  	v3 =	vld [tilespmem:s21+$0x1B000]  }
0x472: {  	v4 =	vld [tilespmem:s14+$0x1B000];
	s3 =	sadd.s32 $0x1, s3  }
0x473: {  	p0 =	sne.s32 s3, $0x10;
	[tilespmem:s7+$0xF000] =	vst.add.f32.msk $0xffff, v1  }
.Ltmp44:
0x474: {  	[tilespmem:s10+$0xF000] =	vst.add.f32.msk $0xffff, v2;
	(pc) =	sbr.rel @p0 .LBB2_88-.Ltmp44, $4  }
0x475: {  	[tilespmem:s9+$0xF000] =	vst.add.f32.msk $0xffff, v0  }
0x476: {  	[tilespmem:s1+$0xF000] =	vst.add.f32.msk $0xffff, v63  }
0x477: {  	[tilespmem:s21+$0xF000] =	vst.add.f32.msk $0xffff, v3  }
0x478: {  	[tilespmem:s14+$0xF000] =	vst.add.f32.msk $0xffff, v4  }
0x479: {  	s0 =	sld [smem:$0x7EE];
	_ =	sdelay $0x1  }
0x47a: {  	s3 =	simm.s32 $0x0;
	s1 =	simm.s32 $0xF000;
	s31 =	simm.s32 $0x7  }
0x47b: {  	[hbm4b:s0+s3] =	stream.linear.scatter [tilespmem:s1], [sflag:$0xE], $0x3000, $0x38;
	[tilespmem:$0x1E000] =	vst v63  }
0x47c: {  	_ =	swait.ge [sflag:s31], $0x3000  }
0x47d: {  	[sflag:s31] =	ssyncset.done $0x0  }
0x47e: {  	[sflag:s31] =	ssyncadd.s32 $0xFFFFD000  }
.LBB2_92:
0x47f: {  	s0 =	sshll.u32 s3, $0x7;
	s1 =	sshrl.u32 s3, $0x3  }
0x480: {  	s6 =	simm.s32 $0x280;
	s8 =	simm.s32 $0x0;
	s7 =	simm.s32 $0x20  }
0x481: {  	s10 =	simm.s32 $0x30;
	s11 =	simm.s32 $0x50;
	s24 =	simm.s32 $0x100  }
0x482: {  	s28 =	simm.s32 $0x200;
	s14 =	simm.s32 $0x180;
	s15 =	simm.s32 $0x40  }
0x483: {  	s16 =	simm.s32 $0x0;
	s4 =	sand.u32 $0x380, s0;
	s0 =	smul.u32 $0x1800, s1  }
0x484: {  	s9 =	sand.u32 $0x60, s8;
	s7 =	sand.u32 $0x60, s7;
	s12 =	sand.u32 $0x70, s10  }
0x485: {  	s11 =	sand.u32 $0x70, s11;
	s10 =	sand.u32 $0x3C00, s28;
	s15 =	sand.u32 $0x60, s15  }
0x486: {  	s14 =	sand.u32 $0x3C00, s14;
	s29 =	sand.u32 $0x3C00, s6;
	s23 =	sor.u32 $0x10, s4  }
0x487: {  	s16 =	sand.u32 $0x1C00, s16;
	s13 =	sor.u32 s4, s9;
	[dreg:$0x1a] =	wrdreg s23  }
0x488: {  	s10 =	sadd.s32 s0, s10;
	s14 =	sadd.s32 s0, s14;
	s1 =	rddreg [dreg:$0x1a]  }
0x489: {  	s10 =	sor.u32 s15, s10;
	s1 =	sor.u32 s1, s9;
	s9 =	sand.u32 $0x3C00, s24  }
0x48a: {  	s16 =	sadd.s32 s0, s16;
	s10 =	sor.u32 s4, s10;
	s9 =	sadd.s32 s0, s9  }
0x48b: {  	s15 =	sadd.s32 s0, s29;
	v2 =	vld [tilespmem:s10+$0x1B000];
	s7 =	sor.u32 s7, s9;
	s9 =	sor.u32 s16, s1  }
0x48c: {  	s31 =	sor.u32 s12, s14;
	s11 =	sor.u32 s11, s15;
	s7 =	sor.u32 s4, s7;
	v0 =	vld [tilespmem:s9+$0x1B000]  }
0x48d: {  	s21 =	sor.u32 s16, s13;
	s14 =	sor.u32 s4, s11;
	s1 =	sor.u32 s4, s31;
	v1 =	vld [tilespmem:s7+$0x1B000]  }
.LBB2_93:
0x48e: {  	s12 =	sadd.s32 $0x80, s8;
	s24 =	smov.u32 s8;
	s8 =	sadd.s32 $0x60, s8  }
0x48f: {  	s11 =	rddreg [dreg:$0x1a];
	s6 =	sadd.s32 $0x300, s6;
	s13 =	sand.u32 $0x60, s8  }
0x490: {  	v3 =	vld [tilespmem:s21+$0x1B000];
	s15 =	sadd.s32 $0x90, s24;
	s16 =	sadd.s32 $0xB0, s24;
	s12 =	sand.u32 $0x60, s12  }
0x491: {  	v4 =	vld [tilespmem:s14+$0x1B000];
	s28 =	sadd.s32 $0xFFFFFE80, s6;
	s18 =	sadd.s32 $0xFFFFFF00, s6;
	s22 =	sadd.s32 $0xFFFFFF80, s6  }
0x492: {  	s23 =	sand.u32 $0x3C00, s6;
	p0 =	slt.u32 s8, $0x2A0;
	s15 =	sand.u32 $0x70, s15;
	[tilespmem:s10+$0x12000] =	vst.add.f32.msk $0xffff, v2  }
0x493: {  	s16 =	sand.u32 $0x70, s16;
	s17 =	sor.u32 s4, s13;
	s11 =	sor.u32 s11, s13;
	v2 =	vld [tilespmem:s1+$0x1B000]  }
0x494: {  	s29 =	sand.u32 $0x3C00, s28;
	s31 =	sand.u32 $0x3C00, s22;
	s18 =	sand.u32 $0x3C00, s18;
	[tilespmem:s9+$0x12000] =	vst.add.f32.msk $0xffff, v0  }
0x495: {  	s22 =	sadd.s32 $0xFFFFFD80, s6;
	s13 =	sadd.s32 s0, s31;
	s10 =	sadd.s32 $0xA0, s24;
	[tilespmem:s7+$0x12000] =	vst.add.f32.msk $0xffff, v1  }
0x496: {  	s9 =	sadd.s32 s0, s29;
	s7 =	sadd.s32 s0, s18;
	s10 =	sand.u32 $0x60, s10;
	[tilespmem:s21+$0x12000] =	vst.add.f32.msk $0xffff, v3  }
.Ltmp45:
0x497: {  	[tilespmem:s14+$0x12000] =	vst.add.f32.msk $0xffff, v4;
	s12 =	sor.u32 s12, s9;
	s29 =	sor.u32 s15, s7;
	(pc) =	sbr.rel @p0 .LBB2_93-.Ltmp45, $4  }
0x498: {  	s10 =	sor.u32 s10, s13;
	s7 =	sor.u32 s4, s12;
	[tilespmem:s1+$0x12000] =	vst.add.f32.msk $0xffff, v2;
	s1 =	sand.u32 $0x1C00, s22  }
0x499: {  	s24 =	sadd.s32 s0, s23;
	s10 =	sor.u32 s4, s10;
	v1 =	vld [tilespmem:s7+$0x1B000];
	s28 =	sadd.s32 s0, s1  }
0x49a: {  	s31 =	sor.u32 s16, s24;
	v2 =	vld [tilespmem:s10+$0x1B000];
	s9 =	sor.u32 s28, s11  }
0x49b: {  	s14 =	sor.u32 s4, s31;
	s1 =	sor.u32 s4, s29;
	s21 =	sor.u32 s28, s17;
	v0 =	vld [tilespmem:s9+$0x1B000]  }
0x49c: {  	v63 =	vld [tilespmem:s1+$0x1B000]  }
0x49d: {  	v3 =	vld [tilespmem:s21+$0x1B000]  }
0x49e: {  	v4 =	vld [tilespmem:s14+$0x1B000];
	s3 =	sadd.s32 $0x1, s3  }
0x49f: {  	p0 =	sne.s32 s3, $0x10;
	[tilespmem:s7+$0x12000] =	vst.add.f32.msk $0xffff, v1  }
.Ltmp46:
0x4a0: {  	[tilespmem:s10+$0x12000] =	vst.add.f32.msk $0xffff, v2;
	(pc) =	sbr.rel @p0 .LBB2_92-.Ltmp46, $4  }
0x4a1: {  	[tilespmem:s9+$0x12000] =	vst.add.f32.msk $0xffff, v0  }
0x4a2: {  	[tilespmem:s1+$0x12000] =	vst.add.f32.msk $0xffff, v63  }
0x4a3: {  	[tilespmem:s21+$0x12000] =	vst.add.f32.msk $0xffff, v3  }
0x4a4: {  	[tilespmem:s14+$0x12000] =	vst.add.f32.msk $0xffff, v4  }
0x4a5: {  	s0 =	sld [smem:$0x7F0];
	_ =	sdelay $0x1  }
0x4a6: {  	s3 =	simm.s32 $0x0;
	s1 =	simm.s32 $0x12000;
	s31 =	simm.s32 $0x8  }
0x4a7: {  	[hbm4b:s0+s3] =	stream.linear.scatter [tilespmem:s1], [sflag:$0xF], $0x3000, $0x38;
	[tilespmem:$0x1E000] =	vst v63  }
0x4a8: {  	_ =	swait.ge [sflag:s31], $0x3000  }
0x4a9: {  	[sflag:s31] =	ssyncset.done $0x0  }
0x4aa: {  	[sflag:s31] =	ssyncadd.s32 $0xFFFFD000  }
.LBB2_96:
0x4ab: {  	s0 =	sshll.u32 s3, $0x7;
	s1 =	sshrl.u32 s3, $0x3  }
0x4ac: {  	s6 =	simm.s32 $0x280;
	s8 =	simm.s32 $0x0;
	s7 =	simm.s32 $0x20  }
0x4ad: {  	s10 =	simm.s32 $0x30;
	s11 =	simm.s32 $0x50;
	s24 =	simm.s32 $0x100  }
0x4ae: {  	s28 =	simm.s32 $0x200;
	s14 =	simm.s32 $0x180;
	s15 =	simm.s32 $0x40  }
0x4af: {  	s16 =	simm.s32 $0x0;
	s4 =	sand.u32 $0x380, s0;
	s0 =	smul.u32 $0x1800, s1  }
0x4b0: {  	s9 =	sand.u32 $0x60, s8;
	s7 =	sand.u32 $0x60, s7;
	s12 =	sand.u32 $0x70, s10  }
0x4b1: {  	s11 =	sand.u32 $0x70, s11;
	s10 =	sand.u32 $0x3C00, s28;
	s15 =	sand.u32 $0x60, s15  }
0x4b2: {  	s14 =	sand.u32 $0x3C00, s14;
	s29 =	sand.u32 $0x3C00, s6;
	s23 =	sor.u32 $0x10, s4  }
0x4b3: {  	s16 =	sand.u32 $0x1C00, s16;
	s13 =	sor.u32 s4, s9;
	[dreg:$0x1b] =	wrdreg s23  }
0x4b4: {  	s10 =	sadd.s32 s0, s10;
	s14 =	sadd.s32 s0, s14;
	s1 =	rddreg [dreg:$0x1b]  }
0x4b5: {  	s10 =	sor.u32 s15, s10;
	s1 =	sor.u32 s1, s9;
	s9 =	sand.u32 $0x3C00, s24  }
0x4b6: {  	s16 =	sadd.s32 s0, s16;
	s10 =	sor.u32 s4, s10;
	s9 =	sadd.s32 s0, s9  }
0x4b7: {  	s15 =	sadd.s32 s0, s29;
	v2 =	vld [tilespmem:s10+$0x1B000];
	s7 =	sor.u32 s7, s9;
	s9 =	sor.u32 s16, s1  }
0x4b8: {  	s31 =	sor.u32 s12, s14;
	s11 =	sor.u32 s11, s15;
	s7 =	sor.u32 s4, s7;
	v0 =	vld [tilespmem:s9+$0x1B000]  }
0x4b9: {  	s21 =	sor.u32 s16, s13;
	s14 =	sor.u32 s4, s11;
	s1 =	sor.u32 s4, s31;
	v1 =	vld [tilespmem:s7+$0x1B000]  }
.LBB2_97:
0x4ba: {  	s12 =	sadd.s32 $0x80, s8;
	s24 =	smov.u32 s8;
	s8 =	sadd.s32 $0x60, s8  }
0x4bb: {  	s11 =	rddreg [dreg:$0x1b];
	s6 =	sadd.s32 $0x300, s6;
	s13 =	sand.u32 $0x60, s8  }
0x4bc: {  	v3 =	vld [tilespmem:s21+$0x1B000];
	s15 =	sadd.s32 $0x90, s24;
	s16 =	sadd.s32 $0xB0, s24;
	s12 =	sand.u32 $0x60, s12  }
0x4bd: {  	v4 =	vld [tilespmem:s14+$0x1B000];
	s28 =	sadd.s32 $0xFFFFFE80, s6;
	s18 =	sadd.s32 $0xFFFFFF00, s6;
	s22 =	sadd.s32 $0xFFFFFF80, s6  }
0x4be: {  	s23 =	sand.u32 $0x3C00, s6;
	p0 =	slt.u32 s8, $0x2A0;
	s15 =	sand.u32 $0x70, s15;
	[tilespmem:s10+$0x15000] =	vst.add.f32.msk $0xffff, v2  }
0x4bf: {  	s16 =	sand.u32 $0x70, s16;
	s17 =	sor.u32 s4, s13;
	s11 =	sor.u32 s11, s13;
	v2 =	vld [tilespmem:s1+$0x1B000]  }
0x4c0: {  	s29 =	sand.u32 $0x3C00, s28;
	s31 =	sand.u32 $0x3C00, s22;
	s18 =	sand.u32 $0x3C00, s18;
	[tilespmem:s9+$0x15000] =	vst.add.f32.msk $0xffff, v0  }
0x4c1: {  	s22 =	sadd.s32 $0xFFFFFD80, s6;
	s13 =	sadd.s32 s0, s31;
	s10 =	sadd.s32 $0xA0, s24;
	[tilespmem:s7+$0x15000] =	vst.add.f32.msk $0xffff, v1  }
0x4c2: {  	s9 =	sadd.s32 s0, s29;
	s7 =	sadd.s32 s0, s18;
	s10 =	sand.u32 $0x60, s10;
	[tilespmem:s21+$0x15000] =	vst.add.f32.msk $0xffff, v3  }
.Ltmp47:
0x4c3: {  	[tilespmem:s14+$0x15000] =	vst.add.f32.msk $0xffff, v4;
	s12 =	sor.u32 s12, s9;
	s29 =	sor.u32 s15, s7;
	(pc) =	sbr.rel @p0 .LBB2_97-.Ltmp47, $4  }
0x4c4: {  	s10 =	sor.u32 s10, s13;
	s7 =	sor.u32 s4, s12;
	[tilespmem:s1+$0x15000] =	vst.add.f32.msk $0xffff, v2;
	s1 =	sand.u32 $0x1C00, s22  }
0x4c5: {  	s24 =	sadd.s32 s0, s23;
	s10 =	sor.u32 s4, s10;
	v1 =	vld [tilespmem:s7+$0x1B000];
	s28 =	sadd.s32 s0, s1  }
0x4c6: {  	s31 =	sor.u32 s16, s24;
	v2 =	vld [tilespmem:s10+$0x1B000];
	s9 =	sor.u32 s28, s11  }
0x4c7: {  	s14 =	sor.u32 s4, s31;
	s1 =	sor.u32 s4, s29;
	s21 =	sor.u32 s28, s17;
	v0 =	vld [tilespmem:s9+$0x1B000]  }
0x4c8: {  	v63 =	vld [tilespmem:s1+$0x1B000]  }
0x4c9: {  	v3 =	vld [tilespmem:s21+$0x1B000]  }
0x4ca: {  	v4 =	vld [tilespmem:s14+$0x1B000];
	s3 =	sadd.s32 $0x1, s3  }
0x4cb: {  	p0 =	sne.s32 s3, $0x10;
	[tilespmem:s7+$0x15000] =	vst.add.f32.msk $0xffff, v1  }
.Ltmp48:
0x4cc: {  	[tilespmem:s10+$0x15000] =	vst.add.f32.msk $0xffff, v2;
	(pc) =	sbr.rel @p0 .LBB2_96-.Ltmp48, $4  }
0x4cd: {  	[tilespmem:s9+$0x15000] =	vst.add.f32.msk $0xffff, v0  }
0x4ce: {  	[tilespmem:s1+$0x15000] =	vst.add.f32.msk $0xffff, v63  }
0x4cf: {  	[tilespmem:s21+$0x15000] =	vst.add.f32.msk $0xffff, v3  }
0x4d0: {  	[tilespmem:s14+$0x15000] =	vst.add.f32.msk $0xffff, v4  }
0x4d1: {  	s0 =	sld [smem:$0x7F2];
	_ =	sdelay $0x1  }
0x4d2: {  	s1 =	simm.s32 $0x15000;
	s21 =	simm.s32 $0x9  }
0x4d3: {  	[hbm4b:s0+s25] =	stream.linear.scatter [tilespmem:s1], [sflag:$0x10], $0x3000, $0x38;
	[tilespmem:$0x1E000] =	vst v63  }
0x4d4: {  	_ =	swait.ge [sflag:s21], $0x3000  }
0x4d5: {  	[sflag:s21] =	ssyncset.done $0x0  }
0x4d6: {  	s22 =	simm.s32 $0xA;
	[sflag:s21] =	ssyncadd.s32 $0xFFFFD000  }
0x4d7: {  	_ =	swait.ge [sflag:s22], $0x3000  }
0x4d8: {  	[sflag:s22] =	ssyncset.done $0x0  }
0x4d9: {  	s23 =	simm.s32 $0xB;
	[sflag:s22] =	ssyncadd.s32 $0xFFFFD000  }
0x4da: {  	_ =	swait.ge [sflag:s23], $0x3000  }
0x4db: {  	[sflag:s23] =	ssyncset.done $0x0  }
0x4dc: {  	s24 =	simm.s32 $0xC;
	[sflag:s23] =	ssyncadd.s32 $0xFFFFD000  }
0x4dd: {  	_ =	swait.ge [sflag:s24], $0x3000  }
0x4de: {  	[sflag:s24] =	ssyncset.done $0x0  }
0x4df: {  	s28 =	simm.s32 $0xD;
	[sflag:s24] =	ssyncadd.s32 $0xFFFFD000  }
0x4e0: {  	_ =	swait.ge [sflag:s28], $0x3000  }
0x4e1: {  	[sflag:s28] =	ssyncset.done $0x0  }
0x4e2: {  	[sflag:s28] =	ssyncadd.s32 $0xFFFFD000  }
0x4e3: {  	_ =	swait.ge [sflag:s26], $0x3000  }
0x4e4: {  	[sflag:s26] =	ssyncset.done $0x0  }
0x4e5: {  	[sflag:s26] =	ssyncadd.s32 $0xFFFFD000  }
0x4e6: {  	_ =	swait.ge [sflag:s19], $0x3000  }
0x4e7: {  	[sflag:s19] =	ssyncset.done $0x0  }
0x4e8: {  	[sflag:s19] =	ssyncadd.s32 $0xFFFFD000  }
0x4e9: {  	_ =	swait.ge [sflag:s20], $0x3000  }
0x4ea: {  	s29 =	sld [smem:$0x7DA]  }
0x4eb: {  	s31 =	sld [smem:$0x7F4];
	_ =	sdelay $0x1  }
0x4ec: {  	s1 =	sadd.s32 $0x1, s29  }
0x4ed: {  	p0 =	sne.s32 s1, s31  }
.Ltmp49:
0x4ee: {  	_ = 	snop;
	(pc) =	sbr.rel @p0 .LBB2_1-.Ltmp49, $3  }
0x4ef: {  	_ =	sdelay $0x1  }
0x4f0: {  	[sflag:s20] =	ssyncset.done $0x0  }
0x4f1: {  	[sflag:s20] =	ssyncadd.s32 $0xFFFFD000  }
0x4f2: {  	_ =	sfence.sel $0x180000  }
0x4f3: {  	[bflag:$0x0] =	sbarrier.arrive $0xFFFF  }
0x4f4: {  	_ =	strace $0x90000047  }
0x4f5: {  	s0 =	stileid.u32;
	[bflag:$0x2] =	sbarrier.arrive $0xFFFF  }
0x4f6: {  	p0 =	sne.s32 s0, $0x0;
	s0 =	rddreg [dreg:$0x3]  }
0x4f7: {  	s0 =	sadd.s32 @!p0 $0x100000, s0  }
0x4f8: {  	[sflag:s0] =	ssyncadd.tile.s32 @!p0 $0x1;
	_ =	shalt  }
.Lfunc_end2:
_tile_overlayer_lowered:
.L_overlay_start_2:
0x4f9: {  	(tag) =	ssettag $0x2  }
0x4fa: {  	s0 =	rddreg [dreg:$0x0];
	s2 =	stileid.u32  }
0x4fb: {  	s1 =	rddreg [dreg:$0x1];
	p0 =	sne.s32 s2, $0x0  }
0x4fc: {  	s3 =	rddreg [dreg:$0x2];
	[bflag:$0x3] =	sbarrier.arrive $0xFFFF;
	s2 =	simm.s32 @!p0 $0x1C13  }
0x4fd: {  	[timem:s3], [sflag:s2] =	dma.local @!p0 [hbm:s0], s1  }
0x4fe: {  	s0 =	simm.s32 @!p0 $0x13  }
0x4ff: {  	_ =	swait.ge @!p0 [sflag:s0], s1  }
0x500: {  	s1 =	ssub.s32 @!p0 $0x0, s1;
	[sflag:s0] =	ssyncset.done @!p0 $0x0  }
0x501: {  	[sflag:s0] =	ssyncadd.s32 @!p0 s1  }
0x502: {  	[bflag:$0x3] =	sbarrier.arrive $0xFFFF  }
0x503: {  	_ =	shalt  }

</sc_bundles>
